<compile_context>
chip_gen: v7x
topology: tpu7x:2x2x1
jax: 0.10.2.dev20260603
libtpu: 0.0.44.dev20260713+nightly
codegen_flags: <defaults>
</compile_context>

<pallas_src>
import functools

import jax
import jax.numpy as jnp
from jax import lax
from jax.experimental import pallas as pl
from jax.experimental.pallas import tpu as pltpu
from jax.experimental.pallas import tpu_sc as plsc

_N, _L, _C = 2, 4096, 1024
_K, _G = 7, 4
_GC = _C // _G
_GC2 = _GC // 2
_SCALE = 2.0
_LB = 1024
_NI = _L // _LB
_LBP = 512
_NIP = _L // _LBP
_SQRT_HALF = 0.7071067811865476

_NC, _NS = 2, 16
_NW = _NC * _NS
_LW = (_N * _L) // _NW
_NT = _LW // 16
_NSTEP = _NT * _G
_J = 2 * _K


def _prep_body(xp, xc, xn, dww, dwb, lng, lnb, inw, inb, omw, omb,
               proj_ref, om_ref):
    i = pl.program_id(1)
    x = xc[0]
    left = jnp.where(i > 0, xp[0, _LBP - 1:_LBP, :], 0.0)
    right = jnp.where(i < _NIP - 1, xn[0, 0:1, :], 0.0)
    xm1 = jnp.concatenate([left, x[:-1]], axis=0)
    xp1 = jnp.concatenate([x[1:], right], axis=0)
    xdw = xm1 * dww[0:1] + x * dww[1:2] + xp1 * dww[2:3] + dwb[...]
    mu = jnp.mean(xdw, axis=-1, keepdims=True)
    xz = xdw - mu
    var = jnp.mean(xz * xz, axis=-1, keepdims=True)
    xdw = xz * lax.rsqrt(var + 1e-5) * lng[...] + lnb[...]
    xdw = 0.5 * xdw * (1.0 + lax.erf(xdw * _SQRT_HALF))
    proj = (lax.dot_general(x, inw[...], (((1,), (1,)), ((), ())),
                            preferred_element_type=jnp.float32) + inb[...])
    proj_ref[0] = jnp.transpose(proj.reshape(_LBP, _G, _GC), (1, 0, 2)).astype(
        jnp.bfloat16)
    om_ref[0] = (
        lax.dot_general(omw[...], xdw, (((1,), (1,)), ((), ())),
                        preferred_element_type=jnp.float32) + omb[...])


_HB = _J * 16 // 2


def _sc_body(table_hbm, om_hbm, out_hbm, om_v, idxb, buf, outbuf,
             gs0, gs1, gs2, os0, os1):
    wid = lax.axis_index("s") * _NC + lax.axis_index("c")
    n = wid // _NS
    l0 = (wid % _NS) * _LW
    pltpu.sync_copy(om_hbm.at[n, :, pl.ds(l0, _LW)], om_v)

    rowiota = lax.iota(jnp.int32, 16)
    fiota = rowiota.astype(jnp.float32)

    def calc(s):
        t = s // _G
        g = s % _G
        lbase = l0 + t * 16
        lvec = lax.convert_element_type(lbase, jnp.float32) + fiota
        base_row = (n * _G + g) * _L
        mraw = [om_v[_G * _K + g * _K + k, pl.ds(t * 16, 16)]
                for k in range(_K)]
        gmax = mraw[0]
        for k in range(1, _K):
            gmax = jnp.maximum(gmax, mraw[k])
        mexp = [jnp.exp(mr - gmax) for mr in mraw]
        msum = mexp[0]
        for k in range(1, _K):
            msum = msum + mexp[k]
        rinv = 1.0 / msum
        idx_list, w_list = [], []
        for k in range(_K):
            off = om_v[g * _K + k, pl.ds(t * 16, 16)] * _SCALE
            abs_pos = lvec + (k - _K // 2) + off
            apc = jnp.clip(abs_pos, 0.0, float(_L - 1))
            pf = apc.astype(jnp.int32)
            pc = jnp.minimum(pf + 1, _L - 1)
            wc = apc - pf.astype(jnp.float32)
            wf = 1.0 - wc
            valid = jnp.logical_and(abs_pos >= 0.0, abs_pos <= float(_L - 1))
            vm = jnp.where(valid, mexp[k], 0.0)
            w_list.append(wf * vm)
            w_list.append(wc * vm)
            idx_list.append(base_row + pf)
            idx_list.append(base_row + pc)
        return idx_list, tuple(w_list) + (rinv,)

    def fire(idx_list, slot, sem):
        for j in range(_J):
            idxb[slot, j // _K, pl.ds((j % _K) * 16, 16)] = idx_list[j]
        for h in range(2):
            pltpu.async_copy(
                table_hbm.at[idxb.at[slot, h]],
                buf.at[pl.ds(slot * 2 * _HB + h * _HB, _HB)], sem)

    def drain(slot, sem):
        for h in range(2):
            pltpu.make_async_copy(
                table_hbm.at[idxb.at[slot, h]],
                buf.at[pl.ds(slot * 2 * _HB + h * _HB, _HB)], sem).wait()

    idx0, _ = calc(0)
    fire(idx0, 0, gs0)
    idx1, _ = calc(1)
    fire(idx1, 1, gs1)

    def body(s, carry):
        p = s % 2
        m3 = s % 3
        @pl.when(jnp.logical_and(s >= 2, p == 0))
        def _():
            pltpu.make_async_copy(
                outbuf.at[pl.ds(0, 16)], out_hbm.at[pl.ds(0, 16)], os0).wait()

        @pl.when(jnp.logical_and(s >= 2, p == 1))
        def _():
            pltpu.make_async_copy(
                outbuf.at[pl.ds(16, 16)], out_hbm.at[pl.ds(0, 16)], os1).wait()

        s2 = jnp.minimum(s + 2, _NSTEP - 1)
        idxn, _ = calc(s2)
        ok2 = s < _NSTEP - 2

        @pl.when(jnp.logical_and(ok2, m3 == 0))
        def _():
            fire(idxn, 2, gs2)

        @pl.when(jnp.logical_and(ok2, m3 == 1))
        def _():
            fire(idxn, 0, gs0)

        @pl.when(jnp.logical_and(ok2, m3 == 2))
        def _():
            fire(idxn, 1, gs1)

        @pl.when(m3 == 0)
        def _():
            drain(0, gs0)

        @pl.when(m3 == 1)
        def _():
            drain(1, gs1)

        @pl.when(m3 == 2)
        def _():
            drain(2, gs2)

        _, wcur = calc(s)
        rinv = wcur[_J]
        rowbase = m3 * (2 * _HB)

        def rbody(r, c):
            rsplat = jnp.full((16,), r, jnp.int32)
            wb = [jnp.take_along_axis(wcur[j], rsplat, axis=0)
                  for j in range(_J)]
            rb = jnp.take_along_axis(rinv, rsplat, axis=0)
            orow = p * 16 + r
            accs = [jnp.zeros((16,), jnp.float32) for _ in range(16)]
            for j in range(_J):
                row = rowbase + j * 16 + r
                for dblk in range(_GC2 // 16):
                    pair = buf[row, pl.ds(dblk * 32, 32)]
                    ev, od = plsc.unpack(pair, format=plsc.PackFormat.INTERLEAVED)
                    accs[2 * dblk] = accs[2 * dblk] + wb[j] * ev
                    accs[2 * dblk + 1] = accs[2 * dblk + 1] + wb[j] * od
            for dblk in range(_GC2 // 16):
                outbuf[orow, pl.ds(dblk * 32, 32)] = plsc.pack(
                    accs[2 * dblk] * rb, accs[2 * dblk + 1] * rb,
                    format=plsc.PackFormat.INTERLEAVED)
            return c

        lax.fori_loop(0, 16, rbody, 0)

        t = s // _G
        g = s % _G
        orow = (n * _G + g) * _L + l0 + t * 16

        @pl.when(p == 0)
        def _():
            pltpu.async_copy(
                outbuf.at[pl.ds(0, 16)], out_hbm.at[pl.ds(orow, 16)], os0)

        @pl.when(p == 1)
        def _():
            pltpu.async_copy(
                outbuf.at[pl.ds(16, 16)], out_hbm.at[pl.ds(orow, 16)], os1)

        return carry

    lax.fori_loop(0, _NSTEP, body, 0)
    pltpu.make_async_copy(
        outbuf.at[pl.ds(0, 16)], out_hbm.at[pl.ds(0, 16)], os0).wait()
    pltpu.make_async_copy(
        outbuf.at[pl.ds(16, 16)], out_hbm.at[pl.ds(0, 16)], os1).wait()


def _sc_gather(table, om):
    mesh = plsc.VectorSubcoreMesh(core_axis_name="c", subcore_axis_name="s")
    f = functools.partial(
        pl.kernel,
        out_type=jax.ShapeDtypeStruct((_N * _G * _L, _GC), jnp.bfloat16),
        mesh=mesh,
        compiler_params=pltpu.CompilerParams(
            use_tc_tiling_on_sc=False, needs_layout_passes=False),
        scratch_types=[
            pltpu.VMEM((2 * _G * _K, _LW), jnp.float32),
            pltpu.VMEM((3, 2, _HB), jnp.int32),
            pltpu.VMEM((6 * _HB, _GC), jnp.bfloat16),
            pltpu.VMEM((32, _GC), jnp.bfloat16),
            pltpu.SemaphoreType.DMA,
            pltpu.SemaphoreType.DMA,
            pltpu.SemaphoreType.DMA,
            pltpu.SemaphoreType.DMA,
            pltpu.SemaphoreType.DMA,
        ],
    )(_sc_body)
    return f(table, om)


def _outproj_body(y, w, b, o_ref):
    g = pl.program_id(2)
    part = lax.dot_general(y[0, 0].astype(jnp.float32), w[0],
                           (((1,), (0,)), ((), ())),
                           preferred_element_type=jnp.float32)

    @pl.when(g == 0)
    def _():
        o_ref[0] = part + b[...]

    @pl.when(g > 0)
    def _():
        o_ref[0] += part


def kernel(x, dw_w, dw_b, ln_g, ln_b, off_w, off_b, mask_w, mask_b,
           in_w, in_b, out_w, out_b):
    n, l, c = x.shape
    dww = jnp.transpose(dw_w[:, 0, :])
    omw = jnp.concatenate([off_w, mask_w], axis=0)
    omb = jnp.concatenate([off_b, mask_b], axis=0)[:, None]

    proj, om = pl.pallas_call(
        _prep_body,
        grid=(_N, _NIP),
        in_specs=[
            pl.BlockSpec((1, _LBP, _C), lambda n_, i: (n_, jnp.maximum(i - 1, 0), 0)),
            pl.BlockSpec((1, _LBP, _C), lambda n_, i: (n_, i, 0)),
            pl.BlockSpec((1, _LBP, _C), lambda n_, i: (n_, jnp.minimum(i + 1, _NIP - 1), 0)),
            pl.BlockSpec((3, _C), lambda n_, i: (0, 0)),
            pl.BlockSpec((1, _C), lambda n_, i: (0, 0)),
            pl.BlockSpec((1, _C), lambda n_, i: (0, 0)),
            pl.BlockSpec((1, _C), lambda n_, i: (0, 0)),
            pl.BlockSpec((_C, _C), lambda n_, i: (0, 0)),
            pl.BlockSpec((1, _C), lambda n_, i: (0, 0)),
            pl.BlockSpec((_G * _K * 2, _C), lambda n_, i: (0, 0)),
            pl.BlockSpec((_G * _K * 2, 1), lambda n_, i: (0, 0)),
        ],
        out_specs=[
            pl.BlockSpec((1, _G, _LBP, _GC), lambda n_, i: (n_, 0, i, 0)),
            pl.BlockSpec((1, _G * _K * 2, _LBP), lambda n_, i: (n_, 0, i)),
        ],
        out_shape=[
            jax.ShapeDtypeStruct((_N, _G, _L, _GC), jnp.bfloat16),
            jax.ShapeDtypeStruct((_N, _G * _K * 2, _L), jnp.float32),
        ],
    )(x, x, x, dww, dw_b[None], ln_g[None], ln_b[None], in_w, in_b[None],
      omw, omb)

    y = _sc_gather(proj.reshape(_N * _G * _L, _GC), om)
    y = y.reshape(_N, _G, _L, _GC)

    w_r = jnp.transpose(out_w).reshape(_G, _GC, _C)
    o = pl.pallas_call(
        _outproj_body,
        grid=(_N, _NI, _G),
        in_specs=[
            pl.BlockSpec((1, 1, _LB, _GC), lambda n_, i, g: (n_, g, i, 0)),
            pl.BlockSpec((1, _GC, _C), lambda n_, i, g: (g, 0, 0)),
            pl.BlockSpec((1, _C), lambda n_, i, g: (0, 0)),
        ],
        out_specs=pl.BlockSpec((1, _LB, _C), lambda n_, i, g: (n_, i, 0)),
        out_shape=jax.ShapeDtypeStruct((_N, _L, _C), jnp.float32),
    )(y, w_r, out_b[None])
    return o

# --- scband reference (transcript-rebuilt; emitter-appended) ---
"""Pipeline reference for scband-deform-conv1d-84739704750225 (READ-ONLY COPY).

The authoritative reference and input builder live on the scoring server;
editing this copy changes nothing except your own understanding.
"""

import jax, jax.numpy as jnp
import numpy as np

N, L, C = 2, 4096, 1024
K, G = 7, 4
GC = C // G
OFFSET_SCALE = 2.0


def setup_inputs(seed: int = 0) -> dict:
    key = jax.random.key(seed)
    ks = jax.random.split(key, 8)
    x = jax.random.normal(ks[0], (N, L, C), dtype=jnp.float32)
    dw_w = jax.random.normal(ks[1], (C, 1, 3), dtype=jnp.float32) * 0.1
    dw_b = jnp.zeros((C,), dtype=jnp.float32)
    ln_g = jnp.ones((C,), dtype=jnp.float32)
    ln_b = jnp.zeros((C,), dtype=jnp.float32)
    off_w = jax.random.normal(ks[2], (G * K, C), dtype=jnp.float32) * 0.01
    off_b = jnp.zeros((G * K,), dtype=jnp.float32)
    mask_w = jax.random.normal(ks[3], (G * K, C), dtype=jnp.float32) * 0.01
    mask_b = jnp.zeros((G * K,), dtype=jnp.float32)
    in_w = jax.random.normal(ks[4], (C, C), dtype=jnp.float32) * (1.0 / np.sqrt(C))
    in_b = jnp.zeros((C,), dtype=jnp.float32)
    out_w = jax.random.normal(ks[5], (C, C), dtype=jnp.float32) * (1.0 / np.sqrt(C))
    out_b = jnp.zeros((C,), dtype=jnp.float32)
    return {"x": x, "dw_w": dw_w, "dw_b": dw_b, "ln_g": ln_g, "ln_b": ln_b,
            "off_w": off_w, "off_b": off_b, "mask_w": mask_w, "mask_b": mask_b,
            "in_w": in_w, "in_b": in_b, "out_w": out_w, "out_b": out_b}


def reference(x, dw_w, dw_b, ln_g, ln_b, off_w, off_b, mask_w, mask_b, in_w, in_b, out_w, out_b):
    n, l, c = x.shape
    x_proj = x @ in_w.T + in_b
    xt = jnp.transpose(x, (0, 2, 1))
    conv = jax.lax.conv_general_dilated(
        xt, dw_w, window_strides=(1,), padding=((1, 1),),
        dimension_numbers=("NCH", "OIH", "NCH"), feature_group_count=c)
    conv = conv + dw_b[None, :, None]
    x_dw = jnp.transpose(conv, (0, 2, 1))
    mu = jnp.mean(x_dw, axis=-1, keepdims=True)
    var = jnp.var(x_dw, axis=-1, keepdims=True)
    x_dw = (x_dw - mu) / jnp.sqrt(var + 1e-5) * ln_g + ln_b
    x_dw = jax.nn.gelu(x_dw, approximate=False)
    offsets = (x_dw @ off_w.T + off_b).reshape(n, l, G, K) * OFFSET_SCALE
    mask = jax.nn.softmax((x_dw @ mask_w.T + mask_b).reshape(n, l, G, K), axis=-1)
    ref_off = jnp.linspace(-(K // 2), K // 2, K).astype(x.dtype)
    pos = jnp.arange(l, dtype=x.dtype).reshape(1, l, 1)
    x_grouped = x_proj.reshape(n, l, G, GC)
    out = jnp.zeros((n, l, G, GC), dtype=x.dtype)
    bidx = jnp.arange(n).reshape(n, 1, 1)
    gidx = jnp.arange(G).reshape(1, 1, G)
    for k in range(K):
        abs_pos = pos + ref_off[k] + offsets[:, :, :, k]
        apc = jnp.clip(abs_pos, 0, l - 1)
        p_floor = jnp.clip(apc.astype(jnp.int32), 0, l - 1)
        p_ceil = jnp.clip(p_floor + 1, 0, l - 1)
        w_ceil = apc - p_floor.astype(x.dtype)
        w_floor = 1.0 - w_ceil
        valid = jnp.logical_not((abs_pos < 0) | (abs_pos > l - 1)).astype(x.dtype)
        w_floor = w_floor * valid
        w_ceil = w_ceil * valid
        v_floor = x_grouped[bidx, p_floor, gidx]
        v_ceil = x_grouped[bidx, p_ceil, gidx]
        sampled = v_floor * w_floor[..., None] + v_ceil * w_ceil[..., None]
        out = out + sampled * mask[:, :, :, k:k + 1]
    return out.reshape(n, l, c) @ out_w.T + out_b

if __name__ == "__main__":
    import jax
    _d = setup_inputs()
    print(jax.jit(kernel)(*tuple(_d.values())))

</pallas_src>

<mosaic_0001>
#map = affine_map<(d0, d1) -> (0, 0)>
#map1 = affine_map<(d0, d1) -> (0, 0, 0)>
module attributes {stable_mosaic.version = 14 : i64} {
  func.func @_sc_body(%arg0: i32, %arg1: i32, %arg2: memref<32768x256xbf16, #tpu.memory_space<hbm>>, %arg3: memref<2x56x4096xf32, #tpu.memory_space<hbm>>, %arg4: memref<32768x256xbf16, #tpu.memory_space<hbm>>, %arg5: memref<56x256xf32, #tpu.memory_space<vmem>>, %arg6: memref<3x2x112xi32, #tpu.memory_space<vmem>>, %arg7: memref<672x256xbf16, #tpu.memory_space<vmem>>, %arg8: memref<32x256xbf16, #tpu.memory_space<vmem>>, %arg9: memref<!tpu.dma_semaphore, #tpu.memory_space<semaphore_mem>>, %arg10: memref<!tpu.dma_semaphore, #tpu.memory_space<semaphore_mem>>, %arg11: memref<!tpu.dma_semaphore, #tpu.memory_space<semaphore_mem>>, %arg12: memref<!tpu.dma_semaphore, #tpu.memory_space<semaphore_mem>>, %arg13: memref<!tpu.dma_semaphore, #tpu.memory_space<semaphore_mem>>) attributes {dimension_semantics = [#tpu.dimension_semantics<core_parallel>, #tpu.dimension_semantics<subcore_parallel>], iteration_bounds = array<i64: 2, 16>, scalar_prefetch = 0 : i64, scratch_operands = 9 : i64, tpu.core_type = #tpu.core_type<sc_vector_subcore>, window_params = [{transform_indices = #map}, {transform_indices = #map1}, {transform_indices = #map}]} {
    %mul3A = arith.constant 2 : i32
    %mul3A_0 = arith.muli %arg1, %mul3A : i32
    %add3A = arith.addi %mul3A_0, %arg0 : i32
    %jit3A = arith.constant 16 : i32
    %div3A = arith.divsi %add3A, %jit3A : i32
    %sign3A = arith.constant 0 : i32
    %sign3A_1 = arith.cmpi sgt, %add3A, %sign3A : i32
    %sign3A_2 = arith.extui %sign3A_1 : i1 to i32
    %sign3A_3 = arith.constant 0 : i32
    %sign3A_4 = arith.cmpi slt, %add3A, %sign3A_3 : i32
    %sign3A_5 = arith.extui %sign3A_4 : i1 to i32
    %sign3A_6 = arith.subi %sign3A_2, %sign3A_5 : i32
    %sign3A_7 = arith.constant 0 : i32
    %sign3A_8 = arith.cmpi sgt, %jit3A, %sign3A_7 : i32
    %sign3A_9 = arith.extui %sign3A_8 : i1 to i32
    %sign3A_10 = arith.constant 0 : i32
    %sign3A_11 = arith.cmpi slt, %jit3A, %sign3A_10 : i32
    %sign3A_12 = arith.extui %sign3A_11 : i1 to i32
    %sign3A_13 = arith.subi %sign3A_9, %sign3A_12 : i32
    %ne3A = arith.cmpi ne, %sign3A_6, %sign3A_13 : i32
    %rem3A = arith.remsi %add3A, %jit3A : i32
    %ne3A_14 = arith.constant 0 : i32
    %ne3A_15 = arith.cmpi ne, %rem3A, %ne3A_14 : i32
    %and3A = arith.andi %ne3A, %ne3A_15 : i1
    %sub3A = arith.constant 1 : i32
    %sub3A_16 = arith.subi %div3A, %sub3A : i32
    %select_n3A = arith.select %and3A, %sub3A_16, %div3A : i32
    %jit3A_17 = arith.constant 16 : i32
    %eq3A = arith.constant 0 : i32
    %eq3A_18 = arith.cmpi eq, %jit3A_17, %eq3A : i32
    %jit3A_19 = arith.constant 1 : i32
    %select_n3A_20 = arith.select %eq3A_18, %jit3A_19, %jit3A_17 : i32
    %rem3A_21 = arith.remsi %add3A, %select_n3A_20 : i32
    %ne3A_22 = arith.constant 0 : i32
    %ne3A_23 = arith.cmpi ne, %rem3A_21, %ne3A_22 : i32
    %lt3A = arith.constant 0 : i32
    %lt3A_24 = arith.cmpi slt, %rem3A_21, %lt3A : i32
    %lt3A_25 = arith.constant 0 : i32
    %lt3A_26 = arith.cmpi slt, %select_n3A_20, %lt3A_25 : i32
    %ne3A_27 = arith.xori %lt3A_24, %lt3A_26 : i1
    %and3A_28 = arith.andi %ne3A_27, %ne3A_23 : i1
    %add3A_29 = arith.addi %rem3A_21, %select_n3A_20 : i32
    %select_n3A_30 = arith.select %and3A_28, %add3A_29, %rem3A_21 : i32
    %mul3A_31 = arith.constant 256 : i32
    %mul3A_32 = arith.muli %select_n3A_30, %mul3A_31 : i32
    "tpu.region"() ({
      %run_scoped3A = tpu.sem_alloc : memref<!tpu.dma_semaphore, #tpu.memory_space<semaphore_mem>>
      %dma_start3A_1030 = arith.constant 0 : i32
      %dma_start3A_1031 = tpu.memref_slice %arg3[%select_n3A, %dma_start3A_1030, %mul3A_32] : memref<2x56x4096xf32, #tpu.memory_space<hbm>> -> memref<1x56x256xf32, #tpu.memory_space<hbm>>
      %dma_start3A_1032 = tpu.memref_squeeze %dma_start3A_1031 : memref<1x56x256xf32, #tpu.memory_space<hbm>> -> memref<56x256xf32, #tpu.memory_space<hbm>>
      %dma_start3A_1033 = arith.constant 0 : i32
      %dma_start3A_1034 = tpu.memref_slice %arg3[%select_n3A, %dma_start3A_1033, %mul3A_32] : memref<2x56x4096xf32, #tpu.memory_space<hbm>> -> memref<1x56x256xf32, #tpu.memory_space<hbm>>
      %dma_start3A_1035 = tpu.memref_squeeze %dma_start3A_1034 : memref<1x56x256xf32, #tpu.memory_space<hbm>> -> memref<56x256xf32, #tpu.memory_space<hbm>>
      tpu.enqueue_dma source(%dma_start3A_1035 : memref<56x256xf32, #tpu.memory_space<hbm>>) target(%arg5 : memref<56x256xf32, #tpu.memory_space<vmem>>) target_semaphore(%run_scoped3A : memref<!tpu.dma_semaphore, #tpu.memory_space<semaphore_mem>>)
      %dma_wait3A_1036 = arith.constant 0 : i32
      %dma_wait3A_1037 = tpu.memref_slice %arg3[%select_n3A, %dma_wait3A_1036, %mul3A_32] : memref<2x56x4096xf32, #tpu.memory_space<hbm>> -> memref<1x56x256xf32, #tpu.memory_space<hbm>>
      %dma_wait3A_1038 = tpu.memref_squeeze %dma_wait3A_1037 : memref<1x56x256xf32, #tpu.memory_space<hbm>> -> memref<56x256xf32, #tpu.memory_space<hbm>>
      %dma_wait3A_1039 = arith.constant 0 : i32
      %dma_wait3A_1040 = tpu.memref_slice %arg3[%select_n3A, %dma_wait3A_1039, %mul3A_32] : memref<2x56x4096xf32, #tpu.memory_space<hbm>> -> memref<1x56x256xf32, #tpu.memory_space<hbm>>
      %dma_wait3A_1041 = tpu.memref_squeeze %dma_wait3A_1040 : memref<1x56x256xf32, #tpu.memory_space<hbm>> -> memref<56x256xf32, #tpu.memory_space<hbm>>
      tpu.wait_dma2 semaphore(%run_scoped3A : memref<!tpu.dma_semaphore, #tpu.memory_space<semaphore_mem>>) src(%dma_wait3A_1041 : memref<56x256xf32, #tpu.memory_space<hbm>>) dst(%arg5 : memref<56x256xf32, #tpu.memory_space<vmem>>)
      tpu.yield
    }) : () -> ()
    %iota3A = tpu.iota {dimensions = array<i32: 0>} : vector<16xi32>
    %convert_element_type3A = arith.sitofp %iota3A : vector<16xi32> to vector<16xf32>
    %add3A_33 = arith.constant 0 : i32
    %add3A_34 = arith.addi %mul3A_32, %add3A_33 : i32
    %convert_element_type3A_35 = arith.sitofp %add3A_34 : i32 to f32
    %add3A_36 = vector.broadcast %convert_element_type3A_35 : f32 to vector<16xf32>
    %add3A_37 = arith.addf %add3A_36, %convert_element_type3A : vector<16xf32>
    %mul3A_38 = arith.constant 4 : i32
    %mul3A_39 = arith.muli %select_n3A, %mul3A_38 : i32
    %add3A_40 = arith.constant 0 : i32
    %add3A_41 = arith.addi %mul3A_39, %add3A_40 : i32
    %mul3A_42 = arith.constant 4096 : i32
    %mul3A_43 = arith.muli %add3A_41, %mul3A_42 : i32
    %get3A = arith.constant 28 : i32
    %get3A_44 = arith.index_cast %get3A : i32 to index
    %get3A_45 = arith.constant 0 : index
    %get3A_46 = tpu.vector_load %arg5[%get3A_44, %get3A_45] {strides = array<i32>} : memref<56x256xf32, #tpu.memory_space<vmem>>, vector<16xf32>,
    %get3A_47 = arith.constant 29 : i32
    %get3A_48 = arith.index_cast %get3A_47 : i32 to index
    %get3A_49 = arith.constant 0 : index
    %get3A_50 = tpu.vector_load %arg5[%get3A_48, %get3A_49] {strides = array<i32>} : memref<56x256xf32, #tpu.memory_space<vmem>>, vector<16xf32>,
    %get3A_51 = arith.constant 30 : i32
    %get3A_52 = arith.index_cast %get3A_51 : i32 to index
    %get3A_53 = arith.constant 0 : index
    %get3A_54 = tpu.vector_load %arg5[%get3A_52, %get3A_53] {strides = array<i32>} : memref<56x256xf32, #tpu.memory_space<vmem>>, vector<16xf32>,
    %get3A_55 = arith.constant 31 : i32
    %get3A_56 = arith.index_cast %get3A_55 : i32 to index
    %get3A_57 = arith.constant 0 : index
    %get3A_58 = tpu.vector_load %arg5[%get3A_56, %get3A_57] {strides = array<i32>} : memref<56x256xf32, #tpu.memory_space<vmem>>, vector<16xf32>,
    %get3A_59 = arith.constant 32 : i32
    %get3A_60 = arith.index_cast %get3A_59 : i32 to index
    %get3A_61 = arith.constant 0 : index
    %get3A_62 = tpu.vector_load %arg5[%get3A_60, %get3A_61] {strides = array<i32>} : memref<56x256xf32, #tpu.memory_space<vmem>>, vector<16xf32>,
    %get3A_63 = arith.constant 33 : i32
    %get3A_64 = arith.index_cast %get3A_63 : i32 to index
    %get3A_65 = arith.constant 0 : index
    %get3A_66 = tpu.vector_load %arg5[%get3A_64, %get3A_65] {strides = array<i32>} : memref<56x256xf32, #tpu.memory_space<vmem>>, vector<16xf32>,
    %get3A_67 = arith.constant 34 : i32
    %get3A_68 = arith.index_cast %get3A_67 : i32 to index
    %get3A_69 = arith.constant 0 : index
    %get3A_70 = tpu.vector_load %arg5[%get3A_68, %get3A_69] {strides = array<i32>} : memref<56x256xf32, #tpu.memory_space<vmem>>, vector<16xf32>,
    %max3A = arith.maximumf %get3A_46, %get3A_50 : vector<16xf32>
    %max3A_71 = arith.maximumf %max3A, %get3A_54 : vector<16xf32>
    %max3A_72 = arith.maximumf %max3A_71, %get3A_58 : vector<16xf32>
    %max3A_73 = arith.maximumf %max3A_72, %get3A_62 : vector<16xf32>
    %max3A_74 = arith.maximumf %max3A_73, %get3A_66 : vector<16xf32>
    %max3A_75 = arith.maximumf %max3A_74, %get3A_70 : vector<16xf32>
    %sub3A_76 = arith.subf %get3A_46, %max3A_75 : vector<16xf32>
    %exp3A = math.exp %sub3A_76 : vector<16xf32>
    %sub3A_77 = arith.subf %get3A_50, %max3A_75 : vector<16xf32>
    %exp3A_78 = math.exp %sub3A_77 : vector<16xf32>
    %sub3A_79 = arith.subf %get3A_54, %max3A_75 : vector<16xf32>
    %exp3A_80 = math.exp %sub3A_79 : vector<16xf32>
    %sub3A_81 = arith.subf %get3A_58, %max3A_75 : vector<16xf32>
    %exp3A_82 = math.exp %sub3A_81 : vector<16xf32>
    %sub3A_83 = arith.subf %get3A_62, %max3A_75 : vector<16xf32>
    %exp3A_84 = math.exp %sub3A_83 : vector<16xf32>
    %sub3A_85 = arith.subf %get3A_66, %max3A_75 : vector<16xf32>
    %exp3A_86 = math.exp %sub3A_85 : vector<16xf32>
    %sub3A_87 = arith.subf %get3A_70, %max3A_75 : vector<16xf32>
    %exp3A_88 = math.exp %sub3A_87 : vector<16xf32>
    %add3A_89 = arith.addf %exp3A, %exp3A_78 : vector<16xf32>
    %add3A_90 = arith.addf %add3A_89, %exp3A_80 : vector<16xf32>
    %add3A_91 = arith.addf %add3A_90, %exp3A_82 : vector<16xf32>
    %add3A_92 = arith.addf %add3A_91, %exp3A_84 : vector<16xf32>
    %add3A_93 = arith.addf %add3A_92, %exp3A_86 : vector<16xf32>
    %add3A_94 = arith.addf %add3A_93, %exp3A_88 : vector<16xf32>
    %div3A_95 = arith.constant 1.000000e+00 : f32
    %div3A_96 = vector.broadcast %div3A_95 : f32 to vector<16xf32>
    %div3A_97 = arith.divf %div3A_96, %add3A_94 : vector<16xf32>
    %get3A_98 = arith.constant 0 : i32
    %get3A_99 = arith.index_cast %get3A_98 : i32 to index
    %get3A_100 = arith.constant 0 : index
    %get3A_101 = tpu.vector_load %arg5[%get3A_99, %get3A_100] {strides = array<i32>} : memref<56x256xf32, #tpu.memory_space<vmem>>, vector<16xf32>,
    %mul3A_102 = arith.constant 2.000000e+00 : f32
    %mul3A_103 = vector.broadcast %mul3A_102 : f32 to vector<16xf32>
    %mul3A_104 = arith.mulf %get3A_101, %mul3A_103 : vector<16xf32>
    %add3A_105 = arith.constant -3.000000e+00 : f32
    %add3A_106 = vector.broadcast %add3A_105 : f32 to vector<16xf32>
    %add3A_107 = arith.addf %add3A_37, %add3A_106 : vector<16xf32>
    %add3A_108 = arith.addf %add3A_107, %mul3A_104 : vector<16xf32>
    %jit3A_109 = arith.constant 0.000000e+00 : f32
    %jit3A_110 = arith.constant 4.095000e+03 : f32
    %max3A_111 = vector.broadcast %jit3A_109 : f32 to vector<16xf32>
    %max3A_112 = arith.maximumf %max3A_111, %add3A_108 : vector<16xf32>
    %min3A = vector.broadcast %jit3A_110 : f32 to vector<16xf32>
    %min3A_113 = arith.minimumf %min3A, %max3A_112 : vector<16xf32>
    %convert_element_type3A_114 = arith.fptosi %min3A_113 : vector<16xf32> to vector<16xi32>
    %add3A_115 = arith.constant 1 : i32
    %add3A_116 = vector.broadcast %add3A_115 : i32 to vector<16xi32>
    %add3A_117 = arith.addi %convert_element_type3A_114, %add3A_116 : vector<16xi32>
    %min3A_118 = arith.constant 4095 : i32
    %min3A_119 = vector.broadcast %min3A_118 : i32 to vector<16xi32>
    %min3A_120 = arith.minsi %add3A_117, %min3A_119 : vector<16xi32>
    %convert_element_type3A_121 = arith.sitofp %convert_element_type3A_114 : vector<16xi32> to vector<16xf32>
    %sub3A_122 = arith.subf %min3A_113, %convert_element_type3A_121 : vector<16xf32>
    %sub3A_123 = arith.constant 1.000000e+00 : f32
    %sub3A_124 = vector.broadcast %sub3A_123 : f32 to vector<16xf32>
    %sub3A_125 = arith.subf %sub3A_124, %sub3A_122 : vector<16xf32>
    %ge3A = arith.constant 0.000000e+00 : f32
    %ge3A_126 = vector.broadcast %ge3A : f32 to vector<16xf32>
    %ge3A_127 = arith.cmpf oge, %add3A_108, %ge3A_126 : vector<16xf32>
    %le3A = arith.constant 4.095000e+03 : f32
    %le3A_128 = vector.broadcast %le3A : f32 to vector<16xf32>
    %le3A_129 = arith.cmpf ole, %add3A_108, %le3A_128 : vector<16xf32>
    %and3A_130 = arith.andi %ge3A_127, %le3A_129 : vector<16xi1>
    %jit3A_131 = arith.constant 0.000000e+00 : f32
    %broadcast_in_dim3A = vector.broadcast %jit3A_131 : f32 to vector<16xf32>
    %select_n3A_132 = arith.select %and3A_130, %exp3A, %broadcast_in_dim3A : vector<16xi1>, vector<16xf32>
    %mul3A_133 = arith.mulf %sub3A_125, %select_n3A_132 : vector<16xf32>
    %mul3A_134 = arith.mulf %sub3A_122, %select_n3A_132 : vector<16xf32>
    %add3A_135 = vector.broadcast %mul3A_43 : i32 to vector<16xi32>
    %add3A_136 = arith.addi %add3A_135, %convert_element_type3A_114 : vector<16xi32>
    %add3A_137 = vector.broadcast %mul3A_43 : i32 to vector<16xi32>
    %add3A_138 = arith.addi %add3A_137, %min3A_120 : vector<16xi32>
    %get3A_139 = arith.constant 1 : i32
    %get3A_140 = arith.index_cast %get3A_139 : i32 to index
    %get3A_141 = arith.constant 0 : index
    %get3A_142 = tpu.vector_load %arg5[%get3A_140, %get3A_141] {strides = array<i32>} : memref<56x256xf32, #tpu.memory_space<vmem>>, vector<16xf32>,
    %mul3A_143 = arith.constant 2.000000e+00 : f32
    %mul3A_144 = vector.broadcast %mul3A_143 : f32 to vector<16xf32>
    %mul3A_145 = arith.mulf %get3A_142, %mul3A_144 : vector<16xf32>
    %add3A_146 = arith.constant -2.000000e+00 : f32
    %add3A_147 = vector.broadcast %add3A_146 : f32 to vector<16xf32>
    %add3A_148 = arith.addf %add3A_37, %add3A_147 : vector<16xf32>
    %add3A_149 = arith.addf %add3A_148, %mul3A_145 : vector<16xf32>
    %jit3A_150 = arith.constant 0.000000e+00 : f32
    %jit3A_151 = arith.constant 4.095000e+03 : f32
    %max3A_152 = vector.broadcast %jit3A_150 : f32 to vector<16xf32>
    %max3A_153 = arith.maximumf %max3A_152, %add3A_149 : vector<16xf32>
    %min3A_154 = vector.broadcast %jit3A_151 : f32 to vector<16xf32>
    %min3A_155 = arith.minimumf %min3A_154, %max3A_153 : vector<16xf32>
    %convert_element_type3A_156 = arith.fptosi %min3A_155 : vector<16xf32> to vector<16xi32>
    %add3A_157 = arith.constant 1 : i32
    %add3A_158 = vector.broadcast %add3A_157 : i32 to vector<16xi32>
    %add3A_159 = arith.addi %convert_element_type3A_156, %add3A_158 : vector<16xi32>
    %min3A_160 = arith.constant 4095 : i32
    %min3A_161 = vector.broadcast %min3A_160 : i32 to vector<16xi32>
    %min3A_162 = arith.minsi %add3A_159, %min3A_161 : vector<16xi32>
    %convert_element_type3A_163 = arith.sitofp %convert_element_type3A_156 : vector<16xi32> to vector<16xf32>
    %sub3A_164 = arith.subf %min3A_155, %convert_element_type3A_163 : vector<16xf32>
    %sub3A_165 = arith.constant 1.000000e+00 : f32
    %sub3A_166 = vector.broadcast %sub3A_165 : f32 to vector<16xf32>
    %sub3A_167 = arith.subf %sub3A_166, %sub3A_164 : vector<16xf32>
    %ge3A_168 = arith.constant 0.000000e+00 : f32
    %ge3A_169 = vector.broadcast %ge3A_168 : f32 to vector<16xf32>
    %ge3A_170 = arith.cmpf oge, %add3A_149, %ge3A_169 : vector<16xf32>
    %le3A_171 = arith.constant 4.095000e+03 : f32
    %le3A_172 = vector.broadcast %le3A_171 : f32 to vector<16xf32>
    %le3A_173 = arith.cmpf ole, %add3A_149, %le3A_172 : vector<16xf32>
    %and3A_174 = arith.andi %ge3A_170, %le3A_173 : vector<16xi1>
    %jit3A_175 = arith.constant 0.000000e+00 : f32
    %broadcast_in_dim3A_176 = vector.broadcast %jit3A_175 : f32 to vector<16xf32>
    %select_n3A_177 = arith.select %and3A_174, %exp3A_78, %broadcast_in_dim3A_176 : vector<16xi1>, vector<16xf32>
    %mul3A_178 = arith.mulf %sub3A_167, %select_n3A_177 : vector<16xf32>
    %mul3A_179 = arith.mulf %sub3A_164, %select_n3A_177 : vector<16xf32>
    %add3A_180 = vector.broadcast %mul3A_43 : i32 to vector<16xi32>
    %add3A_181 = arith.addi %add3A_180, %convert_element_type3A_156 : vector<16xi32>
    %add3A_182 = vector.broadcast %mul3A_43 : i32 to vector<16xi32>
    %add3A_183 = arith.addi %add3A_182, %min3A_162 : vector<16xi32>
    %get3A_184 = arith.constant 2 : i32
    %get3A_185 = arith.index_cast %get3A_184 : i32 to index
    %get3A_186 = arith.constant 0 : index
    %get3A_187 = tpu.vector_load %arg5[%get3A_185, %get3A_186] {strides = array<i32>} : memref<56x256xf32, #tpu.memory_space<vmem>>, vector<16xf32>,
    %mul3A_188 = arith.constant 2.000000e+00 : f32
    %mul3A_189 = vector.broadcast %mul3A_188 : f32 to vector<16xf32>
    %mul3A_190 = arith.mulf %get3A_187, %mul3A_189 : vector<16xf32>
    %add3A_191 = arith.constant -1.000000e+00 : f32
    %add3A_192 = vector.broadcast %add3A_191 : f32 to vector<16xf32>
    %add3A_193 = arith.addf %add3A_37, %add3A_192 : vector<16xf32>
    %add3A_194 = arith.addf %add3A_193, %mul3A_190 : vector<16xf32>
    %jit3A_195 = arith.constant 0.000000e+00 : f32
    %jit3A_196 = arith.constant 4.095000e+03 : f32
    %max3A_197 = vector.broadcast %jit3A_195 : f32 to vector<16xf32>
    %max3A_198 = arith.maximumf %max3A_197, %add3A_194 : vector<16xf32>
    %min3A_199 = vector.broadcast %jit3A_196 : f32 to vector<16xf32>
    %min3A_200 = arith.minimumf %min3A_199, %max3A_198 : vector<16xf32>
    %convert_element_type3A_201 = arith.fptosi %min3A_200 : vector<16xf32> to vector<16xi32>
    %add3A_202 = arith.constant 1 : i32
    %add3A_203 = vector.broadcast %add3A_202 : i32 to vector<16xi32>
    %add3A_204 = arith.addi %convert_element_type3A_201, %add3A_203 : vector<16xi32>
    %min3A_205 = arith.constant 4095 : i32
    %min3A_206 = vector.broadcast %min3A_205 : i32 to vector<16xi32>
    %min3A_207 = arith.minsi %add3A_204, %min3A_206 : vector<16xi32>
    %convert_element_type3A_208 = arith.sitofp %convert_element_type3A_201 : vector<16xi32> to vector<16xf32>
    %sub3A_209 = arith.subf %min3A_200, %convert_element_type3A_208 : vector<16xf32>
    %sub3A_210 = arith.constant 1.000000e+00 : f32
    %sub3A_211 = vector.broadcast %sub3A_210 : f32 to vector<16xf32>
    %sub3A_212 = arith.subf %sub3A_211, %sub3A_209 : vector<16xf32>
    %ge3A_213 = arith.constant 0.000000e+00 : f32
    %ge3A_214 = vector.broadcast %ge3A_213 : f32 to vector<16xf32>
    %ge3A_215 = arith.cmpf oge, %add3A_194, %ge3A_214 : vector<16xf32>
    %le3A_216 = arith.constant 4.095000e+03 : f32
    %le3A_217 = vector.broadcast %le3A_216 : f32 to vector<16xf32>
    %le3A_218 = arith.cmpf ole, %add3A_194, %le3A_217 : vector<16xf32>
    %and3A_219 = arith.andi %ge3A_215, %le3A_218 : vector<16xi1>
    %jit3A_220 = arith.constant 0.000000e+00 : f32
    %broadcast_in_dim3A_221 = vector.broadcast %jit3A_220 : f32 to vector<16xf32>
    %select_n3A_222 = arith.select %and3A_219, %exp3A_80, %broadcast_in_dim3A_221 : vector<16xi1>, vector<16xf32>
    %mul3A_223 = arith.mulf %sub3A_212, %select_n3A_222 : vector<16xf32>
    %mul3A_224 = arith.mulf %sub3A_209, %select_n3A_222 : vector<16xf32>
    %add3A_225 = vector.broadcast %mul3A_43 : i32 to vector<16xi32>
    %add3A_226 = arith.addi %add3A_225, %convert_element_type3A_201 : vector<16xi32>
    %add3A_227 = vector.broadcast %mul3A_43 : i32 to vector<16xi32>
    %add3A_228 = arith.addi %add3A_227, %min3A_207 : vector<16xi32>
    %get3A_229 = arith.constant 3 : i32
    %get3A_230 = arith.index_cast %get3A_229 : i32 to index
    %get3A_231 = arith.constant 0 : index
    %get3A_232 = tpu.vector_load %arg5[%get3A_230, %get3A_231] {strides = array<i32>} : memref<56x256xf32, #tpu.memory_space<vmem>>, vector<16xf32>,
    %mul3A_233 = arith.constant 2.000000e+00 : f32
    %mul3A_234 = vector.broadcast %mul3A_233 : f32 to vector<16xf32>
    %mul3A_235 = arith.mulf %get3A_232, %mul3A_234 : vector<16xf32>
    %add3A_236 = arith.constant 0.000000e+00 : f32
    %add3A_237 = vector.broadcast %add3A_236 : f32 to vector<16xf32>
    %add3A_238 = arith.addf %add3A_37, %add3A_237 : vector<16xf32>
    %add3A_239 = arith.addf %add3A_238, %mul3A_235 : vector<16xf32>
    %jit3A_240 = arith.constant 0.000000e+00 : f32
    %jit3A_241 = arith.constant 4.095000e+03 : f32
    %max3A_242 = vector.broadcast %jit3A_240 : f32 to vector<16xf32>
    %max3A_243 = arith.maximumf %max3A_242, %add3A_239 : vector<16xf32>
    %min3A_244 = vector.broadcast %jit3A_241 : f32 to vector<16xf32>
    %min3A_245 = arith.minimumf %min3A_244, %max3A_243 : vector<16xf32>
    %convert_element_type3A_246 = arith.fptosi %min3A_245 : vector<16xf32> to vector<16xi32>
    %add3A_247 = arith.constant 1 : i32
    %add3A_248 = vector.broadcast %add3A_247 : i32 to vector<16xi32>
    %add3A_249 = arith.addi %convert_element_type3A_246, %add3A_248 : vector<16xi32>
    %min3A_250 = arith.constant 4095 : i32
    %min3A_251 = vector.broadcast %min3A_250 : i32 to vector<16xi32>
    %min3A_252 = arith.minsi %add3A_249, %min3A_251 : vector<16xi32>
    %convert_element_type3A_253 = arith.sitofp %convert_element_type3A_246 : vector<16xi32> to vector<16xf32>
    %sub3A_254 = arith.subf %min3A_245, %convert_element_type3A_253 : vector<16xf32>
    %sub3A_255 = arith.constant 1.000000e+00 : f32
    %sub3A_256 = vector.broadcast %sub3A_255 : f32 to vector<16xf32>
    %sub3A_257 = arith.subf %sub3A_256, %sub3A_254 : vector<16xf32>
    %ge3A_258 = arith.constant 0.000000e+00 : f32
    %ge3A_259 = vector.broadcast %ge3A_258 : f32 to vector<16xf32>
    %ge3A_260 = arith.cmpf oge, %add3A_239, %ge3A_259 : vector<16xf32>
    %le3A_261 = arith.constant 4.095000e+03 : f32
    %le3A_262 = vector.broadcast %le3A_261 : f32 to vector<16xf32>
    %le3A_263 = arith.cmpf ole, %add3A_239, %le3A_262 : vector<16xf32>
    %and3A_264 = arith.andi %ge3A_260, %le3A_263 : vector<16xi1>
    %jit3A_265 = arith.constant 0.000000e+00 : f32
    %broadcast_in_dim3A_266 = vector.broadcast %jit3A_265 : f32 to vector<16xf32>
    %select_n3A_267 = arith.select %and3A_264, %exp3A_82, %broadcast_in_dim3A_266 : vector<16xi1>, vector<16xf32>
    %mul3A_268 = arith.mulf %sub3A_257, %select_n3A_267 : vector<16xf32>
    %mul3A_269 = arith.mulf %sub3A_254, %select_n3A_267 : vector<16xf32>
    %add3A_270 = vector.broadcast %mul3A_43 : i32 to vector<16xi32>
    %add3A_271 = arith.addi %add3A_270, %convert_element_type3A_246 : vector<16xi32>
    %add3A_272 = vector.broadcast %mul3A_43 : i32 to vector<16xi32>
    %add3A_273 = arith.addi %add3A_272, %min3A_252 : vector<16xi32>
    %get3A_274 = arith.constant 4 : i32
    %get3A_275 = arith.index_cast %get3A_274 : i32 to index
    %get3A_276 = arith.constant 0 : index
    %get3A_277 = tpu.vector_load %arg5[%get3A_275, %get3A_276] {strides = array<i32>} : memref<56x256xf32, #tpu.memory_space<vmem>>, vector<16xf32>,
    %mul3A_278 = arith.constant 2.000000e+00 : f32
    %mul3A_279 = vector.broadcast %mul3A_278 : f32 to vector<16xf32>
    %mul3A_280 = arith.mulf %get3A_277, %mul3A_279 : vector<16xf32>
    %add3A_281 = arith.constant 1.000000e+00 : f32
    %add3A_282 = vector.broadcast %add3A_281 : f32 to vector<16xf32>
    %add3A_283 = arith.addf %add3A_37, %add3A_282 : vector<16xf32>
    %add3A_284 = arith.addf %add3A_283, %mul3A_280 : vector<16xf32>
    %jit3A_285 = arith.constant 0.000000e+00 : f32
    %jit3A_286 = arith.constant 4.095000e+03 : f32
    %max3A_287 = vector.broadcast %jit3A_285 : f32 to vector<16xf32>
    %max3A_288 = arith.maximumf %max3A_287, %add3A_284 : vector<16xf32>
    %min3A_289 = vector.broadcast %jit3A_286 : f32 to vector<16xf32>
    %min3A_290 = arith.minimumf %min3A_289, %max3A_288 : vector<16xf32>
    %convert_element_type3A_291 = arith.fptosi %min3A_290 : vector<16xf32> to vector<16xi32>
    %add3A_292 = arith.constant 1 : i32
    %add3A_293 = vector.broadcast %add3A_292 : i32 to vector<16xi32>
    %add3A_294 = arith.addi %convert_element_type3A_291, %add3A_293 : vector<16xi32>
    %min3A_295 = arith.constant 4095 : i32
    %min3A_296 = vector.broadcast %min3A_295 : i32 to vector<16xi32>
    %min3A_297 = arith.minsi %add3A_294, %min3A_296 : vector<16xi32>
    %convert_element_type3A_298 = arith.sitofp %convert_element_type3A_291 : vector<16xi32> to vector<16xf32>
    %sub3A_299 = arith.subf %min3A_290, %convert_element_type3A_298 : vector<16xf32>
    %sub3A_300 = arith.constant 1.000000e+00 : f32
    %sub3A_301 = vector.broadcast %sub3A_300 : f32 to vector<16xf32>
    %sub3A_302 = arith.subf %sub3A_301, %sub3A_299 : vector<16xf32>
    %ge3A_303 = arith.constant 0.000000e+00 : f32
    %ge3A_304 = vector.broadcast %ge3A_303 : f32 to vector<16xf32>
    %ge3A_305 = arith.cmpf oge, %add3A_284, %ge3A_304 : vector<16xf32>
    %le3A_306 = arith.constant 4.095000e+03 : f32
    %le3A_307 = vector.broadcast %le3A_306 : f32 to vector<16xf32>
    %le3A_308 = arith.cmpf ole, %add3A_284, %le3A_307 : vector<16xf32>
    %and3A_309 = arith.andi %ge3A_305, %le3A_308 : vector<16xi1>
    %jit3A_310 = arith.constant 0.000000e+00 : f32
    %broadcast_in_dim3A_311 = vector.broadcast %jit3A_310 : f32 to vector<16xf32>
    %select_n3A_312 = arith.select %and3A_309, %exp3A_84, %broadcast_in_dim3A_311 : vector<16xi1>, vector<16xf32>
    %mul3A_313 = arith.mulf %sub3A_302, %select_n3A_312 : vector<16xf32>
    %mul3A_314 = arith.mulf %sub3A_299, %select_n3A_312 : vector<16xf32>
    %add3A_315 = vector.broadcast %mul3A_43 : i32 to vector<16xi32>
    %add3A_316 = arith.addi %add3A_315, %convert_element_type3A_291 : vector<16xi32>
    %add3A_317 = vector.broadcast %mul3A_43 : i32 to vector<16xi32>
    %add3A_318 = arith.addi %add3A_317, %min3A_297 : vector<16xi32>
    %get3A_319 = arith.constant 5 : i32
    %get3A_320 = arith.index_cast %get3A_319 : i32 to index
    %get3A_321 = arith.constant 0 : index
    %get3A_322 = tpu.vector_load %arg5[%get3A_320, %get3A_321] {strides = array<i32>} : memref<56x256xf32, #tpu.memory_space<vmem>>, vector<16xf32>,
    %mul3A_323 = arith.constant 2.000000e+00 : f32
    %mul3A_324 = vector.broadcast %mul3A_323 : f32 to vector<16xf32>
    %mul3A_325 = arith.mulf %get3A_322, %mul3A_324 : vector<16xf32>
    %add3A_326 = arith.constant 2.000000e+00 : f32
    %add3A_327 = vector.broadcast %add3A_326 : f32 to vector<16xf32>
    %add3A_328 = arith.addf %add3A_37, %add3A_327 : vector<16xf32>
    %add3A_329 = arith.addf %add3A_328, %mul3A_325 : vector<16xf32>
    %jit3A_330 = arith.constant 0.000000e+00 : f32
    %jit3A_331 = arith.constant 4.095000e+03 : f32
    %max3A_332 = vector.broadcast %jit3A_330 : f32 to vector<16xf32>
    %max3A_333 = arith.maximumf %max3A_332, %add3A_329 : vector<16xf32>
    %min3A_334 = vector.broadcast %jit3A_331 : f32 to vector<16xf32>
    %min3A_335 = arith.minimumf %min3A_334, %max3A_333 : vector<16xf32>
    %convert_element_type3A_336 = arith.fptosi %min3A_335 : vector<16xf32> to vector<16xi32>
    %add3A_337 = arith.constant 1 : i32
    %add3A_338 = vector.broadcast %add3A_337 : i32 to vector<16xi32>
    %add3A_339 = arith.addi %convert_element_type3A_336, %add3A_338 : vector<16xi32>
    %min3A_340 = arith.constant 4095 : i32
    %min3A_341 = vector.broadcast %min3A_340 : i32 to vector<16xi32>
    %min3A_342 = arith.minsi %add3A_339, %min3A_341 : vector<16xi32>
    %convert_element_type3A_343 = arith.sitofp %convert_element_type3A_336 : vector<16xi32> to vector<16xf32>
    %sub3A_344 = arith.subf %min3A_335, %convert_element_type3A_343 : vector<16xf32>
    %sub3A_345 = arith.constant 1.000000e+00 : f32
    %sub3A_346 = vector.broadcast %sub3A_345 : f32 to vector<16xf32>
    %sub3A_347 = arith.subf %sub3A_346, %sub3A_344 : vector<16xf32>
    %ge3A_348 = arith.constant 0.000000e+00 : f32
    %ge3A_349 = vector.broadcast %ge3A_348 : f32 to vector<16xf32>
    %ge3A_350 = arith.cmpf oge, %add3A_329, %ge3A_349 : vector<16xf32>
    %le3A_351 = arith.constant 4.095000e+03 : f32
    %le3A_352 = vector.broadcast %le3A_351 : f32 to vector<16xf32>
    %le3A_353 = arith.cmpf ole, %add3A_329, %le3A_352 : vector<16xf32>
    %and3A_354 = arith.andi %ge3A_350, %le3A_353 : vector<16xi1>
    %jit3A_355 = arith.constant 0.000000e+00 : f32
    %broadcast_in_dim3A_356 = vector.broadcast %jit3A_355 : f32 to vector<16xf32>
    %select_n3A_357 = arith.select %and3A_354, %exp3A_86, %broadcast_in_dim3A_356 : vector<16xi1>, vector<16xf32>
    %mul3A_358 = arith.mulf %sub3A_347, %select_n3A_357 : vector<16xf32>
    %mul3A_359 = arith.mulf %sub3A_344, %select_n3A_357 : vector<16xf32>
    %add3A_360 = vector.broadcast %mul3A_43 : i32 to vector<16xi32>
    %add3A_361 = arith.addi %add3A_360, %convert_element_type3A_336 : vector<16xi32>
    %add3A_362 = vector.broadcast %mul3A_43 : i32 to vector<16xi32>
    %add3A_363 = arith.addi %add3A_362, %min3A_342 : vector<16xi32>
    %get3A_364 = arith.constant 6 : i32
    %get3A_365 = arith.index_cast %get3A_364 : i32 to index
    %get3A_366 = arith.constant 0 : index
    %get3A_367 = tpu.vector_load %arg5[%get3A_365, %get3A_366] {strides = array<i32>} : memref<56x256xf32, #tpu.memory_space<vmem>>, vector<16xf32>,
    %mul3A_368 = arith.constant 2.000000e+00 : f32
    %mul3A_369 = vector.broadcast %mul3A_368 : f32 to vector<16xf32>
    %mul3A_370 = arith.mulf %get3A_367, %mul3A_369 : vector<16xf32>
    %add3A_371 = arith.constant 3.000000e+00 : f32
    %add3A_372 = vector.broadcast %add3A_371 : f32 to vector<16xf32>
    %add3A_373 = arith.addf %add3A_37, %add3A_372 : vector<16xf32>
    %add3A_374 = arith.addf %add3A_373, %mul3A_370 : vector<16xf32>
    %jit3A_375 = arith.constant 0.000000e+00 : f32
    %jit3A_376 = arith.constant 4.095000e+03 : f32
    %max3A_377 = vector.broadcast %jit3A_375 : f32 to vector<16xf32>
    %max3A_378 = arith.maximumf %max3A_377, %add3A_374 : vector<16xf32>
    %min3A_379 = vector.broadcast %jit3A_376 : f32 to vector<16xf32>
    %min3A_380 = arith.minimumf %min3A_379, %max3A_378 : vector<16xf32>
    %convert_element_type3A_381 = arith.fptosi %min3A_380 : vector<16xf32> to vector<16xi32>
    %add3A_382 = arith.constant 1 : i32
    %add3A_383 = vector.broadcast %add3A_382 : i32 to vector<16xi32>
    %add3A_384 = arith.addi %convert_element_type3A_381, %add3A_383 : vector<16xi32>
    %min3A_385 = arith.constant 4095 : i32
    %min3A_386 = vector.broadcast %min3A_385 : i32 to vector<16xi32>
    %min3A_387 = arith.minsi %add3A_384, %min3A_386 : vector<16xi32>
    %convert_element_type3A_388 = arith.sitofp %convert_element_type3A_381 : vector<16xi32> to vector<16xf32>
    %sub3A_389 = arith.subf %min3A_380, %convert_element_type3A_388 : vector<16xf32>
    %sub3A_390 = arith.constant 1.000000e+00 : f32
    %sub3A_391 = vector.broadcast %sub3A_390 : f32 to vector<16xf32>
    %sub3A_392 = arith.subf %sub3A_391, %sub3A_389 : vector<16xf32>
    %ge3A_393 = arith.constant 0.000000e+00 : f32
    %ge3A_394 = vector.broadcast %ge3A_393 : f32 to vector<16xf32>
    %ge3A_395 = arith.cmpf oge, %add3A_374, %ge3A_394 : vector<16xf32>
    %le3A_396 = arith.constant 4.095000e+03 : f32
    %le3A_397 = vector.broadcast %le3A_396 : f32 to vector<16xf32>
    %le3A_398 = arith.cmpf ole, %add3A_374, %le3A_397 : vector<16xf32>
    %and3A_399 = arith.andi %ge3A_395, %le3A_398 : vector<16xi1>
    %jit3A_400 = arith.constant 0.000000e+00 : f32
    %broadcast_in_dim3A_401 = vector.broadcast %jit3A_400 : f32 to vector<16xf32>
    %select_n3A_402 = arith.select %and3A_399, %exp3A_88, %broadcast_in_dim3A_401 : vector<16xi1>, vector<16xf32>
    %mul3A_403 = arith.mulf %sub3A_392, %select_n3A_402 : vector<16xf32>
    %mul3A_404 = arith.mulf %sub3A_389, %select_n3A_402 : vector<16xf32>
    %add3A_405 = vector.broadcast %mul3A_43 : i32 to vector<16xi32>
    %add3A_406 = arith.addi %add3A_405, %convert_element_type3A_381 : vector<16xi32>
    %add3A_407 = vector.broadcast %mul3A_43 : i32 to vector<16xi32>
    %add3A_408 = arith.addi %add3A_407, %min3A_387 : vector<16xi32>
    %swap3A = arith.constant 0 : i32
    %swap3A_409 = arith.constant 0 : i32
    %swap3A_410 = arith.index_cast %swap3A : i32 to index
    %swap3A_411 = arith.index_cast %swap3A_409 : i32 to index
    %swap3A_412 = arith.constant 0 : index
    %swap3A_413 = tpu.vector_load %arg6[%swap3A_410, %swap3A_411, %swap3A_412] {strides = array<i32>} : memref<3x2x112xi32, #tpu.memory_space<vmem>>, vector<16xi32>,
    tpu.vector_store %arg6[%swap3A_410, %swap3A_411, %swap3A_412], %add3A_136 {strides = array<i32>} : memref<3x2x112xi32, #tpu.memory_space<vmem>>, vector<16xi32>,
    %swap3A_414 = arith.constant 0 : i32
    %swap3A_415 = arith.constant 0 : i32
    %swap3A_416 = arith.index_cast %swap3A_414 : i32 to index
    %swap3A_417 = arith.index_cast %swap3A_415 : i32 to index
    %swap3A_418 = arith.constant 16 : index
    %swap3A_419 = tpu.vector_load %arg6[%swap3A_416, %swap3A_417, %swap3A_418] {strides = array<i32>} : memref<3x2x112xi32, #tpu.memory_space<vmem>>, vector<16xi32>,
    tpu.vector_store %arg6[%swap3A_416, %swap3A_417, %swap3A_418], %add3A_138 {strides = array<i32>} : memref<3x2x112xi32, #tpu.memory_space<vmem>>, vector<16xi32>,
    %swap3A_420 = arith.constant 0 : i32
    %swap3A_421 = arith.constant 0 : i32
    %swap3A_422 = arith.index_cast %swap3A_420 : i32 to index
    %swap3A_423 = arith.index_cast %swap3A_421 : i32 to index
    %swap3A_424 = arith.constant 32 : index
    %swap3A_425 = tpu.vector_load %arg6[%swap3A_422, %swap3A_423, %swap3A_424] {strides = array<i32>} : memref<3x2x112xi32, #tpu.memory_space<vmem>>, vector<16xi32>,
    tpu.vector_store %arg6[%swap3A_422, %swap3A_423, %swap3A_424], %add3A_181 {strides = array<i32>} : memref<3x2x112xi32, #tpu.memory_space<vmem>>, vector<16xi32>,
    %swap3A_426 = arith.constant 0 : i32
    %swap3A_427 = arith.constant 0 : i32
    %swap3A_428 = arith.index_cast %swap3A_426 : i32 to index
    %swap3A_429 = arith.index_cast %swap3A_427 : i32 to index
    %swap3A_430 = arith.constant 48 : index
    %swap3A_431 = tpu.vector_load %arg6[%swap3A_428, %swap3A_429, %swap3A_430] {strides = array<i32>} : memref<3x2x112xi32, #tpu.memory_space<vmem>>, vector<16xi32>,
    tpu.vector_store %arg6[%swap3A_428, %swap3A_429, %swap3A_430], %add3A_183 {strides = array<i32>} : memref<3x2x112xi32, #tpu.memory_space<vmem>>, vector<16xi32>,
    %swap3A_432 = arith.constant 0 : i32
    %swap3A_433 = arith.constant 0 : i32
    %swap3A_434 = arith.index_cast %swap3A_432 : i32 to index
    %swap3A_435 = arith.index_cast %swap3A_433 : i32 to index
    %swap3A_436 = arith.constant 64 : index
    %swap3A_437 = tpu.vector_load %arg6[%swap3A_434, %swap3A_435, %swap3A_436] {strides = array<i32>} : memref<3x2x112xi32, #tpu.memory_space<vmem>>, vector<16xi32>,
    tpu.vector_store %arg6[%swap3A_434, %swap3A_435, %swap3A_436], %add3A_226 {strides = array<i32>} : memref<3x2x112xi32, #tpu.memory_space<vmem>>, vector<16xi32>,
    %swap3A_438 = arith.constant 0 : i32
    %swap3A_439 = arith.constant 0 : i32
    %swap3A_440 = arith.index_cast %swap3A_438 : i32 to index
    %swap3A_441 = arith.index_cast %swap3A_439 : i32 to index
    %swap3A_442 = arith.constant 80 : index
    %swap3A_443 = tpu.vector_load %arg6[%swap3A_440, %swap3A_441, %swap3A_442] {strides = array<i32>} : memref<3x2x112xi32, #tpu.memory_space<vmem>>, vector<16xi32>,
    tpu.vector_store %arg6[%swap3A_440, %swap3A_441, %swap3A_442], %add3A_228 {strides = array<i32>} : memref<3x2x112xi32, #tpu.memory_space<vmem>>, vector<16xi32>,
    %swap3A_444 = arith.constant 0 : i32
    %swap3A_445 = arith.constant 0 : i32
    %swap3A_446 = arith.index_cast %swap3A_444 : i32 to index
    %swap3A_447 = arith.index_cast %swap3A_445 : i32 to index
    %swap3A_448 = arith.constant 96 : index
    %swap3A_449 = tpu.vector_load %arg6[%swap3A_446, %swap3A_447, %swap3A_448] {strides = array<i32>} : memref<3x2x112xi32, #tpu.memory_space<vmem>>, vector<16xi32>,
    tpu.vector_store %arg6[%swap3A_446, %swap3A_447, %swap3A_448], %add3A_271 {strides = array<i32>} : memref<3x2x112xi32, #tpu.memory_space<vmem>>, vector<16xi32>,
    %swap3A_450 = arith.constant 0 : i32
    %swap3A_451 = arith.constant 1 : i32
    %swap3A_452 = arith.index_cast %swap3A_450 : i32 to index
    %swap3A_453 = arith.index_cast %swap3A_451 : i32 to index
    %swap3A_454 = arith.constant 0 : index
    %swap3A_455 = tpu.vector_load %arg6[%swap3A_452, %swap3A_453, %swap3A_454] {strides = array<i32>} : memref<3x2x112xi32, #tpu.memory_space<vmem>>, vector<16xi32>,
    tpu.vector_store %arg6[%swap3A_452, %swap3A_453, %swap3A_454], %add3A_273 {strides = array<i32>} : memref<3x2x112xi32, #tpu.memory_space<vmem>>, vector<16xi32>,
    %swap3A_456 = arith.constant 0 : i32
    %swap3A_457 = arith.constant 1 : i32
    %swap3A_458 = arith.index_cast %swap3A_456 : i32 to index
    %swap3A_459 = arith.index_cast %swap3A_457 : i32 to index
    %swap3A_460 = arith.constant 16 : index
    %swap3A_461 = tpu.vector_load %arg6[%swap3A_458, %swap3A_459, %swap3A_460] {strides = array<i32>} : memref<3x2x112xi32, #tpu.memory_space<vmem>>, vector<16xi32>,
    tpu.vector_store %arg6[%swap3A_458, %swap3A_459, %swap3A_460], %add3A_316 {strides = array<i32>} : memref<3x2x112xi32, #tpu.memory_space<vmem>>, vector<16xi32>,
    %swap3A_462 = arith.constant 0 : i32
    %swap3A_463 = arith.constant 1 : i32
    %swap3A_464 = arith.index_cast %swap3A_462 : i32 to index
    %swap3A_465 = arith.index_cast %swap3A_463 : i32 to index
    %swap3A_466 = arith.constant 32 : index
    %swap3A_467 = tpu.vector_load %arg6[%swap3A_464, %swap3A_465, %swap3A_466] {strides = array<i32>} : memref<3x2x112xi32, #tpu.memory_space<vmem>>, vector<16xi32>,
    tpu.vector_store %arg6[%swap3A_464, %swap3A_465, %swap3A_466], %add3A_318 {strides = array<i32>} : memref<3x2x112xi32, #tpu.memory_space<vmem>>, vector<16xi32>,
    %swap3A_468 = arith.constant 0 : i32
    %swap3A_469 = arith.constant 1 : i32
    %swap3A_470 = arith.index_cast %swap3A_468 : i32 to index
    %swap3A_471 = arith.index_cast %swap3A_469 : i32 to index
    %swap3A_472 = arith.constant 48 : index
    %swap3A_473 = tpu.vector_load %arg6[%swap3A_470, %swap3A_471, %swap3A_472] {strides = array<i32>} : memref<3x2x112xi32, #tpu.memory_space<vmem>>, vector<16xi32>,
    tpu.vector_store %arg6[%swap3A_470, %swap3A_471, %swap3A_472], %add3A_361 {strides = array<i32>} : memref<3x2x112xi32, #tpu.memory_space<vmem>>, vector<16xi32>,
    %swap3A_474 = arith.constant 0 : i32
    %swap3A_475 = arith.constant 1 : i32
    %swap3A_476 = arith.index_cast %swap3A_474 : i32 to index
    %swap3A_477 = arith.index_cast %swap3A_475 : i32 to index
    %swap3A_478 = arith.constant 64 : index
    %swap3A_479 = tpu.vector_load %arg6[%swap3A_476, %swap3A_477, %swap3A_478] {strides = array<i32>} : memref<3x2x112xi32, #tpu.memory_space<vmem>>, vector<16xi32>,
    tpu.vector_store %arg6[%swap3A_476, %swap3A_477, %swap3A_478], %add3A_363 {strides = array<i32>} : memref<3x2x112xi32, #tpu.memory_space<vmem>>, vector<16xi32>,
    %swap3A_480 = arith.constant 0 : i32
    %swap3A_481 = arith.constant 1 : i32
    %swap3A_482 = arith.index_cast %swap3A_480 : i32 to index
    %swap3A_483 = arith.index_cast %swap3A_481 : i32 to index
    %swap3A_484 = arith.constant 80 : index
    %swap3A_485 = tpu.vector_load %arg6[%swap3A_482, %swap3A_483, %swap3A_484] {strides = array<i32>} : memref<3x2x112xi32, #tpu.memory_space<vmem>>, vector<16xi32>,
    tpu.vector_store %arg6[%swap3A_482, %swap3A_483, %swap3A_484], %add3A_406 {strides = array<i32>} : memref<3x2x112xi32, #tpu.memory_space<vmem>>, vector<16xi32>,
    %swap3A_486 = arith.constant 0 : i32
    %swap3A_487 = arith.constant 1 : i32
    %swap3A_488 = arith.index_cast %swap3A_486 : i32 to index
    %swap3A_489 = arith.index_cast %swap3A_487 : i32 to index
    %swap3A_490 = arith.constant 96 : index
    %swap3A_491 = tpu.vector_load %arg6[%swap3A_488, %swap3A_489, %swap3A_490] {strides = array<i32>} : memref<3x2x112xi32, #tpu.memory_space<vmem>>, vector<16xi32>,
    tpu.vector_store %arg6[%swap3A_488, %swap3A_489, %swap3A_490], %add3A_408 {strides = array<i32>} : memref<3x2x112xi32, #tpu.memory_space<vmem>>, vector<16xi32>,
    %dma_start3A = arith.constant 0 : i32
    %dma_start3A_492 = arith.constant 0 : i32
    %dma_start3A_493 = arith.constant 0 : i32
    %dma_start3A_494 = arith.constant 0 : i32
    %dma_start3A_495 = tpu.memref_slice %arg7[%dma_start3A_493, %dma_start3A_494] : memref<672x256xbf16, #tpu.memory_space<vmem>> -> memref<112x256xbf16, #tpu.memory_space<vmem>>
    %dma_start3A_496 = arith.constant 0 : i32
    %dma_start3A_497 = tpu.memref_slice %arg6[%dma_start3A, %dma_start3A_492, %dma_start3A_496] : memref<3x2x112xi32, #tpu.memory_space<vmem>> -> memref<1x1x112xi32, #tpu.memory_space<vmem>>
    %dma_start3A_498 = tpu.memref_squeeze %dma_start3A_497 : memref<1x1x112xi32, #tpu.memory_space<vmem>> -> memref<112xi32, #tpu.memory_space<vmem>>
    %dma_start3A_499 = arith.constant 0 : i32
    %dma_start3A_500 = arith.constant 0 : i32
    %dma_start3A_501 = tpu.memref_slice %arg2[%dma_start3A_499, %dma_start3A_500] : memref<32768x256xbf16, #tpu.memory_space<hbm>> -> memref<32768x256xbf16, #tpu.memory_space<hbm>>
    tpu.enqueue_indirect_dma source(%dma_start3A_501 : memref<32768x256xbf16, #tpu.memory_space<hbm>>) target(%dma_start3A_495 : memref<112x256xbf16, #tpu.memory_space<vmem>>) offsets(%dma_start3A_498 : memref<112xi32, #tpu.memory_space<vmem>>) semaphore(%arg9 : memref<!tpu.dma_semaphore, #tpu.memory_space<semaphore_mem>>)
    %dma_start3A_502 = arith.constant 0 : i32
    %dma_start3A_503 = arith.constant 1 : i32
    %dma_start3A_504 = arith.constant 112 : i32
    %dma_start3A_505 = arith.constant 0 : i32
    %dma_start3A_506 = tpu.memref_slice %arg7[%dma_start3A_504, %dma_start3A_505] : memref<672x256xbf16, #tpu.memory_space<vmem>> -> memref<112x256xbf16, #tpu.memory_space<vmem>>
    %dma_start3A_507 = arith.constant 0 : i32
    %dma_start3A_508 = tpu.memref_slice %arg6[%dma_start3A_502, %dma_start3A_503, %dma_start3A_507] : memref<3x2x112xi32, #tpu.memory_space<vmem>> -> memref<1x1x112xi32, #tpu.memory_space<vmem>>
    %dma_start3A_509 = tpu.memref_squeeze %dma_start3A_508 : memref<1x1x112xi32, #tpu.memory_space<vmem>> -> memref<112xi32, #tpu.memory_space<vmem>>
    %dma_start3A_510 = arith.constant 0 : i32
    %dma_start3A_511 = arith.constant 0 : i32
    %dma_start3A_512 = tpu.memref_slice %arg2[%dma_start3A_510, %dma_start3A_511] : memref<32768x256xbf16, #tpu.memory_space<hbm>> -> memref<32768x256xbf16, #tpu.memory_space<hbm>>
    tpu.enqueue_indirect_dma source(%dma_start3A_512 : memref<32768x256xbf16, #tpu.memory_space<hbm>>) target(%dma_start3A_506 : memref<112x256xbf16, #tpu.memory_space<vmem>>) offsets(%dma_start3A_509 : memref<112xi32, #tpu.memory_space<vmem>>) semaphore(%arg9 : memref<!tpu.dma_semaphore, #tpu.memory_space<semaphore_mem>>)
    %add3A_513 = arith.constant 0 : i32
    %add3A_514 = arith.addi %mul3A_32, %add3A_513 : i32
    %convert_element_type3A_515 = arith.sitofp %add3A_514 : i32 to f32
    %add3A_516 = vector.broadcast %convert_element_type3A_515 : f32 to vector<16xf32>
    %add3A_517 = arith.addf %add3A_516, %convert_element_type3A : vector<16xf32>
    %mul3A_518 = arith.constant 4 : i32
    %mul3A_519 = arith.muli %select_n3A, %mul3A_518 : i32
    %add3A_520 = arith.constant 1 : i32
    %add3A_521 = arith.addi %mul3A_519, %add3A_520 : i32
    %mul3A_522 = arith.constant 4096 : i32
    %mul3A_523 = arith.muli %add3A_521, %mul3A_522 : i32
    %get3A_524 = arith.constant 35 : i32
    %get3A_525 = arith.index_cast %get3A_524 : i32 to index
    %get3A_526 = arith.constant 0 : index
    %get3A_527 = tpu.vector_load %arg5[%get3A_525, %get3A_526] {strides = array<i32>} : memref<56x256xf32, #tpu.memory_space<vmem>>, vector<16xf32>,
    %get3A_528 = arith.constant 36 : i32
    %get3A_529 = arith.index_cast %get3A_528 : i32 to index
    %get3A_530 = arith.constant 0 : index
    %get3A_531 = tpu.vector_load %arg5[%get3A_529, %get3A_530] {strides = array<i32>} : memref<56x256xf32, #tpu.memory_space<vmem>>, vector<16xf32>,
    %get3A_532 = arith.constant 37 : i32
    %get3A_533 = arith.index_cast %get3A_532 : i32 to index
    %get3A_534 = arith.constant 0 : index
    %get3A_535 = tpu.vector_load %arg5[%get3A_533, %get3A_534] {strides = array<i32>} : memref<56x256xf32, #tpu.memory_space<vmem>>, vector<16xf32>,
    %get3A_536 = arith.constant 38 : i32
    %get3A_537 = arith.index_cast %get3A_536 : i32 to index
    %get3A_538 = arith.constant 0 : index
    %get3A_539 = tpu.vector_load %arg5[%get3A_537, %get3A_538] {strides = array<i32>} : memref<56x256xf32, #tpu.memory_space<vmem>>, vector<16xf32>,
    %get3A_540 = arith.constant 39 : i32
    %get3A_541 = arith.index_cast %get3A_540 : i32 to index
    %get3A_542 = arith.constant 0 : index
    %get3A_543 = tpu.vector_load %arg5[%get3A_541, %get3A_542] {strides = array<i32>} : memref<56x256xf32, #tpu.memory_space<vmem>>, vector<16xf32>,
    %get3A_544 = arith.constant 40 : i32
    %get3A_545 = arith.index_cast %get3A_544 : i32 to index
    %get3A_546 = arith.constant 0 : index
    %get3A_547 = tpu.vector_load %arg5[%get3A_545, %get3A_546] {strides = array<i32>} : memref<56x256xf32, #tpu.memory_space<vmem>>, vector<16xf32>,
    %get3A_548 = arith.constant 41 : i32
    %get3A_549 = arith.index_cast %get3A_548 : i32 to index
    %get3A_550 = arith.constant 0 : index
    %get3A_551 = tpu.vector_load %arg5[%get3A_549, %get3A_550] {strides = array<i32>} : memref<56x256xf32, #tpu.memory_space<vmem>>, vector<16xf32>,
    %max3A_552 = arith.maximumf %get3A_527, %get3A_531 : vector<16xf32>
    %max3A_553 = arith.maximumf %max3A_552, %get3A_535 : vector<16xf32>
    %max3A_554 = arith.maximumf %max3A_553, %get3A_539 : vector<16xf32>
    %max3A_555 = arith.maximumf %max3A_554, %get3A_543 : vector<16xf32>
    %max3A_556 = arith.maximumf %max3A_555, %get3A_547 : vector<16xf32>
    %max3A_557 = arith.maximumf %max3A_556, %get3A_551 : vector<16xf32>
    %sub3A_558 = arith.subf %get3A_527, %max3A_557 : vector<16xf32>
    %exp3A_559 = math.exp %sub3A_558 : vector<16xf32>
    %sub3A_560 = arith.subf %get3A_531, %max3A_557 : vector<16xf32>
    %exp3A_561 = math.exp %sub3A_560 : vector<16xf32>
    %sub3A_562 = arith.subf %get3A_535, %max3A_557 : vector<16xf32>
    %exp3A_563 = math.exp %sub3A_562 : vector<16xf32>
    %sub3A_564 = arith.subf %get3A_539, %max3A_557 : vector<16xf32>
    %exp3A_565 = math.exp %sub3A_564 : vector<16xf32>
    %sub3A_566 = arith.subf %get3A_543, %max3A_557 : vector<16xf32>
    %exp3A_567 = math.exp %sub3A_566 : vector<16xf32>
    %sub3A_568 = arith.subf %get3A_547, %max3A_557 : vector<16xf32>
    %exp3A_569 = math.exp %sub3A_568 : vector<16xf32>
    %sub3A_570 = arith.subf %get3A_551, %max3A_557 : vector<16xf32>
    %exp3A_571 = math.exp %sub3A_570 : vector<16xf32>
    %add3A_572 = arith.addf %exp3A_559, %exp3A_561 : vector<16xf32>
    %add3A_573 = arith.addf %add3A_572, %exp3A_563 : vector<16xf32>
    %add3A_574 = arith.addf %add3A_573, %exp3A_565 : vector<16xf32>
    %add3A_575 = arith.addf %add3A_574, %exp3A_567 : vector<16xf32>
    %add3A_576 = arith.addf %add3A_575, %exp3A_569 : vector<16xf32>
    %add3A_577 = arith.addf %add3A_576, %exp3A_571 : vector<16xf32>
    %div3A_578 = arith.constant 1.000000e+00 : f32
    %div3A_579 = vector.broadcast %div3A_578 : f32 to vector<16xf32>
    %div3A_580 = arith.divf %div3A_579, %add3A_577 : vector<16xf32>
    %get3A_581 = arith.constant 7 : i32
    %get3A_582 = arith.index_cast %get3A_581 : i32 to index
    %get3A_583 = arith.constant 0 : index
    %get3A_584 = tpu.vector_load %arg5[%get3A_582, %get3A_583] {strides = array<i32>} : memref<56x256xf32, #tpu.memory_space<vmem>>, vector<16xf32>,
    %mul3A_585 = arith.constant 2.000000e+00 : f32
    %mul3A_586 = vector.broadcast %mul3A_585 : f32 to vector<16xf32>
    %mul3A_587 = arith.mulf %get3A_584, %mul3A_586 : vector<16xf32>
    %add3A_588 = arith.constant -3.000000e+00 : f32
    %add3A_589 = vector.broadcast %add3A_588 : f32 to vector<16xf32>
    %add3A_590 = arith.addf %add3A_517, %add3A_589 : vector<16xf32>
    %add3A_591 = arith.addf %add3A_590, %mul3A_587 : vector<16xf32>
    %jit3A_592 = arith.constant 0.000000e+00 : f32
    %jit3A_593 = arith.constant 4.095000e+03 : f32
    %max3A_594 = vector.broadcast %jit3A_592 : f32 to vector<16xf32>
    %max3A_595 = arith.maximumf %max3A_594, %add3A_591 : vector<16xf32>
    %min3A_596 = vector.broadcast %jit3A_593 : f32 to vector<16xf32>
    %min3A_597 = arith.minimumf %min3A_596, %max3A_595 : vector<16xf32>
    %convert_element_type3A_598 = arith.fptosi %min3A_597 : vector<16xf32> to vector<16xi32>
    %add3A_599 = arith.constant 1 : i32
    %add3A_600 = vector.broadcast %add3A_599 : i32 to vector<16xi32>
    %add3A_601 = arith.addi %convert_element_type3A_598, %add3A_600 : vector<16xi32>
    %min3A_602 = arith.constant 4095 : i32
    %min3A_603 = vector.broadcast %min3A_602 : i32 to vector<16xi32>
    %min3A_604 = arith.minsi %add3A_601, %min3A_603 : vector<16xi32>
    %convert_element_type3A_605 = arith.sitofp %convert_element_type3A_598 : vector<16xi32> to vector<16xf32>
    %sub3A_606 = arith.subf %min3A_597, %convert_element_type3A_605 : vector<16xf32>
    %sub3A_607 = arith.constant 1.000000e+00 : f32
    %sub3A_608 = vector.broadcast %sub3A_607 : f32 to vector<16xf32>
    %sub3A_609 = arith.subf %sub3A_608, %sub3A_606 : vector<16xf32>
    %ge3A_610 = arith.constant 0.000000e+00 : f32
    %ge3A_611 = vector.broadcast %ge3A_610 : f32 to vector<16xf32>
    %ge3A_612 = arith.cmpf oge, %add3A_591, %ge3A_611 : vector<16xf32>
    %le3A_613 = arith.constant 4.095000e+03 : f32
    %le3A_614 = vector.broadcast %le3A_613 : f32 to vector<16xf32>
    %le3A_615 = arith.cmpf ole, %add3A_591, %le3A_614 : vector<16xf32>
    %and3A_616 = arith.andi %ge3A_612, %le3A_615 : vector<16xi1>
    %jit3A_617 = arith.constant 0.000000e+00 : f32
    %broadcast_in_dim3A_618 = vector.broadcast %jit3A_617 : f32 to vector<16xf32>
    %select_n3A_619 = arith.select %and3A_616, %exp3A_559, %broadcast_in_dim3A_618 : vector<16xi1>, vector<16xf32>
    %mul3A_620 = arith.mulf %sub3A_609, %select_n3A_619 : vector<16xf32>
    %mul3A_621 = arith.mulf %sub3A_606, %select_n3A_619 : vector<16xf32>
    %add3A_622 = vector.broadcast %mul3A_523 : i32 to vector<16xi32>
    %add3A_623 = arith.addi %add3A_622, %convert_element_type3A_598 : vector<16xi32>
    %add3A_624 = vector.broadcast %mul3A_523 : i32 to vector<16xi32>
    %add3A_625 = arith.addi %add3A_624, %min3A_604 : vector<16xi32>
    %get3A_626 = arith.constant 8 : i32
    %get3A_627 = arith.index_cast %get3A_626 : i32 to index
    %get3A_628 = arith.constant 0 : index
    %get3A_629 = tpu.vector_load %arg5[%get3A_627, %get3A_628] {strides = array<i32>} : memref<56x256xf32, #tpu.memory_space<vmem>>, vector<16xf32>,
    %mul3A_630 = arith.constant 2.000000e+00 : f32
    %mul3A_631 = vector.broadcast %mul3A_630 : f32 to vector<16xf32>
    %mul3A_632 = arith.mulf %get3A_629, %mul3A_631 : vector<16xf32>
    %add3A_633 = arith.constant -2.000000e+00 : f32
    %add3A_634 = vector.broadcast %add3A_633 : f32 to vector<16xf32>
    %add3A_635 = arith.addf %add3A_517, %add3A_634 : vector<16xf32>
    %add3A_636 = arith.addf %add3A_635, %mul3A_632 : vector<16xf32>
    %jit3A_637 = arith.constant 0.000000e+00 : f32
    %jit3A_638 = arith.constant 4.095000e+03 : f32
    %max3A_639 = vector.broadcast %jit3A_637 : f32 to vector<16xf32>
    %max3A_640 = arith.maximumf %max3A_639, %add3A_636 : vector<16xf32>
    %min3A_641 = vector.broadcast %jit3A_638 : f32 to vector<16xf32>
    %min3A_642 = arith.minimumf %min3A_641, %max3A_640 : vector<16xf32>
    %convert_element_type3A_643 = arith.fptosi %min3A_642 : vector<16xf32> to vector<16xi32>
    %add3A_644 = arith.constant 1 : i32
    %add3A_645 = vector.broadcast %add3A_644 : i32 to vector<16xi32>
    %add3A_646 = arith.addi %convert_element_type3A_643, %add3A_645 : vector<16xi32>
    %min3A_647 = arith.constant 4095 : i32
    %min3A_648 = vector.broadcast %min3A_647 : i32 to vector<16xi32>
    %min3A_649 = arith.minsi %add3A_646, %min3A_648 : vector<16xi32>
    %convert_element_type3A_650 = arith.sitofp %convert_element_type3A_643 : vector<16xi32> to vector<16xf32>
    %sub3A_651 = arith.subf %min3A_642, %convert_element_type3A_650 : vector<16xf32>
    %sub3A_652 = arith.constant 1.000000e+00 : f32
    %sub3A_653 = vector.broadcast %sub3A_652 : f32 to vector<16xf32>
    %sub3A_654 = arith.subf %sub3A_653, %sub3A_651 : vector<16xf32>
    %ge3A_655 = arith.constant 0.000000e+00 : f32
    %ge3A_656 = vector.broadcast %ge3A_655 : f32 to vector<16xf32>
    %ge3A_657 = arith.cmpf oge, %add3A_636, %ge3A_656 : vector<16xf32>
    %le3A_658 = arith.constant 4.095000e+03 : f32
    %le3A_659 = vector.broadcast %le3A_658 : f32 to vector<16xf32>
    %le3A_660 = arith.cmpf ole, %add3A_636, %le3A_659 : vector<16xf32>
    %and3A_661 = arith.andi %ge3A_657, %le3A_660 : vector<16xi1>
    %jit3A_662 = arith.constant 0.000000e+00 : f32
    %broadcast_in_dim3A_663 = vector.broadcast %jit3A_662 : f32 to vector<16xf32>
    %select_n3A_664 = arith.select %and3A_661, %exp3A_561, %broadcast_in_dim3A_663 : vector<16xi1>, vector<16xf32>
    %mul3A_665 = arith.mulf %sub3A_654, %select_n3A_664 : vector<16xf32>
    %mul3A_666 = arith.mulf %sub3A_651, %select_n3A_664 : vector<16xf32>
    %add3A_667 = vector.broadcast %mul3A_523 : i32 to vector<16xi32>
    %add3A_668 = arith.addi %add3A_667, %convert_element_type3A_643 : vector<16xi32>
    %add3A_669 = vector.broadcast %mul3A_523 : i32 to vector<16xi32>
    %add3A_670 = arith.addi %add3A_669, %min3A_649 : vector<16xi32>
    %get3A_671 = arith.constant 9 : i32
    %get3A_672 = arith.index_cast %get3A_671 : i32 to index
    %get3A_673 = arith.constant 0 : index
    %get3A_674 = tpu.vector_load %arg5[%get3A_672, %get3A_673] {strides = array<i32>} : memref<56x256xf32, #tpu.memory_space<vmem>>, vector<16xf32>,
    %mul3A_675 = arith.constant 2.000000e+00 : f32
    %mul3A_676 = vector.broadcast %mul3A_675 : f32 to vector<16xf32>
    %mul3A_677 = arith.mulf %get3A_674, %mul3A_676 : vector<16xf32>
    %add3A_678 = arith.constant -1.000000e+00 : f32
    %add3A_679 = vector.broadcast %add3A_678 : f32 to vector<16xf32>
    %add3A_680 = arith.addf %add3A_517, %add3A_679 : vector<16xf32>
    %add3A_681 = arith.addf %add3A_680, %mul3A_677 : vector<16xf32>
    %jit3A_682 = arith.constant 0.000000e+00 : f32
    %jit3A_683 = arith.constant 4.095000e+03 : f32
    %max3A_684 = vector.broadcast %jit3A_682 : f32 to vector<16xf32>
    %max3A_685 = arith.maximumf %max3A_684, %add3A_681 : vector<16xf32>
    %min3A_686 = vector.broadcast %jit3A_683 : f32 to vector<16xf32>
    %min3A_687 = arith.minimumf %min3A_686, %max3A_685 : vector<16xf32>
    %convert_element_type3A_688 = arith.fptosi %min3A_687 : vector<16xf32> to vector<16xi32>
    %add3A_689 = arith.constant 1 : i32
    %add3A_690 = vector.broadcast %add3A_689 : i32 to vector<16xi32>
    %add3A_691 = arith.addi %convert_element_type3A_688, %add3A_690 : vector<16xi32>
    %min3A_692 = arith.constant 4095 : i32
    %min3A_693 = vector.broadcast %min3A_692 : i32 to vector<16xi32>
    %min3A_694 = arith.minsi %add3A_691, %min3A_693 : vector<16xi32>
    %convert_element_type3A_695 = arith.sitofp %convert_element_type3A_688 : vector<16xi32> to vector<16xf32>
    %sub3A_696 = arith.subf %min3A_687, %convert_element_type3A_695 : vector<16xf32>
    %sub3A_697 = arith.constant 1.000000e+00 : f32
    %sub3A_698 = vector.broadcast %sub3A_697 : f32 to vector<16xf32>
    %sub3A_699 = arith.subf %sub3A_698, %sub3A_696 : vector<16xf32>
    %ge3A_700 = arith.constant 0.000000e+00 : f32
    %ge3A_701 = vector.broadcast %ge3A_700 : f32 to vector<16xf32>
    %ge3A_702 = arith.cmpf oge, %add3A_681, %ge3A_701 : vector<16xf32>
    %le3A_703 = arith.constant 4.095000e+03 : f32
    %le3A_704 = vector.broadcast %le3A_703 : f32 to vector<16xf32>
    %le3A_705 = arith.cmpf ole, %add3A_681, %le3A_704 : vector<16xf32>
    %and3A_706 = arith.andi %ge3A_702, %le3A_705 : vector<16xi1>
    %jit3A_707 = arith.constant 0.000000e+00 : f32
    %broadcast_in_dim3A_708 = vector.broadcast %jit3A_707 : f32 to vector<16xf32>
    %select_n3A_709 = arith.select %and3A_706, %exp3A_563, %broadcast_in_dim3A_708 : vector<16xi1>, vector<16xf32>
    %mul3A_710 = arith.mulf %sub3A_699, %select_n3A_709 : vector<16xf32>
    %mul3A_711 = arith.mulf %sub3A_696, %select_n3A_709 : vector<16xf32>
    %add3A_712 = vector.broadcast %mul3A_523 : i32 to vector<16xi32>
    %add3A_713 = arith.addi %add3A_712, %convert_element_type3A_688 : vector<16xi32>
    %add3A_714 = vector.broadcast %mul3A_523 : i32 to vector<16xi32>
    %add3A_715 = arith.addi %add3A_714, %min3A_694 : vector<16xi32>
    %get3A_716 = arith.constant 10 : i32
    %get3A_717 = arith.index_cast %get3A_716 : i32 to index
    %get3A_718 = arith.constant 0 : index
    %get3A_719 = tpu.vector_load %arg5[%get3A_717, %get3A_718] {strides = array<i32>} : memref<56x256xf32, #tpu.memory_space<vmem>>, vector<16xf32>,
    %mul3A_720 = arith.constant 2.000000e+00 : f32
    %mul3A_721 = vector.broadcast %mul3A_720 : f32 to vector<16xf32>
    %mul3A_722 = arith.mulf %get3A_719, %mul3A_721 : vector<16xf32>
    %add3A_723 = arith.constant 0.000000e+00 : f32
    %add3A_724 = vector.broadcast %add3A_723 : f32 to vector<16xf32>
    %add3A_725 = arith.addf %add3A_517, %add3A_724 : vector<16xf32>
    %add3A_726 = arith.addf %add3A_725, %mul3A_722 : vector<16xf32>
    %jit3A_727 = arith.constant 0.000000e+00 : f32
    %jit3A_728 = arith.constant 4.095000e+03 : f32
    %max3A_729 = vector.broadcast %jit3A_727 : f32 to vector<16xf32>
    %max3A_730 = arith.maximumf %max3A_729, %add3A_726 : vector<16xf32>
    %min3A_731 = vector.broadcast %jit3A_728 : f32 to vector<16xf32>
    %min3A_732 = arith.minimumf %min3A_731, %max3A_730 : vector<16xf32>
    %convert_element_type3A_733 = arith.fptosi %min3A_732 : vector<16xf32> to vector<16xi32>
    %add3A_734 = arith.constant 1 : i32
    %add3A_735 = vector.broadcast %add3A_734 : i32 to vector<16xi32>
    %add3A_736 = arith.addi %convert_element_type3A_733, %add3A_735 : vector<16xi32>
    %min3A_737 = arith.constant 4095 : i32
    %min3A_738 = vector.broadcast %min3A_737 : i32 to vector<16xi32>
    %min3A_739 = arith.minsi %add3A_736, %min3A_738 : vector<16xi32>
    %convert_element_type3A_740 = arith.sitofp %convert_element_type3A_733 : vector<16xi32> to vector<16xf32>
    %sub3A_741 = arith.subf %min3A_732, %convert_element_type3A_740 : vector<16xf32>
    %sub3A_742 = arith.constant 1.000000e+00 : f32
    %sub3A_743 = vector.broadcast %sub3A_742 : f32 to vector<16xf32>
    %sub3A_744 = arith.subf %sub3A_743, %sub3A_741 : vector<16xf32>
    %ge3A_745 = arith.constant 0.000000e+00 : f32
    %ge3A_746 = vector.broadcast %ge3A_745 : f32 to vector<16xf32>
    %ge3A_747 = arith.cmpf oge, %add3A_726, %ge3A_746 : vector<16xf32>
    %le3A_748 = arith.constant 4.095000e+03 : f32
    %le3A_749 = vector.broadcast %le3A_748 : f32 to vector<16xf32>
    %le3A_750 = arith.cmpf ole, %add3A_726, %le3A_749 : vector<16xf32>
    %and3A_751 = arith.andi %ge3A_747, %le3A_750 : vector<16xi1>
    %jit3A_752 = arith.constant 0.000000e+00 : f32
    %broadcast_in_dim3A_753 = vector.broadcast %jit3A_752 : f32 to vector<16xf32>
    %select_n3A_754 = arith.select %and3A_751, %exp3A_565, %broadcast_in_dim3A_753 : vector<16xi1>, vector<16xf32>
    %mul3A_755 = arith.mulf %sub3A_744, %select_n3A_754 : vector<16xf32>
    %mul3A_756 = arith.mulf %sub3A_741, %select_n3A_754 : vector<16xf32>
    %add3A_757 = vector.broadcast %mul3A_523 : i32 to vector<16xi32>
    %add3A_758 = arith.addi %add3A_757, %convert_element_type3A_733 : vector<16xi32>
    %add3A_759 = vector.broadcast %mul3A_523 : i32 to vector<16xi32>
    %add3A_760 = arith.addi %add3A_759, %min3A_739 : vector<16xi32>
    %get3A_761 = arith.constant 11 : i32
    %get3A_762 = arith.index_cast %get3A_761 : i32 to index
    %get3A_763 = arith.constant 0 : index
    %get3A_764 = tpu.vector_load %arg5[%get3A_762, %get3A_763] {strides = array<i32>} : memref<56x256xf32, #tpu.memory_space<vmem>>, vector<16xf32>,
    %mul3A_765 = arith.constant 2.000000e+00 : f32
    %mul3A_766 = vector.broadcast %mul3A_765 : f32 to vector<16xf32>
    %mul3A_767 = arith.mulf %get3A_764, %mul3A_766 : vector<16xf32>
    %add3A_768 = arith.constant 1.000000e+00 : f32
    %add3A_769 = vector.broadcast %add3A_768 : f32 to vector<16xf32>
    %add3A_770 = arith.addf %add3A_517, %add3A_769 : vector<16xf32>
    %add3A_771 = arith.addf %add3A_770, %mul3A_767 : vector<16xf32>
    %jit3A_772 = arith.constant 0.000000e+00 : f32
    %jit3A_773 = arith.constant 4.095000e+03 : f32
    %max3A_774 = vector.broadcast %jit3A_772 : f32 to vector<16xf32>
    %max3A_775 = arith.maximumf %max3A_774, %add3A_771 : vector<16xf32>
    %min3A_776 = vector.broadcast %jit3A_773 : f32 to vector<16xf32>
    %min3A_777 = arith.minimumf %min3A_776, %max3A_775 : vector<16xf32>
    %convert_element_type3A_778 = arith.fptosi %min3A_777 : vector<16xf32> to vector<16xi32>
    %add3A_779 = arith.constant 1 : i32
    %add3A_780 = vector.broadcast %add3A_779 : i32 to vector<16xi32>
    %add3A_781 = arith.addi %convert_element_type3A_778, %add3A_780 : vector<16xi32>
    %min3A_782 = arith.constant 4095 : i32
    %min3A_783 = vector.broadcast %min3A_782 : i32 to vector<16xi32>
    %min3A_784 = arith.minsi %add3A_781, %min3A_783 : vector<16xi32>
    %convert_element_type3A_785 = arith.sitofp %convert_element_type3A_778 : vector<16xi32> to vector<16xf32>
    %sub3A_786 = arith.subf %min3A_777, %convert_element_type3A_785 : vector<16xf32>
    %sub3A_787 = arith.constant 1.000000e+00 : f32
    %sub3A_788 = vector.broadcast %sub3A_787 : f32 to vector<16xf32>
    %sub3A_789 = arith.subf %sub3A_788, %sub3A_786 : vector<16xf32>
    %ge3A_790 = arith.constant 0.000000e+00 : f32
    %ge3A_791 = vector.broadcast %ge3A_790 : f32 to vector<16xf32>
    %ge3A_792 = arith.cmpf oge, %add3A_771, %ge3A_791 : vector<16xf32>
    %le3A_793 = arith.constant 4.095000e+03 : f32
    %le3A_794 = vector.broadcast %le3A_793 : f32 to vector<16xf32>
    %le3A_795 = arith.cmpf ole, %add3A_771, %le3A_794 : vector<16xf32>
    %and3A_796 = arith.andi %ge3A_792, %le3A_795 : vector<16xi1>
    %jit3A_797 = arith.constant 0.000000e+00 : f32
    %broadcast_in_dim3A_798 = vector.broadcast %jit3A_797 : f32 to vector<16xf32>
    %select_n3A_799 = arith.select %and3A_796, %exp3A_567, %broadcast_in_dim3A_798 : vector<16xi1>, vector<16xf32>
    %mul3A_800 = arith.mulf %sub3A_789, %select_n3A_799 : vector<16xf32>
    %mul3A_801 = arith.mulf %sub3A_786, %select_n3A_799 : vector<16xf32>
    %add3A_802 = vector.broadcast %mul3A_523 : i32 to vector<16xi32>
    %add3A_803 = arith.addi %add3A_802, %convert_element_type3A_778 : vector<16xi32>
    %add3A_804 = vector.broadcast %mul3A_523 : i32 to vector<16xi32>
    %add3A_805 = arith.addi %add3A_804, %min3A_784 : vector<16xi32>
    %get3A_806 = arith.constant 12 : i32
    %get3A_807 = arith.index_cast %get3A_806 : i32 to index
    %get3A_808 = arith.constant 0 : index
    %get3A_809 = tpu.vector_load %arg5[%get3A_807, %get3A_808] {strides = array<i32>} : memref<56x256xf32, #tpu.memory_space<vmem>>, vector<16xf32>,
    %mul3A_810 = arith.constant 2.000000e+00 : f32
    %mul3A_811 = vector.broadcast %mul3A_810 : f32 to vector<16xf32>
    %mul3A_812 = arith.mulf %get3A_809, %mul3A_811 : vector<16xf32>
    %add3A_813 = arith.constant 2.000000e+00 : f32
    %add3A_814 = vector.broadcast %add3A_813 : f32 to vector<16xf32>
    %add3A_815 = arith.addf %add3A_517, %add3A_814 : vector<16xf32>
    %add3A_816 = arith.addf %add3A_815, %mul3A_812 : vector<16xf32>
    %jit3A_817 = arith.constant 0.000000e+00 : f32
    %jit3A_818 = arith.constant 4.095000e+03 : f32
    %max3A_819 = vector.broadcast %jit3A_817 : f32 to vector<16xf32>
    %max3A_820 = arith.maximumf %max3A_819, %add3A_816 : vector<16xf32>
    %min3A_821 = vector.broadcast %jit3A_818 : f32 to vector<16xf32>
    %min3A_822 = arith.minimumf %min3A_821, %max3A_820 : vector<16xf32>
    %convert_element_type3A_823 = arith.fptosi %min3A_822 : vector<16xf32> to vector<16xi32>
    %add3A_824 = arith.constant 1 : i32
    %add3A_825 = vector.broadcast %add3A_824 : i32 to vector<16xi32>
    %add3A_826 = arith.addi %convert_element_type3A_823, %add3A_825 : vector<16xi32>
    %min3A_827 = arith.constant 4095 : i32
    %min3A_828 = vector.broadcast %min3A_827 : i32 to vector<16xi32>
    %min3A_829 = arith.minsi %add3A_826, %min3A_828 : vector<16xi32>
    %convert_element_type3A_830 = arith.sitofp %convert_element_type3A_823 : vector<16xi32> to vector<16xf32>
    %sub3A_831 = arith.subf %min3A_822, %convert_element_type3A_830 : vector<16xf32>
    %sub3A_832 = arith.constant 1.000000e+00 : f32
    %sub3A_833 = vector.broadcast %sub3A_832 : f32 to vector<16xf32>
    %sub3A_834 = arith.subf %sub3A_833, %sub3A_831 : vector<16xf32>
    %ge3A_835 = arith.constant 0.000000e+00 : f32
    %ge3A_836 = vector.broadcast %ge3A_835 : f32 to vector<16xf32>
    %ge3A_837 = arith.cmpf oge, %add3A_816, %ge3A_836 : vector<16xf32>
    %le3A_838 = arith.constant 4.095000e+03 : f32
    %le3A_839 = vector.broadcast %le3A_838 : f32 to vector<16xf32>
    %le3A_840 = arith.cmpf ole, %add3A_816, %le3A_839 : vector<16xf32>
    %and3A_841 = arith.andi %ge3A_837, %le3A_840 : vector<16xi1>
    %jit3A_842 = arith.constant 0.000000e+00 : f32
    %broadcast_in_dim3A_843 = vector.broadcast %jit3A_842 : f32 to vector<16xf32>
    %select_n3A_844 = arith.select %and3A_841, %exp3A_569, %broadcast_in_dim3A_843 : vector<16xi1>, vector<16xf32>
    %mul3A_845 = arith.mulf %sub3A_834, %select_n3A_844 : vector<16xf32>
    %mul3A_846 = arith.mulf %sub3A_831, %select_n3A_844 : vector<16xf32>
    %add3A_847 = vector.broadcast %mul3A_523 : i32 to vector<16xi32>
    %add3A_848 = arith.addi %add3A_847, %convert_element_type3A_823 : vector<16xi32>
    %add3A_849 = vector.broadcast %mul3A_523 : i32 to vector<16xi32>
    %add3A_850 = arith.addi %add3A_849, %min3A_829 : vector<16xi32>
    %get3A_851 = arith.constant 13 : i32
    %get3A_852 = arith.index_cast %get3A_851 : i32 to index
    %get3A_853 = arith.constant 0 : index
    %get3A_854 = tpu.vector_load %arg5[%get3A_852, %get3A_853] {strides = array<i32>} : memref<56x256xf32, #tpu.memory_space<vmem>>, vector<16xf32>,
    %mul3A_855 = arith.constant 2.000000e+00 : f32
    %mul3A_856 = vector.broadcast %mul3A_855 : f32 to vector<16xf32>
    %mul3A_857 = arith.mulf %get3A_854, %mul3A_856 : vector<16xf32>
    %add3A_858 = arith.constant 3.000000e+00 : f32
    %add3A_859 = vector.broadcast %add3A_858 : f32 to vector<16xf32>
    %add3A_860 = arith.addf %add3A_517, %add3A_859 : vector<16xf32>
    %add3A_861 = arith.addf %add3A_860, %mul3A_857 : vector<16xf32>
    %jit3A_862 = arith.constant 0.000000e+00 : f32
    %jit3A_863 = arith.constant 4.095000e+03 : f32
    %max3A_864 = vector.broadcast %jit3A_862 : f32 to vector<16xf32>
    %max3A_865 = arith.maximumf %max3A_864, %add3A_861 : vector<16xf32>
    %min3A_866 = vector.broadcast %jit3A_863 : f32 to vector<16xf32>
    %min3A_867 = arith.minimumf %min3A_866, %max3A_865 : vector<16xf32>
    %convert_element_type3A_868 = arith.fptosi %min3A_867 : vector<16xf32> to vector<16xi32>
    %add3A_869 = arith.constant 1 : i32
    %add3A_870 = vector.broadcast %add3A_869 : i32 to vector<16xi32>
    %add3A_871 = arith.addi %convert_element_type3A_868, %add3A_870 : vector<16xi32>
    %min3A_872 = arith.constant 4095 : i32
    %min3A_873 = vector.broadcast %min3A_872 : i32 to vector<16xi32>
    %min3A_874 = arith.minsi %add3A_871, %min3A_873 : vector<16xi32>
    %convert_element_type3A_875 = arith.sitofp %convert_element_type3A_868 : vector<16xi32> to vector<16xf32>
    %sub3A_876 = arith.subf %min3A_867, %convert_element_type3A_875 : vector<16xf32>
    %sub3A_877 = arith.constant 1.000000e+00 : f32
    %sub3A_878 = vector.broadcast %sub3A_877 : f32 to vector<16xf32>
    %sub3A_879 = arith.subf %sub3A_878, %sub3A_876 : vector<16xf32>
    %ge3A_880 = arith.constant 0.000000e+00 : f32
    %ge3A_881 = vector.broadcast %ge3A_880 : f32 to vector<16xf32>
    %ge3A_882 = arith.cmpf oge, %add3A_861, %ge3A_881 : vector<16xf32>
    %le3A_883 = arith.constant 4.095000e+03 : f32
    %le3A_884 = vector.broadcast %le3A_883 : f32 to vector<16xf32>
    %le3A_885 = arith.cmpf ole, %add3A_861, %le3A_884 : vector<16xf32>
    %and3A_886 = arith.andi %ge3A_882, %le3A_885 : vector<16xi1>
    %jit3A_887 = arith.constant 0.000000e+00 : f32
    %broadcast_in_dim3A_888 = vector.broadcast %jit3A_887 : f32 to vector<16xf32>
    %select_n3A_889 = arith.select %and3A_886, %exp3A_571, %broadcast_in_dim3A_888 : vector<16xi1>, vector<16xf32>
    %mul3A_890 = arith.mulf %sub3A_879, %select_n3A_889 : vector<16xf32>
    %mul3A_891 = arith.mulf %sub3A_876, %select_n3A_889 : vector<16xf32>
    %add3A_892 = vector.broadcast %mul3A_523 : i32 to vector<16xi32>
    %add3A_893 = arith.addi %add3A_892, %convert_element_type3A_868 : vector<16xi32>
    %add3A_894 = vector.broadcast %mul3A_523 : i32 to vector<16xi32>
    %add3A_895 = arith.addi %add3A_894, %min3A_874 : vector<16xi32>
    %swap3A_896 = arith.constant 1 : i32
    %swap3A_897 = arith.constant 0 : i32
    %swap3A_898 = arith.index_cast %swap3A_896 : i32 to index
    %swap3A_899 = arith.index_cast %swap3A_897 : i32 to index
    %swap3A_900 = arith.constant 0 : index
    %swap3A_901 = tpu.vector_load %arg6[%swap3A_898, %swap3A_899, %swap3A_900] {strides = array<i32>} : memref<3x2x112xi32, #tpu.memory_space<vmem>>, vector<16xi32>,
    tpu.vector_store %arg6[%swap3A_898, %swap3A_899, %swap3A_900], %add3A_623 {strides = array<i32>} : memref<3x2x112xi32, #tpu.memory_space<vmem>>, vector<16xi32>,
    %swap3A_902 = arith.constant 1 : i32
    %swap3A_903 = arith.constant 0 : i32
    %swap3A_904 = arith.index_cast %swap3A_902 : i32 to index
    %swap3A_905 = arith.index_cast %swap3A_903 : i32 to index
    %swap3A_906 = arith.constant 16 : index
    %swap3A_907 = tpu.vector_load %arg6[%swap3A_904, %swap3A_905, %swap3A_906] {strides = array<i32>} : memref<3x2x112xi32, #tpu.memory_space<vmem>>, vector<16xi32>,
    tpu.vector_store %arg6[%swap3A_904, %swap3A_905, %swap3A_906], %add3A_625 {strides = array<i32>} : memref<3x2x112xi32, #tpu.memory_space<vmem>>, vector<16xi32>,
    %swap3A_908 = arith.constant 1 : i32
    %swap3A_909 = arith.constant 0 : i32
    %swap3A_910 = arith.index_cast %swap3A_908 : i32 to index
    %swap3A_911 = arith.index_cast %swap3A_909 : i32 to index
    %swap3A_912 = arith.constant 32 : index
    %swap3A_913 = tpu.vector_load %arg6[%swap3A_910, %swap3A_911, %swap3A_912] {strides = array<i32>} : memref<3x2x112xi32, #tpu.memory_space<vmem>>, vector<16xi32>,
    tpu.vector_store %arg6[%swap3A_910, %swap3A_911, %swap3A_912], %add3A_668 {strides = array<i32>} : memref<3x2x112xi32, #tpu.memory_space<vmem>>, vector<16xi32>,
    %swap3A_914 = arith.constant 1 : i32
    %swap3A_915 = arith.constant 0 : i32
    %swap3A_916 = arith.index_cast %swap3A_914 : i32 to index
    %swap3A_917 = arith.index_cast %swap3A_915 : i32 to index
    %swap3A_918 = arith.constant 48 : index
    %swap3A_919 = tpu.vector_load %arg6[%swap3A_916, %swap3A_917, %swap3A_918] {strides = array<i32>} : memref<3x2x112xi32, #tpu.memory_space<vmem>>, vector<16xi32>,
    tpu.vector_store %arg6[%swap3A_916, %swap3A_917, %swap3A_918], %add3A_670 {strides = array<i32>} : memref<3x2x112xi32, #tpu.memory_space<vmem>>, vector<16xi32>,
    %swap3A_920 = arith.constant 1 : i32
    %swap3A_921 = arith.constant 0 : i32
    %swap3A_922 = arith.index_cast %swap3A_920 : i32 to index
    %swap3A_923 = arith.index_cast %swap3A_921 : i32 to index
    %swap3A_924 = arith.constant 64 : index
    %swap3A_925 = tpu.vector_load %arg6[%swap3A_922, %swap3A_923, %swap3A_924] {strides = array<i32>} : memref<3x2x112xi32, #tpu.memory_space<vmem>>, vector<16xi32>,
    tpu.vector_store %arg6[%swap3A_922, %swap3A_923, %swap3A_924], %add3A_713 {strides = array<i32>} : memref<3x2x112xi32, #tpu.memory_space<vmem>>, vector<16xi32>,
    %swap3A_926 = arith.constant 1 : i32
    %swap3A_927 = arith.constant 0 : i32
    %swap3A_928 = arith.index_cast %swap3A_926 : i32 to index
    %swap3A_929 = arith.index_cast %swap3A_927 : i32 to index
    %swap3A_930 = arith.constant 80 : index
    %swap3A_931 = tpu.vector_load %arg6[%swap3A_928, %swap3A_929, %swap3A_930] {strides = array<i32>} : memref<3x2x112xi32, #tpu.memory_space<vmem>>, vector<16xi32>,
    tpu.vector_store %arg6[%swap3A_928, %swap3A_929, %swap3A_930], %add3A_715 {strides = array<i32>} : memref<3x2x112xi32, #tpu.memory_space<vmem>>, vector<16xi32>,
    %swap3A_932 = arith.constant 1 : i32
    %swap3A_933 = arith.constant 0 : i32
    %swap3A_934 = arith.index_cast %swap3A_932 : i32 to index
    %swap3A_935 = arith.index_cast %swap3A_933 : i32 to index
    %swap3A_936 = arith.constant 96 : index
    %swap3A_937 = tpu.vector_load %arg6[%swap3A_934, %swap3A_935, %swap3A_936] {strides = array<i32>} : memref<3x2x112xi32, #tpu.memory_space<vmem>>, vector<16xi32>,
    tpu.vector_store %arg6[%swap3A_934, %swap3A_935, %swap3A_936], %add3A_758 {strides = array<i32>} : memref<3x2x112xi32, #tpu.memory_space<vmem>>, vector<16xi32>,
    %swap3A_938 = arith.constant 1 : i32
    %swap3A_939 = arith.constant 1 : i32
    %swap3A_940 = arith.index_cast %swap3A_938 : i32 to index
    %swap3A_941 = arith.index_cast %swap3A_939 : i32 to index
    %swap3A_942 = arith.constant 0 : index
    %swap3A_943 = tpu.vector_load %arg6[%swap3A_940, %swap3A_941, %swap3A_942] {strides = array<i32>} : memref<3x2x112xi32, #tpu.memory_space<vmem>>, vector<16xi32>,
    tpu.vector_store %arg6[%swap3A_940, %swap3A_941, %swap3A_942], %add3A_760 {strides = array<i32>} : memref<3x2x112xi32, #tpu.memory_space<vmem>>, vector<16xi32>,
    %swap3A_944 = arith.constant 1 : i32
    %swap3A_945 = arith.constant 1 : i32
    %swap3A_946 = arith.index_cast %swap3A_944 : i32 to index
    %swap3A_947 = arith.index_cast %swap3A_945 : i32 to index
    %swap3A_948 = arith.constant 16 : index
    %swap3A_949 = tpu.vector_load %arg6[%swap3A_946, %swap3A_947, %swap3A_948] {strides = array<i32>} : memref<3x2x112xi32, #tpu.memory_space<vmem>>, vector<16xi32>,
    tpu.vector_store %arg6[%swap3A_946, %swap3A_947, %swap3A_948], %add3A_803 {strides = array<i32>} : memref<3x2x112xi32, #tpu.memory_space<vmem>>, vector<16xi32>,
    %swap3A_950 = arith.constant 1 : i32
    %swap3A_951 = arith.constant 1 : i32
    %swap3A_952 = arith.index_cast %swap3A_950 : i32 to index
    %swap3A_953 = arith.index_cast %swap3A_951 : i32 to index
    %swap3A_954 = arith.constant 32 : index
    %swap3A_955 = tpu.vector_load %arg6[%swap3A_952, %swap3A_953, %swap3A_954] {strides = array<i32>} : memref<3x2x112xi32, #tpu.memory_space<vmem>>, vector<16xi32>,
    tpu.vector_store %arg6[%swap3A_952, %swap3A_953, %swap3A_954], %add3A_805 {strides = array<i32>} : memref<3x2x112xi32, #tpu.memory_space<vmem>>, vector<16xi32>,
    %swap3A_956 = arith.constant 1 : i32
    %swap3A_957 = arith.constant 1 : i32
    %swap3A_958 = arith.index_cast %swap3A_956 : i32 to index
    %swap3A_959 = arith.index_cast %swap3A_957 : i32 to index
    %swap3A_960 = arith.constant 48 : index
    %swap3A_961 = tpu.vector_load %arg6[%swap3A_958, %swap3A_959, %swap3A_960] {strides = array<i32>} : memref<3x2x112xi32, #tpu.memory_space<vmem>>, vector<16xi32>,
    tpu.vector_store %arg6[%swap3A_958, %swap3A_959, %swap3A_960], %add3A_848 {strides = array<i32>} : memref<3x2x112xi32, #tpu.memory_space<vmem>>, vector<16xi32>,
    %swap3A_962 = arith.constant 1 : i32
    %swap3A_963 = arith.constant 1 : i32
    %swap3A_964 = arith.index_cast %swap3A_962 : i32 to index
    %swap3A_965 = arith.index_cast %swap3A_963 : i32 to index
    %swap3A_966 = arith.constant 64 : index
    %swap3A_967 = tpu.vector_load %arg6[%swap3A_964, %swap3A_965, %swap3A_966] {strides = array<i32>} : memref<3x2x112xi32, #tpu.memory_space<vmem>>, vector<16xi32>,
    tpu.vector_store %arg6[%swap3A_964, %swap3A_965, %swap3A_966], %add3A_850 {strides = array<i32>} : memref<3x2x112xi32, #tpu.memory_space<vmem>>, vector<16xi32>,
    %swap3A_968 = arith.constant 1 : i32
    %swap3A_969 = arith.constant 1 : i32
    %swap3A_970 = arith.index_cast %swap3A_968 : i32 to index
    %swap3A_971 = arith.index_cast %swap3A_969 : i32 to index
    %swap3A_972 = arith.constant 80 : index
    %swap3A_973 = tpu.vector_load %arg6[%swap3A_970, %swap3A_971, %swap3A_972] {strides = array<i32>} : memref<3x2x112xi32, #tpu.memory_space<vmem>>, vector<16xi32>,
    tpu.vector_store %arg6[%swap3A_970, %swap3A_971, %swap3A_972], %add3A_893 {strides = array<i32>} : memref<3x2x112xi32, #tpu.memory_space<vmem>>, vector<16xi32>,
    %swap3A_974 = arith.constant 1 : i32
    %swap3A_975 = arith.constant 1 : i32
    %swap3A_976 = arith.index_cast %swap3A_974 : i32 to index
    %swap3A_977 = arith.index_cast %swap3A_975 : i32 to index
    %swap3A_978 = arith.constant 96 : index
    %swap3A_979 = tpu.vector_load %arg6[%swap3A_976, %swap3A_977, %swap3A_978] {strides = array<i32>} : memref<3x2x112xi32, #tpu.memory_space<vmem>>, vector<16xi32>,
    tpu.vector_store %arg6[%swap3A_976, %swap3A_977, %swap3A_978], %add3A_895 {strides = array<i32>} : memref<3x2x112xi32, #tpu.memory_space<vmem>>, vector<16xi32>,
    %dma_start3A_980 = arith.constant 1 : i32
    %dma_start3A_981 = arith.constant 0 : i32
    %dma_start3A_982 = arith.constant 224 : i32
    %dma_start3A_983 = arith.constant 0 : i32
    %dma_start3A_984 = tpu.memref_slice %arg7[%dma_start3A_982, %dma_start3A_983] : memref<672x256xbf16, #tpu.memory_space<vmem>> -> memref<112x256xbf16, #tpu.memory_space<vmem>>
    %dma_start3A_985 = arith.constant 0 : i32
    %dma_start3A_986 = tpu.memref_slice %arg6[%dma_start3A_980, %dma_start3A_981, %dma_start3A_985] : memref<3x2x112xi32, #tpu.memory_space<vmem>> -> memref<1x1x112xi32, #tpu.memory_space<vmem>>
    %dma_start3A_987 = tpu.memref_squeeze %dma_start3A_986 : memref<1x1x112xi32, #tpu.memory_space<vmem>> -> memref<112xi32, #tpu.memory_space<vmem>>
    %dma_start3A_988 = arith.constant 0 : i32
    %dma_start3A_989 = arith.constant 0 : i32
    %dma_start3A_990 = tpu.memref_slice %arg2[%dma_start3A_988, %dma_start3A_989] : memref<32768x256xbf16, #tpu.memory_space<hbm>> -> memref<32768x256xbf16, #tpu.memory_space<hbm>>
    tpu.enqueue_indirect_dma source(%dma_start3A_990 : memref<32768x256xbf16, #tpu.memory_space<hbm>>) target(%dma_start3A_984 : memref<112x256xbf16, #tpu.memory_space<vmem>>) offsets(%dma_start3A_987 : memref<112xi32, #tpu.memory_space<vmem>>) semaphore(%arg10 : memref<!tpu.dma_semaphore, #tpu.memory_space<semaphore_mem>>)
    %dma_start3A_991 = arith.constant 1 : i32
    %dma_start3A_992 = arith.constant 1 : i32
    %dma_start3A_993 = arith.constant 336 : i32
    %dma_start3A_994 = arith.constant 0 : i32
    %dma_start3A_995 = tpu.memref_slice %arg7[%dma_start3A_993, %dma_start3A_994] : memref<672x256xbf16, #tpu.memory_space<vmem>> -> memref<112x256xbf16, #tpu.memory_space<vmem>>
    %dma_start3A_996 = arith.constant 0 : i32
    %dma_start3A_997 = tpu.memref_slice %arg6[%dma_start3A_991, %dma_start3A_992, %dma_start3A_996] : memref<3x2x112xi32, #tpu.memory_space<vmem>> -> memref<1x1x112xi32, #tpu.memory_space<vmem>>
    %dma_start3A_998 = tpu.memref_squeeze %dma_start3A_997 : memref<1x1x112xi32, #tpu.memory_space<vmem>> -> memref<112xi32, #tpu.memory_space<vmem>>
    %dma_start3A_999 = arith.constant 0 : i32
    %dma_start3A_1000 = arith.constant 0 : i32
    %dma_start3A_1001 = tpu.memref_slice %arg2[%dma_start3A_999, %dma_start3A_1000] : memref<32768x256xbf16, #tpu.memory_space<hbm>> -> memref<32768x256xbf16, #tpu.memory_space<hbm>>
    tpu.enqueue_indirect_dma source(%dma_start3A_1001 : memref<32768x256xbf16, #tpu.memory_space<hbm>>) target(%dma_start3A_995 : memref<112x256xbf16, #tpu.memory_space<vmem>>) offsets(%dma_start3A_998 : memref<112xi32, #tpu.memory_space<vmem>>) semaphore(%arg10 : memref<!tpu.dma_semaphore, #tpu.memory_space<semaphore_mem>>)
    %scan3A = arith.constant 0 : i32
    %scan3A_1002 = arith.constant 0 : i32
    %scan3A_1003 = arith.constant 64 : i32
    %scan3A_1004 = arith.addi %scan3A_1002, %scan3A_1003 : i32
    %scan3A_1005 = arith.constant 1 : i32
    scf.for %scan3A_1030 = %scan3A_1002 to %scan3A_1004 step %scan3A_1005  : i32 {
      %jit3A_1031 = arith.constant 2 : i32
      %eq3A_1032 = arith.constant 0 : i32
      %eq3A_1033 = arith.cmpi eq, %jit3A_1031, %eq3A_1032 : i32
      %jit3A_1034 = arith.constant 1 : i32
      %select_n3A_1035 = arith.select %eq3A_1033, %jit3A_1034, %jit3A_1031 : i32
      %rem3A_1036 = arith.remsi %scan3A_1030, %select_n3A_1035 : i32
      %ne3A_1037 = arith.constant 0 : i32
      %ne3A_1038 = arith.cmpi ne, %rem3A_1036, %ne3A_1037 : i32
      %lt3A_1039 = arith.constant 0 : i32
      %lt3A_1040 = arith.cmpi slt, %rem3A_1036, %lt3A_1039 : i32
      %lt3A_1041 = arith.constant 0 : i32
      %lt3A_1042 = arith.cmpi slt, %select_n3A_1035, %lt3A_1041 : i32
      %ne3A_1043 = arith.xori %lt3A_1040, %lt3A_1042 : i1
      %and3A_1044 = arith.andi %ne3A_1043, %ne3A_1038 : i1
      %add3A_1045 = arith.addi %rem3A_1036, %select_n3A_1035 : i32
      %select_n3A_1046 = arith.select %and3A_1044, %add3A_1045, %rem3A_1036 : i32
      %jit3A_1047 = arith.constant 3 : i32
      %eq3A_1048 = arith.constant 0 : i32
      %eq3A_1049 = arith.cmpi eq, %jit3A_1047, %eq3A_1048 : i32
      %jit3A_1050 = arith.constant 1 : i32
      %select_n3A_1051 = arith.select %eq3A_1049, %jit3A_1050, %jit3A_1047 : i32
      %rem3A_1052 = arith.remsi %scan3A_1030, %select_n3A_1051 : i32
      %ne3A_1053 = arith.constant 0 : i32
      %ne3A_1054 = arith.cmpi ne, %rem3A_1052, %ne3A_1053 : i32
      %lt3A_1055 = arith.constant 0 : i32
      %lt3A_1056 = arith.cmpi slt, %rem3A_1052, %lt3A_1055 : i32
      %lt3A_1057 = arith.constant 0 : i32
      %lt3A_1058 = arith.cmpi slt, %select_n3A_1051, %lt3A_1057 : i32
      %ne3A_1059 = arith.xori %lt3A_1056, %lt3A_1058 : i1
      %and3A_1060 = arith.andi %ne3A_1059, %ne3A_1054 : i1
      %add3A_1061 = arith.addi %rem3A_1052, %select_n3A_1051 : i32
      %select_n3A_1062 = arith.select %and3A_1060, %add3A_1061, %rem3A_1052 : i32
      %ge3A_1063 = arith.constant 2 : i32
      %ge3A_1064 = arith.cmpi sge, %scan3A_1030, %ge3A_1063 : i32
      %eq3A_1065 = arith.constant 0 : i32
      %eq3A_1066 = arith.cmpi eq, %select_n3A_1046, %eq3A_1065 : i32
      %and3A_1067 = arith.andi %ge3A_1064, %eq3A_1066 : i1
      %convert_element_type3A_1068 = arith.extui %and3A_1067 : i1 to i32
      %cond3A = arith.constant 0 : i32
      %cond3A_1069 = arith.cmpi ne, %convert_element_type3A_1068, %cond3A : i32
      scf.if %cond3A_1069 {
        %dma_wait3A_2198 = arith.constant 0 : i32
        %dma_wait3A_2199 = arith.constant 0 : i32
        %dma_wait3A_2200 = tpu.memref_slice %arg8[%dma_wait3A_2198, %dma_wait3A_2199] : memref<32x256xbf16, #tpu.memory_space<vmem>> -> memref<16x256xbf16, #tpu.memory_space<vmem>>
        %dma_wait3A_2201 = arith.constant 0 : i32
        %dma_wait3A_2202 = arith.constant 0 : i32
        %dma_wait3A_2203 = tpu.memref_slice %arg4[%dma_wait3A_2201, %dma_wait3A_2202] : memref<32768x256xbf16, #tpu.memory_space<hbm>> -> memref<16x256xbf16, #tpu.memory_space<hbm>>
        %dma_wait3A_2204 = arith.constant 0 : i32
        %dma_wait3A_2205 = arith.constant 0 : i32
        %dma_wait3A_2206 = tpu.memref_slice %arg4[%dma_wait3A_2204, %dma_wait3A_2205] : memref<32768x256xbf16, #tpu.memory_space<hbm>> -> memref<16x256xbf16, #tpu.memory_space<hbm>>
        %dma_wait3A_2207 = arith.constant 0 : i32
        %dma_wait3A_2208 = arith.constant 0 : i32
        %dma_wait3A_2209 = tpu.memref_slice %arg8[%dma_wait3A_2207, %dma_wait3A_2208] : memref<32x256xbf16, #tpu.memory_space<vmem>> -> memref<16x256xbf16, #tpu.memory_space<vmem>>
        tpu.wait_dma2 semaphore(%arg12 : memref<!tpu.dma_semaphore, #tpu.memory_space<semaphore_mem>>) src(%dma_wait3A_2209 : memref<16x256xbf16, #tpu.memory_space<vmem>>) dst(%dma_wait3A_2206 : memref<16x256xbf16, #tpu.memory_space<hbm>>)
      } else {
      }
      %ge3A_1070 = arith.constant 2 : i32
      %ge3A_1071 = arith.cmpi sge, %scan3A_1030, %ge3A_1070 : i32
      %eq3A_1072 = arith.constant 1 : i32
      %eq3A_1073 = arith.cmpi eq, %select_n3A_1046, %eq3A_1072 : i32
      %and3A_1074 = arith.andi %ge3A_1071, %eq3A_1073 : i1
      %convert_element_type3A_1075 = arith.extui %and3A_1074 : i1 to i32
      %cond3A_1076 = arith.constant 0 : i32
      %cond3A_1077 = arith.cmpi ne, %convert_element_type3A_1075, %cond3A_1076 : i32
      scf.if %cond3A_1077 {
        %dma_wait3A_2198 = arith.constant 16 : i32
        %dma_wait3A_2199 = arith.constant 0 : i32
        %dma_wait3A_2200 = tpu.memref_slice %arg8[%dma_wait3A_2198, %dma_wait3A_2199] : memref<32x256xbf16, #tpu.memory_space<vmem>> -> memref<16x256xbf16, #tpu.memory_space<vmem>>
        %dma_wait3A_2201 = arith.constant 0 : i32
        %dma_wait3A_2202 = arith.constant 0 : i32
        %dma_wait3A_2203 = tpu.memref_slice %arg4[%dma_wait3A_2201, %dma_wait3A_2202] : memref<32768x256xbf16, #tpu.memory_space<hbm>> -> memref<16x256xbf16, #tpu.memory_space<hbm>>
        %dma_wait3A_2204 = arith.constant 0 : i32
        %dma_wait3A_2205 = arith.constant 0 : i32
        %dma_wait3A_2206 = tpu.memref_slice %arg4[%dma_wait3A_2204, %dma_wait3A_2205] : memref<32768x256xbf16, #tpu.memory_space<hbm>> -> memref<16x256xbf16, #tpu.memory_space<hbm>>
        %dma_wait3A_2207 = arith.constant 16 : i32
        %dma_wait3A_2208 = arith.constant 0 : i32
        %dma_wait3A_2209 = tpu.memref_slice %arg8[%dma_wait3A_2207, %dma_wait3A_2208] : memref<32x256xbf16, #tpu.memory_space<vmem>> -> memref<16x256xbf16, #tpu.memory_space<vmem>>
        tpu.wait_dma2 semaphore(%arg13 : memref<!tpu.dma_semaphore, #tpu.memory_space<semaphore_mem>>) src(%dma_wait3A_2209 : memref<16x256xbf16, #tpu.memory_space<vmem>>) dst(%dma_wait3A_2206 : memref<16x256xbf16, #tpu.memory_space<hbm>>)
      } else {
      }
      %add3A_1078 = arith.constant 2 : i32
      %add3A_1079 = arith.addi %scan3A_1030, %add3A_1078 : i32
      %min3A_1080 = arith.constant 63 : i32
      %min3A_1081 = arith.minsi %add3A_1079, %min3A_1080 : i32
      %jit3A_1082 = arith.constant 4 : i32
      %div3A_1083 = arith.divsi %min3A_1081, %jit3A_1082 : i32
      %sign3A_1084 = arith.constant 0 : i32
      %sign3A_1085 = arith.cmpi sgt, %min3A_1081, %sign3A_1084 : i32
      %sign3A_1086 = arith.extui %sign3A_1085 : i1 to i32
      %sign3A_1087 = arith.constant 0 : i32
      %sign3A_1088 = arith.cmpi slt, %min3A_1081, %sign3A_1087 : i32
      %sign3A_1089 = arith.extui %sign3A_1088 : i1 to i32
      %sign3A_1090 = arith.subi %sign3A_1086, %sign3A_1089 : i32
      %sign3A_1091 = arith.constant 0 : i32
      %sign3A_1092 = arith.cmpi sgt, %jit3A_1082, %sign3A_1091 : i32
      %sign3A_1093 = arith.extui %sign3A_1092 : i1 to i32
      %sign3A_1094 = arith.constant 0 : i32
      %sign3A_1095 = arith.cmpi slt, %jit3A_1082, %sign3A_1094 : i32
      %sign3A_1096 = arith.extui %sign3A_1095 : i1 to i32
      %sign3A_1097 = arith.subi %sign3A_1093, %sign3A_1096 : i32
      %ne3A_1098 = arith.cmpi ne, %sign3A_1090, %sign3A_1097 : i32
      %rem3A_1099 = arith.remsi %min3A_1081, %jit3A_1082 : i32
      %ne3A_1100 = arith.constant 0 : i32
      %ne3A_1101 = arith.cmpi ne, %rem3A_1099, %ne3A_1100 : i32
      %and3A_1102 = arith.andi %ne3A_1098, %ne3A_1101 : i1
      %sub3A_1103 = arith.constant 1 : i32
      %sub3A_1104 = arith.subi %div3A_1083, %sub3A_1103 : i32
      %select_n3A_1105 = arith.select %and3A_1102, %sub3A_1104, %div3A_1083 : i32
      %jit3A_1106 = arith.constant 4 : i32
      %eq3A_1107 = arith.constant 0 : i32
      %eq3A_1108 = arith.cmpi eq, %jit3A_1106, %eq3A_1107 : i32
      %jit3A_1109 = arith.constant 1 : i32
      %select_n3A_1110 = arith.select %eq3A_1108, %jit3A_1109, %jit3A_1106 : i32
      %rem3A_1111 = arith.remsi %min3A_1081, %select_n3A_1110 : i32
      %ne3A_1112 = arith.constant 0 : i32
      %ne3A_1113 = arith.cmpi ne, %rem3A_1111, %ne3A_1112 : i32
      %lt3A_1114 = arith.constant 0 : i32
      %lt3A_1115 = arith.cmpi slt, %rem3A_1111, %lt3A_1114 : i32
      %lt3A_1116 = arith.constant 0 : i32
      %lt3A_1117 = arith.cmpi slt, %select_n3A_1110, %lt3A_1116 : i32
      %ne3A_1118 = arith.xori %lt3A_1115, %lt3A_1117 : i1
      %and3A_1119 = arith.andi %ne3A_1118, %ne3A_1113 : i1
      %add3A_1120 = arith.addi %rem3A_1111, %select_n3A_1110 : i32
      %select_n3A_1121 = arith.select %and3A_1119, %add3A_1120, %rem3A_1111 : i32
      %mul3A_1122 = arith.constant 16 : i32
      %mul3A_1123 = arith.muli %select_n3A_1105, %mul3A_1122 : i32
      %add3A_1124 = arith.addi %mul3A_32, %mul3A_1123 : i32
      %convert_element_type3A_1125 = arith.sitofp %add3A_1124 : i32 to f32
      %add3A_1126 = vector.broadcast %convert_element_type3A_1125 : f32 to vector<16xf32>
      %add3A_1127 = arith.addf %add3A_1126, %convert_element_type3A : vector<16xf32>
      %mul3A_1128 = arith.constant 4 : i32
      %mul3A_1129 = arith.muli %select_n3A, %mul3A_1128 : i32
      %add3A_1130 = arith.addi %mul3A_1129, %select_n3A_1121 : i32
      %mul3A_1131 = arith.constant 4096 : i32
      %mul3A_1132 = arith.muli %add3A_1130, %mul3A_1131 : i32
      %mul3A_1133 = arith.constant 7 : i32
      %mul3A_1134 = arith.muli %select_n3A_1121, %mul3A_1133 : i32
      %add3A_1135 = arith.constant 28 : i32
      %add3A_1136 = arith.addi %add3A_1135, %mul3A_1134 : i32
      %add3A_1137 = arith.constant 0 : i32
      %add3A_1138 = arith.addi %add3A_1136, %add3A_1137 : i32
      %mul3A_1139 = arith.constant 16 : i32
      %mul3A_1140 = arith.muli %select_n3A_1105, %mul3A_1139 : i32
      %get3A_1141 = arith.index_cast %add3A_1138 : i32 to index
      %get3A_1142 = arith.index_cast %mul3A_1140 : i32 to index
      %get3A_1143 = tpu.vector_load %arg5[%get3A_1141, %get3A_1142] {strides = array<i32>} : memref<56x256xf32, #tpu.memory_space<vmem>>, vector<16xf32>,
      %mul3A_1144 = arith.constant 7 : i32
      %mul3A_1145 = arith.muli %select_n3A_1121, %mul3A_1144 : i32
      %add3A_1146 = arith.constant 28 : i32
      %add3A_1147 = arith.addi %add3A_1146, %mul3A_1145 : i32
      %add3A_1148 = arith.constant 1 : i32
      %add3A_1149 = arith.addi %add3A_1147, %add3A_1148 : i32
      %mul3A_1150 = arith.constant 16 : i32
      %mul3A_1151 = arith.muli %select_n3A_1105, %mul3A_1150 : i32
      %get3A_1152 = arith.index_cast %add3A_1149 : i32 to index
      %get3A_1153 = arith.index_cast %mul3A_1151 : i32 to index
      %get3A_1154 = tpu.vector_load %arg5[%get3A_1152, %get3A_1153] {strides = array<i32>} : memref<56x256xf32, #tpu.memory_space<vmem>>, vector<16xf32>,
      %mul3A_1155 = arith.constant 7 : i32
      %mul3A_1156 = arith.muli %select_n3A_1121, %mul3A_1155 : i32
      %add3A_1157 = arith.constant 28 : i32
      %add3A_1158 = arith.addi %add3A_1157, %mul3A_1156 : i32
      %add3A_1159 = arith.constant 2 : i32
      %add3A_1160 = arith.addi %add3A_1158, %add3A_1159 : i32
      %mul3A_1161 = arith.constant 16 : i32
      %mul3A_1162 = arith.muli %select_n3A_1105, %mul3A_1161 : i32
      %get3A_1163 = arith.index_cast %add3A_1160 : i32 to index
      %get3A_1164 = arith.index_cast %mul3A_1162 : i32 to index
      %get3A_1165 = tpu.vector_load %arg5[%get3A_1163, %get3A_1164] {strides = array<i32>} : memref<56x256xf32, #tpu.memory_space<vmem>>, vector<16xf32>,
      %mul3A_1166 = arith.constant 7 : i32
      %mul3A_1167 = arith.muli %select_n3A_1121, %mul3A_1166 : i32
      %add3A_1168 = arith.constant 28 : i32
      %add3A_1169 = arith.addi %add3A_1168, %mul3A_1167 : i32
      %add3A_1170 = arith.constant 3 : i32
      %add3A_1171 = arith.addi %add3A_1169, %add3A_1170 : i32
      %mul3A_1172 = arith.constant 16 : i32
      %mul3A_1173 = arith.muli %select_n3A_1105, %mul3A_1172 : i32
      %get3A_1174 = arith.index_cast %add3A_1171 : i32 to index
      %get3A_1175 = arith.index_cast %mul3A_1173 : i32 to index
      %get3A_1176 = tpu.vector_load %arg5[%get3A_1174, %get3A_1175] {strides = array<i32>} : memref<56x256xf32, #tpu.memory_space<vmem>>, vector<16xf32>,
      %mul3A_1177 = arith.constant 7 : i32
      %mul3A_1178 = arith.muli %select_n3A_1121, %mul3A_1177 : i32
      %add3A_1179 = arith.constant 28 : i32
      %add3A_1180 = arith.addi %add3A_1179, %mul3A_1178 : i32
      %add3A_1181 = arith.constant 4 : i32
      %add3A_1182 = arith.addi %add3A_1180, %add3A_1181 : i32
      %mul3A_1183 = arith.constant 16 : i32
      %mul3A_1184 = arith.muli %select_n3A_1105, %mul3A_1183 : i32
      %get3A_1185 = arith.index_cast %add3A_1182 : i32 to index
      %get3A_1186 = arith.index_cast %mul3A_1184 : i32 to index
      %get3A_1187 = tpu.vector_load %arg5[%get3A_1185, %get3A_1186] {strides = array<i32>} : memref<56x256xf32, #tpu.memory_space<vmem>>, vector<16xf32>,
      %mul3A_1188 = arith.constant 7 : i32
      %mul3A_1189 = arith.muli %select_n3A_1121, %mul3A_1188 : i32
      %add3A_1190 = arith.constant 28 : i32
      %add3A_1191 = arith.addi %add3A_1190, %mul3A_1189 : i32
      %add3A_1192 = arith.constant 5 : i32
      %add3A_1193 = arith.addi %add3A_1191, %add3A_1192 : i32
      %mul3A_1194 = arith.constant 16 : i32
      %mul3A_1195 = arith.muli %select_n3A_1105, %mul3A_1194 : i32
      %get3A_1196 = arith.index_cast %add3A_1193 : i32 to index
      %get3A_1197 = arith.index_cast %mul3A_1195 : i32 to index
      %get3A_1198 = tpu.vector_load %arg5[%get3A_1196, %get3A_1197] {strides = array<i32>} : memref<56x256xf32, #tpu.memory_space<vmem>>, vector<16xf32>,
      %mul3A_1199 = arith.constant 7 : i32
      %mul3A_1200 = arith.muli %select_n3A_1121, %mul3A_1199 : i32
      %add3A_1201 = arith.constant 28 : i32
      %add3A_1202 = arith.addi %add3A_1201, %mul3A_1200 : i32
      %add3A_1203 = arith.constant 6 : i32
      %add3A_1204 = arith.addi %add3A_1202, %add3A_1203 : i32
      %mul3A_1205 = arith.constant 16 : i32
      %mul3A_1206 = arith.muli %select_n3A_1105, %mul3A_1205 : i32
      %get3A_1207 = arith.index_cast %add3A_1204 : i32 to index
      %get3A_1208 = arith.index_cast %mul3A_1206 : i32 to index
      %get3A_1209 = tpu.vector_load %arg5[%get3A_1207, %get3A_1208] {strides = array<i32>} : memref<56x256xf32, #tpu.memory_space<vmem>>, vector<16xf32>,
      %max3A_1210 = arith.maximumf %get3A_1143, %get3A_1154 : vector<16xf32>
      %max3A_1211 = arith.maximumf %max3A_1210, %get3A_1165 : vector<16xf32>
      %max3A_1212 = arith.maximumf %max3A_1211, %get3A_1176 : vector<16xf32>
      %max3A_1213 = arith.maximumf %max3A_1212, %get3A_1187 : vector<16xf32>
      %max3A_1214 = arith.maximumf %max3A_1213, %get3A_1198 : vector<16xf32>
      %max3A_1215 = arith.maximumf %max3A_1214, %get3A_1209 : vector<16xf32>
      %sub3A_1216 = arith.subf %get3A_1143, %max3A_1215 : vector<16xf32>
      %exp3A_1217 = math.exp %sub3A_1216 : vector<16xf32>
      %sub3A_1218 = arith.subf %get3A_1154, %max3A_1215 : vector<16xf32>
      %exp3A_1219 = math.exp %sub3A_1218 : vector<16xf32>
      %sub3A_1220 = arith.subf %get3A_1165, %max3A_1215 : vector<16xf32>
      %exp3A_1221 = math.exp %sub3A_1220 : vector<16xf32>
      %sub3A_1222 = arith.subf %get3A_1176, %max3A_1215 : vector<16xf32>
      %exp3A_1223 = math.exp %sub3A_1222 : vector<16xf32>
      %sub3A_1224 = arith.subf %get3A_1187, %max3A_1215 : vector<16xf32>
      %exp3A_1225 = math.exp %sub3A_1224 : vector<16xf32>
      %sub3A_1226 = arith.subf %get3A_1198, %max3A_1215 : vector<16xf32>
      %exp3A_1227 = math.exp %sub3A_1226 : vector<16xf32>
      %sub3A_1228 = arith.subf %get3A_1209, %max3A_1215 : vector<16xf32>
      %exp3A_1229 = math.exp %sub3A_1228 : vector<16xf32>
      %add3A_1230 = arith.addf %exp3A_1217, %exp3A_1219 : vector<16xf32>
      %add3A_1231 = arith.addf %add3A_1230, %exp3A_1221 : vector<16xf32>
      %add3A_1232 = arith.addf %add3A_1231, %exp3A_1223 : vector<16xf32>
      %add3A_1233 = arith.addf %add3A_1232, %exp3A_1225 : vector<16xf32>
      %add3A_1234 = arith.addf %add3A_1233, %exp3A_1227 : vector<16xf32>
      %add3A_1235 = arith.addf %add3A_1234, %exp3A_1229 : vector<16xf32>
      %div3A_1236 = arith.constant 1.000000e+00 : f32
      %div3A_1237 = vector.broadcast %div3A_1236 : f32 to vector<16xf32>
      %div3A_1238 = arith.divf %div3A_1237, %add3A_1235 : vector<16xf32>
      %mul3A_1239 = arith.constant 7 : i32
      %mul3A_1240 = arith.muli %select_n3A_1121, %mul3A_1239 : i32
      %add3A_1241 = arith.constant 0 : i32
      %add3A_1242 = arith.addi %mul3A_1240, %add3A_1241 : i32
      %mul3A_1243 = arith.constant 16 : i32
      %mul3A_1244 = arith.muli %select_n3A_1105, %mul3A_1243 : i32
      %get3A_1245 = arith.index_cast %add3A_1242 : i32 to index
      %get3A_1246 = arith.index_cast %mul3A_1244 : i32 to index
      %get3A_1247 = tpu.vector_load %arg5[%get3A_1245, %get3A_1246] {strides = array<i32>} : memref<56x256xf32, #tpu.memory_space<vmem>>, vector<16xf32>,
      %mul3A_1248 = arith.constant 2.000000e+00 : f32
      %mul3A_1249 = vector.broadcast %mul3A_1248 : f32 to vector<16xf32>
      %mul3A_1250 = arith.mulf %get3A_1247, %mul3A_1249 : vector<16xf32>
      %add3A_1251 = arith.constant -3.000000e+00 : f32
      %add3A_1252 = vector.broadcast %add3A_1251 : f32 to vector<16xf32>
      %add3A_1253 = arith.addf %add3A_1127, %add3A_1252 : vector<16xf32>
      %add3A_1254 = arith.addf %add3A_1253, %mul3A_1250 : vector<16xf32>
      %jit3A_1255 = arith.constant 0.000000e+00 : f32
      %jit3A_1256 = arith.constant 4.095000e+03 : f32
      %max3A_1257 = vector.broadcast %jit3A_1255 : f32 to vector<16xf32>
      %max3A_1258 = arith.maximumf %max3A_1257, %add3A_1254 : vector<16xf32>
      %min3A_1259 = vector.broadcast %jit3A_1256 : f32 to vector<16xf32>
      %min3A_1260 = arith.minimumf %min3A_1259, %max3A_1258 : vector<16xf32>
      %convert_element_type3A_1261 = arith.fptosi %min3A_1260 : vector<16xf32> to vector<16xi32>
      %add3A_1262 = arith.constant 1 : i32
      %add3A_1263 = vector.broadcast %add3A_1262 : i32 to vector<16xi32>
      %add3A_1264 = arith.addi %convert_element_type3A_1261, %add3A_1263 : vector<16xi32>
      %min3A_1265 = arith.constant 4095 : i32
      %min3A_1266 = vector.broadcast %min3A_1265 : i32 to vector<16xi32>
      %min3A_1267 = arith.minsi %add3A_1264, %min3A_1266 : vector<16xi32>
      %convert_element_type3A_1268 = arith.sitofp %convert_element_type3A_1261 : vector<16xi32> to vector<16xf32>
      %sub3A_1269 = arith.subf %min3A_1260, %convert_element_type3A_1268 : vector<16xf32>
      %sub3A_1270 = arith.constant 1.000000e+00 : f32
      %sub3A_1271 = vector.broadcast %sub3A_1270 : f32 to vector<16xf32>
      %sub3A_1272 = arith.subf %sub3A_1271, %sub3A_1269 : vector<16xf32>
      %ge3A_1273 = arith.constant 0.000000e+00 : f32
      %ge3A_1274 = vector.broadcast %ge3A_1273 : f32 to vector<16xf32>
      %ge3A_1275 = arith.cmpf oge, %add3A_1254, %ge3A_1274 : vector<16xf32>
      %le3A_1276 = arith.constant 4.095000e+03 : f32
      %le3A_1277 = vector.broadcast %le3A_1276 : f32 to vector<16xf32>
      %le3A_1278 = arith.cmpf ole, %add3A_1254, %le3A_1277 : vector<16xf32>
      %and3A_1279 = arith.andi %ge3A_1275, %le3A_1278 : vector<16xi1>
      %jit3A_1280 = arith.constant 0.000000e+00 : f32
      %broadcast_in_dim3A_1281 = vector.broadcast %jit3A_1280 : f32 to vector<16xf32>
      %select_n3A_1282 = arith.select %and3A_1279, %exp3A_1217, %broadcast_in_dim3A_1281 : vector<16xi1>, vector<16xf32>
      %mul3A_1283 = arith.mulf %sub3A_1272, %select_n3A_1282 : vector<16xf32>
      %mul3A_1284 = arith.mulf %sub3A_1269, %select_n3A_1282 : vector<16xf32>
      %add3A_1285 = vector.broadcast %mul3A_1132 : i32 to vector<16xi32>
      %add3A_1286 = arith.addi %add3A_1285, %convert_element_type3A_1261 : vector<16xi32>
      %add3A_1287 = vector.broadcast %mul3A_1132 : i32 to vector<16xi32>
      %add3A_1288 = arith.addi %add3A_1287, %min3A_1267 : vector<16xi32>
      %mul3A_1289 = arith.constant 7 : i32
      %mul3A_1290 = arith.muli %select_n3A_1121, %mul3A_1289 : i32
      %add3A_1291 = arith.constant 1 : i32
      %add3A_1292 = arith.addi %mul3A_1290, %add3A_1291 : i32
      %mul3A_1293 = arith.constant 16 : i32
      %mul3A_1294 = arith.muli %select_n3A_1105, %mul3A_1293 : i32
      %get3A_1295 = arith.index_cast %add3A_1292 : i32 to index
      %get3A_1296 = arith.index_cast %mul3A_1294 : i32 to index
      %get3A_1297 = tpu.vector_load %arg5[%get3A_1295, %get3A_1296] {strides = array<i32>} : memref<56x256xf32, #tpu.memory_space<vmem>>, vector<16xf32>,
      %mul3A_1298 = arith.constant 2.000000e+00 : f32
      %mul3A_1299 = vector.broadcast %mul3A_1298 : f32 to vector<16xf32>
      %mul3A_1300 = arith.mulf %get3A_1297, %mul3A_1299 : vector<16xf32>
      %add3A_1301 = arith.constant -2.000000e+00 : f32
      %add3A_1302 = vector.broadcast %add3A_1301 : f32 to vector<16xf32>
      %add3A_1303 = arith.addf %add3A_1127, %add3A_1302 : vector<16xf32>
      %add3A_1304 = arith.addf %add3A_1303, %mul3A_1300 : vector<16xf32>
      %jit3A_1305 = arith.constant 0.000000e+00 : f32
      %jit3A_1306 = arith.constant 4.095000e+03 : f32
      %max3A_1307 = vector.broadcast %jit3A_1305 : f32 to vector<16xf32>
      %max3A_1308 = arith.maximumf %max3A_1307, %add3A_1304 : vector<16xf32>
      %min3A_1309 = vector.broadcast %jit3A_1306 : f32 to vector<16xf32>
      %min3A_1310 = arith.minimumf %min3A_1309, %max3A_1308 : vector<16xf32>
      %convert_element_type3A_1311 = arith.fptosi %min3A_1310 : vector<16xf32> to vector<16xi32>
      %add3A_1312 = arith.constant 1 : i32
      %add3A_1313 = vector.broadcast %add3A_1312 : i32 to vector<16xi32>
      %add3A_1314 = arith.addi %convert_element_type3A_1311, %add3A_1313 : vector<16xi32>
      %min3A_1315 = arith.constant 4095 : i32
      %min3A_1316 = vector.broadcast %min3A_1315 : i32 to vector<16xi32>
      %min3A_1317 = arith.minsi %add3A_1314, %min3A_1316 : vector<16xi32>
      %convert_element_type3A_1318 = arith.sitofp %convert_element_type3A_1311 : vector<16xi32> to vector<16xf32>
      %sub3A_1319 = arith.subf %min3A_1310, %convert_element_type3A_1318 : vector<16xf32>
      %sub3A_1320 = arith.constant 1.000000e+00 : f32
      %sub3A_1321 = vector.broadcast %sub3A_1320 : f32 to vector<16xf32>
      %sub3A_1322 = arith.subf %sub3A_1321, %sub3A_1319 : vector<16xf32>
      %ge3A_1323 = arith.constant 0.000000e+00 : f32
      %ge3A_1324 = vector.broadcast %ge3A_1323 : f32 to vector<16xf32>
      %ge3A_1325 = arith.cmpf oge, %add3A_1304, %ge3A_1324 : vector<16xf32>
      %le3A_1326 = arith.constant 4.095000e+03 : f32
      %le3A_1327 = vector.broadcast %le3A_1326 : f32 to vector<16xf32>
      %le3A_1328 = arith.cmpf ole, %add3A_1304, %le3A_1327 : vector<16xf32>
      %and3A_1329 = arith.andi %ge3A_1325, %le3A_1328 : vector<16xi1>
      %jit3A_1330 = arith.constant 0.000000e+00 : f32
      %broadcast_in_dim3A_1331 = vector.broadcast %jit3A_1330 : f32 to vector<16xf32>
      %select_n3A_1332 = arith.select %and3A_1329, %exp3A_1219, %broadcast_in_dim3A_1331 : vector<16xi1>, vector<16xf32>
      %mul3A_1333 = arith.mulf %sub3A_1322, %select_n3A_1332 : vector<16xf32>
      %mul3A_1334 = arith.mulf %sub3A_1319, %select_n3A_1332 : vector<16xf32>
      %add3A_1335 = vector.broadcast %mul3A_1132 : i32 to vector<16xi32>
      %add3A_1336 = arith.addi %add3A_1335, %convert_element_type3A_1311 : vector<16xi32>
      %add3A_1337 = vector.broadcast %mul3A_1132 : i32 to vector<16xi32>
      %add3A_1338 = arith.addi %add3A_1337, %min3A_1317 : vector<16xi32>
      %mul3A_1339 = arith.constant 7 : i32
      %mul3A_1340 = arith.muli %select_n3A_1121, %mul3A_1339 : i32
      %add3A_1341 = arith.constant 2 : i32
      %add3A_1342 = arith.addi %mul3A_1340, %add3A_1341 : i32
      %mul3A_1343 = arith.constant 16 : i32
      %mul3A_1344 = arith.muli %select_n3A_1105, %mul3A_1343 : i32
      %get3A_1345 = arith.index_cast %add3A_1342 : i32 to index
      %get3A_1346 = arith.index_cast %mul3A_1344 : i32 to index
      %get3A_1347 = tpu.vector_load %arg5[%get3A_1345, %get3A_1346] {strides = array<i32>} : memref<56x256xf32, #tpu.memory_space<vmem>>, vector<16xf32>,
      %mul3A_1348 = arith.constant 2.000000e+00 : f32
      %mul3A_1349 = vector.broadcast %mul3A_1348 : f32 to vector<16xf32>
      %mul3A_1350 = arith.mulf %get3A_1347, %mul3A_1349 : vector<16xf32>
      %add3A_1351 = arith.constant -1.000000e+00 : f32
      %add3A_1352 = vector.broadcast %add3A_1351 : f32 to vector<16xf32>
      %add3A_1353 = arith.addf %add3A_1127, %add3A_1352 : vector<16xf32>
      %add3A_1354 = arith.addf %add3A_1353, %mul3A_1350 : vector<16xf32>
      %jit3A_1355 = arith.constant 0.000000e+00 : f32
      %jit3A_1356 = arith.constant 4.095000e+03 : f32
      %max3A_1357 = vector.broadcast %jit3A_1355 : f32 to vector<16xf32>
      %max3A_1358 = arith.maximumf %max3A_1357, %add3A_1354 : vector<16xf32>
      %min3A_1359 = vector.broadcast %jit3A_1356 : f32 to vector<16xf32>
      %min3A_1360 = arith.minimumf %min3A_1359, %max3A_1358 : vector<16xf32>
      %convert_element_type3A_1361 = arith.fptosi %min3A_1360 : vector<16xf32> to vector<16xi32>
      %add3A_1362 = arith.constant 1 : i32
      %add3A_1363 = vector.broadcast %add3A_1362 : i32 to vector<16xi32>
      %add3A_1364 = arith.addi %convert_element_type3A_1361, %add3A_1363 : vector<16xi32>
      %min3A_1365 = arith.constant 4095 : i32
      %min3A_1366 = vector.broadcast %min3A_1365 : i32 to vector<16xi32>
      %min3A_1367 = arith.minsi %add3A_1364, %min3A_1366 : vector<16xi32>
      %convert_element_type3A_1368 = arith.sitofp %convert_element_type3A_1361 : vector<16xi32> to vector<16xf32>
      %sub3A_1369 = arith.subf %min3A_1360, %convert_element_type3A_1368 : vector<16xf32>
      %sub3A_1370 = arith.constant 1.000000e+00 : f32
      %sub3A_1371 = vector.broadcast %sub3A_1370 : f32 to vector<16xf32>
      %sub3A_1372 = arith.subf %sub3A_1371, %sub3A_1369 : vector<16xf32>
      %ge3A_1373 = arith.constant 0.000000e+00 : f32
      %ge3A_1374 = vector.broadcast %ge3A_1373 : f32 to vector<16xf32>
      %ge3A_1375 = arith.cmpf oge, %add3A_1354, %ge3A_1374 : vector<16xf32>
      %le3A_1376 = arith.constant 4.095000e+03 : f32
      %le3A_1377 = vector.broadcast %le3A_1376 : f32 to vector<16xf32>
      %le3A_1378 = arith.cmpf ole, %add3A_1354, %le3A_1377 : vector<16xf32>
      %and3A_1379 = arith.andi %ge3A_1375, %le3A_1378 : vector<16xi1>
      %jit3A_1380 = arith.constant 0.000000e+00 : f32
      %broadcast_in_dim3A_1381 = vector.broadcast %jit3A_1380 : f32 to vector<16xf32>
      %select_n3A_1382 = arith.select %and3A_1379, %exp3A_1221, %broadcast_in_dim3A_1381 : vector<16xi1>, vector<16xf32>
      %mul3A_1383 = arith.mulf %sub3A_1372, %select_n3A_1382 : vector<16xf32>
      %mul3A_1384 = arith.mulf %sub3A_1369, %select_n3A_1382 : vector<16xf32>
      %add3A_1385 = vector.broadcast %mul3A_1132 : i32 to vector<16xi32>
      %add3A_1386 = arith.addi %add3A_1385, %convert_element_type3A_1361 : vector<16xi32>
      %add3A_1387 = vector.broadcast %mul3A_1132 : i32 to vector<16xi32>
      %add3A_1388 = arith.addi %add3A_1387, %min3A_1367 : vector<16xi32>
      %mul3A_1389 = arith.constant 7 : i32
      %mul3A_1390 = arith.muli %select_n3A_1121, %mul3A_1389 : i32
      %add3A_1391 = arith.constant 3 : i32
      %add3A_1392 = arith.addi %mul3A_1390, %add3A_1391 : i32
      %mul3A_1393 = arith.constant 16 : i32
      %mul3A_1394 = arith.muli %select_n3A_1105, %mul3A_1393 : i32
      %get3A_1395 = arith.index_cast %add3A_1392 : i32 to index
      %get3A_1396 = arith.index_cast %mul3A_1394 : i32 to index
      %get3A_1397 = tpu.vector_load %arg5[%get3A_1395, %get3A_1396] {strides = array<i32>} : memref<56x256xf32, #tpu.memory_space<vmem>>, vector<16xf32>,
      %mul3A_1398 = arith.constant 2.000000e+00 : f32
      %mul3A_1399 = vector.broadcast %mul3A_1398 : f32 to vector<16xf32>
      %mul3A_1400 = arith.mulf %get3A_1397, %mul3A_1399 : vector<16xf32>
      %add3A_1401 = arith.constant 0.000000e+00 : f32
      %add3A_1402 = vector.broadcast %add3A_1401 : f32 to vector<16xf32>
      %add3A_1403 = arith.addf %add3A_1127, %add3A_1402 : vector<16xf32>
      %add3A_1404 = arith.addf %add3A_1403, %mul3A_1400 : vector<16xf32>
      %jit3A_1405 = arith.constant 0.000000e+00 : f32
      %jit3A_1406 = arith.constant 4.095000e+03 : f32
      %max3A_1407 = vector.broadcast %jit3A_1405 : f32 to vector<16xf32>
      %max3A_1408 = arith.maximumf %max3A_1407, %add3A_1404 : vector<16xf32>
      %min3A_1409 = vector.broadcast %jit3A_1406 : f32 to vector<16xf32>
      %min3A_1410 = arith.minimumf %min3A_1409, %max3A_1408 : vector<16xf32>
      %convert_element_type3A_1411 = arith.fptosi %min3A_1410 : vector<16xf32> to vector<16xi32>
      %add3A_1412 = arith.constant 1 : i32
      %add3A_1413 = vector.broadcast %add3A_1412 : i32 to vector<16xi32>
      %add3A_1414 = arith.addi %convert_element_type3A_1411, %add3A_1413 : vector<16xi32>
      %min3A_1415 = arith.constant 4095 : i32
      %min3A_1416 = vector.broadcast %min3A_1415 : i32 to vector<16xi32>
      %min3A_1417 = arith.minsi %add3A_1414, %min3A_1416 : vector<16xi32>
      %convert_element_type3A_1418 = arith.sitofp %convert_element_type3A_1411 : vector<16xi32> to vector<16xf32>
      %sub3A_1419 = arith.subf %min3A_1410, %convert_element_type3A_1418 : vector<16xf32>
      %sub3A_1420 = arith.constant 1.000000e+00 : f32
      %sub3A_1421 = vector.broadcast %sub3A_1420 : f32 to vector<16xf32>
      %sub3A_1422 = arith.subf %sub3A_1421, %sub3A_1419 : vector<16xf32>
      %ge3A_1423 = arith.constant 0.000000e+00 : f32
      %ge3A_1424 = vector.broadcast %ge3A_1423 : f32 to vector<16xf32>
      %ge3A_1425 = arith.cmpf oge, %add3A_1404, %ge3A_1424 : vector<16xf32>
      %le3A_1426 = arith.constant 4.095000e+03 : f32
      %le3A_1427 = vector.broadcast %le3A_1426 : f32 to vector<16xf32>
      %le3A_1428 = arith.cmpf ole, %add3A_1404, %le3A_1427 : vector<16xf32>
      %and3A_1429 = arith.andi %ge3A_1425, %le3A_1428 : vector<16xi1>
      %jit3A_1430 = arith.constant 0.000000e+00 : f32
      %broadcast_in_dim3A_1431 = vector.broadcast %jit3A_1430 : f32 to vector<16xf32>
      %select_n3A_1432 = arith.select %and3A_1429, %exp3A_1223, %broadcast_in_dim3A_1431 : vector<16xi1>, vector<16xf32>
      %mul3A_1433 = arith.mulf %sub3A_1422, %select_n3A_1432 : vector<16xf32>
      %mul3A_1434 = arith.mulf %sub3A_1419, %select_n3A_1432 : vector<16xf32>
      %add3A_1435 = vector.broadcast %mul3A_1132 : i32 to vector<16xi32>
      %add3A_1436 = arith.addi %add3A_1435, %convert_element_type3A_1411 : vector<16xi32>
      %add3A_1437 = vector.broadcast %mul3A_1132 : i32 to vector<16xi32>
      %add3A_1438 = arith.addi %add3A_1437, %min3A_1417 : vector<16xi32>
      %mul3A_1439 = arith.constant 7 : i32
      %mul3A_1440 = arith.muli %select_n3A_1121, %mul3A_1439 : i32
      %add3A_1441 = arith.constant 4 : i32
      %add3A_1442 = arith.addi %mul3A_1440, %add3A_1441 : i32
      %mul3A_1443 = arith.constant 16 : i32
      %mul3A_1444 = arith.muli %select_n3A_1105, %mul3A_1443 : i32
      %get3A_1445 = arith.index_cast %add3A_1442 : i32 to index
      %get3A_1446 = arith.index_cast %mul3A_1444 : i32 to index
      %get3A_1447 = tpu.vector_load %arg5[%get3A_1445, %get3A_1446] {strides = array<i32>} : memref<56x256xf32, #tpu.memory_space<vmem>>, vector<16xf32>,
      %mul3A_1448 = arith.constant 2.000000e+00 : f32
      %mul3A_1449 = vector.broadcast %mul3A_1448 : f32 to vector<16xf32>
      %mul3A_1450 = arith.mulf %get3A_1447, %mul3A_1449 : vector<16xf32>
      %add3A_1451 = arith.constant 1.000000e+00 : f32
      %add3A_1452 = vector.broadcast %add3A_1451 : f32 to vector<16xf32>
      %add3A_1453 = arith.addf %add3A_1127, %add3A_1452 : vector<16xf32>
      %add3A_1454 = arith.addf %add3A_1453, %mul3A_1450 : vector<16xf32>
      %jit3A_1455 = arith.constant 0.000000e+00 : f32
      %jit3A_1456 = arith.constant 4.095000e+03 : f32
      %max3A_1457 = vector.broadcast %jit3A_1455 : f32 to vector<16xf32>
      %max3A_1458 = arith.maximumf %max3A_1457, %add3A_1454 : vector<16xf32>
      %min3A_1459 = vector.broadcast %jit3A_1456 : f32 to vector<16xf32>
      %min3A_1460 = arith.minimumf %min3A_1459, %max3A_1458 : vector<16xf32>
      %convert_element_type3A_1461 = arith.fptosi %min3A_1460 : vector<16xf32> to vector<16xi32>
      %add3A_1462 = arith.constant 1 : i32
      %add3A_1463 = vector.broadcast %add3A_1462 : i32 to vector<16xi32>
      %add3A_1464 = arith.addi %convert_element_type3A_1461, %add3A_1463 : vector<16xi32>
      %min3A_1465 = arith.constant 4095 : i32
      %min3A_1466 = vector.broadcast %min3A_1465 : i32 to vector<16xi32>
      %min3A_1467 = arith.minsi %add3A_1464, %min3A_1466 : vector<16xi32>
      %convert_element_type3A_1468 = arith.sitofp %convert_element_type3A_1461 : vector<16xi32> to vector<16xf32>
      %sub3A_1469 = arith.subf %min3A_1460, %convert_element_type3A_1468 : vector<16xf32>
      %sub3A_1470 = arith.constant 1.000000e+00 : f32
      %sub3A_1471 = vector.broadcast %sub3A_1470 : f32 to vector<16xf32>
      %sub3A_1472 = arith.subf %sub3A_1471, %sub3A_1469 : vector<16xf32>
      %ge3A_1473 = arith.constant 0.000000e+00 : f32
      %ge3A_1474 = vector.broadcast %ge3A_1473 : f32 to vector<16xf32>
      %ge3A_1475 = arith.cmpf oge, %add3A_1454, %ge3A_1474 : vector<16xf32>
      %le3A_1476 = arith.constant 4.095000e+03 : f32
      %le3A_1477 = vector.broadcast %le3A_1476 : f32 to vector<16xf32>
      %le3A_1478 = arith.cmpf ole, %add3A_1454, %le3A_1477 : vector<16xf32>
      %and3A_1479 = arith.andi %ge3A_1475, %le3A_1478 : vector<16xi1>
      %jit3A_1480 = arith.constant 0.000000e+00 : f32
      %broadcast_in_dim3A_1481 = vector.broadcast %jit3A_1480 : f32 to vector<16xf32>
      %select_n3A_1482 = arith.select %and3A_1479, %exp3A_1225, %broadcast_in_dim3A_1481 : vector<16xi1>, vector<16xf32>
      %mul3A_1483 = arith.mulf %sub3A_1472, %select_n3A_1482 : vector<16xf32>
      %mul3A_1484 = arith.mulf %sub3A_1469, %select_n3A_1482 : vector<16xf32>
      %add3A_1485 = vector.broadcast %mul3A_1132 : i32 to vector<16xi32>
      %add3A_1486 = arith.addi %add3A_1485, %convert_element_type3A_1461 : vector<16xi32>
      %add3A_1487 = vector.broadcast %mul3A_1132 : i32 to vector<16xi32>
      %add3A_1488 = arith.addi %add3A_1487, %min3A_1467 : vector<16xi32>
      %mul3A_1489 = arith.constant 7 : i32
      %mul3A_1490 = arith.muli %select_n3A_1121, %mul3A_1489 : i32
      %add3A_1491 = arith.constant 5 : i32
      %add3A_1492 = arith.addi %mul3A_1490, %add3A_1491 : i32
      %mul3A_1493 = arith.constant 16 : i32
      %mul3A_1494 = arith.muli %select_n3A_1105, %mul3A_1493 : i32
      %get3A_1495 = arith.index_cast %add3A_1492 : i32 to index
      %get3A_1496 = arith.index_cast %mul3A_1494 : i32 to index
      %get3A_1497 = tpu.vector_load %arg5[%get3A_1495, %get3A_1496] {strides = array<i32>} : memref<56x256xf32, #tpu.memory_space<vmem>>, vector<16xf32>,
      %mul3A_1498 = arith.constant 2.000000e+00 : f32
      %mul3A_1499 = vector.broadcast %mul3A_1498 : f32 to vector<16xf32>
      %mul3A_1500 = arith.mulf %get3A_1497, %mul3A_1499 : vector<16xf32>
      %add3A_1501 = arith.constant 2.000000e+00 : f32
      %add3A_1502 = vector.broadcast %add3A_1501 : f32 to vector<16xf32>
      %add3A_1503 = arith.addf %add3A_1127, %add3A_1502 : vector<16xf32>
      %add3A_1504 = arith.addf %add3A_1503, %mul3A_1500 : vector<16xf32>
      %jit3A_1505 = arith.constant 0.000000e+00 : f32
      %jit3A_1506 = arith.constant 4.095000e+03 : f32
      %max3A_1507 = vector.broadcast %jit3A_1505 : f32 to vector<16xf32>
      %max3A_1508 = arith.maximumf %max3A_1507, %add3A_1504 : vector<16xf32>
      %min3A_1509 = vector.broadcast %jit3A_1506 : f32 to vector<16xf32>
      %min3A_1510 = arith.minimumf %min3A_1509, %max3A_1508 : vector<16xf32>
      %convert_element_type3A_1511 = arith.fptosi %min3A_1510 : vector<16xf32> to vector<16xi32>
      %add3A_1512 = arith.constant 1 : i32
      %add3A_1513 = vector.broadcast %add3A_1512 : i32 to vector<16xi32>
      %add3A_1514 = arith.addi %convert_element_type3A_1511, %add3A_1513 : vector<16xi32>
      %min3A_1515 = arith.constant 4095 : i32
      %min3A_1516 = vector.broadcast %min3A_1515 : i32 to vector<16xi32>
      %min3A_1517 = arith.minsi %add3A_1514, %min3A_1516 : vector<16xi32>
      %convert_element_type3A_1518 = arith.sitofp %convert_element_type3A_1511 : vector<16xi32> to vector<16xf32>
      %sub3A_1519 = arith.subf %min3A_1510, %convert_element_type3A_1518 : vector<16xf32>
      %sub3A_1520 = arith.constant 1.000000e+00 : f32
      %sub3A_1521 = vector.broadcast %sub3A_1520 : f32 to vector<16xf32>
      %sub3A_1522 = arith.subf %sub3A_1521, %sub3A_1519 : vector<16xf32>
      %ge3A_1523 = arith.constant 0.000000e+00 : f32
      %ge3A_1524 = vector.broadcast %ge3A_1523 : f32 to vector<16xf32>
      %ge3A_1525 = arith.cmpf oge, %add3A_1504, %ge3A_1524 : vector<16xf32>
      %le3A_1526 = arith.constant 4.095000e+03 : f32
      %le3A_1527 = vector.broadcast %le3A_1526 : f32 to vector<16xf32>
      %le3A_1528 = arith.cmpf ole, %add3A_1504, %le3A_1527 : vector<16xf32>
      %and3A_1529 = arith.andi %ge3A_1525, %le3A_1528 : vector<16xi1>
      %jit3A_1530 = arith.constant 0.000000e+00 : f32
      %broadcast_in_dim3A_1531 = vector.broadcast %jit3A_1530 : f32 to vector<16xf32>
      %select_n3A_1532 = arith.select %and3A_1529, %exp3A_1227, %broadcast_in_dim3A_1531 : vector<16xi1>, vector<16xf32>
      %mul3A_1533 = arith.mulf %sub3A_1522, %select_n3A_1532 : vector<16xf32>
      %mul3A_1534 = arith.mulf %sub3A_1519, %select_n3A_1532 : vector<16xf32>
      %add3A_1535 = vector.broadcast %mul3A_1132 : i32 to vector<16xi32>
      %add3A_1536 = arith.addi %add3A_1535, %convert_element_type3A_1511 : vector<16xi32>
      %add3A_1537 = vector.broadcast %mul3A_1132 : i32 to vector<16xi32>
      %add3A_1538 = arith.addi %add3A_1537, %min3A_1517 : vector<16xi32>
      %mul3A_1539 = arith.constant 7 : i32
      %mul3A_1540 = arith.muli %select_n3A_1121, %mul3A_1539 : i32
      %add3A_1541 = arith.constant 6 : i32
      %add3A_1542 = arith.addi %mul3A_1540, %add3A_1541 : i32
      %mul3A_1543 = arith.constant 16 : i32
      %mul3A_1544 = arith.muli %select_n3A_1105, %mul3A_1543 : i32
      %get3A_1545 = arith.index_cast %add3A_1542 : i32 to index
      %get3A_1546 = arith.index_cast %mul3A_1544 : i32 to index
      %get3A_1547 = tpu.vector_load %arg5[%get3A_1545, %get3A_1546] {strides = array<i32>} : memref<56x256xf32, #tpu.memory_space<vmem>>, vector<16xf32>,
      %mul3A_1548 = arith.constant 2.000000e+00 : f32
      %mul3A_1549 = vector.broadcast %mul3A_1548 : f32 to vector<16xf32>
      %mul3A_1550 = arith.mulf %get3A_1547, %mul3A_1549 : vector<16xf32>
      %add3A_1551 = arith.constant 3.000000e+00 : f32
      %add3A_1552 = vector.broadcast %add3A_1551 : f32 to vector<16xf32>
      %add3A_1553 = arith.addf %add3A_1127, %add3A_1552 : vector<16xf32>
      %add3A_1554 = arith.addf %add3A_1553, %mul3A_1550 : vector<16xf32>
      %jit3A_1555 = arith.constant 0.000000e+00 : f32
      %jit3A_1556 = arith.constant 4.095000e+03 : f32
      %max3A_1557 = vector.broadcast %jit3A_1555 : f32 to vector<16xf32>
      %max3A_1558 = arith.maximumf %max3A_1557, %add3A_1554 : vector<16xf32>
      %min3A_1559 = vector.broadcast %jit3A_1556 : f32 to vector<16xf32>
      %min3A_1560 = arith.minimumf %min3A_1559, %max3A_1558 : vector<16xf32>
      %convert_element_type3A_1561 = arith.fptosi %min3A_1560 : vector<16xf32> to vector<16xi32>
      %add3A_1562 = arith.constant 1 : i32
      %add3A_1563 = vector.broadcast %add3A_1562 : i32 to vector<16xi32>
      %add3A_1564 = arith.addi %convert_element_type3A_1561, %add3A_1563 : vector<16xi32>
      %min3A_1565 = arith.constant 4095 : i32
      %min3A_1566 = vector.broadcast %min3A_1565 : i32 to vector<16xi32>
      %min3A_1567 = arith.minsi %add3A_1564, %min3A_1566 : vector<16xi32>
      %convert_element_type3A_1568 = arith.sitofp %convert_element_type3A_1561 : vector<16xi32> to vector<16xf32>
      %sub3A_1569 = arith.subf %min3A_1560, %convert_element_type3A_1568 : vector<16xf32>
      %sub3A_1570 = arith.constant 1.000000e+00 : f32
      %sub3A_1571 = vector.broadcast %sub3A_1570 : f32 to vector<16xf32>
      %sub3A_1572 = arith.subf %sub3A_1571, %sub3A_1569 : vector<16xf32>
      %ge3A_1573 = arith.constant 0.000000e+00 : f32
      %ge3A_1574 = vector.broadcast %ge3A_1573 : f32 to vector<16xf32>
      %ge3A_1575 = arith.cmpf oge, %add3A_1554, %ge3A_1574 : vector<16xf32>
      %le3A_1576 = arith.constant 4.095000e+03 : f32
      %le3A_1577 = vector.broadcast %le3A_1576 : f32 to vector<16xf32>
      %le3A_1578 = arith.cmpf ole, %add3A_1554, %le3A_1577 : vector<16xf32>
      %and3A_1579 = arith.andi %ge3A_1575, %le3A_1578 : vector<16xi1>
      %jit3A_1580 = arith.constant 0.000000e+00 : f32
      %broadcast_in_dim3A_1581 = vector.broadcast %jit3A_1580 : f32 to vector<16xf32>
      %select_n3A_1582 = arith.select %and3A_1579, %exp3A_1229, %broadcast_in_dim3A_1581 : vector<16xi1>, vector<16xf32>
      %mul3A_1583 = arith.mulf %sub3A_1572, %select_n3A_1582 : vector<16xf32>
      %mul3A_1584 = arith.mulf %sub3A_1569, %select_n3A_1582 : vector<16xf32>
      %add3A_1585 = vector.broadcast %mul3A_1132 : i32 to vector<16xi32>
      %add3A_1586 = arith.addi %add3A_1585, %convert_element_type3A_1561 : vector<16xi32>
      %add3A_1587 = vector.broadcast %mul3A_1132 : i32 to vector<16xi32>
      %add3A_1588 = arith.addi %add3A_1587, %min3A_1567 : vector<16xi32>
      %lt3A_1589 = arith.constant 62 : i32
      %lt3A_1590 = arith.cmpi slt, %scan3A_1030, %lt3A_1589 : i32
      %eq3A_1591 = arith.constant 0 : i32
      %eq3A_1592 = arith.cmpi eq, %select_n3A_1062, %eq3A_1591 : i32
      %and3A_1593 = arith.andi %lt3A_1590, %eq3A_1592 : i1
      %convert_element_type3A_1594 = arith.extui %and3A_1593 : i1 to i32
      %cond3A_1595 = arith.constant 0 : i32
      %cond3A_1596 = arith.cmpi ne, %convert_element_type3A_1594, %cond3A_1595 : i32
      scf.if %cond3A_1596 {
        %swap3A_2198 = arith.constant 2 : i32
        %swap3A_2199 = arith.constant 0 : i32
        %swap3A_2200 = arith.index_cast %swap3A_2198 : i32 to index
        %swap3A_2201 = arith.index_cast %swap3A_2199 : i32 to index
        %swap3A_2202 = arith.constant 0 : index
        %swap3A_2203 = tpu.vector_load %arg6[%swap3A_2200, %swap3A_2201, %swap3A_2202] {strides = array<i32>} : memref<3x2x112xi32, #tpu.memory_space<vmem>>, vector<16xi32>,
        tpu.vector_store %arg6[%swap3A_2200, %swap3A_2201, %swap3A_2202], %add3A_1286 {strides = array<i32>} : memref<3x2x112xi32, #tpu.memory_space<vmem>>, vector<16xi32>,
        %swap3A_2204 = arith.constant 2 : i32
        %swap3A_2205 = arith.constant 0 : i32
        %swap3A_2206 = arith.index_cast %swap3A_2204 : i32 to index
        %swap3A_2207 = arith.index_cast %swap3A_2205 : i32 to index
        %swap3A_2208 = arith.constant 16 : index
        %swap3A_2209 = tpu.vector_load %arg6[%swap3A_2206, %swap3A_2207, %swap3A_2208] {strides = array<i32>} : memref<3x2x112xi32, #tpu.memory_space<vmem>>, vector<16xi32>,
        tpu.vector_store %arg6[%swap3A_2206, %swap3A_2207, %swap3A_2208], %add3A_1288 {strides = array<i32>} : memref<3x2x112xi32, #tpu.memory_space<vmem>>, vector<16xi32>,
        %swap3A_2210 = arith.constant 2 : i32
        %swap3A_2211 = arith.constant 0 : i32
        %swap3A_2212 = arith.index_cast %swap3A_2210 : i32 to index
        %swap3A_2213 = arith.index_cast %swap3A_2211 : i32 to index
        %swap3A_2214 = arith.constant 32 : index
        %swap3A_2215 = tpu.vector_load %arg6[%swap3A_2212, %swap3A_2213, %swap3A_2214] {strides = array<i32>} : memref<3x2x112xi32, #tpu.memory_space<vmem>>, vector<16xi32>,
        tpu.vector_store %arg6[%swap3A_2212, %swap3A_2213, %swap3A_2214], %add3A_1336 {strides = array<i32>} : memref<3x2x112xi32, #tpu.memory_space<vmem>>, vector<16xi32>,
        %swap3A_2216 = arith.constant 2 : i32
        %swap3A_2217 = arith.constant 0 : i32
        %swap3A_2218 = arith.index_cast %swap3A_2216 : i32 to index
        %swap3A_2219 = arith.index_cast %swap3A_2217 : i32 to index
        %swap3A_2220 = arith.constant 48 : index
        %swap3A_2221 = tpu.vector_load %arg6[%swap3A_2218, %swap3A_2219, %swap3A_2220] {strides = array<i32>} : memref<3x2x112xi32, #tpu.memory_space<vmem>>, vector<16xi32>,
        tpu.vector_store %arg6[%swap3A_2218, %swap3A_2219, %swap3A_2220], %add3A_1338 {strides = array<i32>} : memref<3x2x112xi32, #tpu.memory_space<vmem>>, vector<16xi32>,
        %swap3A_2222 = arith.constant 2 : i32
        %swap3A_2223 = arith.constant 0 : i32
        %swap3A_2224 = arith.index_cast %swap3A_2222 : i32 to index
        %swap3A_2225 = arith.index_cast %swap3A_2223 : i32 to index
        %swap3A_2226 = arith.constant 64 : index
        %swap3A_2227 = tpu.vector_load %arg6[%swap3A_2224, %swap3A_2225, %swap3A_2226] {strides = array<i32>} : memref<3x2x112xi32, #tpu.memory_space<vmem>>, vector<16xi32>,
        tpu.vector_store %arg6[%swap3A_2224, %swap3A_2225, %swap3A_2226], %add3A_1386 {strides = array<i32>} : memref<3x2x112xi32, #tpu.memory_space<vmem>>, vector<16xi32>,
        %swap3A_2228 = arith.constant 2 : i32
        %swap3A_2229 = arith.constant 0 : i32
        %swap3A_2230 = arith.index_cast %swap3A_2228 : i32 to index
        %swap3A_2231 = arith.index_cast %swap3A_2229 : i32 to index
        %swap3A_2232 = arith.constant 80 : index
        %swap3A_2233 = tpu.vector_load %arg6[%swap3A_2230, %swap3A_2231, %swap3A_2232] {strides = array<i32>} : memref<3x2x112xi32, #tpu.memory_space<vmem>>, vector<16xi32>,
        tpu.vector_store %arg6[%swap3A_2230, %swap3A_2231, %swap3A_2232], %add3A_1388 {strides = array<i32>} : memref<3x2x112xi32, #tpu.memory_space<vmem>>, vector<16xi32>,
        %swap3A_2234 = arith.constant 2 : i32
        %swap3A_2235 = arith.constant 0 : i32
        %swap3A_2236 = arith.index_cast %swap3A_2234 : i32 to index
        %swap3A_2237 = arith.index_cast %swap3A_2235 : i32 to index
        %swap3A_2238 = arith.constant 96 : index
        %swap3A_2239 = tpu.vector_load %arg6[%swap3A_2236, %swap3A_2237, %swap3A_2238] {strides = array<i32>} : memref<3x2x112xi32, #tpu.memory_space<vmem>>, vector<16xi32>,
        tpu.vector_store %arg6[%swap3A_2236, %swap3A_2237, %swap3A_2238], %add3A_1436 {strides = array<i32>} : memref<3x2x112xi32, #tpu.memory_space<vmem>>, vector<16xi32>,
        %swap3A_2240 = arith.constant 2 : i32
        %swap3A_2241 = arith.constant 1 : i32
        %swap3A_2242 = arith.index_cast %swap3A_2240 : i32 to index
        %swap3A_2243 = arith.index_cast %swap3A_2241 : i32 to index
        %swap3A_2244 = arith.constant 0 : index
        %swap3A_2245 = tpu.vector_load %arg6[%swap3A_2242, %swap3A_2243, %swap3A_2244] {strides = array<i32>} : memref<3x2x112xi32, #tpu.memory_space<vmem>>, vector<16xi32>,
        tpu.vector_store %arg6[%swap3A_2242, %swap3A_2243, %swap3A_2244], %add3A_1438 {strides = array<i32>} : memref<3x2x112xi32, #tpu.memory_space<vmem>>, vector<16xi32>,
        %swap3A_2246 = arith.constant 2 : i32
        %swap3A_2247 = arith.constant 1 : i32
        %swap3A_2248 = arith.index_cast %swap3A_2246 : i32 to index
        %swap3A_2249 = arith.index_cast %swap3A_2247 : i32 to index
        %swap3A_2250 = arith.constant 16 : index
        %swap3A_2251 = tpu.vector_load %arg6[%swap3A_2248, %swap3A_2249, %swap3A_2250] {strides = array<i32>} : memref<3x2x112xi32, #tpu.memory_space<vmem>>, vector<16xi32>,
        tpu.vector_store %arg6[%swap3A_2248, %swap3A_2249, %swap3A_2250], %add3A_1486 {strides = array<i32>} : memref<3x2x112xi32, #tpu.memory_space<vmem>>, vector<16xi32>,
        %swap3A_2252 = arith.constant 2 : i32
        %swap3A_2253 = arith.constant 1 : i32
        %swap3A_2254 = arith.index_cast %swap3A_2252 : i32 to index
        %swap3A_2255 = arith.index_cast %swap3A_2253 : i32 to index
        %swap3A_2256 = arith.constant 32 : index
        %swap3A_2257 = tpu.vector_load %arg6[%swap3A_2254, %swap3A_2255, %swap3A_2256] {strides = array<i32>} : memref<3x2x112xi32, #tpu.memory_space<vmem>>, vector<16xi32>,
        tpu.vector_store %arg6[%swap3A_2254, %swap3A_2255, %swap3A_2256], %add3A_1488 {strides = array<i32>} : memref<3x2x112xi32, #tpu.memory_space<vmem>>, vector<16xi32>,
        %swap3A_2258 = arith.constant 2 : i32
        %swap3A_2259 = arith.constant 1 : i32
        %swap3A_2260 = arith.index_cast %swap3A_2258 : i32 to index
        %swap3A_2261 = arith.index_cast %swap3A_2259 : i32 to index
        %swap3A_2262 = arith.constant 48 : index
        %swap3A_2263 = tpu.vector_load %arg6[%swap3A_2260, %swap3A_2261, %swap3A_2262] {strides = array<i32>} : memref<3x2x112xi32, #tpu.memory_space<vmem>>, vector<16xi32>,
        tpu.vector_store %arg6[%swap3A_2260, %swap3A_2261, %swap3A_2262], %add3A_1536 {strides = array<i32>} : memref<3x2x112xi32, #tpu.memory_space<vmem>>, vector<16xi32>,
        %swap3A_2264 = arith.constant 2 : i32
        %swap3A_2265 = arith.constant 1 : i32
        %swap3A_2266 = arith.index_cast %swap3A_2264 : i32 to index
        %swap3A_2267 = arith.index_cast %swap3A_2265 : i32 to index
        %swap3A_2268 = arith.constant 64 : index
        %swap3A_2269 = tpu.vector_load %arg6[%swap3A_2266, %swap3A_2267, %swap3A_2268] {strides = array<i32>} : memref<3x2x112xi32, #tpu.memory_space<vmem>>, vector<16xi32>,
        tpu.vector_store %arg6[%swap3A_2266, %swap3A_2267, %swap3A_2268], %add3A_1538 {strides = array<i32>} : memref<3x2x112xi32, #tpu.memory_space<vmem>>, vector<16xi32>,
        %swap3A_2270 = arith.constant 2 : i32
        %swap3A_2271 = arith.constant 1 : i32
        %swap3A_2272 = arith.index_cast %swap3A_2270 : i32 to index
        %swap3A_2273 = arith.index_cast %swap3A_2271 : i32 to index
        %swap3A_2274 = arith.constant 80 : index
        %swap3A_2275 = tpu.vector_load %arg6[%swap3A_2272, %swap3A_2273, %swap3A_2274] {strides = array<i32>} : memref<3x2x112xi32, #tpu.memory_space<vmem>>, vector<16xi32>,
        tpu.vector_store %arg6[%swap3A_2272, %swap3A_2273, %swap3A_2274], %add3A_1586 {strides = array<i32>} : memref<3x2x112xi32, #tpu.memory_space<vmem>>, vector<16xi32>,
        %swap3A_2276 = arith.constant 2 : i32
        %swap3A_2277 = arith.constant 1 : i32
        %swap3A_2278 = arith.index_cast %swap3A_2276 : i32 to index
        %swap3A_2279 = arith.index_cast %swap3A_2277 : i32 to index
        %swap3A_2280 = arith.constant 96 : index
        %swap3A_2281 = tpu.vector_load %arg6[%swap3A_2278, %swap3A_2279, %swap3A_2280] {strides = array<i32>} : memref<3x2x112xi32, #tpu.memory_space<vmem>>, vector<16xi32>,
        tpu.vector_store %arg6[%swap3A_2278, %swap3A_2279, %swap3A_2280], %add3A_1588 {strides = array<i32>} : memref<3x2x112xi32, #tpu.memory_space<vmem>>, vector<16xi32>,
        %dma_start3A_2282 = arith.constant 2 : i32
        %dma_start3A_2283 = arith.constant 0 : i32
        %dma_start3A_2284 = arith.constant 448 : i32
        %dma_start3A_2285 = arith.constant 0 : i32
        %dma_start3A_2286 = tpu.memref_slice %arg7[%dma_start3A_2284, %dma_start3A_2285] : memref<672x256xbf16, #tpu.memory_space<vmem>> -> memref<112x256xbf16, #tpu.memory_space<vmem>>
        %dma_start3A_2287 = arith.constant 0 : i32
        %dma_start3A_2288 = tpu.memref_slice %arg6[%dma_start3A_2282, %dma_start3A_2283, %dma_start3A_2287] : memref<3x2x112xi32, #tpu.memory_space<vmem>> -> memref<1x1x112xi32, #tpu.memory_space<vmem>>
        %dma_start3A_2289 = tpu.memref_squeeze %dma_start3A_2288 : memref<1x1x112xi32, #tpu.memory_space<vmem>> -> memref<112xi32, #tpu.memory_space<vmem>>
        %dma_start3A_2290 = arith.constant 0 : i32
        %dma_start3A_2291 = arith.constant 0 : i32
        %dma_start3A_2292 = tpu.memref_slice %arg2[%dma_start3A_2290, %dma_start3A_2291] : memref<32768x256xbf16, #tpu.memory_space<hbm>> -> memref<32768x256xbf16, #tpu.memory_space<hbm>>
        tpu.enqueue_indirect_dma source(%dma_start3A_2292 : memref<32768x256xbf16, #tpu.memory_space<hbm>>) target(%dma_start3A_2286 : memref<112x256xbf16, #tpu.memory_space<vmem>>) offsets(%dma_start3A_2289 : memref<112xi32, #tpu.memory_space<vmem>>) semaphore(%arg11 : memref<!tpu.dma_semaphore, #tpu.memory_space<semaphore_mem>>)
        %dma_start3A_2293 = arith.constant 2 : i32
        %dma_start3A_2294 = arith.constant 1 : i32
        %dma_start3A_2295 = arith.constant 560 : i32
        %dma_start3A_2296 = arith.constant 0 : i32
        %dma_start3A_2297 = tpu.memref_slice %arg7[%dma_start3A_2295, %dma_start3A_2296] : memref<672x256xbf16, #tpu.memory_space<vmem>> -> memref<112x256xbf16, #tpu.memory_space<vmem>>
        %dma_start3A_2298 = arith.constant 0 : i32
        %dma_start3A_2299 = tpu.memref_slice %arg6[%dma_start3A_2293, %dma_start3A_2294, %dma_start3A_2298] : memref<3x2x112xi32, #tpu.memory_space<vmem>> -> memref<1x1x112xi32, #tpu.memory_space<vmem>>
        %dma_start3A_2300 = tpu.memref_squeeze %dma_start3A_2299 : memref<1x1x112xi32, #tpu.memory_space<vmem>> -> memref<112xi32, #tpu.memory_space<vmem>>
        %dma_start3A_2301 = arith.constant 0 : i32
        %dma_start3A_2302 = arith.constant 0 : i32
        %dma_start3A_2303 = tpu.memref_slice %arg2[%dma_start3A_2301, %dma_start3A_2302] : memref<32768x256xbf16, #tpu.memory_space<hbm>> -> memref<32768x256xbf16, #tpu.memory_space<hbm>>
        tpu.enqueue_indirect_dma source(%dma_start3A_2303 : memref<32768x256xbf16, #tpu.memory_space<hbm>>) target(%dma_start3A_2297 : memref<112x256xbf16, #tpu.memory_space<vmem>>) offsets(%dma_start3A_2300 : memref<112xi32, #tpu.memory_space<vmem>>) semaphore(%arg11 : memref<!tpu.dma_semaphore, #tpu.memory_space<semaphore_mem>>)
      } else {
      }
      %eq3A_1597 = arith.constant 1 : i32
      %eq3A_1598 = arith.cmpi eq, %select_n3A_1062, %eq3A_1597 : i32
      %and3A_1599 = arith.andi %lt3A_1590, %eq3A_1598 : i1
      %convert_element_type3A_1600 = arith.extui %and3A_1599 : i1 to i32
      %cond3A_1601 = arith.constant 0 : i32
      %cond3A_1602 = arith.cmpi ne, %convert_element_type3A_1600, %cond3A_1601 : i32
      scf.if %cond3A_1602 {
        %swap3A_2198 = arith.constant 0 : i32
        %swap3A_2199 = arith.constant 0 : i32
        %swap3A_2200 = arith.index_cast %swap3A_2198 : i32 to index
        %swap3A_2201 = arith.index_cast %swap3A_2199 : i32 to index
        %swap3A_2202 = arith.constant 0 : index
        %swap3A_2203 = tpu.vector_load %arg6[%swap3A_2200, %swap3A_2201, %swap3A_2202] {strides = array<i32>} : memref<3x2x112xi32, #tpu.memory_space<vmem>>, vector<16xi32>,
        tpu.vector_store %arg6[%swap3A_2200, %swap3A_2201, %swap3A_2202], %add3A_1286 {strides = array<i32>} : memref<3x2x112xi32, #tpu.memory_space<vmem>>, vector<16xi32>,
        %swap3A_2204 = arith.constant 0 : i32
        %swap3A_2205 = arith.constant 0 : i32
        %swap3A_2206 = arith.index_cast %swap3A_2204 : i32 to index
        %swap3A_2207 = arith.index_cast %swap3A_2205 : i32 to index
        %swap3A_2208 = arith.constant 16 : index
        %swap3A_2209 = tpu.vector_load %arg6[%swap3A_2206, %swap3A_2207, %swap3A_2208] {strides = array<i32>} : memref<3x2x112xi32, #tpu.memory_space<vmem>>, vector<16xi32>,
        tpu.vector_store %arg6[%swap3A_2206, %swap3A_2207, %swap3A_2208], %add3A_1288 {strides = array<i32>} : memref<3x2x112xi32, #tpu.memory_space<vmem>>, vector<16xi32>,
        %swap3A_2210 = arith.constant 0 : i32
        %swap3A_2211 = arith.constant 0 : i32
        %swap3A_2212 = arith.index_cast %swap3A_2210 : i32 to index
        %swap3A_2213 = arith.index_cast %swap3A_2211 : i32 to index
        %swap3A_2214 = arith.constant 32 : index
        %swap3A_2215 = tpu.vector_load %arg6[%swap3A_2212, %swap3A_2213, %swap3A_2214] {strides = array<i32>} : memref<3x2x112xi32, #tpu.memory_space<vmem>>, vector<16xi32>,
        tpu.vector_store %arg6[%swap3A_2212, %swap3A_2213, %swap3A_2214], %add3A_1336 {strides = array<i32>} : memref<3x2x112xi32, #tpu.memory_space<vmem>>, vector<16xi32>,
        %swap3A_2216 = arith.constant 0 : i32
        %swap3A_2217 = arith.constant 0 : i32
        %swap3A_2218 = arith.index_cast %swap3A_2216 : i32 to index
        %swap3A_2219 = arith.index_cast %swap3A_2217 : i32 to index
        %swap3A_2220 = arith.constant 48 : index
        %swap3A_2221 = tpu.vector_load %arg6[%swap3A_2218, %swap3A_2219, %swap3A_2220] {strides = array<i32>} : memref<3x2x112xi32, #tpu.memory_space<vmem>>, vector<16xi32>,
        tpu.vector_store %arg6[%swap3A_2218, %swap3A_2219, %swap3A_2220], %add3A_1338 {strides = array<i32>} : memref<3x2x112xi32, #tpu.memory_space<vmem>>, vector<16xi32>,
        %swap3A_2222 = arith.constant 0 : i32
        %swap3A_2223 = arith.constant 0 : i32
        %swap3A_2224 = arith.index_cast %swap3A_2222 : i32 to index
        %swap3A_2225 = arith.index_cast %swap3A_2223 : i32 to index
        %swap3A_2226 = arith.constant 64 : index
        %swap3A_2227 = tpu.vector_load %arg6[%swap3A_2224, %swap3A_2225, %swap3A_2226] {strides = array<i32>} : memref<3x2x112xi32, #tpu.memory_space<vmem>>, vector<16xi32>,
        tpu.vector_store %arg6[%swap3A_2224, %swap3A_2225, %swap3A_2226], %add3A_1386 {strides = array<i32>} : memref<3x2x112xi32, #tpu.memory_space<vmem>>, vector<16xi32>,
        %swap3A_2228 = arith.constant 0 : i32
        %swap3A_2229 = arith.constant 0 : i32
        %swap3A_2230 = arith.index_cast %swap3A_2228 : i32 to index
        %swap3A_2231 = arith.index_cast %swap3A_2229 : i32 to index
        %swap3A_2232 = arith.constant 80 : index
        %swap3A_2233 = tpu.vector_load %arg6[%swap3A_2230, %swap3A_2231, %swap3A_2232] {strides = array<i32>} : memref<3x2x112xi32, #tpu.memory_space<vmem>>, vector<16xi32>,
        tpu.vector_store %arg6[%swap3A_2230, %swap3A_2231, %swap3A_2232], %add3A_1388 {strides = array<i32>} : memref<3x2x112xi32, #tpu.memory_space<vmem>>, vector<16xi32>,
        %swap3A_2234 = arith.constant 0 : i32
        %swap3A_2235 = arith.constant 0 : i32
        %swap3A_2236 = arith.index_cast %swap3A_2234 : i32 to index
        %swap3A_2237 = arith.index_cast %swap3A_2235 : i32 to index
        %swap3A_2238 = arith.constant 96 : index
        %swap3A_2239 = tpu.vector_load %arg6[%swap3A_2236, %swap3A_2237, %swap3A_2238] {strides = array<i32>} : memref<3x2x112xi32, #tpu.memory_space<vmem>>, vector<16xi32>,
        tpu.vector_store %arg6[%swap3A_2236, %swap3A_2237, %swap3A_2238], %add3A_1436 {strides = array<i32>} : memref<3x2x112xi32, #tpu.memory_space<vmem>>, vector<16xi32>,
        %swap3A_2240 = arith.constant 0 : i32
        %swap3A_2241 = arith.constant 1 : i32
        %swap3A_2242 = arith.index_cast %swap3A_2240 : i32 to index
        %swap3A_2243 = arith.index_cast %swap3A_2241 : i32 to index
        %swap3A_2244 = arith.constant 0 : index
        %swap3A_2245 = tpu.vector_load %arg6[%swap3A_2242, %swap3A_2243, %swap3A_2244] {strides = array<i32>} : memref<3x2x112xi32, #tpu.memory_space<vmem>>, vector<16xi32>,
        tpu.vector_store %arg6[%swap3A_2242, %swap3A_2243, %swap3A_2244], %add3A_1438 {strides = array<i32>} : memref<3x2x112xi32, #tpu.memory_space<vmem>>, vector<16xi32>,
        %swap3A_2246 = arith.constant 0 : i32
        %swap3A_2247 = arith.constant 1 : i32
        %swap3A_2248 = arith.index_cast %swap3A_2246 : i32 to index
        %swap3A_2249 = arith.index_cast %swap3A_2247 : i32 to index
        %swap3A_2250 = arith.constant 16 : index
        %swap3A_2251 = tpu.vector_load %arg6[%swap3A_2248, %swap3A_2249, %swap3A_2250] {strides = array<i32>} : memref<3x2x112xi32, #tpu.memory_space<vmem>>, vector<16xi32>,
        tpu.vector_store %arg6[%swap3A_2248, %swap3A_2249, %swap3A_2250], %add3A_1486 {strides = array<i32>} : memref<3x2x112xi32, #tpu.memory_space<vmem>>, vector<16xi32>,
        %swap3A_2252 = arith.constant 0 : i32
        %swap3A_2253 = arith.constant 1 : i32
        %swap3A_2254 = arith.index_cast %swap3A_2252 : i32 to index
        %swap3A_2255 = arith.index_cast %swap3A_2253 : i32 to index
        %swap3A_2256 = arith.constant 32 : index
        %swap3A_2257 = tpu.vector_load %arg6[%swap3A_2254, %swap3A_2255, %swap3A_2256] {strides = array<i32>} : memref<3x2x112xi32, #tpu.memory_space<vmem>>, vector<16xi32>,
        tpu.vector_store %arg6[%swap3A_2254, %swap3A_2255, %swap3A_2256], %add3A_1488 {strides = array<i32>} : memref<3x2x112xi32, #tpu.memory_space<vmem>>, vector<16xi32>,
        %swap3A_2258 = arith.constant 0 : i32
        %swap3A_2259 = arith.constant 1 : i32
        %swap3A_2260 = arith.index_cast %swap3A_2258 : i32 to index
        %swap3A_2261 = arith.index_cast %swap3A_2259 : i32 to index
        %swap3A_2262 = arith.constant 48 : index
        %swap3A_2263 = tpu.vector_load %arg6[%swap3A_2260, %swap3A_2261, %swap3A_2262] {strides = array<i32>} : memref<3x2x112xi32, #tpu.memory_space<vmem>>, vector<16xi32>,
        tpu.vector_store %arg6[%swap3A_2260, %swap3A_2261, %swap3A_2262], %add3A_1536 {strides = array<i32>} : memref<3x2x112xi32, #tpu.memory_space<vmem>>, vector<16xi32>,
        %swap3A_2264 = arith.constant 0 : i32
        %swap3A_2265 = arith.constant 1 : i32
        %swap3A_2266 = arith.index_cast %swap3A_2264 : i32 to index
        %swap3A_2267 = arith.index_cast %swap3A_2265 : i32 to index
        %swap3A_2268 = arith.constant 64 : index
        %swap3A_2269 = tpu.vector_load %arg6[%swap3A_2266, %swap3A_2267, %swap3A_2268] {strides = array<i32>} : memref<3x2x112xi32, #tpu.memory_space<vmem>>, vector<16xi32>,
        tpu.vector_store %arg6[%swap3A_2266, %swap3A_2267, %swap3A_2268], %add3A_1538 {strides = array<i32>} : memref<3x2x112xi32, #tpu.memory_space<vmem>>, vector<16xi32>,
        %swap3A_2270 = arith.constant 0 : i32
        %swap3A_2271 = arith.constant 1 : i32
        %swap3A_2272 = arith.index_cast %swap3A_2270 : i32 to index
        %swap3A_2273 = arith.index_cast %swap3A_2271 : i32 to index
        %swap3A_2274 = arith.constant 80 : index
        %swap3A_2275 = tpu.vector_load %arg6[%swap3A_2272, %swap3A_2273, %swap3A_2274] {strides = array<i32>} : memref<3x2x112xi32, #tpu.memory_space<vmem>>, vector<16xi32>,
        tpu.vector_store %arg6[%swap3A_2272, %swap3A_2273, %swap3A_2274], %add3A_1586 {strides = array<i32>} : memref<3x2x112xi32, #tpu.memory_space<vmem>>, vector<16xi32>,
        %swap3A_2276 = arith.constant 0 : i32
        %swap3A_2277 = arith.constant 1 : i32
        %swap3A_2278 = arith.index_cast %swap3A_2276 : i32 to index
        %swap3A_2279 = arith.index_cast %swap3A_2277 : i32 to index
        %swap3A_2280 = arith.constant 96 : index
        %swap3A_2281 = tpu.vector_load %arg6[%swap3A_2278, %swap3A_2279, %swap3A_2280] {strides = array<i32>} : memref<3x2x112xi32, #tpu.memory_space<vmem>>, vector<16xi32>,
        tpu.vector_store %arg6[%swap3A_2278, %swap3A_2279, %swap3A_2280], %add3A_1588 {strides = array<i32>} : memref<3x2x112xi32, #tpu.memory_space<vmem>>, vector<16xi32>,
        %dma_start3A_2282 = arith.constant 0 : i32
        %dma_start3A_2283 = arith.constant 0 : i32
        %dma_start3A_2284 = arith.constant 0 : i32
        %dma_start3A_2285 = arith.constant 0 : i32
        %dma_start3A_2286 = tpu.memref_slice %arg7[%dma_start3A_2284, %dma_start3A_2285] : memref<672x256xbf16, #tpu.memory_space<vmem>> -> memref<112x256xbf16, #tpu.memory_space<vmem>>
        %dma_start3A_2287 = arith.constant 0 : i32
        %dma_start3A_2288 = tpu.memref_slice %arg6[%dma_start3A_2282, %dma_start3A_2283, %dma_start3A_2287] : memref<3x2x112xi32, #tpu.memory_space<vmem>> -> memref<1x1x112xi32, #tpu.memory_space<vmem>>
        %dma_start3A_2289 = tpu.memref_squeeze %dma_start3A_2288 : memref<1x1x112xi32, #tpu.memory_space<vmem>> -> memref<112xi32, #tpu.memory_space<vmem>>
        %dma_start3A_2290 = arith.constant 0 : i32
        %dma_start3A_2291 = arith.constant 0 : i32
        %dma_start3A_2292 = tpu.memref_slice %arg2[%dma_start3A_2290, %dma_start3A_2291] : memref<32768x256xbf16, #tpu.memory_space<hbm>> -> memref<32768x256xbf16, #tpu.memory_space<hbm>>
        tpu.enqueue_indirect_dma source(%dma_start3A_2292 : memref<32768x256xbf16, #tpu.memory_space<hbm>>) target(%dma_start3A_2286 : memref<112x256xbf16, #tpu.memory_space<vmem>>) offsets(%dma_start3A_2289 : memref<112xi32, #tpu.memory_space<vmem>>) semaphore(%arg9 : memref<!tpu.dma_semaphore, #tpu.memory_space<semaphore_mem>>)
        %dma_start3A_2293 = arith.constant 0 : i32
        %dma_start3A_2294 = arith.constant 1 : i32
        %dma_start3A_2295 = arith.constant 112 : i32
        %dma_start3A_2296 = arith.constant 0 : i32
        %dma_start3A_2297 = tpu.memref_slice %arg7[%dma_start3A_2295, %dma_start3A_2296] : memref<672x256xbf16, #tpu.memory_space<vmem>> -> memref<112x256xbf16, #tpu.memory_space<vmem>>
        %dma_start3A_2298 = arith.constant 0 : i32
        %dma_start3A_2299 = tpu.memref_slice %arg6[%dma_start3A_2293, %dma_start3A_2294, %dma_start3A_2298] : memref<3x2x112xi32, #tpu.memory_space<vmem>> -> memref<1x1x112xi32, #tpu.memory_space<vmem>>
        %dma_start3A_2300 = tpu.memref_squeeze %dma_start3A_2299 : memref<1x1x112xi32, #tpu.memory_space<vmem>> -> memref<112xi32, #tpu.memory_space<vmem>>
        %dma_start3A_2301 = arith.constant 0 : i32
        %dma_start3A_2302 = arith.constant 0 : i32
        %dma_start3A_2303 = tpu.memref_slice %arg2[%dma_start3A_2301, %dma_start3A_2302] : memref<32768x256xbf16, #tpu.memory_space<hbm>> -> memref<32768x256xbf16, #tpu.memory_space<hbm>>
        tpu.enqueue_indirect_dma source(%dma_start3A_2303 : memref<32768x256xbf16, #tpu.memory_space<hbm>>) target(%dma_start3A_2297 : memref<112x256xbf16, #tpu.memory_space<vmem>>) offsets(%dma_start3A_2300 : memref<112xi32, #tpu.memory_space<vmem>>) semaphore(%arg9 : memref<!tpu.dma_semaphore, #tpu.memory_space<semaphore_mem>>)
      } else {
      }
      %eq3A_1603 = arith.constant 2 : i32
      %eq3A_1604 = arith.cmpi eq, %select_n3A_1062, %eq3A_1603 : i32
      %and3A_1605 = arith.andi %lt3A_1590, %eq3A_1604 : i1
      %convert_element_type3A_1606 = arith.extui %and3A_1605 : i1 to i32
      %cond3A_1607 = arith.constant 0 : i32
      %cond3A_1608 = arith.cmpi ne, %convert_element_type3A_1606, %cond3A_1607 : i32
      scf.if %cond3A_1608 {
        %swap3A_2198 = arith.constant 1 : i32
        %swap3A_2199 = arith.constant 0 : i32
        %swap3A_2200 = arith.index_cast %swap3A_2198 : i32 to index
        %swap3A_2201 = arith.index_cast %swap3A_2199 : i32 to index
        %swap3A_2202 = arith.constant 0 : index
        %swap3A_2203 = tpu.vector_load %arg6[%swap3A_2200, %swap3A_2201, %swap3A_2202] {strides = array<i32>} : memref<3x2x112xi32, #tpu.memory_space<vmem>>, vector<16xi32>,
        tpu.vector_store %arg6[%swap3A_2200, %swap3A_2201, %swap3A_2202], %add3A_1286 {strides = array<i32>} : memref<3x2x112xi32, #tpu.memory_space<vmem>>, vector<16xi32>,
        %swap3A_2204 = arith.constant 1 : i32
        %swap3A_2205 = arith.constant 0 : i32
        %swap3A_2206 = arith.index_cast %swap3A_2204 : i32 to index
        %swap3A_2207 = arith.index_cast %swap3A_2205 : i32 to index
        %swap3A_2208 = arith.constant 16 : index
        %swap3A_2209 = tpu.vector_load %arg6[%swap3A_2206, %swap3A_2207, %swap3A_2208] {strides = array<i32>} : memref<3x2x112xi32, #tpu.memory_space<vmem>>, vector<16xi32>,
        tpu.vector_store %arg6[%swap3A_2206, %swap3A_2207, %swap3A_2208], %add3A_1288 {strides = array<i32>} : memref<3x2x112xi32, #tpu.memory_space<vmem>>, vector<16xi32>,
        %swap3A_2210 = arith.constant 1 : i32
        %swap3A_2211 = arith.constant 0 : i32
        %swap3A_2212 = arith.index_cast %swap3A_2210 : i32 to index
        %swap3A_2213 = arith.index_cast %swap3A_2211 : i32 to index
        %swap3A_2214 = arith.constant 32 : index
        %swap3A_2215 = tpu.vector_load %arg6[%swap3A_2212, %swap3A_2213, %swap3A_2214] {strides = array<i32>} : memref<3x2x112xi32, #tpu.memory_space<vmem>>, vector<16xi32>,
        tpu.vector_store %arg6[%swap3A_2212, %swap3A_2213, %swap3A_2214], %add3A_1336 {strides = array<i32>} : memref<3x2x112xi32, #tpu.memory_space<vmem>>, vector<16xi32>,
        %swap3A_2216 = arith.constant 1 : i32
        %swap3A_2217 = arith.constant 0 : i32
        %swap3A_2218 = arith.index_cast %swap3A_2216 : i32 to index
        %swap3A_2219 = arith.index_cast %swap3A_2217 : i32 to index
        %swap3A_2220 = arith.constant 48 : index
        %swap3A_2221 = tpu.vector_load %arg6[%swap3A_2218, %swap3A_2219, %swap3A_2220] {strides = array<i32>} : memref<3x2x112xi32, #tpu.memory_space<vmem>>, vector<16xi32>,
        tpu.vector_store %arg6[%swap3A_2218, %swap3A_2219, %swap3A_2220], %add3A_1338 {strides = array<i32>} : memref<3x2x112xi32, #tpu.memory_space<vmem>>, vector<16xi32>,
        %swap3A_2222 = arith.constant 1 : i32
        %swap3A_2223 = arith.constant 0 : i32
        %swap3A_2224 = arith.index_cast %swap3A_2222 : i32 to index
        %swap3A_2225 = arith.index_cast %swap3A_2223 : i32 to index
        %swap3A_2226 = arith.constant 64 : index
        %swap3A_2227 = tpu.vector_load %arg6[%swap3A_2224, %swap3A_2225, %swap3A_2226] {strides = array<i32>} : memref<3x2x112xi32, #tpu.memory_space<vmem>>, vector<16xi32>,
        tpu.vector_store %arg6[%swap3A_2224, %swap3A_2225, %swap3A_2226], %add3A_1386 {strides = array<i32>} : memref<3x2x112xi32, #tpu.memory_space<vmem>>, vector<16xi32>,
        %swap3A_2228 = arith.constant 1 : i32
        %swap3A_2229 = arith.constant 0 : i32
        %swap3A_2230 = arith.index_cast %swap3A_2228 : i32 to index
        %swap3A_2231 = arith.index_cast %swap3A_2229 : i32 to index
        %swap3A_2232 = arith.constant 80 : index
        %swap3A_2233 = tpu.vector_load %arg6[%swap3A_2230, %swap3A_2231, %swap3A_2232] {strides = array<i32>} : memref<3x2x112xi32, #tpu.memory_space<vmem>>, vector<16xi32>,
        tpu.vector_store %arg6[%swap3A_2230, %swap3A_2231, %swap3A_2232], %add3A_1388 {strides = array<i32>} : memref<3x2x112xi32, #tpu.memory_space<vmem>>, vector<16xi32>,
        %swap3A_2234 = arith.constant 1 : i32
        %swap3A_2235 = arith.constant 0 : i32
        %swap3A_2236 = arith.index_cast %swap3A_2234 : i32 to index
        %swap3A_2237 = arith.index_cast %swap3A_2235 : i32 to index
        %swap3A_2238 = arith.constant 96 : index
        %swap3A_2239 = tpu.vector_load %arg6[%swap3A_2236, %swap3A_2237, %swap3A_2238] {strides = array<i32>} : memref<3x2x112xi32, #tpu.memory_space<vmem>>, vector<16xi32>,
        tpu.vector_store %arg6[%swap3A_2236, %swap3A_2237, %swap3A_2238], %add3A_1436 {strides = array<i32>} : memref<3x2x112xi32, #tpu.memory_space<vmem>>, vector<16xi32>,
        %swap3A_2240 = arith.constant 1 : i32
        %swap3A_2241 = arith.constant 1 : i32
        %swap3A_2242 = arith.index_cast %swap3A_2240 : i32 to index
        %swap3A_2243 = arith.index_cast %swap3A_2241 : i32 to index
        %swap3A_2244 = arith.constant 0 : index
        %swap3A_2245 = tpu.vector_load %arg6[%swap3A_2242, %swap3A_2243, %swap3A_2244] {strides = array<i32>} : memref<3x2x112xi32, #tpu.memory_space<vmem>>, vector<16xi32>,
        tpu.vector_store %arg6[%swap3A_2242, %swap3A_2243, %swap3A_2244], %add3A_1438 {strides = array<i32>} : memref<3x2x112xi32, #tpu.memory_space<vmem>>, vector<16xi32>,
        %swap3A_2246 = arith.constant 1 : i32
        %swap3A_2247 = arith.constant 1 : i32
        %swap3A_2248 = arith.index_cast %swap3A_2246 : i32 to index
        %swap3A_2249 = arith.index_cast %swap3A_2247 : i32 to index
        %swap3A_2250 = arith.constant 16 : index
        %swap3A_2251 = tpu.vector_load %arg6[%swap3A_2248, %swap3A_2249, %swap3A_2250] {strides = array<i32>} : memref<3x2x112xi32, #tpu.memory_space<vmem>>, vector<16xi32>,
        tpu.vector_store %arg6[%swap3A_2248, %swap3A_2249, %swap3A_2250], %add3A_1486 {strides = array<i32>} : memref<3x2x112xi32, #tpu.memory_space<vmem>>, vector<16xi32>,
        %swap3A_2252 = arith.constant 1 : i32
        %swap3A_2253 = arith.constant 1 : i32
        %swap3A_2254 = arith.index_cast %swap3A_2252 : i32 to index
        %swap3A_2255 = arith.index_cast %swap3A_2253 : i32 to index
        %swap3A_2256 = arith.constant 32 : index
        %swap3A_2257 = tpu.vector_load %arg6[%swap3A_2254, %swap3A_2255, %swap3A_2256] {strides = array<i32>} : memref<3x2x112xi32, #tpu.memory_space<vmem>>, vector<16xi32>,
        tpu.vector_store %arg6[%swap3A_2254, %swap3A_2255, %swap3A_2256], %add3A_1488 {strides = array<i32>} : memref<3x2x112xi32, #tpu.memory_space<vmem>>, vector<16xi32>,
        %swap3A_2258 = arith.constant 1 : i32
        %swap3A_2259 = arith.constant 1 : i32
        %swap3A_2260 = arith.index_cast %swap3A_2258 : i32 to index
        %swap3A_2261 = arith.index_cast %swap3A_2259 : i32 to index
        %swap3A_2262 = arith.constant 48 : index
        %swap3A_2263 = tpu.vector_load %arg6[%swap3A_2260, %swap3A_2261, %swap3A_2262] {strides = array<i32>} : memref<3x2x112xi32, #tpu.memory_space<vmem>>, vector<16xi32>,
        tpu.vector_store %arg6[%swap3A_2260, %swap3A_2261, %swap3A_2262], %add3A_1536 {strides = array<i32>} : memref<3x2x112xi32, #tpu.memory_space<vmem>>, vector<16xi32>,
        %swap3A_2264 = arith.constant 1 : i32
        %swap3A_2265 = arith.constant 1 : i32
        %swap3A_2266 = arith.index_cast %swap3A_2264 : i32 to index
        %swap3A_2267 = arith.index_cast %swap3A_2265 : i32 to index
        %swap3A_2268 = arith.constant 64 : index
        %swap3A_2269 = tpu.vector_load %arg6[%swap3A_2266, %swap3A_2267, %swap3A_2268] {strides = array<i32>} : memref<3x2x112xi32, #tpu.memory_space<vmem>>, vector<16xi32>,
        tpu.vector_store %arg6[%swap3A_2266, %swap3A_2267, %swap3A_2268], %add3A_1538 {strides = array<i32>} : memref<3x2x112xi32, #tpu.memory_space<vmem>>, vector<16xi32>,
        %swap3A_2270 = arith.constant 1 : i32
        %swap3A_2271 = arith.constant 1 : i32
        %swap3A_2272 = arith.index_cast %swap3A_2270 : i32 to index
        %swap3A_2273 = arith.index_cast %swap3A_2271 : i32 to index
        %swap3A_2274 = arith.constant 80 : index
        %swap3A_2275 = tpu.vector_load %arg6[%swap3A_2272, %swap3A_2273, %swap3A_2274] {strides = array<i32>} : memref<3x2x112xi32, #tpu.memory_space<vmem>>, vector<16xi32>,
        tpu.vector_store %arg6[%swap3A_2272, %swap3A_2273, %swap3A_2274], %add3A_1586 {strides = array<i32>} : memref<3x2x112xi32, #tpu.memory_space<vmem>>, vector<16xi32>,
        %swap3A_2276 = arith.constant 1 : i32
        %swap3A_2277 = arith.constant 1 : i32
        %swap3A_2278 = arith.index_cast %swap3A_2276 : i32 to index
        %swap3A_2279 = arith.index_cast %swap3A_2277 : i32 to index
        %swap3A_2280 = arith.constant 96 : index
        %swap3A_2281 = tpu.vector_load %arg6[%swap3A_2278, %swap3A_2279, %swap3A_2280] {strides = array<i32>} : memref<3x2x112xi32, #tpu.memory_space<vmem>>, vector<16xi32>,
        tpu.vector_store %arg6[%swap3A_2278, %swap3A_2279, %swap3A_2280], %add3A_1588 {strides = array<i32>} : memref<3x2x112xi32, #tpu.memory_space<vmem>>, vector<16xi32>,
        %dma_start3A_2282 = arith.constant 1 : i32
        %dma_start3A_2283 = arith.constant 0 : i32
        %dma_start3A_2284 = arith.constant 224 : i32
        %dma_start3A_2285 = arith.constant 0 : i32
        %dma_start3A_2286 = tpu.memref_slice %arg7[%dma_start3A_2284, %dma_start3A_2285] : memref<672x256xbf16, #tpu.memory_space<vmem>> -> memref<112x256xbf16, #tpu.memory_space<vmem>>
        %dma_start3A_2287 = arith.constant 0 : i32
        %dma_start3A_2288 = tpu.memref_slice %arg6[%dma_start3A_2282, %dma_start3A_2283, %dma_start3A_2287] : memref<3x2x112xi32, #tpu.memory_space<vmem>> -> memref<1x1x112xi32, #tpu.memory_space<vmem>>
        %dma_start3A_2289 = tpu.memref_squeeze %dma_start3A_2288 : memref<1x1x112xi32, #tpu.memory_space<vmem>> -> memref<112xi32, #tpu.memory_space<vmem>>
        %dma_start3A_2290 = arith.constant 0 : i32
        %dma_start3A_2291 = arith.constant 0 : i32
        %dma_start3A_2292 = tpu.memref_slice %arg2[%dma_start3A_2290, %dma_start3A_2291] : memref<32768x256xbf16, #tpu.memory_space<hbm>> -> memref<32768x256xbf16, #tpu.memory_space<hbm>>
        tpu.enqueue_indirect_dma source(%dma_start3A_2292 : memref<32768x256xbf16, #tpu.memory_space<hbm>>) target(%dma_start3A_2286 : memref<112x256xbf16, #tpu.memory_space<vmem>>) offsets(%dma_start3A_2289 : memref<112xi32, #tpu.memory_space<vmem>>) semaphore(%arg10 : memref<!tpu.dma_semaphore, #tpu.memory_space<semaphore_mem>>)
        %dma_start3A_2293 = arith.constant 1 : i32
        %dma_start3A_2294 = arith.constant 1 : i32
        %dma_start3A_2295 = arith.constant 336 : i32
        %dma_start3A_2296 = arith.constant 0 : i32
        %dma_start3A_2297 = tpu.memref_slice %arg7[%dma_start3A_2295, %dma_start3A_2296] : memref<672x256xbf16, #tpu.memory_space<vmem>> -> memref<112x256xbf16, #tpu.memory_space<vmem>>
        %dma_start3A_2298 = arith.constant 0 : i32
        %dma_start3A_2299 = tpu.memref_slice %arg6[%dma_start3A_2293, %dma_start3A_2294, %dma_start3A_2298] : memref<3x2x112xi32, #tpu.memory_space<vmem>> -> memref<1x1x112xi32, #tpu.memory_space<vmem>>
        %dma_start3A_2300 = tpu.memref_squeeze %dma_start3A_2299 : memref<1x1x112xi32, #tpu.memory_space<vmem>> -> memref<112xi32, #tpu.memory_space<vmem>>
        %dma_start3A_2301 = arith.constant 0 : i32
        %dma_start3A_2302 = arith.constant 0 : i32
        %dma_start3A_2303 = tpu.memref_slice %arg2[%dma_start3A_2301, %dma_start3A_2302] : memref<32768x256xbf16, #tpu.memory_space<hbm>> -> memref<32768x256xbf16, #tpu.memory_space<hbm>>
        tpu.enqueue_indirect_dma source(%dma_start3A_2303 : memref<32768x256xbf16, #tpu.memory_space<hbm>>) target(%dma_start3A_2297 : memref<112x256xbf16, #tpu.memory_space<vmem>>) offsets(%dma_start3A_2300 : memref<112xi32, #tpu.memory_space<vmem>>) semaphore(%arg10 : memref<!tpu.dma_semaphore, #tpu.memory_space<semaphore_mem>>)
      } else {
      }
      %eq3A_1609 = arith.constant 0 : i32
      %eq3A_1610 = arith.cmpi eq, %select_n3A_1062, %eq3A_1609 : i32
      %convert_element_type3A_1611 = arith.extui %eq3A_1610 : i1 to i32
      %cond3A_1612 = arith.constant 0 : i32
      %cond3A_1613 = arith.cmpi ne, %convert_element_type3A_1611, %cond3A_1612 : i32
      scf.if %cond3A_1613 {
        %dma_wait3A_2198 = arith.constant 0 : i32
        %dma_wait3A_2199 = arith.constant 0 : i32
        %dma_wait3A_2200 = arith.constant 0 : i32
        %dma_wait3A_2201 = arith.constant 0 : i32
        %dma_wait3A_2202 = tpu.memref_slice %arg7[%dma_wait3A_2200, %dma_wait3A_2201] : memref<672x256xbf16, #tpu.memory_space<vmem>> -> memref<112x256xbf16, #tpu.memory_space<vmem>>
        %dma_wait3A_2203 = arith.constant 0 : i32
        %dma_wait3A_2204 = tpu.memref_slice %arg6[%dma_wait3A_2198, %dma_wait3A_2199, %dma_wait3A_2203] : memref<3x2x112xi32, #tpu.memory_space<vmem>> -> memref<1x1x112xi32, #tpu.memory_space<vmem>>
        %dma_wait3A_2205 = tpu.memref_squeeze %dma_wait3A_2204 : memref<1x1x112xi32, #tpu.memory_space<vmem>> -> memref<112xi32, #tpu.memory_space<vmem>>
        %dma_wait3A_2206 = arith.constant 0 : i32
        %dma_wait3A_2207 = arith.constant 0 : i32
        %dma_wait3A_2208 = tpu.memref_slice %arg2[%dma_wait3A_2206, %dma_wait3A_2207] : memref<32768x256xbf16, #tpu.memory_space<hbm>> -> memref<32768x256xbf16, #tpu.memory_space<hbm>>
        tpu.wait_indirect_dma semaphore(%arg9 : memref<!tpu.dma_semaphore, #tpu.memory_space<semaphore_mem>>) src(%dma_wait3A_2208 : memref<32768x256xbf16, #tpu.memory_space<hbm>>) dst(%dma_wait3A_2202 : memref<112x256xbf16, #tpu.memory_space<vmem>>)
        %dma_wait3A_2209 = arith.constant 0 : i32
        %dma_wait3A_2210 = arith.constant 1 : i32
        %dma_wait3A_2211 = arith.constant 112 : i32
        %dma_wait3A_2212 = arith.constant 0 : i32
        %dma_wait3A_2213 = tpu.memref_slice %arg7[%dma_wait3A_2211, %dma_wait3A_2212] : memref<672x256xbf16, #tpu.memory_space<vmem>> -> memref<112x256xbf16, #tpu.memory_space<vmem>>
        %dma_wait3A_2214 = arith.constant 0 : i32
        %dma_wait3A_2215 = tpu.memref_slice %arg6[%dma_wait3A_2209, %dma_wait3A_2210, %dma_wait3A_2214] : memref<3x2x112xi32, #tpu.memory_space<vmem>> -> memref<1x1x112xi32, #tpu.memory_space<vmem>>
        %dma_wait3A_2216 = tpu.memref_squeeze %dma_wait3A_2215 : memref<1x1x112xi32, #tpu.memory_space<vmem>> -> memref<112xi32, #tpu.memory_space<vmem>>
        %dma_wait3A_2217 = arith.constant 0 : i32
        %dma_wait3A_2218 = arith.constant 0 : i32
        %dma_wait3A_2219 = tpu.memref_slice %arg2[%dma_wait3A_2217, %dma_wait3A_2218] : memref<32768x256xbf16, #tpu.memory_space<hbm>> -> memref<32768x256xbf16, #tpu.memory_space<hbm>>
        tpu.wait_indirect_dma semaphore(%arg9 : memref<!tpu.dma_semaphore, #tpu.memory_space<semaphore_mem>>) src(%dma_wait3A_2219 : memref<32768x256xbf16, #tpu.memory_space<hbm>>) dst(%dma_wait3A_2213 : memref<112x256xbf16, #tpu.memory_space<vmem>>)
      } else {
      }
      %eq3A_1614 = arith.constant 1 : i32
      %eq3A_1615 = arith.cmpi eq, %select_n3A_1062, %eq3A_1614 : i32
      %convert_element_type3A_1616 = arith.extui %eq3A_1615 : i1 to i32
      %cond3A_1617 = arith.constant 0 : i32
      %cond3A_1618 = arith.cmpi ne, %convert_element_type3A_1616, %cond3A_1617 : i32
      scf.if %cond3A_1618 {
        %dma_wait3A_2198 = arith.constant 1 : i32
        %dma_wait3A_2199 = arith.constant 0 : i32
        %dma_wait3A_2200 = arith.constant 224 : i32
        %dma_wait3A_2201 = arith.constant 0 : i32
        %dma_wait3A_2202 = tpu.memref_slice %arg7[%dma_wait3A_2200, %dma_wait3A_2201] : memref<672x256xbf16, #tpu.memory_space<vmem>> -> memref<112x256xbf16, #tpu.memory_space<vmem>>
        %dma_wait3A_2203 = arith.constant 0 : i32
        %dma_wait3A_2204 = tpu.memref_slice %arg6[%dma_wait3A_2198, %dma_wait3A_2199, %dma_wait3A_2203] : memref<3x2x112xi32, #tpu.memory_space<vmem>> -> memref<1x1x112xi32, #tpu.memory_space<vmem>>
        %dma_wait3A_2205 = tpu.memref_squeeze %dma_wait3A_2204 : memref<1x1x112xi32, #tpu.memory_space<vmem>> -> memref<112xi32, #tpu.memory_space<vmem>>
        %dma_wait3A_2206 = arith.constant 0 : i32
        %dma_wait3A_2207 = arith.constant 0 : i32
        %dma_wait3A_2208 = tpu.memref_slice %arg2[%dma_wait3A_2206, %dma_wait3A_2207] : memref<32768x256xbf16, #tpu.memory_space<hbm>> -> memref<32768x256xbf16, #tpu.memory_space<hbm>>
        tpu.wait_indirect_dma semaphore(%arg10 : memref<!tpu.dma_semaphore, #tpu.memory_space<semaphore_mem>>) src(%dma_wait3A_2208 : memref<32768x256xbf16, #tpu.memory_space<hbm>>) dst(%dma_wait3A_2202 : memref<112x256xbf16, #tpu.memory_space<vmem>>)
        %dma_wait3A_2209 = arith.constant 1 : i32
        %dma_wait3A_2210 = arith.constant 1 : i32
        %dma_wait3A_2211 = arith.constant 336 : i32
        %dma_wait3A_2212 = arith.constant 0 : i32
        %dma_wait3A_2213 = tpu.memref_slice %arg7[%dma_wait3A_2211, %dma_wait3A_2212] : memref<672x256xbf16, #tpu.memory_space<vmem>> -> memref<112x256xbf16, #tpu.memory_space<vmem>>
        %dma_wait3A_2214 = arith.constant 0 : i32
        %dma_wait3A_2215 = tpu.memref_slice %arg6[%dma_wait3A_2209, %dma_wait3A_2210, %dma_wait3A_2214] : memref<3x2x112xi32, #tpu.memory_space<vmem>> -> memref<1x1x112xi32, #tpu.memory_space<vmem>>
        %dma_wait3A_2216 = tpu.memref_squeeze %dma_wait3A_2215 : memref<1x1x112xi32, #tpu.memory_space<vmem>> -> memref<112xi32, #tpu.memory_space<vmem>>
        %dma_wait3A_2217 = arith.constant 0 : i32
        %dma_wait3A_2218 = arith.constant 0 : i32
        %dma_wait3A_2219 = tpu.memref_slice %arg2[%dma_wait3A_2217, %dma_wait3A_2218] : memref<32768x256xbf16, #tpu.memory_space<hbm>> -> memref<32768x256xbf16, #tpu.memory_space<hbm>>
        tpu.wait_indirect_dma semaphore(%arg10 : memref<!tpu.dma_semaphore, #tpu.memory_space<semaphore_mem>>) src(%dma_wait3A_2219 : memref<32768x256xbf16, #tpu.memory_space<hbm>>) dst(%dma_wait3A_2213 : memref<112x256xbf16, #tpu.memory_space<vmem>>)
      } else {
      }
      %eq3A_1619 = arith.constant 2 : i32
      %eq3A_1620 = arith.cmpi eq, %select_n3A_1062, %eq3A_1619 : i32
      %convert_element_type3A_1621 = arith.extui %eq3A_1620 : i1 to i32
      %cond3A_1622 = arith.constant 0 : i32
      %cond3A_1623 = arith.cmpi ne, %convert_element_type3A_1621, %cond3A_1622 : i32
      scf.if %cond3A_1623 {
        %dma_wait3A_2198 = arith.constant 2 : i32
        %dma_wait3A_2199 = arith.constant 0 : i32
        %dma_wait3A_2200 = arith.constant 448 : i32
        %dma_wait3A_2201 = arith.constant 0 : i32
        %dma_wait3A_2202 = tpu.memref_slice %arg7[%dma_wait3A_2200, %dma_wait3A_2201] : memref<672x256xbf16, #tpu.memory_space<vmem>> -> memref<112x256xbf16, #tpu.memory_space<vmem>>
        %dma_wait3A_2203 = arith.constant 0 : i32
        %dma_wait3A_2204 = tpu.memref_slice %arg6[%dma_wait3A_2198, %dma_wait3A_2199, %dma_wait3A_2203] : memref<3x2x112xi32, #tpu.memory_space<vmem>> -> memref<1x1x112xi32, #tpu.memory_space<vmem>>
        %dma_wait3A_2205 = tpu.memref_squeeze %dma_wait3A_2204 : memref<1x1x112xi32, #tpu.memory_space<vmem>> -> memref<112xi32, #tpu.memory_space<vmem>>
        %dma_wait3A_2206 = arith.constant 0 : i32
        %dma_wait3A_2207 = arith.constant 0 : i32
        %dma_wait3A_2208 = tpu.memref_slice %arg2[%dma_wait3A_2206, %dma_wait3A_2207] : memref<32768x256xbf16, #tpu.memory_space<hbm>> -> memref<32768x256xbf16, #tpu.memory_space<hbm>>
        tpu.wait_indirect_dma semaphore(%arg11 : memref<!tpu.dma_semaphore, #tpu.memory_space<semaphore_mem>>) src(%dma_wait3A_2208 : memref<32768x256xbf16, #tpu.memory_space<hbm>>) dst(%dma_wait3A_2202 : memref<112x256xbf16, #tpu.memory_space<vmem>>)
        %dma_wait3A_2209 = arith.constant 2 : i32
        %dma_wait3A_2210 = arith.constant 1 : i32
        %dma_wait3A_2211 = arith.constant 560 : i32
        %dma_wait3A_2212 = arith.constant 0 : i32
        %dma_wait3A_2213 = tpu.memref_slice %arg7[%dma_wait3A_2211, %dma_wait3A_2212] : memref<672x256xbf16, #tpu.memory_space<vmem>> -> memref<112x256xbf16, #tpu.memory_space<vmem>>
        %dma_wait3A_2214 = arith.constant 0 : i32
        %dma_wait3A_2215 = tpu.memref_slice %arg6[%dma_wait3A_2209, %dma_wait3A_2210, %dma_wait3A_2214] : memref<3x2x112xi32, #tpu.memory_space<vmem>> -> memref<1x1x112xi32, #tpu.memory_space<vmem>>
        %dma_wait3A_2216 = tpu.memref_squeeze %dma_wait3A_2215 : memref<1x1x112xi32, #tpu.memory_space<vmem>> -> memref<112xi32, #tpu.memory_space<vmem>>
        %dma_wait3A_2217 = arith.constant 0 : i32
        %dma_wait3A_2218 = arith.constant 0 : i32
        %dma_wait3A_2219 = tpu.memref_slice %arg2[%dma_wait3A_2217, %dma_wait3A_2218] : memref<32768x256xbf16, #tpu.memory_space<hbm>> -> memref<32768x256xbf16, #tpu.memory_space<hbm>>
        tpu.wait_indirect_dma semaphore(%arg11 : memref<!tpu.dma_semaphore, #tpu.memory_space<semaphore_mem>>) src(%dma_wait3A_2219 : memref<32768x256xbf16, #tpu.memory_space<hbm>>) dst(%dma_wait3A_2213 : memref<112x256xbf16, #tpu.memory_space<vmem>>)
      } else {
      }
      %jit3A_1624 = arith.constant 4 : i32
      %div3A_1625 = arith.divsi %scan3A_1030, %jit3A_1624 : i32
      %sign3A_1626 = arith.constant 0 : i32
      %sign3A_1627 = arith.cmpi sgt, %scan3A_1030, %sign3A_1626 : i32
      %sign3A_1628 = arith.extui %sign3A_1627 : i1 to i32
      %sign3A_1629 = arith.constant 0 : i32
      %sign3A_1630 = arith.cmpi slt, %scan3A_1030, %sign3A_1629 : i32
      %sign3A_1631 = arith.extui %sign3A_1630 : i1 to i32
      %sign3A_1632 = arith.subi %sign3A_1628, %sign3A_1631 : i32
      %sign3A_1633 = arith.constant 0 : i32
      %sign3A_1634 = arith.cmpi sgt, %jit3A_1624, %sign3A_1633 : i32
      %sign3A_1635 = arith.extui %sign3A_1634 : i1 to i32
      %sign3A_1636 = arith.constant 0 : i32
      %sign3A_1637 = arith.cmpi slt, %jit3A_1624, %sign3A_1636 : i32
      %sign3A_1638 = arith.extui %sign3A_1637 : i1 to i32
      %sign3A_1639 = arith.subi %sign3A_1635, %sign3A_1638 : i32
      %ne3A_1640 = arith.cmpi ne, %sign3A_1632, %sign3A_1639 : i32
      %rem3A_1641 = arith.remsi %scan3A_1030, %jit3A_1624 : i32
      %ne3A_1642 = arith.constant 0 : i32
      %ne3A_1643 = arith.cmpi ne, %rem3A_1641, %ne3A_1642 : i32
      %and3A_1644 = arith.andi %ne3A_1640, %ne3A_1643 : i1
      %sub3A_1645 = arith.constant 1 : i32
      %sub3A_1646 = arith.subi %div3A_1625, %sub3A_1645 : i32
      %select_n3A_1647 = arith.select %and3A_1644, %sub3A_1646, %div3A_1625 : i32
      %jit3A_1648 = arith.constant 4 : i32
      %eq3A_1649 = arith.constant 0 : i32
      %eq3A_1650 = arith.cmpi eq, %jit3A_1648, %eq3A_1649 : i32
      %jit3A_1651 = arith.constant 1 : i32
      %select_n3A_1652 = arith.select %eq3A_1650, %jit3A_1651, %jit3A_1648 : i32
      %rem3A_1653 = arith.remsi %scan3A_1030, %select_n3A_1652 : i32
      %ne3A_1654 = arith.constant 0 : i32
      %ne3A_1655 = arith.cmpi ne, %rem3A_1653, %ne3A_1654 : i32
      %lt3A_1656 = arith.constant 0 : i32
      %lt3A_1657 = arith.cmpi slt, %rem3A_1653, %lt3A_1656 : i32
      %lt3A_1658 = arith.constant 0 : i32
      %lt3A_1659 = arith.cmpi slt, %select_n3A_1652, %lt3A_1658 : i32
      %ne3A_1660 = arith.xori %lt3A_1657, %lt3A_1659 : i1
      %and3A_1661 = arith.andi %ne3A_1660, %ne3A_1655 : i1
      %add3A_1662 = arith.addi %rem3A_1653, %select_n3A_1652 : i32
      %select_n3A_1663 = arith.select %and3A_1661, %add3A_1662, %rem3A_1653 : i32
      %mul3A_1664 = arith.constant 16 : i32
      %mul3A_1665 = arith.muli %select_n3A_1647, %mul3A_1664 : i32
      %add3A_1666 = arith.addi %mul3A_32, %mul3A_1665 : i32
      %convert_element_type3A_1667 = arith.sitofp %add3A_1666 : i32 to f32
      %add3A_1668 = vector.broadcast %convert_element_type3A_1667 : f32 to vector<16xf32>
      %add3A_1669 = arith.addf %add3A_1668, %convert_element_type3A : vector<16xf32>
      %mul3A_1670 = arith.constant 4 : i32
      %mul3A_1671 = arith.muli %select_n3A, %mul3A_1670 : i32
      %add3A_1672 = arith.addi %mul3A_1671, %select_n3A_1663 : i32
      %mul3A_1673 = arith.constant 4096 : i32
      %mul3A_1674 = arith.muli %add3A_1672, %mul3A_1673 : i32
      %mul3A_1675 = arith.constant 7 : i32
      %mul3A_1676 = arith.muli %select_n3A_1663, %mul3A_1675 : i32
      %add3A_1677 = arith.constant 28 : i32
      %add3A_1678 = arith.addi %add3A_1677, %mul3A_1676 : i32
      %add3A_1679 = arith.constant 0 : i32
      %add3A_1680 = arith.addi %add3A_1678, %add3A_1679 : i32
      %mul3A_1681 = arith.constant 16 : i32
      %mul3A_1682 = arith.muli %select_n3A_1647, %mul3A_1681 : i32
      %get3A_1683 = arith.index_cast %add3A_1680 : i32 to index
      %get3A_1684 = arith.index_cast %mul3A_1682 : i32 to index
      %get3A_1685 = tpu.vector_load %arg5[%get3A_1683, %get3A_1684] {strides = array<i32>} : memref<56x256xf32, #tpu.memory_space<vmem>>, vector<16xf32>,
      %mul3A_1686 = arith.constant 7 : i32
      %mul3A_1687 = arith.muli %select_n3A_1663, %mul3A_1686 : i32
      %add3A_1688 = arith.constant 28 : i32
      %add3A_1689 = arith.addi %add3A_1688, %mul3A_1687 : i32
      %add3A_1690 = arith.constant 1 : i32
      %add3A_1691 = arith.addi %add3A_1689, %add3A_1690 : i32
      %mul3A_1692 = arith.constant 16 : i32
      %mul3A_1693 = arith.muli %select_n3A_1647, %mul3A_1692 : i32
      %get3A_1694 = arith.index_cast %add3A_1691 : i32 to index
      %get3A_1695 = arith.index_cast %mul3A_1693 : i32 to index
      %get3A_1696 = tpu.vector_load %arg5[%get3A_1694, %get3A_1695] {strides = array<i32>} : memref<56x256xf32, #tpu.memory_space<vmem>>, vector<16xf32>,
      %mul3A_1697 = arith.constant 7 : i32
      %mul3A_1698 = arith.muli %select_n3A_1663, %mul3A_1697 : i32
      %add3A_1699 = arith.constant 28 : i32
      %add3A_1700 = arith.addi %add3A_1699, %mul3A_1698 : i32
      %add3A_1701 = arith.constant 2 : i32
      %add3A_1702 = arith.addi %add3A_1700, %add3A_1701 : i32
      %mul3A_1703 = arith.constant 16 : i32
      %mul3A_1704 = arith.muli %select_n3A_1647, %mul3A_1703 : i32
      %get3A_1705 = arith.index_cast %add3A_1702 : i32 to index
      %get3A_1706 = arith.index_cast %mul3A_1704 : i32 to index
      %get3A_1707 = tpu.vector_load %arg5[%get3A_1705, %get3A_1706] {strides = array<i32>} : memref<56x256xf32, #tpu.memory_space<vmem>>, vector<16xf32>,
      %mul3A_1708 = arith.constant 7 : i32
      %mul3A_1709 = arith.muli %select_n3A_1663, %mul3A_1708 : i32
      %add3A_1710 = arith.constant 28 : i32
      %add3A_1711 = arith.addi %add3A_1710, %mul3A_1709 : i32
      %add3A_1712 = arith.constant 3 : i32
      %add3A_1713 = arith.addi %add3A_1711, %add3A_1712 : i32
      %mul3A_1714 = arith.constant 16 : i32
      %mul3A_1715 = arith.muli %select_n3A_1647, %mul3A_1714 : i32
      %get3A_1716 = arith.index_cast %add3A_1713 : i32 to index
      %get3A_1717 = arith.index_cast %mul3A_1715 : i32 to index
      %get3A_1718 = tpu.vector_load %arg5[%get3A_1716, %get3A_1717] {strides = array<i32>} : memref<56x256xf32, #tpu.memory_space<vmem>>, vector<16xf32>,
      %mul3A_1719 = arith.constant 7 : i32
      %mul3A_1720 = arith.muli %select_n3A_1663, %mul3A_1719 : i32
      %add3A_1721 = arith.constant 28 : i32
      %add3A_1722 = arith.addi %add3A_1721, %mul3A_1720 : i32
      %add3A_1723 = arith.constant 4 : i32
      %add3A_1724 = arith.addi %add3A_1722, %add3A_1723 : i32
      %mul3A_1725 = arith.constant 16 : i32
      %mul3A_1726 = arith.muli %select_n3A_1647, %mul3A_1725 : i32
      %get3A_1727 = arith.index_cast %add3A_1724 : i32 to index
      %get3A_1728 = arith.index_cast %mul3A_1726 : i32 to index
      %get3A_1729 = tpu.vector_load %arg5[%get3A_1727, %get3A_1728] {strides = array<i32>} : memref<56x256xf32, #tpu.memory_space<vmem>>, vector<16xf32>,
      %mul3A_1730 = arith.constant 7 : i32
      %mul3A_1731 = arith.muli %select_n3A_1663, %mul3A_1730 : i32
      %add3A_1732 = arith.constant 28 : i32
      %add3A_1733 = arith.addi %add3A_1732, %mul3A_1731 : i32
      %add3A_1734 = arith.constant 5 : i32
      %add3A_1735 = arith.addi %add3A_1733, %add3A_1734 : i32
      %mul3A_1736 = arith.constant 16 : i32
      %mul3A_1737 = arith.muli %select_n3A_1647, %mul3A_1736 : i32
      %get3A_1738 = arith.index_cast %add3A_1735 : i32 to index
      %get3A_1739 = arith.index_cast %mul3A_1737 : i32 to index
      %get3A_1740 = tpu.vector_load %arg5[%get3A_1738, %get3A_1739] {strides = array<i32>} : memref<56x256xf32, #tpu.memory_space<vmem>>, vector<16xf32>,
      %mul3A_1741 = arith.constant 7 : i32
      %mul3A_1742 = arith.muli %select_n3A_1663, %mul3A_1741 : i32
      %add3A_1743 = arith.constant 28 : i32
      %add3A_1744 = arith.addi %add3A_1743, %mul3A_1742 : i32
      %add3A_1745 = arith.constant 6 : i32
      %add3A_1746 = arith.addi %add3A_1744, %add3A_1745 : i32
      %mul3A_1747 = arith.constant 16 : i32
      %mul3A_1748 = arith.muli %select_n3A_1647, %mul3A_1747 : i32
      %get3A_1749 = arith.index_cast %add3A_1746 : i32 to index
      %get3A_1750 = arith.index_cast %mul3A_1748 : i32 to index
      %get3A_1751 = tpu.vector_load %arg5[%get3A_1749, %get3A_1750] {strides = array<i32>} : memref<56x256xf32, #tpu.memory_space<vmem>>, vector<16xf32>,
      %max3A_1752 = arith.maximumf %get3A_1685, %get3A_1696 : vector<16xf32>
      %max3A_1753 = arith.maximumf %max3A_1752, %get3A_1707 : vector<16xf32>
      %max3A_1754 = arith.maximumf %max3A_1753, %get3A_1718 : vector<16xf32>
      %max3A_1755 = arith.maximumf %max3A_1754, %get3A_1729 : vector<16xf32>
      %max3A_1756 = arith.maximumf %max3A_1755, %get3A_1740 : vector<16xf32>
      %max3A_1757 = arith.maximumf %max3A_1756, %get3A_1751 : vector<16xf32>
      %sub3A_1758 = arith.subf %get3A_1685, %max3A_1757 : vector<16xf32>
      %exp3A_1759 = math.exp %sub3A_1758 : vector<16xf32>
      %sub3A_1760 = arith.subf %get3A_1696, %max3A_1757 : vector<16xf32>
      %exp3A_1761 = math.exp %sub3A_1760 : vector<16xf32>
      %sub3A_1762 = arith.subf %get3A_1707, %max3A_1757 : vector<16xf32>
      %exp3A_1763 = math.exp %sub3A_1762 : vector<16xf32>
      %sub3A_1764 = arith.subf %get3A_1718, %max3A_1757 : vector<16xf32>
      %exp3A_1765 = math.exp %sub3A_1764 : vector<16xf32>
      %sub3A_1766 = arith.subf %get3A_1729, %max3A_1757 : vector<16xf32>
      %exp3A_1767 = math.exp %sub3A_1766 : vector<16xf32>
      %sub3A_1768 = arith.subf %get3A_1740, %max3A_1757 : vector<16xf32>
      %exp3A_1769 = math.exp %sub3A_1768 : vector<16xf32>
      %sub3A_1770 = arith.subf %get3A_1751, %max3A_1757 : vector<16xf32>
      %exp3A_1771 = math.exp %sub3A_1770 : vector<16xf32>
      %add3A_1772 = arith.addf %exp3A_1759, %exp3A_1761 : vector<16xf32>
      %add3A_1773 = arith.addf %add3A_1772, %exp3A_1763 : vector<16xf32>
      %add3A_1774 = arith.addf %add3A_1773, %exp3A_1765 : vector<16xf32>
      %add3A_1775 = arith.addf %add3A_1774, %exp3A_1767 : vector<16xf32>
      %add3A_1776 = arith.addf %add3A_1775, %exp3A_1769 : vector<16xf32>
      %add3A_1777 = arith.addf %add3A_1776, %exp3A_1771 : vector<16xf32>
      %div3A_1778 = arith.constant 1.000000e+00 : f32
      %div3A_1779 = vector.broadcast %div3A_1778 : f32 to vector<16xf32>
      %div3A_1780 = arith.divf %div3A_1779, %add3A_1777 : vector<16xf32>
      %mul3A_1781 = arith.constant 7 : i32
      %mul3A_1782 = arith.muli %select_n3A_1663, %mul3A_1781 : i32
      %add3A_1783 = arith.constant 0 : i32
      %add3A_1784 = arith.addi %mul3A_1782, %add3A_1783 : i32
      %mul3A_1785 = arith.constant 16 : i32
      %mul3A_1786 = arith.muli %select_n3A_1647, %mul3A_1785 : i32
      %get3A_1787 = arith.index_cast %add3A_1784 : i32 to index
      %get3A_1788 = arith.index_cast %mul3A_1786 : i32 to index
      %get3A_1789 = tpu.vector_load %arg5[%get3A_1787, %get3A_1788] {strides = array<i32>} : memref<56x256xf32, #tpu.memory_space<vmem>>, vector<16xf32>,
      %mul3A_1790 = arith.constant 2.000000e+00 : f32
      %mul3A_1791 = vector.broadcast %mul3A_1790 : f32 to vector<16xf32>
      %mul3A_1792 = arith.mulf %get3A_1789, %mul3A_1791 : vector<16xf32>
      %add3A_1793 = arith.constant -3.000000e+00 : f32
      %add3A_1794 = vector.broadcast %add3A_1793 : f32 to vector<16xf32>
      %add3A_1795 = arith.addf %add3A_1669, %add3A_1794 : vector<16xf32>
      %add3A_1796 = arith.addf %add3A_1795, %mul3A_1792 : vector<16xf32>
      %jit3A_1797 = arith.constant 0.000000e+00 : f32
      %jit3A_1798 = arith.constant 4.095000e+03 : f32
      %max3A_1799 = vector.broadcast %jit3A_1797 : f32 to vector<16xf32>
      %max3A_1800 = arith.maximumf %max3A_1799, %add3A_1796 : vector<16xf32>
      %min3A_1801 = vector.broadcast %jit3A_1798 : f32 to vector<16xf32>
      %min3A_1802 = arith.minimumf %min3A_1801, %max3A_1800 : vector<16xf32>
      %convert_element_type3A_1803 = arith.fptosi %min3A_1802 : vector<16xf32> to vector<16xi32>
      %add3A_1804 = arith.constant 1 : i32
      %add3A_1805 = vector.broadcast %add3A_1804 : i32 to vector<16xi32>
      %add3A_1806 = arith.addi %convert_element_type3A_1803, %add3A_1805 : vector<16xi32>
      %min3A_1807 = arith.constant 4095 : i32
      %min3A_1808 = vector.broadcast %min3A_1807 : i32 to vector<16xi32>
      %min3A_1809 = arith.minsi %add3A_1806, %min3A_1808 : vector<16xi32>
      %convert_element_type3A_1810 = arith.sitofp %convert_element_type3A_1803 : vector<16xi32> to vector<16xf32>
      %sub3A_1811 = arith.subf %min3A_1802, %convert_element_type3A_1810 : vector<16xf32>
      %sub3A_1812 = arith.constant 1.000000e+00 : f32
      %sub3A_1813 = vector.broadcast %sub3A_1812 : f32 to vector<16xf32>
      %sub3A_1814 = arith.subf %sub3A_1813, %sub3A_1811 : vector<16xf32>
      %ge3A_1815 = arith.constant 0.000000e+00 : f32
      %ge3A_1816 = vector.broadcast %ge3A_1815 : f32 to vector<16xf32>
      %ge3A_1817 = arith.cmpf oge, %add3A_1796, %ge3A_1816 : vector<16xf32>
      %le3A_1818 = arith.constant 4.095000e+03 : f32
      %le3A_1819 = vector.broadcast %le3A_1818 : f32 to vector<16xf32>
      %le3A_1820 = arith.cmpf ole, %add3A_1796, %le3A_1819 : vector<16xf32>
      %and3A_1821 = arith.andi %ge3A_1817, %le3A_1820 : vector<16xi1>
      %jit3A_1822 = arith.constant 0.000000e+00 : f32
      %broadcast_in_dim3A_1823 = vector.broadcast %jit3A_1822 : f32 to vector<16xf32>
      %select_n3A_1824 = arith.select %and3A_1821, %exp3A_1759, %broadcast_in_dim3A_1823 : vector<16xi1>, vector<16xf32>
      %mul3A_1825 = arith.mulf %sub3A_1814, %select_n3A_1824 : vector<16xf32>
      %mul3A_1826 = arith.mulf %sub3A_1811, %select_n3A_1824 : vector<16xf32>
      %add3A_1827 = vector.broadcast %mul3A_1674 : i32 to vector<16xi32>
      %add3A_1828 = arith.addi %add3A_1827, %convert_element_type3A_1803 : vector<16xi32>
      %add3A_1829 = vector.broadcast %mul3A_1674 : i32 to vector<16xi32>
      %add3A_1830 = arith.addi %add3A_1829, %min3A_1809 : vector<16xi32>
      %mul3A_1831 = arith.constant 7 : i32
      %mul3A_1832 = arith.muli %select_n3A_1663, %mul3A_1831 : i32
      %add3A_1833 = arith.constant 1 : i32
      %add3A_1834 = arith.addi %mul3A_1832, %add3A_1833 : i32
      %mul3A_1835 = arith.constant 16 : i32
      %mul3A_1836 = arith.muli %select_n3A_1647, %mul3A_1835 : i32
      %get3A_1837 = arith.index_cast %add3A_1834 : i32 to index
      %get3A_1838 = arith.index_cast %mul3A_1836 : i32 to index
      %get3A_1839 = tpu.vector_load %arg5[%get3A_1837, %get3A_1838] {strides = array<i32>} : memref<56x256xf32, #tpu.memory_space<vmem>>, vector<16xf32>,
      %mul3A_1840 = arith.constant 2.000000e+00 : f32
      %mul3A_1841 = vector.broadcast %mul3A_1840 : f32 to vector<16xf32>
      %mul3A_1842 = arith.mulf %get3A_1839, %mul3A_1841 : vector<16xf32>
      %add3A_1843 = arith.constant -2.000000e+00 : f32
      %add3A_1844 = vector.broadcast %add3A_1843 : f32 to vector<16xf32>
      %add3A_1845 = arith.addf %add3A_1669, %add3A_1844 : vector<16xf32>
      %add3A_1846 = arith.addf %add3A_1845, %mul3A_1842 : vector<16xf32>
      %jit3A_1847 = arith.constant 0.000000e+00 : f32
      %jit3A_1848 = arith.constant 4.095000e+03 : f32
      %max3A_1849 = vector.broadcast %jit3A_1847 : f32 to vector<16xf32>
      %max3A_1850 = arith.maximumf %max3A_1849, %add3A_1846 : vector<16xf32>
      %min3A_1851 = vector.broadcast %jit3A_1848 : f32 to vector<16xf32>
      %min3A_1852 = arith.minimumf %min3A_1851, %max3A_1850 : vector<16xf32>
      %convert_element_type3A_1853 = arith.fptosi %min3A_1852 : vector<16xf32> to vector<16xi32>
      %add3A_1854 = arith.constant 1 : i32
      %add3A_1855 = vector.broadcast %add3A_1854 : i32 to vector<16xi32>
      %add3A_1856 = arith.addi %convert_element_type3A_1853, %add3A_1855 : vector<16xi32>
      %min3A_1857 = arith.constant 4095 : i32
      %min3A_1858 = vector.broadcast %min3A_1857 : i32 to vector<16xi32>
      %min3A_1859 = arith.minsi %add3A_1856, %min3A_1858 : vector<16xi32>
      %convert_element_type3A_1860 = arith.sitofp %convert_element_type3A_1853 : vector<16xi32> to vector<16xf32>
      %sub3A_1861 = arith.subf %min3A_1852, %convert_element_type3A_1860 : vector<16xf32>
      %sub3A_1862 = arith.constant 1.000000e+00 : f32
      %sub3A_1863 = vector.broadcast %sub3A_1862 : f32 to vector<16xf32>
      %sub3A_1864 = arith.subf %sub3A_1863, %sub3A_1861 : vector<16xf32>
      %ge3A_1865 = arith.constant 0.000000e+00 : f32
      %ge3A_1866 = vector.broadcast %ge3A_1865 : f32 to vector<16xf32>
      %ge3A_1867 = arith.cmpf oge, %add3A_1846, %ge3A_1866 : vector<16xf32>
      %le3A_1868 = arith.constant 4.095000e+03 : f32
      %le3A_1869 = vector.broadcast %le3A_1868 : f32 to vector<16xf32>
      %le3A_1870 = arith.cmpf ole, %add3A_1846, %le3A_1869 : vector<16xf32>
      %and3A_1871 = arith.andi %ge3A_1867, %le3A_1870 : vector<16xi1>
      %jit3A_1872 = arith.constant 0.000000e+00 : f32
      %broadcast_in_dim3A_1873 = vector.broadcast %jit3A_1872 : f32 to vector<16xf32>
      %select_n3A_1874 = arith.select %and3A_1871, %exp3A_1761, %broadcast_in_dim3A_1873 : vector<16xi1>, vector<16xf32>
      %mul3A_1875 = arith.mulf %sub3A_1864, %select_n3A_1874 : vector<16xf32>
      %mul3A_1876 = arith.mulf %sub3A_1861, %select_n3A_1874 : vector<16xf32>
      %add3A_1877 = vector.broadcast %mul3A_1674 : i32 to vector<16xi32>
      %add3A_1878 = arith.addi %add3A_1877, %convert_element_type3A_1853 : vector<16xi32>
      %add3A_1879 = vector.broadcast %mul3A_1674 : i32 to vector<16xi32>
      %add3A_1880 = arith.addi %add3A_1879, %min3A_1859 : vector<16xi32>
      %mul3A_1881 = arith.constant 7 : i32
      %mul3A_1882 = arith.muli %select_n3A_1663, %mul3A_1881 : i32
      %add3A_1883 = arith.constant 2 : i32
      %add3A_1884 = arith.addi %mul3A_1882, %add3A_1883 : i32
      %mul3A_1885 = arith.constant 16 : i32
      %mul3A_1886 = arith.muli %select_n3A_1647, %mul3A_1885 : i32
      %get3A_1887 = arith.index_cast %add3A_1884 : i32 to index
      %get3A_1888 = arith.index_cast %mul3A_1886 : i32 to index
      %get3A_1889 = tpu.vector_load %arg5[%get3A_1887, %get3A_1888] {strides = array<i32>} : memref<56x256xf32, #tpu.memory_space<vmem>>, vector<16xf32>,
      %mul3A_1890 = arith.constant 2.000000e+00 : f32
      %mul3A_1891 = vector.broadcast %mul3A_1890 : f32 to vector<16xf32>
      %mul3A_1892 = arith.mulf %get3A_1889, %mul3A_1891 : vector<16xf32>
      %add3A_1893 = arith.constant -1.000000e+00 : f32
      %add3A_1894 = vector.broadcast %add3A_1893 : f32 to vector<16xf32>
      %add3A_1895 = arith.addf %add3A_1669, %add3A_1894 : vector<16xf32>
      %add3A_1896 = arith.addf %add3A_1895, %mul3A_1892 : vector<16xf32>
      %jit3A_1897 = arith.constant 0.000000e+00 : f32
      %jit3A_1898 = arith.constant 4.095000e+03 : f32
      %max3A_1899 = vector.broadcast %jit3A_1897 : f32 to vector<16xf32>
      %max3A_1900 = arith.maximumf %max3A_1899, %add3A_1896 : vector<16xf32>
      %min3A_1901 = vector.broadcast %jit3A_1898 : f32 to vector<16xf32>
      %min3A_1902 = arith.minimumf %min3A_1901, %max3A_1900 : vector<16xf32>
      %convert_element_type3A_1903 = arith.fptosi %min3A_1902 : vector<16xf32> to vector<16xi32>
      %add3A_1904 = arith.constant 1 : i32
      %add3A_1905 = vector.broadcast %add3A_1904 : i32 to vector<16xi32>
      %add3A_1906 = arith.addi %convert_element_type3A_1903, %add3A_1905 : vector<16xi32>
      %min3A_1907 = arith.constant 4095 : i32
      %min3A_1908 = vector.broadcast %min3A_1907 : i32 to vector<16xi32>
      %min3A_1909 = arith.minsi %add3A_1906, %min3A_1908 : vector<16xi32>
      %convert_element_type3A_1910 = arith.sitofp %convert_element_type3A_1903 : vector<16xi32> to vector<16xf32>
      %sub3A_1911 = arith.subf %min3A_1902, %convert_element_type3A_1910 : vector<16xf32>
      %sub3A_1912 = arith.constant 1.000000e+00 : f32
      %sub3A_1913 = vector.broadcast %sub3A_1912 : f32 to vector<16xf32>
      %sub3A_1914 = arith.subf %sub3A_1913, %sub3A_1911 : vector<16xf32>
      %ge3A_1915 = arith.constant 0.000000e+00 : f32
      %ge3A_1916 = vector.broadcast %ge3A_1915 : f32 to vector<16xf32>
      %ge3A_1917 = arith.cmpf oge, %add3A_1896, %ge3A_1916 : vector<16xf32>
      %le3A_1918 = arith.constant 4.095000e+03 : f32
      %le3A_1919 = vector.broadcast %le3A_1918 : f32 to vector<16xf32>
      %le3A_1920 = arith.cmpf ole, %add3A_1896, %le3A_1919 : vector<16xf32>
      %and3A_1921 = arith.andi %ge3A_1917, %le3A_1920 : vector<16xi1>
      %jit3A_1922 = arith.constant 0.000000e+00 : f32
      %broadcast_in_dim3A_1923 = vector.broadcast %jit3A_1922 : f32 to vector<16xf32>
      %select_n3A_1924 = arith.select %and3A_1921, %exp3A_1763, %broadcast_in_dim3A_1923 : vector<16xi1>, vector<16xf32>
      %mul3A_1925 = arith.mulf %sub3A_1914, %select_n3A_1924 : vector<16xf32>
      %mul3A_1926 = arith.mulf %sub3A_1911, %select_n3A_1924 : vector<16xf32>
      %add3A_1927 = vector.broadcast %mul3A_1674 : i32 to vector<16xi32>
      %add3A_1928 = arith.addi %add3A_1927, %convert_element_type3A_1903 : vector<16xi32>
      %add3A_1929 = vector.broadcast %mul3A_1674 : i32 to vector<16xi32>
      %add3A_1930 = arith.addi %add3A_1929, %min3A_1909 : vector<16xi32>
      %mul3A_1931 = arith.constant 7 : i32
      %mul3A_1932 = arith.muli %select_n3A_1663, %mul3A_1931 : i32
      %add3A_1933 = arith.constant 3 : i32
      %add3A_1934 = arith.addi %mul3A_1932, %add3A_1933 : i32
      %mul3A_1935 = arith.constant 16 : i32
      %mul3A_1936 = arith.muli %select_n3A_1647, %mul3A_1935 : i32
      %get3A_1937 = arith.index_cast %add3A_1934 : i32 to index
      %get3A_1938 = arith.index_cast %mul3A_1936 : i32 to index
      %get3A_1939 = tpu.vector_load %arg5[%get3A_1937, %get3A_1938] {strides = array<i32>} : memref<56x256xf32, #tpu.memory_space<vmem>>, vector<16xf32>,
      %mul3A_1940 = arith.constant 2.000000e+00 : f32
      %mul3A_1941 = vector.broadcast %mul3A_1940 : f32 to vector<16xf32>
      %mul3A_1942 = arith.mulf %get3A_1939, %mul3A_1941 : vector<16xf32>
      %add3A_1943 = arith.constant 0.000000e+00 : f32
      %add3A_1944 = vector.broadcast %add3A_1943 : f32 to vector<16xf32>
      %add3A_1945 = arith.addf %add3A_1669, %add3A_1944 : vector<16xf32>
      %add3A_1946 = arith.addf %add3A_1945, %mul3A_1942 : vector<16xf32>
      %jit3A_1947 = arith.constant 0.000000e+00 : f32
      %jit3A_1948 = arith.constant 4.095000e+03 : f32
      %max3A_1949 = vector.broadcast %jit3A_1947 : f32 to vector<16xf32>
      %max3A_1950 = arith.maximumf %max3A_1949, %add3A_1946 : vector<16xf32>
      %min3A_1951 = vector.broadcast %jit3A_1948 : f32 to vector<16xf32>
      %min3A_1952 = arith.minimumf %min3A_1951, %max3A_1950 : vector<16xf32>
      %convert_element_type3A_1953 = arith.fptosi %min3A_1952 : vector<16xf32> to vector<16xi32>
      %add3A_1954 = arith.constant 1 : i32
      %add3A_1955 = vector.broadcast %add3A_1954 : i32 to vector<16xi32>
      %add3A_1956 = arith.addi %convert_element_type3A_1953, %add3A_1955 : vector<16xi32>
      %min3A_1957 = arith.constant 4095 : i32
      %min3A_1958 = vector.broadcast %min3A_1957 : i32 to vector<16xi32>
      %min3A_1959 = arith.minsi %add3A_1956, %min3A_1958 : vector<16xi32>
      %convert_element_type3A_1960 = arith.sitofp %convert_element_type3A_1953 : vector<16xi32> to vector<16xf32>
      %sub3A_1961 = arith.subf %min3A_1952, %convert_element_type3A_1960 : vector<16xf32>
      %sub3A_1962 = arith.constant 1.000000e+00 : f32
      %sub3A_1963 = vector.broadcast %sub3A_1962 : f32 to vector<16xf32>
      %sub3A_1964 = arith.subf %sub3A_1963, %sub3A_1961 : vector<16xf32>
      %ge3A_1965 = arith.constant 0.000000e+00 : f32
      %ge3A_1966 = vector.broadcast %ge3A_1965 : f32 to vector<16xf32>
      %ge3A_1967 = arith.cmpf oge, %add3A_1946, %ge3A_1966 : vector<16xf32>
      %le3A_1968 = arith.constant 4.095000e+03 : f32
      %le3A_1969 = vector.broadcast %le3A_1968 : f32 to vector<16xf32>
      %le3A_1970 = arith.cmpf ole, %add3A_1946, %le3A_1969 : vector<16xf32>
      %and3A_1971 = arith.andi %ge3A_1967, %le3A_1970 : vector<16xi1>
      %jit3A_1972 = arith.constant 0.000000e+00 : f32
      %broadcast_in_dim3A_1973 = vector.broadcast %jit3A_1972 : f32 to vector<16xf32>
      %select_n3A_1974 = arith.select %and3A_1971, %exp3A_1765, %broadcast_in_dim3A_1973 : vector<16xi1>, vector<16xf32>
      %mul3A_1975 = arith.mulf %sub3A_1964, %select_n3A_1974 : vector<16xf32>
      %mul3A_1976 = arith.mulf %sub3A_1961, %select_n3A_1974 : vector<16xf32>
      %add3A_1977 = vector.broadcast %mul3A_1674 : i32 to vector<16xi32>
      %add3A_1978 = arith.addi %add3A_1977, %convert_element_type3A_1953 : vector<16xi32>
      %add3A_1979 = vector.broadcast %mul3A_1674 : i32 to vector<16xi32>
      %add3A_1980 = arith.addi %add3A_1979, %min3A_1959 : vector<16xi32>
      %mul3A_1981 = arith.constant 7 : i32
      %mul3A_1982 = arith.muli %select_n3A_1663, %mul3A_1981 : i32
      %add3A_1983 = arith.constant 4 : i32
      %add3A_1984 = arith.addi %mul3A_1982, %add3A_1983 : i32
      %mul3A_1985 = arith.constant 16 : i32
      %mul3A_1986 = arith.muli %select_n3A_1647, %mul3A_1985 : i32
      %get3A_1987 = arith.index_cast %add3A_1984 : i32 to index
      %get3A_1988 = arith.index_cast %mul3A_1986 : i32 to index
      %get3A_1989 = tpu.vector_load %arg5[%get3A_1987, %get3A_1988] {strides = array<i32>} : memref<56x256xf32, #tpu.memory_space<vmem>>, vector<16xf32>,
      %mul3A_1990 = arith.constant 2.000000e+00 : f32
      %mul3A_1991 = vector.broadcast %mul3A_1990 : f32 to vector<16xf32>
      %mul3A_1992 = arith.mulf %get3A_1989, %mul3A_1991 : vector<16xf32>
      %add3A_1993 = arith.constant 1.000000e+00 : f32
      %add3A_1994 = vector.broadcast %add3A_1993 : f32 to vector<16xf32>
      %add3A_1995 = arith.addf %add3A_1669, %add3A_1994 : vector<16xf32>
      %add3A_1996 = arith.addf %add3A_1995, %mul3A_1992 : vector<16xf32>
      %jit3A_1997 = arith.constant 0.000000e+00 : f32
      %jit3A_1998 = arith.constant 4.095000e+03 : f32
      %max3A_1999 = vector.broadcast %jit3A_1997 : f32 to vector<16xf32>
      %max3A_2000 = arith.maximumf %max3A_1999, %add3A_1996 : vector<16xf32>
      %min3A_2001 = vector.broadcast %jit3A_1998 : f32 to vector<16xf32>
      %min3A_2002 = arith.minimumf %min3A_2001, %max3A_2000 : vector<16xf32>
      %convert_element_type3A_2003 = arith.fptosi %min3A_2002 : vector<16xf32> to vector<16xi32>
      %add3A_2004 = arith.constant 1 : i32
      %add3A_2005 = vector.broadcast %add3A_2004 : i32 to vector<16xi32>
      %add3A_2006 = arith.addi %convert_element_type3A_2003, %add3A_2005 : vector<16xi32>
      %min3A_2007 = arith.constant 4095 : i32
      %min3A_2008 = vector.broadcast %min3A_2007 : i32 to vector<16xi32>
      %min3A_2009 = arith.minsi %add3A_2006, %min3A_2008 : vector<16xi32>
      %convert_element_type3A_2010 = arith.sitofp %convert_element_type3A_2003 : vector<16xi32> to vector<16xf32>
      %sub3A_2011 = arith.subf %min3A_2002, %convert_element_type3A_2010 : vector<16xf32>
      %sub3A_2012 = arith.constant 1.000000e+00 : f32
      %sub3A_2013 = vector.broadcast %sub3A_2012 : f32 to vector<16xf32>
      %sub3A_2014 = arith.subf %sub3A_2013, %sub3A_2011 : vector<16xf32>
      %ge3A_2015 = arith.constant 0.000000e+00 : f32
      %ge3A_2016 = vector.broadcast %ge3A_2015 : f32 to vector<16xf32>
      %ge3A_2017 = arith.cmpf oge, %add3A_1996, %ge3A_2016 : vector<16xf32>
      %le3A_2018 = arith.constant 4.095000e+03 : f32
      %le3A_2019 = vector.broadcast %le3A_2018 : f32 to vector<16xf32>
      %le3A_2020 = arith.cmpf ole, %add3A_1996, %le3A_2019 : vector<16xf32>
      %and3A_2021 = arith.andi %ge3A_2017, %le3A_2020 : vector<16xi1>
      %jit3A_2022 = arith.constant 0.000000e+00 : f32
      %broadcast_in_dim3A_2023 = vector.broadcast %jit3A_2022 : f32 to vector<16xf32>
      %select_n3A_2024 = arith.select %and3A_2021, %exp3A_1767, %broadcast_in_dim3A_2023 : vector<16xi1>, vector<16xf32>
      %mul3A_2025 = arith.mulf %sub3A_2014, %select_n3A_2024 : vector<16xf32>
      %mul3A_2026 = arith.mulf %sub3A_2011, %select_n3A_2024 : vector<16xf32>
      %add3A_2027 = vector.broadcast %mul3A_1674 : i32 to vector<16xi32>
      %add3A_2028 = arith.addi %add3A_2027, %convert_element_type3A_2003 : vector<16xi32>
      %add3A_2029 = vector.broadcast %mul3A_1674 : i32 to vector<16xi32>
      %add3A_2030 = arith.addi %add3A_2029, %min3A_2009 : vector<16xi32>
      %mul3A_2031 = arith.constant 7 : i32
      %mul3A_2032 = arith.muli %select_n3A_1663, %mul3A_2031 : i32
      %add3A_2033 = arith.constant 5 : i32
      %add3A_2034 = arith.addi %mul3A_2032, %add3A_2033 : i32
      %mul3A_2035 = arith.constant 16 : i32
      %mul3A_2036 = arith.muli %select_n3A_1647, %mul3A_2035 : i32
      %get3A_2037 = arith.index_cast %add3A_2034 : i32 to index
      %get3A_2038 = arith.index_cast %mul3A_2036 : i32 to index
      %get3A_2039 = tpu.vector_load %arg5[%get3A_2037, %get3A_2038] {strides = array<i32>} : memref<56x256xf32, #tpu.memory_space<vmem>>, vector<16xf32>,
      %mul3A_2040 = arith.constant 2.000000e+00 : f32
      %mul3A_2041 = vector.broadcast %mul3A_2040 : f32 to vector<16xf32>
      %mul3A_2042 = arith.mulf %get3A_2039, %mul3A_2041 : vector<16xf32>
      %add3A_2043 = arith.constant 2.000000e+00 : f32
      %add3A_2044 = vector.broadcast %add3A_2043 : f32 to vector<16xf32>
      %add3A_2045 = arith.addf %add3A_1669, %add3A_2044 : vector<16xf32>
      %add3A_2046 = arith.addf %add3A_2045, %mul3A_2042 : vector<16xf32>
      %jit3A_2047 = arith.constant 0.000000e+00 : f32
      %jit3A_2048 = arith.constant 4.095000e+03 : f32
      %max3A_2049 = vector.broadcast %jit3A_2047 : f32 to vector<16xf32>
      %max3A_2050 = arith.maximumf %max3A_2049, %add3A_2046 : vector<16xf32>
      %min3A_2051 = vector.broadcast %jit3A_2048 : f32 to vector<16xf32>
      %min3A_2052 = arith.minimumf %min3A_2051, %max3A_2050 : vector<16xf32>
      %convert_element_type3A_2053 = arith.fptosi %min3A_2052 : vector<16xf32> to vector<16xi32>
      %add3A_2054 = arith.constant 1 : i32
      %add3A_2055 = vector.broadcast %add3A_2054 : i32 to vector<16xi32>
      %add3A_2056 = arith.addi %convert_element_type3A_2053, %add3A_2055 : vector<16xi32>
      %min3A_2057 = arith.constant 4095 : i32
      %min3A_2058 = vector.broadcast %min3A_2057 : i32 to vector<16xi32>
      %min3A_2059 = arith.minsi %add3A_2056, %min3A_2058 : vector<16xi32>
      %convert_element_type3A_2060 = arith.sitofp %convert_element_type3A_2053 : vector<16xi32> to vector<16xf32>
      %sub3A_2061 = arith.subf %min3A_2052, %convert_element_type3A_2060 : vector<16xf32>
      %sub3A_2062 = arith.constant 1.000000e+00 : f32
      %sub3A_2063 = vector.broadcast %sub3A_2062 : f32 to vector<16xf32>
      %sub3A_2064 = arith.subf %sub3A_2063, %sub3A_2061 : vector<16xf32>
      %ge3A_2065 = arith.constant 0.000000e+00 : f32
      %ge3A_2066 = vector.broadcast %ge3A_2065 : f32 to vector<16xf32>
      %ge3A_2067 = arith.cmpf oge, %add3A_2046, %ge3A_2066 : vector<16xf32>
      %le3A_2068 = arith.constant 4.095000e+03 : f32
      %le3A_2069 = vector.broadcast %le3A_2068 : f32 to vector<16xf32>
      %le3A_2070 = arith.cmpf ole, %add3A_2046, %le3A_2069 : vector<16xf32>
      %and3A_2071 = arith.andi %ge3A_2067, %le3A_2070 : vector<16xi1>
      %jit3A_2072 = arith.constant 0.000000e+00 : f32
      %broadcast_in_dim3A_2073 = vector.broadcast %jit3A_2072 : f32 to vector<16xf32>
      %select_n3A_2074 = arith.select %and3A_2071, %exp3A_1769, %broadcast_in_dim3A_2073 : vector<16xi1>, vector<16xf32>
      %mul3A_2075 = arith.mulf %sub3A_2064, %select_n3A_2074 : vector<16xf32>
      %mul3A_2076 = arith.mulf %sub3A_2061, %select_n3A_2074 : vector<16xf32>
      %add3A_2077 = vector.broadcast %mul3A_1674 : i32 to vector<16xi32>
      %add3A_2078 = arith.addi %add3A_2077, %convert_element_type3A_2053 : vector<16xi32>
      %add3A_2079 = vector.broadcast %mul3A_1674 : i32 to vector<16xi32>
      %add3A_2080 = arith.addi %add3A_2079, %min3A_2059 : vector<16xi32>
      %mul3A_2081 = arith.constant 7 : i32
      %mul3A_2082 = arith.muli %select_n3A_1663, %mul3A_2081 : i32
      %add3A_2083 = arith.constant 6 : i32
      %add3A_2084 = arith.addi %mul3A_2082, %add3A_2083 : i32
      %mul3A_2085 = arith.constant 16 : i32
      %mul3A_2086 = arith.muli %select_n3A_1647, %mul3A_2085 : i32
      %get3A_2087 = arith.index_cast %add3A_2084 : i32 to index
      %get3A_2088 = arith.index_cast %mul3A_2086 : i32 to index
      %get3A_2089 = tpu.vector_load %arg5[%get3A_2087, %get3A_2088] {strides = array<i32>} : memref<56x256xf32, #tpu.memory_space<vmem>>, vector<16xf32>,
      %mul3A_2090 = arith.constant 2.000000e+00 : f32
      %mul3A_2091 = vector.broadcast %mul3A_2090 : f32 to vector<16xf32>
      %mul3A_2092 = arith.mulf %get3A_2089, %mul3A_2091 : vector<16xf32>
      %add3A_2093 = arith.constant 3.000000e+00 : f32
      %add3A_2094 = vector.broadcast %add3A_2093 : f32 to vector<16xf32>
      %add3A_2095 = arith.addf %add3A_1669, %add3A_2094 : vector<16xf32>
      %add3A_2096 = arith.addf %add3A_2095, %mul3A_2092 : vector<16xf32>
      %jit3A_2097 = arith.constant 0.000000e+00 : f32
      %jit3A_2098 = arith.constant 4.095000e+03 : f32
      %max3A_2099 = vector.broadcast %jit3A_2097 : f32 to vector<16xf32>
      %max3A_2100 = arith.maximumf %max3A_2099, %add3A_2096 : vector<16xf32>
      %min3A_2101 = vector.broadcast %jit3A_2098 : f32 to vector<16xf32>
      %min3A_2102 = arith.minimumf %min3A_2101, %max3A_2100 : vector<16xf32>
      %convert_element_type3A_2103 = arith.fptosi %min3A_2102 : vector<16xf32> to vector<16xi32>
      %add3A_2104 = arith.constant 1 : i32
      %add3A_2105 = vector.broadcast %add3A_2104 : i32 to vector<16xi32>
      %add3A_2106 = arith.addi %convert_element_type3A_2103, %add3A_2105 : vector<16xi32>
      %min3A_2107 = arith.constant 4095 : i32
      %min3A_2108 = vector.broadcast %min3A_2107 : i32 to vector<16xi32>
      %min3A_2109 = arith.minsi %add3A_2106, %min3A_2108 : vector<16xi32>
      %convert_element_type3A_2110 = arith.sitofp %convert_element_type3A_2103 : vector<16xi32> to vector<16xf32>
      %sub3A_2111 = arith.subf %min3A_2102, %convert_element_type3A_2110 : vector<16xf32>
      %sub3A_2112 = arith.constant 1.000000e+00 : f32
      %sub3A_2113 = vector.broadcast %sub3A_2112 : f32 to vector<16xf32>
      %sub3A_2114 = arith.subf %sub3A_2113, %sub3A_2111 : vector<16xf32>
      %ge3A_2115 = arith.constant 0.000000e+00 : f32
      %ge3A_2116 = vector.broadcast %ge3A_2115 : f32 to vector<16xf32>
      %ge3A_2117 = arith.cmpf oge, %add3A_2096, %ge3A_2116 : vector<16xf32>
      %le3A_2118 = arith.constant 4.095000e+03 : f32
      %le3A_2119 = vector.broadcast %le3A_2118 : f32 to vector<16xf32>
      %le3A_2120 = arith.cmpf ole, %add3A_2096, %le3A_2119 : vector<16xf32>
      %and3A_2121 = arith.andi %ge3A_2117, %le3A_2120 : vector<16xi1>
      %jit3A_2122 = arith.constant 0.000000e+00 : f32
      %broadcast_in_dim3A_2123 = vector.broadcast %jit3A_2122 : f32 to vector<16xf32>
      %select_n3A_2124 = arith.select %and3A_2121, %exp3A_1771, %broadcast_in_dim3A_2123 : vector<16xi1>, vector<16xf32>
      %mul3A_2125 = arith.mulf %sub3A_2114, %select_n3A_2124 : vector<16xf32>
      %mul3A_2126 = arith.mulf %sub3A_2111, %select_n3A_2124 : vector<16xf32>
      %add3A_2127 = vector.broadcast %mul3A_1674 : i32 to vector<16xi32>
      %add3A_2128 = arith.addi %add3A_2127, %convert_element_type3A_2103 : vector<16xi32>
      %add3A_2129 = vector.broadcast %mul3A_1674 : i32 to vector<16xi32>
      %add3A_2130 = arith.addi %add3A_2129, %min3A_2109 : vector<16xi32>
      %mul3A_2131 = arith.constant 224 : i32
      %mul3A_2132 = arith.muli %select_n3A_1062, %mul3A_2131 : i32
      %scan3A_2133 = arith.constant 0 : i32
      %scan3A_2134 = arith.constant 0 : i32
      %scan3A_2135 = arith.constant 16 : i32
      %scan3A_2136 = arith.addi %scan3A_2134, %scan3A_2135 : i32
      %scan3A_2137 = arith.constant 1 : i32
      scf.for %scan3A_2198 = %scan3A_2134 to %scan3A_2136 step %scan3A_2137  : i32 {
        %broadcast_in_dim3A_2199 = vector.broadcast %scan3A_2198 : i32 to vector<16xi32>
        %lt3A_2200 = arith.constant 0 : i32
        %lt3A_2201 = vector.broadcast %lt3A_2200 : i32 to vector<16xi32>
        %lt3A_2202 = arith.cmpi slt, %broadcast_in_dim3A_2199, %lt3A_2201 : vector<16xi32>
        %add3A_2203 = arith.constant 16 : i32
        %add3A_2204 = vector.broadcast %add3A_2203 : i32 to vector<16xi32>
        %add3A_2205 = arith.addi %broadcast_in_dim3A_2199, %add3A_2204 : vector<16xi32>
        %select_n3A_2206 = arith.select %lt3A_2202, %add3A_2205, %broadcast_in_dim3A_2199 : vector<16xi1>, vector<16xi32>
        %reshape3A = vector.shape_cast %select_n3A_2206 : vector<16xi32> to vector<16x1xi32>
        %gather3A = vector.shape_cast %reshape3A : vector<16x1xi32> to vector<16xi32>
        %gather3A_2207 = tpu.dynamic_gather %mul3A_1825[%gather3A] in [0] : vector<16xf32>, vector<16xi32> -> vector<16xf32>
        %lt3A_2208 = arith.constant 0 : i32
        %lt3A_2209 = vector.broadcast %lt3A_2208 : i32 to vector<16xi32>
        %lt3A_2210 = arith.cmpi slt, %broadcast_in_dim3A_2199, %lt3A_2209 : vector<16xi32>
        %add3A_2211 = arith.constant 16 : i32
        %add3A_2212 = vector.broadcast %add3A_2211 : i32 to vector<16xi32>
        %add3A_2213 = arith.addi %broadcast_in_dim3A_2199, %add3A_2212 : vector<16xi32>
        %select_n3A_2214 = arith.select %lt3A_2210, %add3A_2213, %broadcast_in_dim3A_2199 : vector<16xi1>, vector<16xi32>
        %reshape3A_2215 = vector.shape_cast %select_n3A_2214 : vector<16xi32> to vector<16x1xi32>
        %gather3A_2216 = vector.shape_cast %reshape3A_2215 : vector<16x1xi32> to vector<16xi32>
        %gather3A_2217 = tpu.dynamic_gather %mul3A_1826[%gather3A_2216] in [0] : vector<16xf32>, vector<16xi32> -> vector<16xf32>
        %lt3A_2218 = arith.constant 0 : i32
        %lt3A_2219 = vector.broadcast %lt3A_2218 : i32 to vector<16xi32>
        %lt3A_2220 = arith.cmpi slt, %broadcast_in_dim3A_2199, %lt3A_2219 : vector<16xi32>
        %add3A_2221 = arith.constant 16 : i32
        %add3A_2222 = vector.broadcast %add3A_2221 : i32 to vector<16xi32>
        %add3A_2223 = arith.addi %broadcast_in_dim3A_2199, %add3A_2222 : vector<16xi32>
        %select_n3A_2224 = arith.select %lt3A_2220, %add3A_2223, %broadcast_in_dim3A_2199 : vector<16xi1>, vector<16xi32>
        %reshape3A_2225 = vector.shape_cast %select_n3A_2224 : vector<16xi32> to vector<16x1xi32>
        %gather3A_2226 = vector.shape_cast %reshape3A_2225 : vector<16x1xi32> to vector<16xi32>
        %gather3A_2227 = tpu.dynamic_gather %mul3A_1875[%gather3A_2226] in [0] : vector<16xf32>, vector<16xi32> -> vector<16xf32>
        %lt3A_2228 = arith.constant 0 : i32
        %lt3A_2229 = vector.broadcast %lt3A_2228 : i32 to vector<16xi32>
        %lt3A_2230 = arith.cmpi slt, %broadcast_in_dim3A_2199, %lt3A_2229 : vector<16xi32>
        %add3A_2231 = arith.constant 16 : i32
        %add3A_2232 = vector.broadcast %add3A_2231 : i32 to vector<16xi32>
        %add3A_2233 = arith.addi %broadcast_in_dim3A_2199, %add3A_2232 : vector<16xi32>
        %select_n3A_2234 = arith.select %lt3A_2230, %add3A_2233, %broadcast_in_dim3A_2199 : vector<16xi1>, vector<16xi32>
        %reshape3A_2235 = vector.shape_cast %select_n3A_2234 : vector<16xi32> to vector<16x1xi32>
        %gather3A_2236 = vector.shape_cast %reshape3A_2235 : vector<16x1xi32> to vector<16xi32>
        %gather3A_2237 = tpu.dynamic_gather %mul3A_1876[%gather3A_2236] in [0] : vector<16xf32>, vector<16xi32> -> vector<16xf32>
        %lt3A_2238 = arith.constant 0 : i32
        %lt3A_2239 = vector.broadcast %lt3A_2238 : i32 to vector<16xi32>
        %lt3A_2240 = arith.cmpi slt, %broadcast_in_dim3A_2199, %lt3A_2239 : vector<16xi32>
        %add3A_2241 = arith.constant 16 : i32
        %add3A_2242 = vector.broadcast %add3A_2241 : i32 to vector<16xi32>
        %add3A_2243 = arith.addi %broadcast_in_dim3A_2199, %add3A_2242 : vector<16xi32>
        %select_n3A_2244 = arith.select %lt3A_2240, %add3A_2243, %broadcast_in_dim3A_2199 : vector<16xi1>, vector<16xi32>
        %reshape3A_2245 = vector.shape_cast %select_n3A_2244 : vector<16xi32> to vector<16x1xi32>
        %gather3A_2246 = vector.shape_cast %reshape3A_2245 : vector<16x1xi32> to vector<16xi32>
        %gather3A_2247 = tpu.dynamic_gather %mul3A_1925[%gather3A_2246] in [0] : vector<16xf32>, vector<16xi32> -> vector<16xf32>
        %lt3A_2248 = arith.constant 0 : i32
        %lt3A_2249 = vector.broadcast %lt3A_2248 : i32 to vector<16xi32>
        %lt3A_2250 = arith.cmpi slt, %broadcast_in_dim3A_2199, %lt3A_2249 : vector<16xi32>
        %add3A_2251 = arith.constant 16 : i32
        %add3A_2252 = vector.broadcast %add3A_2251 : i32 to vector<16xi32>
        %add3A_2253 = arith.addi %broadcast_in_dim3A_2199, %add3A_2252 : vector<16xi32>
        %select_n3A_2254 = arith.select %lt3A_2250, %add3A_2253, %broadcast_in_dim3A_2199 : vector<16xi1>, vector<16xi32>
        %reshape3A_2255 = vector.shape_cast %select_n3A_2254 : vector<16xi32> to vector<16x1xi32>
        %gather3A_2256 = vector.shape_cast %reshape3A_2255 : vector<16x1xi32> to vector<16xi32>
        %gather3A_2257 = tpu.dynamic_gather %mul3A_1926[%gather3A_2256] in [0] : vector<16xf32>, vector<16xi32> -> vector<16xf32>
        %lt3A_2258 = arith.constant 0 : i32
        %lt3A_2259 = vector.broadcast %lt3A_2258 : i32 to vector<16xi32>
        %lt3A_2260 = arith.cmpi slt, %broadcast_in_dim3A_2199, %lt3A_2259 : vector<16xi32>
        %add3A_2261 = arith.constant 16 : i32
        %add3A_2262 = vector.broadcast %add3A_2261 : i32 to vector<16xi32>
        %add3A_2263 = arith.addi %broadcast_in_dim3A_2199, %add3A_2262 : vector<16xi32>
        %select_n3A_2264 = arith.select %lt3A_2260, %add3A_2263, %broadcast_in_dim3A_2199 : vector<16xi1>, vector<16xi32>
        %reshape3A_2265 = vector.shape_cast %select_n3A_2264 : vector<16xi32> to vector<16x1xi32>
        %gather3A_2266 = vector.shape_cast %reshape3A_2265 : vector<16x1xi32> to vector<16xi32>
        %gather3A_2267 = tpu.dynamic_gather %mul3A_1975[%gather3A_2266] in [0] : vector<16xf32>, vector<16xi32> -> vector<16xf32>
        %lt3A_2268 = arith.constant 0 : i32
        %lt3A_2269 = vector.broadcast %lt3A_2268 : i32 to vector<16xi32>
        %lt3A_2270 = arith.cmpi slt, %broadcast_in_dim3A_2199, %lt3A_2269 : vector<16xi32>
        %add3A_2271 = arith.constant 16 : i32
        %add3A_2272 = vector.broadcast %add3A_2271 : i32 to vector<16xi32>
        %add3A_2273 = arith.addi %broadcast_in_dim3A_2199, %add3A_2272 : vector<16xi32>
        %select_n3A_2274 = arith.select %lt3A_2270, %add3A_2273, %broadcast_in_dim3A_2199 : vector<16xi1>, vector<16xi32>
        %reshape3A_2275 = vector.shape_cast %select_n3A_2274 : vector<16xi32> to vector<16x1xi32>
        %gather3A_2276 = vector.shape_cast %reshape3A_2275 : vector<16x1xi32> to vector<16xi32>
        %gather3A_2277 = tpu.dynamic_gather %mul3A_1976[%gather3A_2276] in [0] : vector<16xf32>, vector<16xi32> -> vector<16xf32>
        %lt3A_2278 = arith.constant 0 : i32
        %lt3A_2279 = vector.broadcast %lt3A_2278 : i32 to vector<16xi32>
        %lt3A_2280 = arith.cmpi slt, %broadcast_in_dim3A_2199, %lt3A_2279 : vector<16xi32>
        %add3A_2281 = arith.constant 16 : i32
        %add3A_2282 = vector.broadcast %add3A_2281 : i32 to vector<16xi32>
        %add3A_2283 = arith.addi %broadcast_in_dim3A_2199, %add3A_2282 : vector<16xi32>
        %select_n3A_2284 = arith.select %lt3A_2280, %add3A_2283, %broadcast_in_dim3A_2199 : vector<16xi1>, vector<16xi32>
        %reshape3A_2285 = vector.shape_cast %select_n3A_2284 : vector<16xi32> to vector<16x1xi32>
        %gather3A_2286 = vector.shape_cast %reshape3A_2285 : vector<16x1xi32> to vector<16xi32>
        %gather3A_2287 = tpu.dynamic_gather %mul3A_2025[%gather3A_2286] in [0] : vector<16xf32>, vector<16xi32> -> vector<16xf32>
        %lt3A_2288 = arith.constant 0 : i32
        %lt3A_2289 = vector.broadcast %lt3A_2288 : i32 to vector<16xi32>
        %lt3A_2290 = arith.cmpi slt, %broadcast_in_dim3A_2199, %lt3A_2289 : vector<16xi32>
        %add3A_2291 = arith.constant 16 : i32
        %add3A_2292 = vector.broadcast %add3A_2291 : i32 to vector<16xi32>
        %add3A_2293 = arith.addi %broadcast_in_dim3A_2199, %add3A_2292 : vector<16xi32>
        %select_n3A_2294 = arith.select %lt3A_2290, %add3A_2293, %broadcast_in_dim3A_2199 : vector<16xi1>, vector<16xi32>
        %reshape3A_2295 = vector.shape_cast %select_n3A_2294 : vector<16xi32> to vector<16x1xi32>
        %gather3A_2296 = vector.shape_cast %reshape3A_2295 : vector<16x1xi32> to vector<16xi32>
        %gather3A_2297 = tpu.dynamic_gather %mul3A_2026[%gather3A_2296] in [0] : vector<16xf32>, vector<16xi32> -> vector<16xf32>
        %lt3A_2298 = arith.constant 0 : i32
        %lt3A_2299 = vector.broadcast %lt3A_2298 : i32 to vector<16xi32>
        %lt3A_2300 = arith.cmpi slt, %broadcast_in_dim3A_2199, %lt3A_2299 : vector<16xi32>
        %add3A_2301 = arith.constant 16 : i32
        %add3A_2302 = vector.broadcast %add3A_2301 : i32 to vector<16xi32>
        %add3A_2303 = arith.addi %broadcast_in_dim3A_2199, %add3A_2302 : vector<16xi32>
        %select_n3A_2304 = arith.select %lt3A_2300, %add3A_2303, %broadcast_in_dim3A_2199 : vector<16xi1>, vector<16xi32>
        %reshape3A_2305 = vector.shape_cast %select_n3A_2304 : vector<16xi32> to vector<16x1xi32>
        %gather3A_2306 = vector.shape_cast %reshape3A_2305 : vector<16x1xi32> to vector<16xi32>
        %gather3A_2307 = tpu.dynamic_gather %mul3A_2075[%gather3A_2306] in [0] : vector<16xf32>, vector<16xi32> -> vector<16xf32>
        %lt3A_2308 = arith.constant 0 : i32
        %lt3A_2309 = vector.broadcast %lt3A_2308 : i32 to vector<16xi32>
        %lt3A_2310 = arith.cmpi slt, %broadcast_in_dim3A_2199, %lt3A_2309 : vector<16xi32>
        %add3A_2311 = arith.constant 16 : i32
        %add3A_2312 = vector.broadcast %add3A_2311 : i32 to vector<16xi32>
        %add3A_2313 = arith.addi %broadcast_in_dim3A_2199, %add3A_2312 : vector<16xi32>
        %select_n3A_2314 = arith.select %lt3A_2310, %add3A_2313, %broadcast_in_dim3A_2199 : vector<16xi1>, vector<16xi32>
        %reshape3A_2315 = vector.shape_cast %select_n3A_2314 : vector<16xi32> to vector<16x1xi32>
        %gather3A_2316 = vector.shape_cast %reshape3A_2315 : vector<16x1xi32> to vector<16xi32>
        %gather3A_2317 = tpu.dynamic_gather %mul3A_2076[%gather3A_2316] in [0] : vector<16xf32>, vector<16xi32> -> vector<16xf32>
        %lt3A_2318 = arith.constant 0 : i32
        %lt3A_2319 = vector.broadcast %lt3A_2318 : i32 to vector<16xi32>
        %lt3A_2320 = arith.cmpi slt, %broadcast_in_dim3A_2199, %lt3A_2319 : vector<16xi32>
        %add3A_2321 = arith.constant 16 : i32
        %add3A_2322 = vector.broadcast %add3A_2321 : i32 to vector<16xi32>
        %add3A_2323 = arith.addi %broadcast_in_dim3A_2199, %add3A_2322 : vector<16xi32>
        %select_n3A_2324 = arith.select %lt3A_2320, %add3A_2323, %broadcast_in_dim3A_2199 : vector<16xi1>, vector<16xi32>
        %reshape3A_2325 = vector.shape_cast %select_n3A_2324 : vector<16xi32> to vector<16x1xi32>
        %gather3A_2326 = vector.shape_cast %reshape3A_2325 : vector<16x1xi32> to vector<16xi32>
        %gather3A_2327 = tpu.dynamic_gather %mul3A_2125[%gather3A_2326] in [0] : vector<16xf32>, vector<16xi32> -> vector<16xf32>
        %lt3A_2328 = arith.constant 0 : i32
        %lt3A_2329 = vector.broadcast %lt3A_2328 : i32 to vector<16xi32>
        %lt3A_2330 = arith.cmpi slt, %broadcast_in_dim3A_2199, %lt3A_2329 : vector<16xi32>
        %add3A_2331 = arith.constant 16 : i32
        %add3A_2332 = vector.broadcast %add3A_2331 : i32 to vector<16xi32>
        %add3A_2333 = arith.addi %broadcast_in_dim3A_2199, %add3A_2332 : vector<16xi32>
        %select_n3A_2334 = arith.select %lt3A_2330, %add3A_2333, %broadcast_in_dim3A_2199 : vector<16xi1>, vector<16xi32>
        %reshape3A_2335 = vector.shape_cast %select_n3A_2334 : vector<16xi32> to vector<16x1xi32>
        %gather3A_2336 = vector.shape_cast %reshape3A_2335 : vector<16x1xi32> to vector<16xi32>
        %gather3A_2337 = tpu.dynamic_gather %mul3A_2126[%gather3A_2336] in [0] : vector<16xf32>, vector<16xi32> -> vector<16xf32>
        %lt3A_2338 = arith.constant 0 : i32
        %lt3A_2339 = vector.broadcast %lt3A_2338 : i32 to vector<16xi32>
        %lt3A_2340 = arith.cmpi slt, %broadcast_in_dim3A_2199, %lt3A_2339 : vector<16xi32>
        %add3A_2341 = arith.constant 16 : i32
        %add3A_2342 = vector.broadcast %add3A_2341 : i32 to vector<16xi32>
        %add3A_2343 = arith.addi %broadcast_in_dim3A_2199, %add3A_2342 : vector<16xi32>
        %select_n3A_2344 = arith.select %lt3A_2340, %add3A_2343, %broadcast_in_dim3A_2199 : vector<16xi1>, vector<16xi32>
        %reshape3A_2345 = vector.shape_cast %select_n3A_2344 : vector<16xi32> to vector<16x1xi32>
        %gather3A_2346 = vector.shape_cast %reshape3A_2345 : vector<16x1xi32> to vector<16xi32>
        %gather3A_2347 = tpu.dynamic_gather %div3A_1780[%gather3A_2346] in [0] : vector<16xf32>, vector<16xi32> -> vector<16xf32>
        %mul3A_2348 = arith.constant 16 : i32
        %mul3A_2349 = arith.muli %select_n3A_1046, %mul3A_2348 : i32
        %add3A_2350 = arith.addi %mul3A_2349, %scan3A_2198 : i32
        %broadcast_in_dim3A_2351 = arith.constant 0.000000e+00 : f32
        %broadcast_in_dim3A_2352 = vector.broadcast %broadcast_in_dim3A_2351 : f32 to vector<16xf32>
        %broadcast_in_dim3A_2353 = arith.constant 0.000000e+00 : f32
        %broadcast_in_dim3A_2354 = vector.broadcast %broadcast_in_dim3A_2353 : f32 to vector<16xf32>
        %broadcast_in_dim3A_2355 = arith.constant 0.000000e+00 : f32
        %broadcast_in_dim3A_2356 = vector.broadcast %broadcast_in_dim3A_2355 : f32 to vector<16xf32>
        %broadcast_in_dim3A_2357 = arith.constant 0.000000e+00 : f32
        %broadcast_in_dim3A_2358 = vector.broadcast %broadcast_in_dim3A_2357 : f32 to vector<16xf32>
        %broadcast_in_dim3A_2359 = arith.constant 0.000000e+00 : f32
        %broadcast_in_dim3A_2360 = vector.broadcast %broadcast_in_dim3A_2359 : f32 to vector<16xf32>
        %broadcast_in_dim3A_2361 = arith.constant 0.000000e+00 : f32
        %broadcast_in_dim3A_2362 = vector.broadcast %broadcast_in_dim3A_2361 : f32 to vector<16xf32>
        %broadcast_in_dim3A_2363 = arith.constant 0.000000e+00 : f32
        %broadcast_in_dim3A_2364 = vector.broadcast %broadcast_in_dim3A_2363 : f32 to vector<16xf32>
        %broadcast_in_dim3A_2365 = arith.constant 0.000000e+00 : f32
        %broadcast_in_dim3A_2366 = vector.broadcast %broadcast_in_dim3A_2365 : f32 to vector<16xf32>
        %broadcast_in_dim3A_2367 = arith.constant 0.000000e+00 : f32
        %broadcast_in_dim3A_2368 = vector.broadcast %broadcast_in_dim3A_2367 : f32 to vector<16xf32>
        %broadcast_in_dim3A_2369 = arith.constant 0.000000e+00 : f32
        %broadcast_in_dim3A_2370 = vector.broadcast %broadcast_in_dim3A_2369 : f32 to vector<16xf32>
        %broadcast_in_dim3A_2371 = arith.constant 0.000000e+00 : f32
        %broadcast_in_dim3A_2372 = vector.broadcast %broadcast_in_dim3A_2371 : f32 to vector<16xf32>
        %broadcast_in_dim3A_2373 = arith.constant 0.000000e+00 : f32
        %broadcast_in_dim3A_2374 = vector.broadcast %broadcast_in_dim3A_2373 : f32 to vector<16xf32>
        %broadcast_in_dim3A_2375 = arith.constant 0.000000e+00 : f32
        %broadcast_in_dim3A_2376 = vector.broadcast %broadcast_in_dim3A_2375 : f32 to vector<16xf32>
        %broadcast_in_dim3A_2377 = arith.constant 0.000000e+00 : f32
        %broadcast_in_dim3A_2378 = vector.broadcast %broadcast_in_dim3A_2377 : f32 to vector<16xf32>
        %broadcast_in_dim3A_2379 = arith.constant 0.000000e+00 : f32
        %broadcast_in_dim3A_2380 = vector.broadcast %broadcast_in_dim3A_2379 : f32 to vector<16xf32>
        %broadcast_in_dim3A_2381 = arith.constant 0.000000e+00 : f32
        %broadcast_in_dim3A_2382 = vector.broadcast %broadcast_in_dim3A_2381 : f32 to vector<16xf32>
        %add3A_2383 = arith.constant 0 : i32
        %add3A_2384 = arith.addi %mul3A_2132, %add3A_2383 : i32
        %add3A_2385 = arith.addi %add3A_2384, %scan3A_2198 : i32
        %get3A_2386 = arith.index_cast %add3A_2385 : i32 to index
        %get3A_2387 = arith.constant 0 : index
        %get3A_2388 = tpu.vector_load %arg7[%get3A_2386, %get3A_2387] {strides = array<i32>} : memref<672x256xbf16, #tpu.memory_space<vmem>>, vector<32xbf16>,
        %unpack3A = tpu.unpack_subelements %get3A_2388, 0 {pack_format = #tpu.pack_format<interleaved>} : vector<32xbf16> -> vector<16xf32>
        %unpack3A_2389 = tpu.unpack_subelements %get3A_2388, 1 {pack_format = #tpu.pack_format<interleaved>} : vector<32xbf16> -> vector<16xf32>
        %mul3A_2390 = arith.mulf %gather3A_2207, %unpack3A : vector<16xf32>
        %add3A_2391 = arith.addf %broadcast_in_dim3A_2352, %mul3A_2390 : vector<16xf32>
        %mul3A_2392 = arith.mulf %gather3A_2207, %unpack3A_2389 : vector<16xf32>
        %add3A_2393 = arith.addf %broadcast_in_dim3A_2354, %mul3A_2392 : vector<16xf32>
        %get3A_2394 = arith.index_cast %add3A_2385 : i32 to index
        %get3A_2395 = arith.constant 32 : index
        %get3A_2396 = tpu.vector_load %arg7[%get3A_2394, %get3A_2395] {strides = array<i32>} : memref<672x256xbf16, #tpu.memory_space<vmem>>, vector<32xbf16>,
        %unpack3A_2397 = tpu.unpack_subelements %get3A_2396, 0 {pack_format = #tpu.pack_format<interleaved>} : vector<32xbf16> -> vector<16xf32>
        %unpack3A_2398 = tpu.unpack_subelements %get3A_2396, 1 {pack_format = #tpu.pack_format<interleaved>} : vector<32xbf16> -> vector<16xf32>
        %mul3A_2399 = arith.mulf %gather3A_2207, %unpack3A_2397 : vector<16xf32>
        %add3A_2400 = arith.addf %broadcast_in_dim3A_2356, %mul3A_2399 : vector<16xf32>
        %mul3A_2401 = arith.mulf %gather3A_2207, %unpack3A_2398 : vector<16xf32>
        %add3A_2402 = arith.addf %broadcast_in_dim3A_2358, %mul3A_2401 : vector<16xf32>
        %get3A_2403 = arith.index_cast %add3A_2385 : i32 to index
        %get3A_2404 = arith.constant 64 : index
        %get3A_2405 = tpu.vector_load %arg7[%get3A_2403, %get3A_2404] {strides = array<i32>} : memref<672x256xbf16, #tpu.memory_space<vmem>>, vector<32xbf16>,
        %unpack3A_2406 = tpu.unpack_subelements %get3A_2405, 0 {pack_format = #tpu.pack_format<interleaved>} : vector<32xbf16> -> vector<16xf32>
        %unpack3A_2407 = tpu.unpack_subelements %get3A_2405, 1 {pack_format = #tpu.pack_format<interleaved>} : vector<32xbf16> -> vector<16xf32>
        %mul3A_2408 = arith.mulf %gather3A_2207, %unpack3A_2406 : vector<16xf32>
        %add3A_2409 = arith.addf %broadcast_in_dim3A_2360, %mul3A_2408 : vector<16xf32>
        %mul3A_2410 = arith.mulf %gather3A_2207, %unpack3A_2407 : vector<16xf32>
        %add3A_2411 = arith.addf %broadcast_in_dim3A_2362, %mul3A_2410 : vector<16xf32>
        %get3A_2412 = arith.index_cast %add3A_2385 : i32 to index
        %get3A_2413 = arith.constant 96 : index
        %get3A_2414 = tpu.vector_load %arg7[%get3A_2412, %get3A_2413] {strides = array<i32>} : memref<672x256xbf16, #tpu.memory_space<vmem>>, vector<32xbf16>,
        %unpack3A_2415 = tpu.unpack_subelements %get3A_2414, 0 {pack_format = #tpu.pack_format<interleaved>} : vector<32xbf16> -> vector<16xf32>
        %unpack3A_2416 = tpu.unpack_subelements %get3A_2414, 1 {pack_format = #tpu.pack_format<interleaved>} : vector<32xbf16> -> vector<16xf32>
        %mul3A_2417 = arith.mulf %gather3A_2207, %unpack3A_2415 : vector<16xf32>
        %add3A_2418 = arith.addf %broadcast_in_dim3A_2364, %mul3A_2417 : vector<16xf32>
        %mul3A_2419 = arith.mulf %gather3A_2207, %unpack3A_2416 : vector<16xf32>
        %add3A_2420 = arith.addf %broadcast_in_dim3A_2366, %mul3A_2419 : vector<16xf32>
        %get3A_2421 = arith.index_cast %add3A_2385 : i32 to index
        %get3A_2422 = arith.constant 128 : index
        %get3A_2423 = tpu.vector_load %arg7[%get3A_2421, %get3A_2422] {strides = array<i32>} : memref<672x256xbf16, #tpu.memory_space<vmem>>, vector<32xbf16>,
        %unpack3A_2424 = tpu.unpack_subelements %get3A_2423, 0 {pack_format = #tpu.pack_format<interleaved>} : vector<32xbf16> -> vector<16xf32>
        %unpack3A_2425 = tpu.unpack_subelements %get3A_2423, 1 {pack_format = #tpu.pack_format<interleaved>} : vector<32xbf16> -> vector<16xf32>
        %mul3A_2426 = arith.mulf %gather3A_2207, %unpack3A_2424 : vector<16xf32>
        %add3A_2427 = arith.addf %broadcast_in_dim3A_2368, %mul3A_2426 : vector<16xf32>
        %mul3A_2428 = arith.mulf %gather3A_2207, %unpack3A_2425 : vector<16xf32>
        %add3A_2429 = arith.addf %broadcast_in_dim3A_2370, %mul3A_2428 : vector<16xf32>
        %get3A_2430 = arith.index_cast %add3A_2385 : i32 to index
        %get3A_2431 = arith.constant 160 : index
        %get3A_2432 = tpu.vector_load %arg7[%get3A_2430, %get3A_2431] {strides = array<i32>} : memref<672x256xbf16, #tpu.memory_space<vmem>>, vector<32xbf16>,
        %unpack3A_2433 = tpu.unpack_subelements %get3A_2432, 0 {pack_format = #tpu.pack_format<interleaved>} : vector<32xbf16> -> vector<16xf32>
        %unpack3A_2434 = tpu.unpack_subelements %get3A_2432, 1 {pack_format = #tpu.pack_format<interleaved>} : vector<32xbf16> -> vector<16xf32>
        %mul3A_2435 = arith.mulf %gather3A_2207, %unpack3A_2433 : vector<16xf32>
        %add3A_2436 = arith.addf %broadcast_in_dim3A_2372, %mul3A_2435 : vector<16xf32>
        %mul3A_2437 = arith.mulf %gather3A_2207, %unpack3A_2434 : vector<16xf32>
        %add3A_2438 = arith.addf %broadcast_in_dim3A_2374, %mul3A_2437 : vector<16xf32>
        %get3A_2439 = arith.index_cast %add3A_2385 : i32 to index
        %get3A_2440 = arith.constant 192 : index
        %get3A_2441 = tpu.vector_load %arg7[%get3A_2439, %get3A_2440] {strides = array<i32>} : memref<672x256xbf16, #tpu.memory_space<vmem>>, vector<32xbf16>,
        %unpack3A_2442 = tpu.unpack_subelements %get3A_2441, 0 {pack_format = #tpu.pack_format<interleaved>} : vector<32xbf16> -> vector<16xf32>
        %unpack3A_2443 = tpu.unpack_subelements %get3A_2441, 1 {pack_format = #tpu.pack_format<interleaved>} : vector<32xbf16> -> vector<16xf32>
        %mul3A_2444 = arith.mulf %gather3A_2207, %unpack3A_2442 : vector<16xf32>
        %add3A_2445 = arith.addf %broadcast_in_dim3A_2376, %mul3A_2444 : vector<16xf32>
        %mul3A_2446 = arith.mulf %gather3A_2207, %unpack3A_2443 : vector<16xf32>
        %add3A_2447 = arith.addf %broadcast_in_dim3A_2378, %mul3A_2446 : vector<16xf32>
        %get3A_2448 = arith.index_cast %add3A_2385 : i32 to index
        %get3A_2449 = arith.constant 224 : index
        %get3A_2450 = tpu.vector_load %arg7[%get3A_2448, %get3A_2449] {strides = array<i32>} : memref<672x256xbf16, #tpu.memory_space<vmem>>, vector<32xbf16>,
        %unpack3A_2451 = tpu.unpack_subelements %get3A_2450, 0 {pack_format = #tpu.pack_format<interleaved>} : vector<32xbf16> -> vector<16xf32>
        %unpack3A_2452 = tpu.unpack_subelements %get3A_2450, 1 {pack_format = #tpu.pack_format<interleaved>} : vector<32xbf16> -> vector<16xf32>
        %mul3A_2453 = arith.mulf %gather3A_2207, %unpack3A_2451 : vector<16xf32>
        %add3A_2454 = arith.addf %broadcast_in_dim3A_2380, %mul3A_2453 : vector<16xf32>
        %mul3A_2455 = arith.mulf %gather3A_2207, %unpack3A_2452 : vector<16xf32>
        %add3A_2456 = arith.addf %broadcast_in_dim3A_2382, %mul3A_2455 : vector<16xf32>
        %add3A_2457 = arith.constant 16 : i32
        %add3A_2458 = arith.addi %mul3A_2132, %add3A_2457 : i32
        %add3A_2459 = arith.addi %add3A_2458, %scan3A_2198 : i32
        %get3A_2460 = arith.index_cast %add3A_2459 : i32 to index
        %get3A_2461 = arith.constant 0 : index
        %get3A_2462 = tpu.vector_load %arg7[%get3A_2460, %get3A_2461] {strides = array<i32>} : memref<672x256xbf16, #tpu.memory_space<vmem>>, vector<32xbf16>,
        %unpack3A_2463 = tpu.unpack_subelements %get3A_2462, 0 {pack_format = #tpu.pack_format<interleaved>} : vector<32xbf16> -> vector<16xf32>
        %unpack3A_2464 = tpu.unpack_subelements %get3A_2462, 1 {pack_format = #tpu.pack_format<interleaved>} : vector<32xbf16> -> vector<16xf32>
        %mul3A_2465 = arith.mulf %gather3A_2217, %unpack3A_2463 : vector<16xf32>
        %add3A_2466 = arith.addf %add3A_2391, %mul3A_2465 : vector<16xf32>
        %mul3A_2467 = arith.mulf %gather3A_2217, %unpack3A_2464 : vector<16xf32>
        %add3A_2468 = arith.addf %add3A_2393, %mul3A_2467 : vector<16xf32>
        %get3A_2469 = arith.index_cast %add3A_2459 : i32 to index
        %get3A_2470 = arith.constant 32 : index
        %get3A_2471 = tpu.vector_load %arg7[%get3A_2469, %get3A_2470] {strides = array<i32>} : memref<672x256xbf16, #tpu.memory_space<vmem>>, vector<32xbf16>,
        %unpack3A_2472 = tpu.unpack_subelements %get3A_2471, 0 {pack_format = #tpu.pack_format<interleaved>} : vector<32xbf16> -> vector<16xf32>
        %unpack3A_2473 = tpu.unpack_subelements %get3A_2471, 1 {pack_format = #tpu.pack_format<interleaved>} : vector<32xbf16> -> vector<16xf32>
        %mul3A_2474 = arith.mulf %gather3A_2217, %unpack3A_2472 : vector<16xf32>
        %add3A_2475 = arith.addf %add3A_2400, %mul3A_2474 : vector<16xf32>
        %mul3A_2476 = arith.mulf %gather3A_2217, %unpack3A_2473 : vector<16xf32>
        %add3A_2477 = arith.addf %add3A_2402, %mul3A_2476 : vector<16xf32>
        %get3A_2478 = arith.index_cast %add3A_2459 : i32 to index
        %get3A_2479 = arith.constant 64 : index
        %get3A_2480 = tpu.vector_load %arg7[%get3A_2478, %get3A_2479] {strides = array<i32>} : memref<672x256xbf16, #tpu.memory_space<vmem>>, vector<32xbf16>,
        %unpack3A_2481 = tpu.unpack_subelements %get3A_2480, 0 {pack_format = #tpu.pack_format<interleaved>} : vector<32xbf16> -> vector<16xf32>
        %unpack3A_2482 = tpu.unpack_subelements %get3A_2480, 1 {pack_format = #tpu.pack_format<interleaved>} : vector<32xbf16> -> vector<16xf32>
        %mul3A_2483 = arith.mulf %gather3A_2217, %unpack3A_2481 : vector<16xf32>
        %add3A_2484 = arith.addf %add3A_2409, %mul3A_2483 : vector<16xf32>
        %mul3A_2485 = arith.mulf %gather3A_2217, %unpack3A_2482 : vector<16xf32>
        %add3A_2486 = arith.addf %add3A_2411, %mul3A_2485 : vector<16xf32>
        %get3A_2487 = arith.index_cast %add3A_2459 : i32 to index
        %get3A_2488 = arith.constant 96 : index
        %get3A_2489 = tpu.vector_load %arg7[%get3A_2487, %get3A_2488] {strides = array<i32>} : memref<672x256xbf16, #tpu.memory_space<vmem>>, vector<32xbf16>,
        %unpack3A_2490 = tpu.unpack_subelements %get3A_2489, 0 {pack_format = #tpu.pack_format<interleaved>} : vector<32xbf16> -> vector<16xf32>
        %unpack3A_2491 = tpu.unpack_subelements %get3A_2489, 1 {pack_format = #tpu.pack_format<interleaved>} : vector<32xbf16> -> vector<16xf32>
        %mul3A_2492 = arith.mulf %gather3A_2217, %unpack3A_2490 : vector<16xf32>
        %add3A_2493 = arith.addf %add3A_2418, %mul3A_2492 : vector<16xf32>
        %mul3A_2494 = arith.mulf %gather3A_2217, %unpack3A_2491 : vector<16xf32>
        %add3A_2495 = arith.addf %add3A_2420, %mul3A_2494 : vector<16xf32>
        %get3A_2496 = arith.index_cast %add3A_2459 : i32 to index
        %get3A_2497 = arith.constant 128 : index
        %get3A_2498 = tpu.vector_load %arg7[%get3A_2496, %get3A_2497] {strides = array<i32>} : memref<672x256xbf16, #tpu.memory_space<vmem>>, vector<32xbf16>,
        %unpack3A_2499 = tpu.unpack_subelements %get3A_2498, 0 {pack_format = #tpu.pack_format<interleaved>} : vector<32xbf16> -> vector<16xf32>
        %unpack3A_2500 = tpu.unpack_subelements %get3A_2498, 1 {pack_format = #tpu.pack_format<interleaved>} : vector<32xbf16> -> vector<16xf32>
        %mul3A_2501 = arith.mulf %gather3A_2217, %unpack3A_2499 : vector<16xf32>
        %add3A_2502 = arith.addf %add3A_2427, %mul3A_2501 : vector<16xf32>
        %mul3A_2503 = arith.mulf %gather3A_2217, %unpack3A_2500 : vector<16xf32>
        %add3A_2504 = arith.addf %add3A_2429, %mul3A_2503 : vector<16xf32>
        %get3A_2505 = arith.index_cast %add3A_2459 : i32 to index
        %get3A_2506 = arith.constant 160 : index
        %get3A_2507 = tpu.vector_load %arg7[%get3A_2505, %get3A_2506] {strides = array<i32>} : memref<672x256xbf16, #tpu.memory_space<vmem>>, vector<32xbf16>,
        %unpack3A_2508 = tpu.unpack_subelements %get3A_2507, 0 {pack_format = #tpu.pack_format<interleaved>} : vector<32xbf16> -> vector<16xf32>
        %unpack3A_2509 = tpu.unpack_subelements %get3A_2507, 1 {pack_format = #tpu.pack_format<interleaved>} : vector<32xbf16> -> vector<16xf32>
        %mul3A_2510 = arith.mulf %gather3A_2217, %unpack3A_2508 : vector<16xf32>
        %add3A_2511 = arith.addf %add3A_2436, %mul3A_2510 : vector<16xf32>
        %mul3A_2512 = arith.mulf %gather3A_2217, %unpack3A_2509 : vector<16xf32>
        %add3A_2513 = arith.addf %add3A_2438, %mul3A_2512 : vector<16xf32>
        %get3A_2514 = arith.index_cast %add3A_2459 : i32 to index
        %get3A_2515 = arith.constant 192 : index
        %get3A_2516 = tpu.vector_load %arg7[%get3A_2514, %get3A_2515] {strides = array<i32>} : memref<672x256xbf16, #tpu.memory_space<vmem>>, vector<32xbf16>,
        %unpack3A_2517 = tpu.unpack_subelements %get3A_2516, 0 {pack_format = #tpu.pack_format<interleaved>} : vector<32xbf16> -> vector<16xf32>
        %unpack3A_2518 = tpu.unpack_subelements %get3A_2516, 1 {pack_format = #tpu.pack_format<interleaved>} : vector<32xbf16> -> vector<16xf32>
        %mul3A_2519 = arith.mulf %gather3A_2217, %unpack3A_2517 : vector<16xf32>
        %add3A_2520 = arith.addf %add3A_2445, %mul3A_2519 : vector<16xf32>
        %mul3A_2521 = arith.mulf %gather3A_2217, %unpack3A_2518 : vector<16xf32>
        %add3A_2522 = arith.addf %add3A_2447, %mul3A_2521 : vector<16xf32>
        %get3A_2523 = arith.index_cast %add3A_2459 : i32 to index
        %get3A_2524 = arith.constant 224 : index
        %get3A_2525 = tpu.vector_load %arg7[%get3A_2523, %get3A_2524] {strides = array<i32>} : memref<672x256xbf16, #tpu.memory_space<vmem>>, vector<32xbf16>,
        %unpack3A_2526 = tpu.unpack_subelements %get3A_2525, 0 {pack_format = #tpu.pack_format<interleaved>} : vector<32xbf16> -> vector<16xf32>
        %unpack3A_2527 = tpu.unpack_subelements %get3A_2525, 1 {pack_format = #tpu.pack_format<interleaved>} : vector<32xbf16> -> vector<16xf32>
        %mul3A_2528 = arith.mulf %gather3A_2217, %unpack3A_2526 : vector<16xf32>
        %add3A_2529 = arith.addf %add3A_2454, %mul3A_2528 : vector<16xf32>
        %mul3A_2530 = arith.mulf %gather3A_2217, %unpack3A_2527 : vector<16xf32>
        %add3A_2531 = arith.addf %add3A_2456, %mul3A_2530 : vector<16xf32>
        %add3A_2532 = arith.constant 32 : i32
        %add3A_2533 = arith.addi %mul3A_2132, %add3A_2532 : i32
        %add3A_2534 = arith.addi %add3A_2533, %scan3A_2198 : i32
        %get3A_2535 = arith.index_cast %add3A_2534 : i32 to index
        %get3A_2536 = arith.constant 0 : index
        %get3A_2537 = tpu.vector_load %arg7[%get3A_2535, %get3A_2536] {strides = array<i32>} : memref<672x256xbf16, #tpu.memory_space<vmem>>, vector<32xbf16>,
        %unpack3A_2538 = tpu.unpack_subelements %get3A_2537, 0 {pack_format = #tpu.pack_format<interleaved>} : vector<32xbf16> -> vector<16xf32>
        %unpack3A_2539 = tpu.unpack_subelements %get3A_2537, 1 {pack_format = #tpu.pack_format<interleaved>} : vector<32xbf16> -> vector<16xf32>
        %mul3A_2540 = arith.mulf %gather3A_2227, %unpack3A_2538 : vector<16xf32>
        %add3A_2541 = arith.addf %add3A_2466, %mul3A_2540 : vector<16xf32>
        %mul3A_2542 = arith.mulf %gather3A_2227, %unpack3A_2539 : vector<16xf32>
        %add3A_2543 = arith.addf %add3A_2468, %mul3A_2542 : vector<16xf32>
        %get3A_2544 = arith.index_cast %add3A_2534 : i32 to index
        %get3A_2545 = arith.constant 32 : index
        %get3A_2546 = tpu.vector_load %arg7[%get3A_2544, %get3A_2545] {strides = array<i32>} : memref<672x256xbf16, #tpu.memory_space<vmem>>, vector<32xbf16>,
        %unpack3A_2547 = tpu.unpack_subelements %get3A_2546, 0 {pack_format = #tpu.pack_format<interleaved>} : vector<32xbf16> -> vector<16xf32>
        %unpack3A_2548 = tpu.unpack_subelements %get3A_2546, 1 {pack_format = #tpu.pack_format<interleaved>} : vector<32xbf16> -> vector<16xf32>
        %mul3A_2549 = arith.mulf %gather3A_2227, %unpack3A_2547 : vector<16xf32>
        %add3A_2550 = arith.addf %add3A_2475, %mul3A_2549 : vector<16xf32>
        %mul3A_2551 = arith.mulf %gather3A_2227, %unpack3A_2548 : vector<16xf32>
        %add3A_2552 = arith.addf %add3A_2477, %mul3A_2551 : vector<16xf32>
        %get3A_2553 = arith.index_cast %add3A_2534 : i32 to index
        %get3A_2554 = arith.constant 64 : index
        %get3A_2555 = tpu.vector_load %arg7[%get3A_2553, %get3A_2554] {strides = array<i32>} : memref<672x256xbf16, #tpu.memory_space<vmem>>, vector<32xbf16>,
        %unpack3A_2556 = tpu.unpack_subelements %get3A_2555, 0 {pack_format = #tpu.pack_format<interleaved>} : vector<32xbf16> -> vector<16xf32>
        %unpack3A_2557 = tpu.unpack_subelements %get3A_2555, 1 {pack_format = #tpu.pack_format<interleaved>} : vector<32xbf16> -> vector<16xf32>
        %mul3A_2558 = arith.mulf %gather3A_2227, %unpack3A_2556 : vector<16xf32>
        %add3A_2559 = arith.addf %add3A_2484, %mul3A_2558 : vector<16xf32>
        %mul3A_2560 = arith.mulf %gather3A_2227, %unpack3A_2557 : vector<16xf32>
        %add3A_2561 = arith.addf %add3A_2486, %mul3A_2560 : vector<16xf32>
        %get3A_2562 = arith.index_cast %add3A_2534 : i32 to index
        %get3A_2563 = arith.constant 96 : index
        %get3A_2564 = tpu.vector_load %arg7[%get3A_2562, %get3A_2563] {strides = array<i32>} : memref<672x256xbf16, #tpu.memory_space<vmem>>, vector<32xbf16>,
        %unpack3A_2565 = tpu.unpack_subelements %get3A_2564, 0 {pack_format = #tpu.pack_format<interleaved>} : vector<32xbf16> -> vector<16xf32>
        %unpack3A_2566 = tpu.unpack_subelements %get3A_2564, 1 {pack_format = #tpu.pack_format<interleaved>} : vector<32xbf16> -> vector<16xf32>
        %mul3A_2567 = arith.mulf %gather3A_2227, %unpack3A_2565 : vector<16xf32>
        %add3A_2568 = arith.addf %add3A_2493, %mul3A_2567 : vector<16xf32>
        %mul3A_2569 = arith.mulf %gather3A_2227, %unpack3A_2566 : vector<16xf32>
        %add3A_2570 = arith.addf %add3A_2495, %mul3A_2569 : vector<16xf32>
        %get3A_2571 = arith.index_cast %add3A_2534 : i32 to index
        %get3A_2572 = arith.constant 128 : index
        %get3A_2573 = tpu.vector_load %arg7[%get3A_2571, %get3A_2572] {strides = array<i32>} : memref<672x256xbf16, #tpu.memory_space<vmem>>, vector<32xbf16>,
        %unpack3A_2574 = tpu.unpack_subelements %get3A_2573, 0 {pack_format = #tpu.pack_format<interleaved>} : vector<32xbf16> -> vector<16xf32>
        %unpack3A_2575 = tpu.unpack_subelements %get3A_2573, 1 {pack_format = #tpu.pack_format<interleaved>} : vector<32xbf16> -> vector<16xf32>
        %mul3A_2576 = arith.mulf %gather3A_2227, %unpack3A_2574 : vector<16xf32>
        %add3A_2577 = arith.addf %add3A_2502, %mul3A_2576 : vector<16xf32>
        %mul3A_2578 = arith.mulf %gather3A_2227, %unpack3A_2575 : vector<16xf32>
        %add3A_2579 = arith.addf %add3A_2504, %mul3A_2578 : vector<16xf32>
        %get3A_2580 = arith.index_cast %add3A_2534 : i32 to index
        %get3A_2581 = arith.constant 160 : index
        %get3A_2582 = tpu.vector_load %arg7[%get3A_2580, %get3A_2581] {strides = array<i32>} : memref<672x256xbf16, #tpu.memory_space<vmem>>, vector<32xbf16>,
        %unpack3A_2583 = tpu.unpack_subelements %get3A_2582, 0 {pack_format = #tpu.pack_format<interleaved>} : vector<32xbf16> -> vector<16xf32>
        %unpack3A_2584 = tpu.unpack_subelements %get3A_2582, 1 {pack_format = #tpu.pack_format<interleaved>} : vector<32xbf16> -> vector<16xf32>
        %mul3A_2585 = arith.mulf %gather3A_2227, %unpack3A_2583 : vector<16xf32>
        %add3A_2586 = arith.addf %add3A_2511, %mul3A_2585 : vector<16xf32>
        %mul3A_2587 = arith.mulf %gather3A_2227, %unpack3A_2584 : vector<16xf32>
        %add3A_2588 = arith.addf %add3A_2513, %mul3A_2587 : vector<16xf32>
        %get3A_2589 = arith.index_cast %add3A_2534 : i32 to index
        %get3A_2590 = arith.constant 192 : index
        %get3A_2591 = tpu.vector_load %arg7[%get3A_2589, %get3A_2590] {strides = array<i32>} : memref<672x256xbf16, #tpu.memory_space<vmem>>, vector<32xbf16>,
        %unpack3A_2592 = tpu.unpack_subelements %get3A_2591, 0 {pack_format = #tpu.pack_format<interleaved>} : vector<32xbf16> -> vector<16xf32>
        %unpack3A_2593 = tpu.unpack_subelements %get3A_2591, 1 {pack_format = #tpu.pack_format<interleaved>} : vector<32xbf16> -> vector<16xf32>
        %mul3A_2594 = arith.mulf %gather3A_2227, %unpack3A_2592 : vector<16xf32>
        %add3A_2595 = arith.addf %add3A_2520, %mul3A_2594 : vector<16xf32>
        %mul3A_2596 = arith.mulf %gather3A_2227, %unpack3A_2593 : vector<16xf32>
        %add3A_2597 = arith.addf %add3A_2522, %mul3A_2596 : vector<16xf32>
        %get3A_2598 = arith.index_cast %add3A_2534 : i32 to index
        %get3A_2599 = arith.constant 224 : index
        %get3A_2600 = tpu.vector_load %arg7[%get3A_2598, %get3A_2599] {strides = array<i32>} : memref<672x256xbf16, #tpu.memory_space<vmem>>, vector<32xbf16>,
        %unpack3A_2601 = tpu.unpack_subelements %get3A_2600, 0 {pack_format = #tpu.pack_format<interleaved>} : vector<32xbf16> -> vector<16xf32>
        %unpack3A_2602 = tpu.unpack_subelements %get3A_2600, 1 {pack_format = #tpu.pack_format<interleaved>} : vector<32xbf16> -> vector<16xf32>
        %mul3A_2603 = arith.mulf %gather3A_2227, %unpack3A_2601 : vector<16xf32>
        %add3A_2604 = arith.addf %add3A_2529, %mul3A_2603 : vector<16xf32>
        %mul3A_2605 = arith.mulf %gather3A_2227, %unpack3A_2602 : vector<16xf32>
        %add3A_2606 = arith.addf %add3A_2531, %mul3A_2605 : vector<16xf32>
        %add3A_2607 = arith.constant 48 : i32
        %add3A_2608 = arith.addi %mul3A_2132, %add3A_2607 : i32
        %add3A_2609 = arith.addi %add3A_2608, %scan3A_2198 : i32
        %get3A_2610 = arith.index_cast %add3A_2609 : i32 to index
        %get3A_2611 = arith.constant 0 : index
        %get3A_2612 = tpu.vector_load %arg7[%get3A_2610, %get3A_2611] {strides = array<i32>} : memref<672x256xbf16, #tpu.memory_space<vmem>>, vector<32xbf16>,
        %unpack3A_2613 = tpu.unpack_subelements %get3A_2612, 0 {pack_format = #tpu.pack_format<interleaved>} : vector<32xbf16> -> vector<16xf32>
        %unpack3A_2614 = tpu.unpack_subelements %get3A_2612, 1 {pack_format = #tpu.pack_format<interleaved>} : vector<32xbf16> -> vector<16xf32>
        %mul3A_2615 = arith.mulf %gather3A_2237, %unpack3A_2613 : vector<16xf32>
        %add3A_2616 = arith.addf %add3A_2541, %mul3A_2615 : vector<16xf32>
        %mul3A_2617 = arith.mulf %gather3A_2237, %unpack3A_2614 : vector<16xf32>
        %add3A_2618 = arith.addf %add3A_2543, %mul3A_2617 : vector<16xf32>
        %get3A_2619 = arith.index_cast %add3A_2609 : i32 to index
        %get3A_2620 = arith.constant 32 : index
        %get3A_2621 = tpu.vector_load %arg7[%get3A_2619, %get3A_2620] {strides = array<i32>} : memref<672x256xbf16, #tpu.memory_space<vmem>>, vector<32xbf16>,
        %unpack3A_2622 = tpu.unpack_subelements %get3A_2621, 0 {pack_format = #tpu.pack_format<interleaved>} : vector<32xbf16> -> vector<16xf32>
        %unpack3A_2623 = tpu.unpack_subelements %get3A_2621, 1 {pack_format = #tpu.pack_format<interleaved>} : vector<32xbf16> -> vector<16xf32>
        %mul3A_2624 = arith.mulf %gather3A_2237, %unpack3A_2622 : vector<16xf32>
        %add3A_2625 = arith.addf %add3A_2550, %mul3A_2624 : vector<16xf32>
        %mul3A_2626 = arith.mulf %gather3A_2237, %unpack3A_2623 : vector<16xf32>
        %add3A_2627 = arith.addf %add3A_2552, %mul3A_2626 : vector<16xf32>
        %get3A_2628 = arith.index_cast %add3A_2609 : i32 to index
        %get3A_2629 = arith.constant 64 : index
        %get3A_2630 = tpu.vector_load %arg7[%get3A_2628, %get3A_2629] {strides = array<i32>} : memref<672x256xbf16, #tpu.memory_space<vmem>>, vector<32xbf16>,
        %unpack3A_2631 = tpu.unpack_subelements %get3A_2630, 0 {pack_format = #tpu.pack_format<interleaved>} : vector<32xbf16> -> vector<16xf32>
        %unpack3A_2632 = tpu.unpack_subelements %get3A_2630, 1 {pack_format = #tpu.pack_format<interleaved>} : vector<32xbf16> -> vector<16xf32>
        %mul3A_2633 = arith.mulf %gather3A_2237, %unpack3A_2631 : vector<16xf32>
        %add3A_2634 = arith.addf %add3A_2559, %mul3A_2633 : vector<16xf32>
        %mul3A_2635 = arith.mulf %gather3A_2237, %unpack3A_2632 : vector<16xf32>
        %add3A_2636 = arith.addf %add3A_2561, %mul3A_2635 : vector<16xf32>
        %get3A_2637 = arith.index_cast %add3A_2609 : i32 to index
        %get3A_2638 = arith.constant 96 : index
        %get3A_2639 = tpu.vector_load %arg7[%get3A_2637, %get3A_2638] {strides = array<i32>} : memref<672x256xbf16, #tpu.memory_space<vmem>>, vector<32xbf16>,
        %unpack3A_2640 = tpu.unpack_subelements %get3A_2639, 0 {pack_format = #tpu.pack_format<interleaved>} : vector<32xbf16> -> vector<16xf32>
        %unpack3A_2641 = tpu.unpack_subelements %get3A_2639, 1 {pack_format = #tpu.pack_format<interleaved>} : vector<32xbf16> -> vector<16xf32>
        %mul3A_2642 = arith.mulf %gather3A_2237, %unpack3A_2640 : vector<16xf32>
        %add3A_2643 = arith.addf %add3A_2568, %mul3A_2642 : vector<16xf32>
        %mul3A_2644 = arith.mulf %gather3A_2237, %unpack3A_2641 : vector<16xf32>
        %add3A_2645 = arith.addf %add3A_2570, %mul3A_2644 : vector<16xf32>
        %get3A_2646 = arith.index_cast %add3A_2609 : i32 to index
        %get3A_2647 = arith.constant 128 : index
        %get3A_2648 = tpu.vector_load %arg7[%get3A_2646, %get3A_2647] {strides = array<i32>} : memref<672x256xbf16, #tpu.memory_space<vmem>>, vector<32xbf16>,
        %unpack3A_2649 = tpu.unpack_subelements %get3A_2648, 0 {pack_format = #tpu.pack_format<interleaved>} : vector<32xbf16> -> vector<16xf32>
        %unpack3A_2650 = tpu.unpack_subelements %get3A_2648, 1 {pack_format = #tpu.pack_format<interleaved>} : vector<32xbf16> -> vector<16xf32>
        %mul3A_2651 = arith.mulf %gather3A_2237, %unpack3A_2649 : vector<16xf32>
        %add3A_2652 = arith.addf %add3A_2577, %mul3A_2651 : vector<16xf32>
        %mul3A_2653 = arith.mulf %gather3A_2237, %unpack3A_2650 : vector<16xf32>
        %add3A_2654 = arith.addf %add3A_2579, %mul3A_2653 : vector<16xf32>
        %get3A_2655 = arith.index_cast %add3A_2609 : i32 to index
        %get3A_2656 = arith.constant 160 : index
        %get3A_2657 = tpu.vector_load %arg7[%get3A_2655, %get3A_2656] {strides = array<i32>} : memref<672x256xbf16, #tpu.memory_space<vmem>>, vector<32xbf16>,
        %unpack3A_2658 = tpu.unpack_subelements %get3A_2657, 0 {pack_format = #tpu.pack_format<interleaved>} : vector<32xbf16> -> vector<16xf32>
        %unpack3A_2659 = tpu.unpack_subelements %get3A_2657, 1 {pack_format = #tpu.pack_format<interleaved>} : vector<32xbf16> -> vector<16xf32>
        %mul3A_2660 = arith.mulf %gather3A_2237, %unpack3A_2658 : vector<16xf32>
        %add3A_2661 = arith.addf %add3A_2586, %mul3A_2660 : vector<16xf32>
        %mul3A_2662 = arith.mulf %gather3A_2237, %unpack3A_2659 : vector<16xf32>
        %add3A_2663 = arith.addf %add3A_2588, %mul3A_2662 : vector<16xf32>
        %get3A_2664 = arith.index_cast %add3A_2609 : i32 to index
        %get3A_2665 = arith.constant 192 : index
        %get3A_2666 = tpu.vector_load %arg7[%get3A_2664, %get3A_2665] {strides = array<i32>} : memref<672x256xbf16, #tpu.memory_space<vmem>>, vector<32xbf16>,
        %unpack3A_2667 = tpu.unpack_subelements %get3A_2666, 0 {pack_format = #tpu.pack_format<interleaved>} : vector<32xbf16> -> vector<16xf32>
        %unpack3A_2668 = tpu.unpack_subelements %get3A_2666, 1 {pack_format = #tpu.pack_format<interleaved>} : vector<32xbf16> -> vector<16xf32>
        %mul3A_2669 = arith.mulf %gather3A_2237, %unpack3A_2667 : vector<16xf32>
        %add3A_2670 = arith.addf %add3A_2595, %mul3A_2669 : vector<16xf32>
        %mul3A_2671 = arith.mulf %gather3A_2237, %unpack3A_2668 : vector<16xf32>
        %add3A_2672 = arith.addf %add3A_2597, %mul3A_2671 : vector<16xf32>
        %get3A_2673 = arith.index_cast %add3A_2609 : i32 to index
        %get3A_2674 = arith.constant 224 : index
        %get3A_2675 = tpu.vector_load %arg7[%get3A_2673, %get3A_2674] {strides = array<i32>} : memref<672x256xbf16, #tpu.memory_space<vmem>>, vector<32xbf16>,
        %unpack3A_2676 = tpu.unpack_subelements %get3A_2675, 0 {pack_format = #tpu.pack_format<interleaved>} : vector<32xbf16> -> vector<16xf32>
        %unpack3A_2677 = tpu.unpack_subelements %get3A_2675, 1 {pack_format = #tpu.pack_format<interleaved>} : vector<32xbf16> -> vector<16xf32>
        %mul3A_2678 = arith.mulf %gather3A_2237, %unpack3A_2676 : vector<16xf32>
        %add3A_2679 = arith.addf %add3A_2604, %mul3A_2678 : vector<16xf32>
        %mul3A_2680 = arith.mulf %gather3A_2237, %unpack3A_2677 : vector<16xf32>
        %add3A_2681 = arith.addf %add3A_2606, %mul3A_2680 : vector<16xf32>
        %add3A_2682 = arith.constant 64 : i32
        %add3A_2683 = arith.addi %mul3A_2132, %add3A_2682 : i32
        %add3A_2684 = arith.addi %add3A_2683, %scan3A_2198 : i32
        %get3A_2685 = arith.index_cast %add3A_2684 : i32 to index
        %get3A_2686 = arith.constant 0 : index
        %get3A_2687 = tpu.vector_load %arg7[%get3A_2685, %get3A_2686] {strides = array<i32>} : memref<672x256xbf16, #tpu.memory_space<vmem>>, vector<32xbf16>,
        %unpack3A_2688 = tpu.unpack_subelements %get3A_2687, 0 {pack_format = #tpu.pack_format<interleaved>} : vector<32xbf16> -> vector<16xf32>
        %unpack3A_2689 = tpu.unpack_subelements %get3A_2687, 1 {pack_format = #tpu.pack_format<interleaved>} : vector<32xbf16> -> vector<16xf32>
        %mul3A_2690 = arith.mulf %gather3A_2247, %unpack3A_2688 : vector<16xf32>
        %add3A_2691 = arith.addf %add3A_2616, %mul3A_2690 : vector<16xf32>
        %mul3A_2692 = arith.mulf %gather3A_2247, %unpack3A_2689 : vector<16xf32>
        %add3A_2693 = arith.addf %add3A_2618, %mul3A_2692 : vector<16xf32>
        %get3A_2694 = arith.index_cast %add3A_2684 : i32 to index
        %get3A_2695 = arith.constant 32 : index
        %get3A_2696 = tpu.vector_load %arg7[%get3A_2694, %get3A_2695] {strides = array<i32>} : memref<672x256xbf16, #tpu.memory_space<vmem>>, vector<32xbf16>,
        %unpack3A_2697 = tpu.unpack_subelements %get3A_2696, 0 {pack_format = #tpu.pack_format<interleaved>} : vector<32xbf16> -> vector<16xf32>
        %unpack3A_2698 = tpu.unpack_subelements %get3A_2696, 1 {pack_format = #tpu.pack_format<interleaved>} : vector<32xbf16> -> vector<16xf32>
        %mul3A_2699 = arith.mulf %gather3A_2247, %unpack3A_2697 : vector<16xf32>
        %add3A_2700 = arith.addf %add3A_2625, %mul3A_2699 : vector<16xf32>
        %mul3A_2701 = arith.mulf %gather3A_2247, %unpack3A_2698 : vector<16xf32>
        %add3A_2702 = arith.addf %add3A_2627, %mul3A_2701 : vector<16xf32>
        %get3A_2703 = arith.index_cast %add3A_2684 : i32 to index
        %get3A_2704 = arith.constant 64 : index
        %get3A_2705 = tpu.vector_load %arg7[%get3A_2703, %get3A_2704] {strides = array<i32>} : memref<672x256xbf16, #tpu.memory_space<vmem>>, vector<32xbf16>,
        %unpack3A_2706 = tpu.unpack_subelements %get3A_2705, 0 {pack_format = #tpu.pack_format<interleaved>} : vector<32xbf16> -> vector<16xf32>
        %unpack3A_2707 = tpu.unpack_subelements %get3A_2705, 1 {pack_format = #tpu.pack_format<interleaved>} : vector<32xbf16> -> vector<16xf32>
        %mul3A_2708 = arith.mulf %gather3A_2247, %unpack3A_2706 : vector<16xf32>
        %add3A_2709 = arith.addf %add3A_2634, %mul3A_2708 : vector<16xf32>
        %mul3A_2710 = arith.mulf %gather3A_2247, %unpack3A_2707 : vector<16xf32>
        %add3A_2711 = arith.addf %add3A_2636, %mul3A_2710 : vector<16xf32>
        %get3A_2712 = arith.index_cast %add3A_2684 : i32 to index
        %get3A_2713 = arith.constant 96 : index
        %get3A_2714 = tpu.vector_load %arg7[%get3A_2712, %get3A_2713] {strides = array<i32>} : memref<672x256xbf16, #tpu.memory_space<vmem>>, vector<32xbf16>,
        %unpack3A_2715 = tpu.unpack_subelements %get3A_2714, 0 {pack_format = #tpu.pack_format<interleaved>} : vector<32xbf16> -> vector<16xf32>
        %unpack3A_2716 = tpu.unpack_subelements %get3A_2714, 1 {pack_format = #tpu.pack_format<interleaved>} : vector<32xbf16> -> vector<16xf32>
        %mul3A_2717 = arith.mulf %gather3A_2247, %unpack3A_2715 : vector<16xf32>
        %add3A_2718 = arith.addf %add3A_2643, %mul3A_2717 : vector<16xf32>
        %mul3A_2719 = arith.mulf %gather3A_2247, %unpack3A_2716 : vector<16xf32>
        %add3A_2720 = arith.addf %add3A_2645, %mul3A_2719 : vector<16xf32>
        %get3A_2721 = arith.index_cast %add3A_2684 : i32 to index
        %get3A_2722 = arith.constant 128 : index
        %get3A_2723 = tpu.vector_load %arg7[%get3A_2721, %get3A_2722] {strides = array<i32>} : memref<672x256xbf16, #tpu.memory_space<vmem>>, vector<32xbf16>,
        %unpack3A_2724 = tpu.unpack_subelements %get3A_2723, 0 {pack_format = #tpu.pack_format<interleaved>} : vector<32xbf16> -> vector<16xf32>
        %unpack3A_2725 = tpu.unpack_subelements %get3A_2723, 1 {pack_format = #tpu.pack_format<interleaved>} : vector<32xbf16> -> vector<16xf32>
        %mul3A_2726 = arith.mulf %gather3A_2247, %unpack3A_2724 : vector<16xf32>
        %add3A_2727 = arith.addf %add3A_2652, %mul3A_2726 : vector<16xf32>
        %mul3A_2728 = arith.mulf %gather3A_2247, %unpack3A_2725 : vector<16xf32>
        %add3A_2729 = arith.addf %add3A_2654, %mul3A_2728 : vector<16xf32>
        %get3A_2730 = arith.index_cast %add3A_2684 : i32 to index
        %get3A_2731 = arith.constant 160 : index
        %get3A_2732 = tpu.vector_load %arg7[%get3A_2730, %get3A_2731] {strides = array<i32>} : memref<672x256xbf16, #tpu.memory_space<vmem>>, vector<32xbf16>,
        %unpack3A_2733 = tpu.unpack_subelements %get3A_2732, 0 {pack_format = #tpu.pack_format<interleaved>} : vector<32xbf16> -> vector<16xf32>
        %unpack3A_2734 = tpu.unpack_subelements %get3A_2732, 1 {pack_format = #tpu.pack_format<interleaved>} : vector<32xbf16> -> vector<16xf32>
        %mul3A_2735 = arith.mulf %gather3A_2247, %unpack3A_2733 : vector<16xf32>
        %add3A_2736 = arith.addf %add3A_2661, %mul3A_2735 : vector<16xf32>
        %mul3A_2737 = arith.mulf %gather3A_2247, %unpack3A_2734 : vector<16xf32>
        %add3A_2738 = arith.addf %add3A_2663, %mul3A_2737 : vector<16xf32>
        %get3A_2739 = arith.index_cast %add3A_2684 : i32 to index
        %get3A_2740 = arith.constant 192 : index
        %get3A_2741 = tpu.vector_load %arg7[%get3A_2739, %get3A_2740] {strides = array<i32>} : memref<672x256xbf16, #tpu.memory_space<vmem>>, vector<32xbf16>,
        %unpack3A_2742 = tpu.unpack_subelements %get3A_2741, 0 {pack_format = #tpu.pack_format<interleaved>} : vector<32xbf16> -> vector<16xf32>
        %unpack3A_2743 = tpu.unpack_subelements %get3A_2741, 1 {pack_format = #tpu.pack_format<interleaved>} : vector<32xbf16> -> vector<16xf32>
        %mul3A_2744 = arith.mulf %gather3A_2247, %unpack3A_2742 : vector<16xf32>
        %add3A_2745 = arith.addf %add3A_2670, %mul3A_2744 : vector<16xf32>
        %mul3A_2746 = arith.mulf %gather3A_2247, %unpack3A_2743 : vector<16xf32>
        %add3A_2747 = arith.addf %add3A_2672, %mul3A_2746 : vector<16xf32>
        %get3A_2748 = arith.index_cast %add3A_2684 : i32 to index
        %get3A_2749 = arith.constant 224 : index
        %get3A_2750 = tpu.vector_load %arg7[%get3A_2748, %get3A_2749] {strides = array<i32>} : memref<672x256xbf16, #tpu.memory_space<vmem>>, vector<32xbf16>,
        %unpack3A_2751 = tpu.unpack_subelements %get3A_2750, 0 {pack_format = #tpu.pack_format<interleaved>} : vector<32xbf16> -> vector<16xf32>
        %unpack3A_2752 = tpu.unpack_subelements %get3A_2750, 1 {pack_format = #tpu.pack_format<interleaved>} : vector<32xbf16> -> vector<16xf32>
        %mul3A_2753 = arith.mulf %gather3A_2247, %unpack3A_2751 : vector<16xf32>
        %add3A_2754 = arith.addf %add3A_2679, %mul3A_2753 : vector<16xf32>
        %mul3A_2755 = arith.mulf %gather3A_2247, %unpack3A_2752 : vector<16xf32>
        %add3A_2756 = arith.addf %add3A_2681, %mul3A_2755 : vector<16xf32>
        %add3A_2757 = arith.constant 80 : i32
        %add3A_2758 = arith.addi %mul3A_2132, %add3A_2757 : i32
        %add3A_2759 = arith.addi %add3A_2758, %scan3A_2198 : i32
        %get3A_2760 = arith.index_cast %add3A_2759 : i32 to index
        %get3A_2761 = arith.constant 0 : index
        %get3A_2762 = tpu.vector_load %arg7[%get3A_2760, %get3A_2761] {strides = array<i32>} : memref<672x256xbf16, #tpu.memory_space<vmem>>, vector<32xbf16>,
        %unpack3A_2763 = tpu.unpack_subelements %get3A_2762, 0 {pack_format = #tpu.pack_format<interleaved>} : vector<32xbf16> -> vector<16xf32>
        %unpack3A_2764 = tpu.unpack_subelements %get3A_2762, 1 {pack_format = #tpu.pack_format<interleaved>} : vector<32xbf16> -> vector<16xf32>
        %mul3A_2765 = arith.mulf %gather3A_2257, %unpack3A_2763 : vector<16xf32>
        %add3A_2766 = arith.addf %add3A_2691, %mul3A_2765 : vector<16xf32>
        %mul3A_2767 = arith.mulf %gather3A_2257, %unpack3A_2764 : vector<16xf32>
        %add3A_2768 = arith.addf %add3A_2693, %mul3A_2767 : vector<16xf32>
        %get3A_2769 = arith.index_cast %add3A_2759 : i32 to index
        %get3A_2770 = arith.constant 32 : index
        %get3A_2771 = tpu.vector_load %arg7[%get3A_2769, %get3A_2770] {strides = array<i32>} : memref<672x256xbf16, #tpu.memory_space<vmem>>, vector<32xbf16>,
        %unpack3A_2772 = tpu.unpack_subelements %get3A_2771, 0 {pack_format = #tpu.pack_format<interleaved>} : vector<32xbf16> -> vector<16xf32>
        %unpack3A_2773 = tpu.unpack_subelements %get3A_2771, 1 {pack_format = #tpu.pack_format<interleaved>} : vector<32xbf16> -> vector<16xf32>
        %mul3A_2774 = arith.mulf %gather3A_2257, %unpack3A_2772 : vector<16xf32>
        %add3A_2775 = arith.addf %add3A_2700, %mul3A_2774 : vector<16xf32>
        %mul3A_2776 = arith.mulf %gather3A_2257, %unpack3A_2773 : vector<16xf32>
        %add3A_2777 = arith.addf %add3A_2702, %mul3A_2776 : vector<16xf32>
        %get3A_2778 = arith.index_cast %add3A_2759 : i32 to index
        %get3A_2779 = arith.constant 64 : index
        %get3A_2780 = tpu.vector_load %arg7[%get3A_2778, %get3A_2779] {strides = array<i32>} : memref<672x256xbf16, #tpu.memory_space<vmem>>, vector<32xbf16>,
        %unpack3A_2781 = tpu.unpack_subelements %get3A_2780, 0 {pack_format = #tpu.pack_format<interleaved>} : vector<32xbf16> -> vector<16xf32>
        %unpack3A_2782 = tpu.unpack_subelements %get3A_2780, 1 {pack_format = #tpu.pack_format<interleaved>} : vector<32xbf16> -> vector<16xf32>
        %mul3A_2783 = arith.mulf %gather3A_2257, %unpack3A_2781 : vector<16xf32>
        %add3A_2784 = arith.addf %add3A_2709, %mul3A_2783 : vector<16xf32>
        %mul3A_2785 = arith.mulf %gather3A_2257, %unpack3A_2782 : vector<16xf32>
        %add3A_2786 = arith.addf %add3A_2711, %mul3A_2785 : vector<16xf32>
        %get3A_2787 = arith.index_cast %add3A_2759 : i32 to index
        %get3A_2788 = arith.constant 96 : index
        %get3A_2789 = tpu.vector_load %arg7[%get3A_2787, %get3A_2788] {strides = array<i32>} : memref<672x256xbf16, #tpu.memory_space<vmem>>, vector<32xbf16>,
        %unpack3A_2790 = tpu.unpack_subelements %get3A_2789, 0 {pack_format = #tpu.pack_format<interleaved>} : vector<32xbf16> -> vector<16xf32>
        %unpack3A_2791 = tpu.unpack_subelements %get3A_2789, 1 {pack_format = #tpu.pack_format<interleaved>} : vector<32xbf16> -> vector<16xf32>
        %mul3A_2792 = arith.mulf %gather3A_2257, %unpack3A_2790 : vector<16xf32>
        %add3A_2793 = arith.addf %add3A_2718, %mul3A_2792 : vector<16xf32>
        %mul3A_2794 = arith.mulf %gather3A_2257, %unpack3A_2791 : vector<16xf32>
        %add3A_2795 = arith.addf %add3A_2720, %mul3A_2794 : vector<16xf32>
        %get3A_2796 = arith.index_cast %add3A_2759 : i32 to index
        %get3A_2797 = arith.constant 128 : index
        %get3A_2798 = tpu.vector_load %arg7[%get3A_2796, %get3A_2797] {strides = array<i32>} : memref<672x256xbf16, #tpu.memory_space<vmem>>, vector<32xbf16>,
        %unpack3A_2799 = tpu.unpack_subelements %get3A_2798, 0 {pack_format = #tpu.pack_format<interleaved>} : vector<32xbf16> -> vector<16xf32>
        %unpack3A_2800 = tpu.unpack_subelements %get3A_2798, 1 {pack_format = #tpu.pack_format<interleaved>} : vector<32xbf16> -> vector<16xf32>
        %mul3A_2801 = arith.mulf %gather3A_2257, %unpack3A_2799 : vector<16xf32>
        %add3A_2802 = arith.addf %add3A_2727, %mul3A_2801 : vector<16xf32>
        %mul3A_2803 = arith.mulf %gather3A_2257, %unpack3A_2800 : vector<16xf32>
        %add3A_2804 = arith.addf %add3A_2729, %mul3A_2803 : vector<16xf32>
        %get3A_2805 = arith.index_cast %add3A_2759 : i32 to index
        %get3A_2806 = arith.constant 160 : index
        %get3A_2807 = tpu.vector_load %arg7[%get3A_2805, %get3A_2806] {strides = array<i32>} : memref<672x256xbf16, #tpu.memory_space<vmem>>, vector<32xbf16>,
        %unpack3A_2808 = tpu.unpack_subelements %get3A_2807, 0 {pack_format = #tpu.pack_format<interleaved>} : vector<32xbf16> -> vector<16xf32>
        %unpack3A_2809 = tpu.unpack_subelements %get3A_2807, 1 {pack_format = #tpu.pack_format<interleaved>} : vector<32xbf16> -> vector<16xf32>
        %mul3A_2810 = arith.mulf %gather3A_2257, %unpack3A_2808 : vector<16xf32>
        %add3A_2811 = arith.addf %add3A_2736, %mul3A_2810 : vector<16xf32>
        %mul3A_2812 = arith.mulf %gather3A_2257, %unpack3A_2809 : vector<16xf32>
        %add3A_2813 = arith.addf %add3A_2738, %mul3A_2812 : vector<16xf32>
        %get3A_2814 = arith.index_cast %add3A_2759 : i32 to index
        %get3A_2815 = arith.constant 192 : index
        %get3A_2816 = tpu.vector_load %arg7[%get3A_2814, %get3A_2815] {strides = array<i32>} : memref<672x256xbf16, #tpu.memory_space<vmem>>, vector<32xbf16>,
        %unpack3A_2817 = tpu.unpack_subelements %get3A_2816, 0 {pack_format = #tpu.pack_format<interleaved>} : vector<32xbf16> -> vector<16xf32>
        %unpack3A_2818 = tpu.unpack_subelements %get3A_2816, 1 {pack_format = #tpu.pack_format<interleaved>} : vector<32xbf16> -> vector<16xf32>
        %mul3A_2819 = arith.mulf %gather3A_2257, %unpack3A_2817 : vector<16xf32>
        %add3A_2820 = arith.addf %add3A_2745, %mul3A_2819 : vector<16xf32>
        %mul3A_2821 = arith.mulf %gather3A_2257, %unpack3A_2818 : vector<16xf32>
        %add3A_2822 = arith.addf %add3A_2747, %mul3A_2821 : vector<16xf32>
        %get3A_2823 = arith.index_cast %add3A_2759 : i32 to index
        %get3A_2824 = arith.constant 224 : index
        %get3A_2825 = tpu.vector_load %arg7[%get3A_2823, %get3A_2824] {strides = array<i32>} : memref<672x256xbf16, #tpu.memory_space<vmem>>, vector<32xbf16>,
        %unpack3A_2826 = tpu.unpack_subelements %get3A_2825, 0 {pack_format = #tpu.pack_format<interleaved>} : vector<32xbf16> -> vector<16xf32>
        %unpack3A_2827 = tpu.unpack_subelements %get3A_2825, 1 {pack_format = #tpu.pack_format<interleaved>} : vector<32xbf16> -> vector<16xf32>
        %mul3A_2828 = arith.mulf %gather3A_2257, %unpack3A_2826 : vector<16xf32>
        %add3A_2829 = arith.addf %add3A_2754, %mul3A_2828 : vector<16xf32>
        %mul3A_2830 = arith.mulf %gather3A_2257, %unpack3A_2827 : vector<16xf32>
        %add3A_2831 = arith.addf %add3A_2756, %mul3A_2830 : vector<16xf32>
        %add3A_2832 = arith.constant 96 : i32
        %add3A_2833 = arith.addi %mul3A_2132, %add3A_2832 : i32
        %add3A_2834 = arith.addi %add3A_2833, %scan3A_2198 : i32
        %get3A_2835 = arith.index_cast %add3A_2834 : i32 to index
        %get3A_2836 = arith.constant 0 : index
        %get3A_2837 = tpu.vector_load %arg7[%get3A_2835, %get3A_2836] {strides = array<i32>} : memref<672x256xbf16, #tpu.memory_space<vmem>>, vector<32xbf16>,
        %unpack3A_2838 = tpu.unpack_subelements %get3A_2837, 0 {pack_format = #tpu.pack_format<interleaved>} : vector<32xbf16> -> vector<16xf32>
        %unpack3A_2839 = tpu.unpack_subelements %get3A_2837, 1 {pack_format = #tpu.pack_format<interleaved>} : vector<32xbf16> -> vector<16xf32>
        %mul3A_2840 = arith.mulf %gather3A_2267, %unpack3A_2838 : vector<16xf32>
        %add3A_2841 = arith.addf %add3A_2766, %mul3A_2840 : vector<16xf32>
        %mul3A_2842 = arith.mulf %gather3A_2267, %unpack3A_2839 : vector<16xf32>
        %add3A_2843 = arith.addf %add3A_2768, %mul3A_2842 : vector<16xf32>
        %get3A_2844 = arith.index_cast %add3A_2834 : i32 to index
        %get3A_2845 = arith.constant 32 : index
        %get3A_2846 = tpu.vector_load %arg7[%get3A_2844, %get3A_2845] {strides = array<i32>} : memref<672x256xbf16, #tpu.memory_space<vmem>>, vector<32xbf16>,
        %unpack3A_2847 = tpu.unpack_subelements %get3A_2846, 0 {pack_format = #tpu.pack_format<interleaved>} : vector<32xbf16> -> vector<16xf32>
        %unpack3A_2848 = tpu.unpack_subelements %get3A_2846, 1 {pack_format = #tpu.pack_format<interleaved>} : vector<32xbf16> -> vector<16xf32>
        %mul3A_2849 = arith.mulf %gather3A_2267, %unpack3A_2847 : vector<16xf32>
        %add3A_2850 = arith.addf %add3A_2775, %mul3A_2849 : vector<16xf32>
        %mul3A_2851 = arith.mulf %gather3A_2267, %unpack3A_2848 : vector<16xf32>
        %add3A_2852 = arith.addf %add3A_2777, %mul3A_2851 : vector<16xf32>
        %get3A_2853 = arith.index_cast %add3A_2834 : i32 to index
        %get3A_2854 = arith.constant 64 : index
        %get3A_2855 = tpu.vector_load %arg7[%get3A_2853, %get3A_2854] {strides = array<i32>} : memref<672x256xbf16, #tpu.memory_space<vmem>>, vector<32xbf16>,
        %unpack3A_2856 = tpu.unpack_subelements %get3A_2855, 0 {pack_format = #tpu.pack_format<interleaved>} : vector<32xbf16> -> vector<16xf32>
        %unpack3A_2857 = tpu.unpack_subelements %get3A_2855, 1 {pack_format = #tpu.pack_format<interleaved>} : vector<32xbf16> -> vector<16xf32>
        %mul3A_2858 = arith.mulf %gather3A_2267, %unpack3A_2856 : vector<16xf32>
        %add3A_2859 = arith.addf %add3A_2784, %mul3A_2858 : vector<16xf32>
        %mul3A_2860 = arith.mulf %gather3A_2267, %unpack3A_2857 : vector<16xf32>
        %add3A_2861 = arith.addf %add3A_2786, %mul3A_2860 : vector<16xf32>
        %get3A_2862 = arith.index_cast %add3A_2834 : i32 to index
        %get3A_2863 = arith.constant 96 : index
        %get3A_2864 = tpu.vector_load %arg7[%get3A_2862, %get3A_2863] {strides = array<i32>} : memref<672x256xbf16, #tpu.memory_space<vmem>>, vector<32xbf16>,
        %unpack3A_2865 = tpu.unpack_subelements %get3A_2864, 0 {pack_format = #tpu.pack_format<interleaved>} : vector<32xbf16> -> vector<16xf32>
        %unpack3A_2866 = tpu.unpack_subelements %get3A_2864, 1 {pack_format = #tpu.pack_format<interleaved>} : vector<32xbf16> -> vector<16xf32>
        %mul3A_2867 = arith.mulf %gather3A_2267, %unpack3A_2865 : vector<16xf32>
        %add3A_2868 = arith.addf %add3A_2793, %mul3A_2867 : vector<16xf32>
        %mul3A_2869 = arith.mulf %gather3A_2267, %unpack3A_2866 : vector<16xf32>
        %add3A_2870 = arith.addf %add3A_2795, %mul3A_2869 : vector<16xf32>
        %get3A_2871 = arith.index_cast %add3A_2834 : i32 to index
        %get3A_2872 = arith.constant 128 : index
        %get3A_2873 = tpu.vector_load %arg7[%get3A_2871, %get3A_2872] {strides = array<i32>} : memref<672x256xbf16, #tpu.memory_space<vmem>>, vector<32xbf16>,
        %unpack3A_2874 = tpu.unpack_subelements %get3A_2873, 0 {pack_format = #tpu.pack_format<interleaved>} : vector<32xbf16> -> vector<16xf32>
        %unpack3A_2875 = tpu.unpack_subelements %get3A_2873, 1 {pack_format = #tpu.pack_format<interleaved>} : vector<32xbf16> -> vector<16xf32>
        %mul3A_2876 = arith.mulf %gather3A_2267, %unpack3A_2874 : vector<16xf32>
        %add3A_2877 = arith.addf %add3A_2802, %mul3A_2876 : vector<16xf32>
        %mul3A_2878 = arith.mulf %gather3A_2267, %unpack3A_2875 : vector<16xf32>
        %add3A_2879 = arith.addf %add3A_2804, %mul3A_2878 : vector<16xf32>
        %get3A_2880 = arith.index_cast %add3A_2834 : i32 to index
        %get3A_2881 = arith.constant 160 : index
        %get3A_2882 = tpu.vector_load %arg7[%get3A_2880, %get3A_2881] {strides = array<i32>} : memref<672x256xbf16, #tpu.memory_space<vmem>>, vector<32xbf16>,
        %unpack3A_2883 = tpu.unpack_subelements %get3A_2882, 0 {pack_format = #tpu.pack_format<interleaved>} : vector<32xbf16> -> vector<16xf32>
        %unpack3A_2884 = tpu.unpack_subelements %get3A_2882, 1 {pack_format = #tpu.pack_format<interleaved>} : vector<32xbf16> -> vector<16xf32>
        %mul3A_2885 = arith.mulf %gather3A_2267, %unpack3A_2883 : vector<16xf32>
        %add3A_2886 = arith.addf %add3A_2811, %mul3A_2885 : vector<16xf32>
        %mul3A_2887 = arith.mulf %gather3A_2267, %unpack3A_2884 : vector<16xf32>
        %add3A_2888 = arith.addf %add3A_2813, %mul3A_2887 : vector<16xf32>
        %get3A_2889 = arith.index_cast %add3A_2834 : i32 to index
        %get3A_2890 = arith.constant 192 : index
        %get3A_2891 = tpu.vector_load %arg7[%get3A_2889, %get3A_2890] {strides = array<i32>} : memref<672x256xbf16, #tpu.memory_space<vmem>>, vector<32xbf16>,
        %unpack3A_2892 = tpu.unpack_subelements %get3A_2891, 0 {pack_format = #tpu.pack_format<interleaved>} : vector<32xbf16> -> vector<16xf32>
        %unpack3A_2893 = tpu.unpack_subelements %get3A_2891, 1 {pack_format = #tpu.pack_format<interleaved>} : vector<32xbf16> -> vector<16xf32>
        %mul3A_2894 = arith.mulf %gather3A_2267, %unpack3A_2892 : vector<16xf32>
        %add3A_2895 = arith.addf %add3A_2820, %mul3A_2894 : vector<16xf32>
        %mul3A_2896 = arith.mulf %gather3A_2267, %unpack3A_2893 : vector<16xf32>
        %add3A_2897 = arith.addf %add3A_2822, %mul3A_2896 : vector<16xf32>
        %get3A_2898 = arith.index_cast %add3A_2834 : i32 to index
        %get3A_2899 = arith.constant 224 : index
        %get3A_2900 = tpu.vector_load %arg7[%get3A_2898, %get3A_2899] {strides = array<i32>} : memref<672x256xbf16, #tpu.memory_space<vmem>>, vector<32xbf16>,
        %unpack3A_2901 = tpu.unpack_subelements %get3A_2900, 0 {pack_format = #tpu.pack_format<interleaved>} : vector<32xbf16> -> vector<16xf32>
        %unpack3A_2902 = tpu.unpack_subelements %get3A_2900, 1 {pack_format = #tpu.pack_format<interleaved>} : vector<32xbf16> -> vector<16xf32>
        %mul3A_2903 = arith.mulf %gather3A_2267, %unpack3A_2901 : vector<16xf32>
        %add3A_2904 = arith.addf %add3A_2829, %mul3A_2903 : vector<16xf32>
        %mul3A_2905 = arith.mulf %gather3A_2267, %unpack3A_2902 : vector<16xf32>
        %add3A_2906 = arith.addf %add3A_2831, %mul3A_2905 : vector<16xf32>
        %add3A_2907 = arith.constant 112 : i32
        %add3A_2908 = arith.addi %mul3A_2132, %add3A_2907 : i32
        %add3A_2909 = arith.addi %add3A_2908, %scan3A_2198 : i32
        %get3A_2910 = arith.index_cast %add3A_2909 : i32 to index
        %get3A_2911 = arith.constant 0 : index
        %get3A_2912 = tpu.vector_load %arg7[%get3A_2910, %get3A_2911] {strides = array<i32>} : memref<672x256xbf16, #tpu.memory_space<vmem>>, vector<32xbf16>,
        %unpack3A_2913 = tpu.unpack_subelements %get3A_2912, 0 {pack_format = #tpu.pack_format<interleaved>} : vector<32xbf16> -> vector<16xf32>
        %unpack3A_2914 = tpu.unpack_subelements %get3A_2912, 1 {pack_format = #tpu.pack_format<interleaved>} : vector<32xbf16> -> vector<16xf32>
        %mul3A_2915 = arith.mulf %gather3A_2277, %unpack3A_2913 : vector<16xf32>
        %add3A_2916 = arith.addf %add3A_2841, %mul3A_2915 : vector<16xf32>
        %mul3A_2917 = arith.mulf %gather3A_2277, %unpack3A_2914 : vector<16xf32>
        %add3A_2918 = arith.addf %add3A_2843, %mul3A_2917 : vector<16xf32>
        %get3A_2919 = arith.index_cast %add3A_2909 : i32 to index
        %get3A_2920 = arith.constant 32 : index
        %get3A_2921 = tpu.vector_load %arg7[%get3A_2919, %get3A_2920] {strides = array<i32>} : memref<672x256xbf16, #tpu.memory_space<vmem>>, vector<32xbf16>,
        %unpack3A_2922 = tpu.unpack_subelements %get3A_2921, 0 {pack_format = #tpu.pack_format<interleaved>} : vector<32xbf16> -> vector<16xf32>
        %unpack3A_2923 = tpu.unpack_subelements %get3A_2921, 1 {pack_format = #tpu.pack_format<interleaved>} : vector<32xbf16> -> vector<16xf32>
        %mul3A_2924 = arith.mulf %gather3A_2277, %unpack3A_2922 : vector<16xf32>
        %add3A_2925 = arith.addf %add3A_2850, %mul3A_2924 : vector<16xf32>
        %mul3A_2926 = arith.mulf %gather3A_2277, %unpack3A_2923 : vector<16xf32>
        %add3A_2927 = arith.addf %add3A_2852, %mul3A_2926 : vector<16xf32>
        %get3A_2928 = arith.index_cast %add3A_2909 : i32 to index
        %get3A_2929 = arith.constant 64 : index
        %get3A_2930 = tpu.vector_load %arg7[%get3A_2928, %get3A_2929] {strides = array<i32>} : memref<672x256xbf16, #tpu.memory_space<vmem>>, vector<32xbf16>,
        %unpack3A_2931 = tpu.unpack_subelements %get3A_2930, 0 {pack_format = #tpu.pack_format<interleaved>} : vector<32xbf16> -> vector<16xf32>
        %unpack3A_2932 = tpu.unpack_subelements %get3A_2930, 1 {pack_format = #tpu.pack_format<interleaved>} : vector<32xbf16> -> vector<16xf32>
        %mul3A_2933 = arith.mulf %gather3A_2277, %unpack3A_2931 : vector<16xf32>
        %add3A_2934 = arith.addf %add3A_2859, %mul3A_2933 : vector<16xf32>
        %mul3A_2935 = arith.mulf %gather3A_2277, %unpack3A_2932 : vector<16xf32>
        %add3A_2936 = arith.addf %add3A_2861, %mul3A_2935 : vector<16xf32>
        %get3A_2937 = arith.index_cast %add3A_2909 : i32 to index
        %get3A_2938 = arith.constant 96 : index
        %get3A_2939 = tpu.vector_load %arg7[%get3A_2937, %get3A_2938] {strides = array<i32>} : memref<672x256xbf16, #tpu.memory_space<vmem>>, vector<32xbf16>,
        %unpack3A_2940 = tpu.unpack_subelements %get3A_2939, 0 {pack_format = #tpu.pack_format<interleaved>} : vector<32xbf16> -> vector<16xf32>
        %unpack3A_2941 = tpu.unpack_subelements %get3A_2939, 1 {pack_format = #tpu.pack_format<interleaved>} : vector<32xbf16> -> vector<16xf32>
        %mul3A_2942 = arith.mulf %gather3A_2277, %unpack3A_2940 : vector<16xf32>
        %add3A_2943 = arith.addf %add3A_2868, %mul3A_2942 : vector<16xf32>
        %mul3A_2944 = arith.mulf %gather3A_2277, %unpack3A_2941 : vector<16xf32>
        %add3A_2945 = arith.addf %add3A_2870, %mul3A_2944 : vector<16xf32>
        %get3A_2946 = arith.index_cast %add3A_2909 : i32 to index
        %get3A_2947 = arith.constant 128 : index
        %get3A_2948 = tpu.vector_load %arg7[%get3A_2946, %get3A_2947] {strides = array<i32>} : memref<672x256xbf16, #tpu.memory_space<vmem>>, vector<32xbf16>,
        %unpack3A_2949 = tpu.unpack_subelements %get3A_2948, 0 {pack_format = #tpu.pack_format<interleaved>} : vector<32xbf16> -> vector<16xf32>
        %unpack3A_2950 = tpu.unpack_subelements %get3A_2948, 1 {pack_format = #tpu.pack_format<interleaved>} : vector<32xbf16> -> vector<16xf32>
        %mul3A_2951 = arith.mulf %gather3A_2277, %unpack3A_2949 : vector<16xf32>
        %add3A_2952 = arith.addf %add3A_2877, %mul3A_2951 : vector<16xf32>
        %mul3A_2953 = arith.mulf %gather3A_2277, %unpack3A_2950 : vector<16xf32>
        %add3A_2954 = arith.addf %add3A_2879, %mul3A_2953 : vector<16xf32>
        %get3A_2955 = arith.index_cast %add3A_2909 : i32 to index
        %get3A_2956 = arith.constant 160 : index
        %get3A_2957 = tpu.vector_load %arg7[%get3A_2955, %get3A_2956] {strides = array<i32>} : memref<672x256xbf16, #tpu.memory_space<vmem>>, vector<32xbf16>,
        %unpack3A_2958 = tpu.unpack_subelements %get3A_2957, 0 {pack_format = #tpu.pack_format<interleaved>} : vector<32xbf16> -> vector<16xf32>
        %unpack3A_2959 = tpu.unpack_subelements %get3A_2957, 1 {pack_format = #tpu.pack_format<interleaved>} : vector<32xbf16> -> vector<16xf32>
        %mul3A_2960 = arith.mulf %gather3A_2277, %unpack3A_2958 : vector<16xf32>
        %add3A_2961 = arith.addf %add3A_2886, %mul3A_2960 : vector<16xf32>
        %mul3A_2962 = arith.mulf %gather3A_2277, %unpack3A_2959 : vector<16xf32>
        %add3A_2963 = arith.addf %add3A_2888, %mul3A_2962 : vector<16xf32>
        %get3A_2964 = arith.index_cast %add3A_2909 : i32 to index
        %get3A_2965 = arith.constant 192 : index
        %get3A_2966 = tpu.vector_load %arg7[%get3A_2964, %get3A_2965] {strides = array<i32>} : memref<672x256xbf16, #tpu.memory_space<vmem>>, vector<32xbf16>,
        %unpack3A_2967 = tpu.unpack_subelements %get3A_2966, 0 {pack_format = #tpu.pack_format<interleaved>} : vector<32xbf16> -> vector<16xf32>
        %unpack3A_2968 = tpu.unpack_subelements %get3A_2966, 1 {pack_format = #tpu.pack_format<interleaved>} : vector<32xbf16> -> vector<16xf32>
        %mul3A_2969 = arith.mulf %gather3A_2277, %unpack3A_2967 : vector<16xf32>
        %add3A_2970 = arith.addf %add3A_2895, %mul3A_2969 : vector<16xf32>
        %mul3A_2971 = arith.mulf %gather3A_2277, %unpack3A_2968 : vector<16xf32>
        %add3A_2972 = arith.addf %add3A_2897, %mul3A_2971 : vector<16xf32>
        %get3A_2973 = arith.index_cast %add3A_2909 : i32 to index
        %get3A_2974 = arith.constant 224 : index
        %get3A_2975 = tpu.vector_load %arg7[%get3A_2973, %get3A_2974] {strides = array<i32>} : memref<672x256xbf16, #tpu.memory_space<vmem>>, vector<32xbf16>,
        %unpack3A_2976 = tpu.unpack_subelements %get3A_2975, 0 {pack_format = #tpu.pack_format<interleaved>} : vector<32xbf16> -> vector<16xf32>
        %unpack3A_2977 = tpu.unpack_subelements %get3A_2975, 1 {pack_format = #tpu.pack_format<interleaved>} : vector<32xbf16> -> vector<16xf32>
        %mul3A_2978 = arith.mulf %gather3A_2277, %unpack3A_2976 : vector<16xf32>
        %add3A_2979 = arith.addf %add3A_2904, %mul3A_2978 : vector<16xf32>
        %mul3A_2980 = arith.mulf %gather3A_2277, %unpack3A_2977 : vector<16xf32>
        %add3A_2981 = arith.addf %add3A_2906, %mul3A_2980 : vector<16xf32>
        %add3A_2982 = arith.constant 128 : i32
        %add3A_2983 = arith.addi %mul3A_2132, %add3A_2982 : i32
        %add3A_2984 = arith.addi %add3A_2983, %scan3A_2198 : i32
        %get3A_2985 = arith.index_cast %add3A_2984 : i32 to index
        %get3A_2986 = arith.constant 0 : index
        %get3A_2987 = tpu.vector_load %arg7[%get3A_2985, %get3A_2986] {strides = array<i32>} : memref<672x256xbf16, #tpu.memory_space<vmem>>, vector<32xbf16>,
        %unpack3A_2988 = tpu.unpack_subelements %get3A_2987, 0 {pack_format = #tpu.pack_format<interleaved>} : vector<32xbf16> -> vector<16xf32>
        %unpack3A_2989 = tpu.unpack_subelements %get3A_2987, 1 {pack_format = #tpu.pack_format<interleaved>} : vector<32xbf16> -> vector<16xf32>
        %mul3A_2990 = arith.mulf %gather3A_2287, %unpack3A_2988 : vector<16xf32>
        %add3A_2991 = arith.addf %add3A_2916, %mul3A_2990 : vector<16xf32>
        %mul3A_2992 = arith.mulf %gather3A_2287, %unpack3A_2989 : vector<16xf32>
        %add3A_2993 = arith.addf %add3A_2918, %mul3A_2992 : vector<16xf32>
        %get3A_2994 = arith.index_cast %add3A_2984 : i32 to index
        %get3A_2995 = arith.constant 32 : index
        %get3A_2996 = tpu.vector_load %arg7[%get3A_2994, %get3A_2995] {strides = array<i32>} : memref<672x256xbf16, #tpu.memory_space<vmem>>, vector<32xbf16>,
        %unpack3A_2997 = tpu.unpack_subelements %get3A_2996, 0 {pack_format = #tpu.pack_format<interleaved>} : vector<32xbf16> -> vector<16xf32>
        %unpack3A_2998 = tpu.unpack_subelements %get3A_2996, 1 {pack_format = #tpu.pack_format<interleaved>} : vector<32xbf16> -> vector<16xf32>
        %mul3A_2999 = arith.mulf %gather3A_2287, %unpack3A_2997 : vector<16xf32>
        %add3A_3000 = arith.addf %add3A_2925, %mul3A_2999 : vector<16xf32>
        %mul3A_3001 = arith.mulf %gather3A_2287, %unpack3A_2998 : vector<16xf32>
        %add3A_3002 = arith.addf %add3A_2927, %mul3A_3001 : vector<16xf32>
        %get3A_3003 = arith.index_cast %add3A_2984 : i32 to index
        %get3A_3004 = arith.constant 64 : index
        %get3A_3005 = tpu.vector_load %arg7[%get3A_3003, %get3A_3004] {strides = array<i32>} : memref<672x256xbf16, #tpu.memory_space<vmem>>, vector<32xbf16>,
        %unpack3A_3006 = tpu.unpack_subelements %get3A_3005, 0 {pack_format = #tpu.pack_format<interleaved>} : vector<32xbf16> -> vector<16xf32>
        %unpack3A_3007 = tpu.unpack_subelements %get3A_3005, 1 {pack_format = #tpu.pack_format<interleaved>} : vector<32xbf16> -> vector<16xf32>
        %mul3A_3008 = arith.mulf %gather3A_2287, %unpack3A_3006 : vector<16xf32>
        %add3A_3009 = arith.addf %add3A_2934, %mul3A_3008 : vector<16xf32>
        %mul3A_3010 = arith.mulf %gather3A_2287, %unpack3A_3007 : vector<16xf32>
        %add3A_3011 = arith.addf %add3A_2936, %mul3A_3010 : vector<16xf32>
        %get3A_3012 = arith.index_cast %add3A_2984 : i32 to index
        %get3A_3013 = arith.constant 96 : index
        %get3A_3014 = tpu.vector_load %arg7[%get3A_3012, %get3A_3013] {strides = array<i32>} : memref<672x256xbf16, #tpu.memory_space<vmem>>, vector<32xbf16>,
        %unpack3A_3015 = tpu.unpack_subelements %get3A_3014, 0 {pack_format = #tpu.pack_format<interleaved>} : vector<32xbf16> -> vector<16xf32>
        %unpack3A_3016 = tpu.unpack_subelements %get3A_3014, 1 {pack_format = #tpu.pack_format<interleaved>} : vector<32xbf16> -> vector<16xf32>
        %mul3A_3017 = arith.mulf %gather3A_2287, %unpack3A_3015 : vector<16xf32>
        %add3A_3018 = arith.addf %add3A_2943, %mul3A_3017 : vector<16xf32>
        %mul3A_3019 = arith.mulf %gather3A_2287, %unpack3A_3016 : vector<16xf32>
        %add3A_3020 = arith.addf %add3A_2945, %mul3A_3019 : vector<16xf32>
        %get3A_3021 = arith.index_cast %add3A_2984 : i32 to index
        %get3A_3022 = arith.constant 128 : index
        %get3A_3023 = tpu.vector_load %arg7[%get3A_3021, %get3A_3022] {strides = array<i32>} : memref<672x256xbf16, #tpu.memory_space<vmem>>, vector<32xbf16>,
        %unpack3A_3024 = tpu.unpack_subelements %get3A_3023, 0 {pack_format = #tpu.pack_format<interleaved>} : vector<32xbf16> -> vector<16xf32>
        %unpack3A_3025 = tpu.unpack_subelements %get3A_3023, 1 {pack_format = #tpu.pack_format<interleaved>} : vector<32xbf16> -> vector<16xf32>
        %mul3A_3026 = arith.mulf %gather3A_2287, %unpack3A_3024 : vector<16xf32>
        %add3A_3027 = arith.addf %add3A_2952, %mul3A_3026 : vector<16xf32>
        %mul3A_3028 = arith.mulf %gather3A_2287, %unpack3A_3025 : vector<16xf32>
        %add3A_3029 = arith.addf %add3A_2954, %mul3A_3028 : vector<16xf32>
        %get3A_3030 = arith.index_cast %add3A_2984 : i32 to index
        %get3A_3031 = arith.constant 160 : index
        %get3A_3032 = tpu.vector_load %arg7[%get3A_3030, %get3A_3031] {strides = array<i32>} : memref<672x256xbf16, #tpu.memory_space<vmem>>, vector<32xbf16>,
        %unpack3A_3033 = tpu.unpack_subelements %get3A_3032, 0 {pack_format = #tpu.pack_format<interleaved>} : vector<32xbf16> -> vector<16xf32>
        %unpack3A_3034 = tpu.unpack_subelements %get3A_3032, 1 {pack_format = #tpu.pack_format<interleaved>} : vector<32xbf16> -> vector<16xf32>
        %mul3A_3035 = arith.mulf %gather3A_2287, %unpack3A_3033 : vector<16xf32>
        %add3A_3036 = arith.addf %add3A_2961, %mul3A_3035 : vector<16xf32>
        %mul3A_3037 = arith.mulf %gather3A_2287, %unpack3A_3034 : vector<16xf32>
        %add3A_3038 = arith.addf %add3A_2963, %mul3A_3037 : vector<16xf32>
        %get3A_3039 = arith.index_cast %add3A_2984 : i32 to index
        %get3A_3040 = arith.constant 192 : index
        %get3A_3041 = tpu.vector_load %arg7[%get3A_3039, %get3A_3040] {strides = array<i32>} : memref<672x256xbf16, #tpu.memory_space<vmem>>, vector<32xbf16>,
        %unpack3A_3042 = tpu.unpack_subelements %get3A_3041, 0 {pack_format = #tpu.pack_format<interleaved>} : vector<32xbf16> -> vector<16xf32>
        %unpack3A_3043 = tpu.unpack_subelements %get3A_3041, 1 {pack_format = #tpu.pack_format<interleaved>} : vector<32xbf16> -> vector<16xf32>
        %mul3A_3044 = arith.mulf %gather3A_2287, %unpack3A_3042 : vector<16xf32>
        %add3A_3045 = arith.addf %add3A_2970, %mul3A_3044 : vector<16xf32>
        %mul3A_3046 = arith.mulf %gather3A_2287, %unpack3A_3043 : vector<16xf32>
        %add3A_3047 = arith.addf %add3A_2972, %mul3A_3046 : vector<16xf32>
        %get3A_3048 = arith.index_cast %add3A_2984 : i32 to index
        %get3A_3049 = arith.constant 224 : index
        %get3A_3050 = tpu.vector_load %arg7[%get3A_3048, %get3A_3049] {strides = array<i32>} : memref<672x256xbf16, #tpu.memory_space<vmem>>, vector<32xbf16>,
        %unpack3A_3051 = tpu.unpack_subelements %get3A_3050, 0 {pack_format = #tpu.pack_format<interleaved>} : vector<32xbf16> -> vector<16xf32>
        %unpack3A_3052 = tpu.unpack_subelements %get3A_3050, 1 {pack_format = #tpu.pack_format<interleaved>} : vector<32xbf16> -> vector<16xf32>
        %mul3A_3053 = arith.mulf %gather3A_2287, %unpack3A_3051 : vector<16xf32>
        %add3A_3054 = arith.addf %add3A_2979, %mul3A_3053 : vector<16xf32>
        %mul3A_3055 = arith.mulf %gather3A_2287, %unpack3A_3052 : vector<16xf32>
        %add3A_3056 = arith.addf %add3A_2981, %mul3A_3055 : vector<16xf32>
        %add3A_3057 = arith.constant 144 : i32
        %add3A_3058 = arith.addi %mul3A_2132, %add3A_3057 : i32
        %add3A_3059 = arith.addi %add3A_3058, %scan3A_2198 : i32
        %get3A_3060 = arith.index_cast %add3A_3059 : i32 to index
        %get3A_3061 = arith.constant 0 : index
        %get3A_3062 = tpu.vector_load %arg7[%get3A_3060, %get3A_3061] {strides = array<i32>} : memref<672x256xbf16, #tpu.memory_space<vmem>>, vector<32xbf16>,
        %unpack3A_3063 = tpu.unpack_subelements %get3A_3062, 0 {pack_format = #tpu.pack_format<interleaved>} : vector<32xbf16> -> vector<16xf32>
        %unpack3A_3064 = tpu.unpack_subelements %get3A_3062, 1 {pack_format = #tpu.pack_format<interleaved>} : vector<32xbf16> -> vector<16xf32>
        %mul3A_3065 = arith.mulf %gather3A_2297, %unpack3A_3063 : vector<16xf32>
        %add3A_3066 = arith.addf %add3A_2991, %mul3A_3065 : vector<16xf32>
        %mul3A_3067 = arith.mulf %gather3A_2297, %unpack3A_3064 : vector<16xf32>
        %add3A_3068 = arith.addf %add3A_2993, %mul3A_3067 : vector<16xf32>
        %get3A_3069 = arith.index_cast %add3A_3059 : i32 to index
        %get3A_3070 = arith.constant 32 : index
        %get3A_3071 = tpu.vector_load %arg7[%get3A_3069, %get3A_3070] {strides = array<i32>} : memref<672x256xbf16, #tpu.memory_space<vmem>>, vector<32xbf16>,
        %unpack3A_3072 = tpu.unpack_subelements %get3A_3071, 0 {pack_format = #tpu.pack_format<interleaved>} : vector<32xbf16> -> vector<16xf32>
        %unpack3A_3073 = tpu.unpack_subelements %get3A_3071, 1 {pack_format = #tpu.pack_format<interleaved>} : vector<32xbf16> -> vector<16xf32>
        %mul3A_3074 = arith.mulf %gather3A_2297, %unpack3A_3072 : vector<16xf32>
        %add3A_3075 = arith.addf %add3A_3000, %mul3A_3074 : vector<16xf32>
        %mul3A_3076 = arith.mulf %gather3A_2297, %unpack3A_3073 : vector<16xf32>
        %add3A_3077 = arith.addf %add3A_3002, %mul3A_3076 : vector<16xf32>
        %get3A_3078 = arith.index_cast %add3A_3059 : i32 to index
        %get3A_3079 = arith.constant 64 : index
        %get3A_3080 = tpu.vector_load %arg7[%get3A_3078, %get3A_3079] {strides = array<i32>} : memref<672x256xbf16, #tpu.memory_space<vmem>>, vector<32xbf16>,
        %unpack3A_3081 = tpu.unpack_subelements %get3A_3080, 0 {pack_format = #tpu.pack_format<interleaved>} : vector<32xbf16> -> vector<16xf32>
        %unpack3A_3082 = tpu.unpack_subelements %get3A_3080, 1 {pack_format = #tpu.pack_format<interleaved>} : vector<32xbf16> -> vector<16xf32>
        %mul3A_3083 = arith.mulf %gather3A_2297, %unpack3A_3081 : vector<16xf32>
        %add3A_3084 = arith.addf %add3A_3009, %mul3A_3083 : vector<16xf32>
        %mul3A_3085 = arith.mulf %gather3A_2297, %unpack3A_3082 : vector<16xf32>
        %add3A_3086 = arith.addf %add3A_3011, %mul3A_3085 : vector<16xf32>
        %get3A_3087 = arith.index_cast %add3A_3059 : i32 to index
        %get3A_3088 = arith.constant 96 : index
        %get3A_3089 = tpu.vector_load %arg7[%get3A_3087, %get3A_3088] {strides = array<i32>} : memref<672x256xbf16, #tpu.memory_space<vmem>>, vector<32xbf16>,
        %unpack3A_3090 = tpu.unpack_subelements %get3A_3089, 0 {pack_format = #tpu.pack_format<interleaved>} : vector<32xbf16> -> vector<16xf32>
        %unpack3A_3091 = tpu.unpack_subelements %get3A_3089, 1 {pack_format = #tpu.pack_format<interleaved>} : vector<32xbf16> -> vector<16xf32>
        %mul3A_3092 = arith.mulf %gather3A_2297, %unpack3A_3090 : vector<16xf32>
        %add3A_3093 = arith.addf %add3A_3018, %mul3A_3092 : vector<16xf32>
        %mul3A_3094 = arith.mulf %gather3A_2297, %unpack3A_3091 : vector<16xf32>
        %add3A_3095 = arith.addf %add3A_3020, %mul3A_3094 : vector<16xf32>
        %get3A_3096 = arith.index_cast %add3A_3059 : i32 to index
        %get3A_3097 = arith.constant 128 : index
        %get3A_3098 = tpu.vector_load %arg7[%get3A_3096, %get3A_3097] {strides = array<i32>} : memref<672x256xbf16, #tpu.memory_space<vmem>>, vector<32xbf16>,
        %unpack3A_3099 = tpu.unpack_subelements %get3A_3098, 0 {pack_format = #tpu.pack_format<interleaved>} : vector<32xbf16> -> vector<16xf32>
        %unpack3A_3100 = tpu.unpack_subelements %get3A_3098, 1 {pack_format = #tpu.pack_format<interleaved>} : vector<32xbf16> -> vector<16xf32>
        %mul3A_3101 = arith.mulf %gather3A_2297, %unpack3A_3099 : vector<16xf32>
        %add3A_3102 = arith.addf %add3A_3027, %mul3A_3101 : vector<16xf32>
        %mul3A_3103 = arith.mulf %gather3A_2297, %unpack3A_3100 : vector<16xf32>
        %add3A_3104 = arith.addf %add3A_3029, %mul3A_3103 : vector<16xf32>
        %get3A_3105 = arith.index_cast %add3A_3059 : i32 to index
        %get3A_3106 = arith.constant 160 : index
        %get3A_3107 = tpu.vector_load %arg7[%get3A_3105, %get3A_3106] {strides = array<i32>} : memref<672x256xbf16, #tpu.memory_space<vmem>>, vector<32xbf16>,
        %unpack3A_3108 = tpu.unpack_subelements %get3A_3107, 0 {pack_format = #tpu.pack_format<interleaved>} : vector<32xbf16> -> vector<16xf32>
        %unpack3A_3109 = tpu.unpack_subelements %get3A_3107, 1 {pack_format = #tpu.pack_format<interleaved>} : vector<32xbf16> -> vector<16xf32>
        %mul3A_3110 = arith.mulf %gather3A_2297, %unpack3A_3108 : vector<16xf32>
        %add3A_3111 = arith.addf %add3A_3036, %mul3A_3110 : vector<16xf32>
        %mul3A_3112 = arith.mulf %gather3A_2297, %unpack3A_3109 : vector<16xf32>
        %add3A_3113 = arith.addf %add3A_3038, %mul3A_3112 : vector<16xf32>
        %get3A_3114 = arith.index_cast %add3A_3059 : i32 to index
        %get3A_3115 = arith.constant 192 : index
        %get3A_3116 = tpu.vector_load %arg7[%get3A_3114, %get3A_3115] {strides = array<i32>} : memref<672x256xbf16, #tpu.memory_space<vmem>>, vector<32xbf16>,
        %unpack3A_3117 = tpu.unpack_subelements %get3A_3116, 0 {pack_format = #tpu.pack_format<interleaved>} : vector<32xbf16> -> vector<16xf32>
        %unpack3A_3118 = tpu.unpack_subelements %get3A_3116, 1 {pack_format = #tpu.pack_format<interleaved>} : vector<32xbf16> -> vector<16xf32>
        %mul3A_3119 = arith.mulf %gather3A_2297, %unpack3A_3117 : vector<16xf32>
        %add3A_3120 = arith.addf %add3A_3045, %mul3A_3119 : vector<16xf32>
        %mul3A_3121 = arith.mulf %gather3A_2297, %unpack3A_3118 : vector<16xf32>
        %add3A_3122 = arith.addf %add3A_3047, %mul3A_3121 : vector<16xf32>
        %get3A_3123 = arith.index_cast %add3A_3059 : i32 to index
        %get3A_3124 = arith.constant 224 : index
        %get3A_3125 = tpu.vector_load %arg7[%get3A_3123, %get3A_3124] {strides = array<i32>} : memref<672x256xbf16, #tpu.memory_space<vmem>>, vector<32xbf16>,
        %unpack3A_3126 = tpu.unpack_subelements %get3A_3125, 0 {pack_format = #tpu.pack_format<interleaved>} : vector<32xbf16> -> vector<16xf32>
        %unpack3A_3127 = tpu.unpack_subelements %get3A_3125, 1 {pack_format = #tpu.pack_format<interleaved>} : vector<32xbf16> -> vector<16xf32>
        %mul3A_3128 = arith.mulf %gather3A_2297, %unpack3A_3126 : vector<16xf32>
        %add3A_3129 = arith.addf %add3A_3054, %mul3A_3128 : vector<16xf32>
        %mul3A_3130 = arith.mulf %gather3A_2297, %unpack3A_3127 : vector<16xf32>
        %add3A_3131 = arith.addf %add3A_3056, %mul3A_3130 : vector<16xf32>
        %add3A_3132 = arith.constant 160 : i32
        %add3A_3133 = arith.addi %mul3A_2132, %add3A_3132 : i32
        %add3A_3134 = arith.addi %add3A_3133, %scan3A_2198 : i32
        %get3A_3135 = arith.index_cast %add3A_3134 : i32 to index
        %get3A_3136 = arith.constant 0 : index
        %get3A_3137 = tpu.vector_load %arg7[%get3A_3135, %get3A_3136] {strides = array<i32>} : memref<672x256xbf16, #tpu.memory_space<vmem>>, vector<32xbf16>,
        %unpack3A_3138 = tpu.unpack_subelements %get3A_3137, 0 {pack_format = #tpu.pack_format<interleaved>} : vector<32xbf16> -> vector<16xf32>
        %unpack3A_3139 = tpu.unpack_subelements %get3A_3137, 1 {pack_format = #tpu.pack_format<interleaved>} : vector<32xbf16> -> vector<16xf32>
        %mul3A_3140 = arith.mulf %gather3A_2307, %unpack3A_3138 : vector<16xf32>
        %add3A_3141 = arith.addf %add3A_3066, %mul3A_3140 : vector<16xf32>
        %mul3A_3142 = arith.mulf %gather3A_2307, %unpack3A_3139 : vector<16xf32>
        %add3A_3143 = arith.addf %add3A_3068, %mul3A_3142 : vector<16xf32>
        %get3A_3144 = arith.index_cast %add3A_3134 : i32 to index
        %get3A_3145 = arith.constant 32 : index
        %get3A_3146 = tpu.vector_load %arg7[%get3A_3144, %get3A_3145] {strides = array<i32>} : memref<672x256xbf16, #tpu.memory_space<vmem>>, vector<32xbf16>,
        %unpack3A_3147 = tpu.unpack_subelements %get3A_3146, 0 {pack_format = #tpu.pack_format<interleaved>} : vector<32xbf16> -> vector<16xf32>
        %unpack3A_3148 = tpu.unpack_subelements %get3A_3146, 1 {pack_format = #tpu.pack_format<interleaved>} : vector<32xbf16> -> vector<16xf32>
        %mul3A_3149 = arith.mulf %gather3A_2307, %unpack3A_3147 : vector<16xf32>
        %add3A_3150 = arith.addf %add3A_3075, %mul3A_3149 : vector<16xf32>
        %mul3A_3151 = arith.mulf %gather3A_2307, %unpack3A_3148 : vector<16xf32>
        %add3A_3152 = arith.addf %add3A_3077, %mul3A_3151 : vector<16xf32>
        %get3A_3153 = arith.index_cast %add3A_3134 : i32 to index
        %get3A_3154 = arith.constant 64 : index
        %get3A_3155 = tpu.vector_load %arg7[%get3A_3153, %get3A_3154] {strides = array<i32>} : memref<672x256xbf16, #tpu.memory_space<vmem>>, vector<32xbf16>,
        %unpack3A_3156 = tpu.unpack_subelements %get3A_3155, 0 {pack_format = #tpu.pack_format<interleaved>} : vector<32xbf16> -> vector<16xf32>
        %unpack3A_3157 = tpu.unpack_subelements %get3A_3155, 1 {pack_format = #tpu.pack_format<interleaved>} : vector<32xbf16> -> vector<16xf32>
        %mul3A_3158 = arith.mulf %gather3A_2307, %unpack3A_3156 : vector<16xf32>
        %add3A_3159 = arith.addf %add3A_3084, %mul3A_3158 : vector<16xf32>
        %mul3A_3160 = arith.mulf %gather3A_2307, %unpack3A_3157 : vector<16xf32>
        %add3A_3161 = arith.addf %add3A_3086, %mul3A_3160 : vector<16xf32>
        %get3A_3162 = arith.index_cast %add3A_3134 : i32 to index
        %get3A_3163 = arith.constant 96 : index
        %get3A_3164 = tpu.vector_load %arg7[%get3A_3162, %get3A_3163] {strides = array<i32>} : memref<672x256xbf16, #tpu.memory_space<vmem>>, vector<32xbf16>,
        %unpack3A_3165 = tpu.unpack_subelements %get3A_3164, 0 {pack_format = #tpu.pack_format<interleaved>} : vector<32xbf16> -> vector<16xf32>
        %unpack3A_3166 = tpu.unpack_subelements %get3A_3164, 1 {pack_format = #tpu.pack_format<interleaved>} : vector<32xbf16> -> vector<16xf32>
        %mul3A_3167 = arith.mulf %gather3A_2307, %unpack3A_3165 : vector<16xf32>
        %add3A_3168 = arith.addf %add3A_3093, %mul3A_3167 : vector<16xf32>
        %mul3A_3169 = arith.mulf %gather3A_2307, %unpack3A_3166 : vector<16xf32>
        %add3A_3170 = arith.addf %add3A_3095, %mul3A_3169 : vector<16xf32>
        %get3A_3171 = arith.index_cast %add3A_3134 : i32 to index
        %get3A_3172 = arith.constant 128 : index
        %get3A_3173 = tpu.vector_load %arg7[%get3A_3171, %get3A_3172] {strides = array<i32>} : memref<672x256xbf16, #tpu.memory_space<vmem>>, vector<32xbf16>,
        %unpack3A_3174 = tpu.unpack_subelements %get3A_3173, 0 {pack_format = #tpu.pack_format<interleaved>} : vector<32xbf16> -> vector<16xf32>
        %unpack3A_3175 = tpu.unpack_subelements %get3A_3173, 1 {pack_format = #tpu.pack_format<interleaved>} : vector<32xbf16> -> vector<16xf32>
        %mul3A_3176 = arith.mulf %gather3A_2307, %unpack3A_3174 : vector<16xf32>
        %add3A_3177 = arith.addf %add3A_3102, %mul3A_3176 : vector<16xf32>
        %mul3A_3178 = arith.mulf %gather3A_2307, %unpack3A_3175 : vector<16xf32>
        %add3A_3179 = arith.addf %add3A_3104, %mul3A_3178 : vector<16xf32>
        %get3A_3180 = arith.index_cast %add3A_3134 : i32 to index
        %get3A_3181 = arith.constant 160 : index
        %get3A_3182 = tpu.vector_load %arg7[%get3A_3180, %get3A_3181] {strides = array<i32>} : memref<672x256xbf16, #tpu.memory_space<vmem>>, vector<32xbf16>,
        %unpack3A_3183 = tpu.unpack_subelements %get3A_3182, 0 {pack_format = #tpu.pack_format<interleaved>} : vector<32xbf16> -> vector<16xf32>
        %unpack3A_3184 = tpu.unpack_subelements %get3A_3182, 1 {pack_format = #tpu.pack_format<interleaved>} : vector<32xbf16> -> vector<16xf32>
        %mul3A_3185 = arith.mulf %gather3A_2307, %unpack3A_3183 : vector<16xf32>
        %add3A_3186 = arith.addf %add3A_3111, %mul3A_3185 : vector<16xf32>
        %mul3A_3187 = arith.mulf %gather3A_2307, %unpack3A_3184 : vector<16xf32>
        %add3A_3188 = arith.addf %add3A_3113, %mul3A_3187 : vector<16xf32>
        %get3A_3189 = arith.index_cast %add3A_3134 : i32 to index
        %get3A_3190 = arith.constant 192 : index
        %get3A_3191 = tpu.vector_load %arg7[%get3A_3189, %get3A_3190] {strides = array<i32>} : memref<672x256xbf16, #tpu.memory_space<vmem>>, vector<32xbf16>,
        %unpack3A_3192 = tpu.unpack_subelements %get3A_3191, 0 {pack_format = #tpu.pack_format<interleaved>} : vector<32xbf16> -> vector<16xf32>
        %unpack3A_3193 = tpu.unpack_subelements %get3A_3191, 1 {pack_format = #tpu.pack_format<interleaved>} : vector<32xbf16> -> vector<16xf32>
        %mul3A_3194 = arith.mulf %gather3A_2307, %unpack3A_3192 : vector<16xf32>
        %add3A_3195 = arith.addf %add3A_3120, %mul3A_3194 : vector<16xf32>
        %mul3A_3196 = arith.mulf %gather3A_2307, %unpack3A_3193 : vector<16xf32>
        %add3A_3197 = arith.addf %add3A_3122, %mul3A_3196 : vector<16xf32>
        %get3A_3198 = arith.index_cast %add3A_3134 : i32 to index
        %get3A_3199 = arith.constant 224 : index
        %get3A_3200 = tpu.vector_load %arg7[%get3A_3198, %get3A_3199] {strides = array<i32>} : memref<672x256xbf16, #tpu.memory_space<vmem>>, vector<32xbf16>,
        %unpack3A_3201 = tpu.unpack_subelements %get3A_3200, 0 {pack_format = #tpu.pack_format<interleaved>} : vector<32xbf16> -> vector<16xf32>
        %unpack3A_3202 = tpu.unpack_subelements %get3A_3200, 1 {pack_format = #tpu.pack_format<interleaved>} : vector<32xbf16> -> vector<16xf32>
        %mul3A_3203 = arith.mulf %gather3A_2307, %unpack3A_3201 : vector<16xf32>
        %add3A_3204 = arith.addf %add3A_3129, %mul3A_3203 : vector<16xf32>
        %mul3A_3205 = arith.mulf %gather3A_2307, %unpack3A_3202 : vector<16xf32>
        %add3A_3206 = arith.addf %add3A_3131, %mul3A_3205 : vector<16xf32>
        %add3A_3207 = arith.constant 176 : i32
        %add3A_3208 = arith.addi %mul3A_2132, %add3A_3207 : i32
        %add3A_3209 = arith.addi %add3A_3208, %scan3A_2198 : i32
        %get3A_3210 = arith.index_cast %add3A_3209 : i32 to index
        %get3A_3211 = arith.constant 0 : index
        %get3A_3212 = tpu.vector_load %arg7[%get3A_3210, %get3A_3211] {strides = array<i32>} : memref<672x256xbf16, #tpu.memory_space<vmem>>, vector<32xbf16>,
        %unpack3A_3213 = tpu.unpack_subelements %get3A_3212, 0 {pack_format = #tpu.pack_format<interleaved>} : vector<32xbf16> -> vector<16xf32>
        %unpack3A_3214 = tpu.unpack_subelements %get3A_3212, 1 {pack_format = #tpu.pack_format<interleaved>} : vector<32xbf16> -> vector<16xf32>
        %mul3A_3215 = arith.mulf %gather3A_2317, %unpack3A_3213 : vector<16xf32>
        %add3A_3216 = arith.addf %add3A_3141, %mul3A_3215 : vector<16xf32>
        %mul3A_3217 = arith.mulf %gather3A_2317, %unpack3A_3214 : vector<16xf32>
        %add3A_3218 = arith.addf %add3A_3143, %mul3A_3217 : vector<16xf32>
        %get3A_3219 = arith.index_cast %add3A_3209 : i32 to index
        %get3A_3220 = arith.constant 32 : index
        %get3A_3221 = tpu.vector_load %arg7[%get3A_3219, %get3A_3220] {strides = array<i32>} : memref<672x256xbf16, #tpu.memory_space<vmem>>, vector<32xbf16>,
        %unpack3A_3222 = tpu.unpack_subelements %get3A_3221, 0 {pack_format = #tpu.pack_format<interleaved>} : vector<32xbf16> -> vector<16xf32>
        %unpack3A_3223 = tpu.unpack_subelements %get3A_3221, 1 {pack_format = #tpu.pack_format<interleaved>} : vector<32xbf16> -> vector<16xf32>
        %mul3A_3224 = arith.mulf %gather3A_2317, %unpack3A_3222 : vector<16xf32>
        %add3A_3225 = arith.addf %add3A_3150, %mul3A_3224 : vector<16xf32>
        %mul3A_3226 = arith.mulf %gather3A_2317, %unpack3A_3223 : vector<16xf32>
        %add3A_3227 = arith.addf %add3A_3152, %mul3A_3226 : vector<16xf32>
        %get3A_3228 = arith.index_cast %add3A_3209 : i32 to index
        %get3A_3229 = arith.constant 64 : index
        %get3A_3230 = tpu.vector_load %arg7[%get3A_3228, %get3A_3229] {strides = array<i32>} : memref<672x256xbf16, #tpu.memory_space<vmem>>, vector<32xbf16>,
        %unpack3A_3231 = tpu.unpack_subelements %get3A_3230, 0 {pack_format = #tpu.pack_format<interleaved>} : vector<32xbf16> -> vector<16xf32>
        %unpack3A_3232 = tpu.unpack_subelements %get3A_3230, 1 {pack_format = #tpu.pack_format<interleaved>} : vector<32xbf16> -> vector<16xf32>
        %mul3A_3233 = arith.mulf %gather3A_2317, %unpack3A_3231 : vector<16xf32>
        %add3A_3234 = arith.addf %add3A_3159, %mul3A_3233 : vector<16xf32>
        %mul3A_3235 = arith.mulf %gather3A_2317, %unpack3A_3232 : vector<16xf32>
        %add3A_3236 = arith.addf %add3A_3161, %mul3A_3235 : vector<16xf32>
        %get3A_3237 = arith.index_cast %add3A_3209 : i32 to index
        %get3A_3238 = arith.constant 96 : index
        %get3A_3239 = tpu.vector_load %arg7[%get3A_3237, %get3A_3238] {strides = array<i32>} : memref<672x256xbf16, #tpu.memory_space<vmem>>, vector<32xbf16>,
        %unpack3A_3240 = tpu.unpack_subelements %get3A_3239, 0 {pack_format = #tpu.pack_format<interleaved>} : vector<32xbf16> -> vector<16xf32>
        %unpack3A_3241 = tpu.unpack_subelements %get3A_3239, 1 {pack_format = #tpu.pack_format<interleaved>} : vector<32xbf16> -> vector<16xf32>
        %mul3A_3242 = arith.mulf %gather3A_2317, %unpack3A_3240 : vector<16xf32>
        %add3A_3243 = arith.addf %add3A_3168, %mul3A_3242 : vector<16xf32>
        %mul3A_3244 = arith.mulf %gather3A_2317, %unpack3A_3241 : vector<16xf32>
        %add3A_3245 = arith.addf %add3A_3170, %mul3A_3244 : vector<16xf32>
        %get3A_3246 = arith.index_cast %add3A_3209 : i32 to index
        %get3A_3247 = arith.constant 128 : index
        %get3A_3248 = tpu.vector_load %arg7[%get3A_3246, %get3A_3247] {strides = array<i32>} : memref<672x256xbf16, #tpu.memory_space<vmem>>, vector<32xbf16>,
        %unpack3A_3249 = tpu.unpack_subelements %get3A_3248, 0 {pack_format = #tpu.pack_format<interleaved>} : vector<32xbf16> -> vector<16xf32>
        %unpack3A_3250 = tpu.unpack_subelements %get3A_3248, 1 {pack_format = #tpu.pack_format<interleaved>} : vector<32xbf16> -> vector<16xf32>
        %mul3A_3251 = arith.mulf %gather3A_2317, %unpack3A_3249 : vector<16xf32>
        %add3A_3252 = arith.addf %add3A_3177, %mul3A_3251 : vector<16xf32>
        %mul3A_3253 = arith.mulf %gather3A_2317, %unpack3A_3250 : vector<16xf32>
        %add3A_3254 = arith.addf %add3A_3179, %mul3A_3253 : vector<16xf32>
        %get3A_3255 = arith.index_cast %add3A_3209 : i32 to index
        %get3A_3256 = arith.constant 160 : index
        %get3A_3257 = tpu.vector_load %arg7[%get3A_3255, %get3A_3256] {strides = array<i32>} : memref<672x256xbf16, #tpu.memory_space<vmem>>, vector<32xbf16>,
        %unpack3A_3258 = tpu.unpack_subelements %get3A_3257, 0 {pack_format = #tpu.pack_format<interleaved>} : vector<32xbf16> -> vector<16xf32>
        %unpack3A_3259 = tpu.unpack_subelements %get3A_3257, 1 {pack_format = #tpu.pack_format<interleaved>} : vector<32xbf16> -> vector<16xf32>
        %mul3A_3260 = arith.mulf %gather3A_2317, %unpack3A_3258 : vector<16xf32>
        %add3A_3261 = arith.addf %add3A_3186, %mul3A_3260 : vector<16xf32>
        %mul3A_3262 = arith.mulf %gather3A_2317, %unpack3A_3259 : vector<16xf32>
        %add3A_3263 = arith.addf %add3A_3188, %mul3A_3262 : vector<16xf32>
        %get3A_3264 = arith.index_cast %add3A_3209 : i32 to index
        %get3A_3265 = arith.constant 192 : index
        %get3A_3266 = tpu.vector_load %arg7[%get3A_3264, %get3A_3265] {strides = array<i32>} : memref<672x256xbf16, #tpu.memory_space<vmem>>, vector<32xbf16>,
        %unpack3A_3267 = tpu.unpack_subelements %get3A_3266, 0 {pack_format = #tpu.pack_format<interleaved>} : vector<32xbf16> -> vector<16xf32>
        %unpack3A_3268 = tpu.unpack_subelements %get3A_3266, 1 {pack_format = #tpu.pack_format<interleaved>} : vector<32xbf16> -> vector<16xf32>
        %mul3A_3269 = arith.mulf %gather3A_2317, %unpack3A_3267 : vector<16xf32>
        %add3A_3270 = arith.addf %add3A_3195, %mul3A_3269 : vector<16xf32>
        %mul3A_3271 = arith.mulf %gather3A_2317, %unpack3A_3268 : vector<16xf32>
        %add3A_3272 = arith.addf %add3A_3197, %mul3A_3271 : vector<16xf32>
        %get3A_3273 = arith.index_cast %add3A_3209 : i32 to index
        %get3A_3274 = arith.constant 224 : index
        %get3A_3275 = tpu.vector_load %arg7[%get3A_3273, %get3A_3274] {strides = array<i32>} : memref<672x256xbf16, #tpu.memory_space<vmem>>, vector<32xbf16>,
        %unpack3A_3276 = tpu.unpack_subelements %get3A_3275, 0 {pack_format = #tpu.pack_format<interleaved>} : vector<32xbf16> -> vector<16xf32>
        %unpack3A_3277 = tpu.unpack_subelements %get3A_3275, 1 {pack_format = #tpu.pack_format<interleaved>} : vector<32xbf16> -> vector<16xf32>
        %mul3A_3278 = arith.mulf %gather3A_2317, %unpack3A_3276 : vector<16xf32>
        %add3A_3279 = arith.addf %add3A_3204, %mul3A_3278 : vector<16xf32>
        %mul3A_3280 = arith.mulf %gather3A_2317, %unpack3A_3277 : vector<16xf32>
        %add3A_3281 = arith.addf %add3A_3206, %mul3A_3280 : vector<16xf32>
        %add3A_3282 = arith.constant 192 : i32
        %add3A_3283 = arith.addi %mul3A_2132, %add3A_3282 : i32
        %add3A_3284 = arith.addi %add3A_3283, %scan3A_2198 : i32
        %get3A_3285 = arith.index_cast %add3A_3284 : i32 to index
        %get3A_3286 = arith.constant 0 : index
        %get3A_3287 = tpu.vector_load %arg7[%get3A_3285, %get3A_3286] {strides = array<i32>} : memref<672x256xbf16, #tpu.memory_space<vmem>>, vector<32xbf16>,
        %unpack3A_3288 = tpu.unpack_subelements %get3A_3287, 0 {pack_format = #tpu.pack_format<interleaved>} : vector<32xbf16> -> vector<16xf32>
        %unpack3A_3289 = tpu.unpack_subelements %get3A_3287, 1 {pack_format = #tpu.pack_format<interleaved>} : vector<32xbf16> -> vector<16xf32>
        %mul3A_3290 = arith.mulf %gather3A_2327, %unpack3A_3288 : vector<16xf32>
        %add3A_3291 = arith.addf %add3A_3216, %mul3A_3290 : vector<16xf32>
        %mul3A_3292 = arith.mulf %gather3A_2327, %unpack3A_3289 : vector<16xf32>
        %add3A_3293 = arith.addf %add3A_3218, %mul3A_3292 : vector<16xf32>
        %get3A_3294 = arith.index_cast %add3A_3284 : i32 to index
        %get3A_3295 = arith.constant 32 : index
        %get3A_3296 = tpu.vector_load %arg7[%get3A_3294, %get3A_3295] {strides = array<i32>} : memref<672x256xbf16, #tpu.memory_space<vmem>>, vector<32xbf16>,
        %unpack3A_3297 = tpu.unpack_subelements %get3A_3296, 0 {pack_format = #tpu.pack_format<interleaved>} : vector<32xbf16> -> vector<16xf32>
        %unpack3A_3298 = tpu.unpack_subelements %get3A_3296, 1 {pack_format = #tpu.pack_format<interleaved>} : vector<32xbf16> -> vector<16xf32>
        %mul3A_3299 = arith.mulf %gather3A_2327, %unpack3A_3297 : vector<16xf32>
        %add3A_3300 = arith.addf %add3A_3225, %mul3A_3299 : vector<16xf32>
        %mul3A_3301 = arith.mulf %gather3A_2327, %unpack3A_3298 : vector<16xf32>
        %add3A_3302 = arith.addf %add3A_3227, %mul3A_3301 : vector<16xf32>
        %get3A_3303 = arith.index_cast %add3A_3284 : i32 to index
        %get3A_3304 = arith.constant 64 : index
        %get3A_3305 = tpu.vector_load %arg7[%get3A_3303, %get3A_3304] {strides = array<i32>} : memref<672x256xbf16, #tpu.memory_space<vmem>>, vector<32xbf16>,
        %unpack3A_3306 = tpu.unpack_subelements %get3A_3305, 0 {pack_format = #tpu.pack_format<interleaved>} : vector<32xbf16> -> vector<16xf32>
        %unpack3A_3307 = tpu.unpack_subelements %get3A_3305, 1 {pack_format = #tpu.pack_format<interleaved>} : vector<32xbf16> -> vector<16xf32>
        %mul3A_3308 = arith.mulf %gather3A_2327, %unpack3A_3306 : vector<16xf32>
        %add3A_3309 = arith.addf %add3A_3234, %mul3A_3308 : vector<16xf32>
        %mul3A_3310 = arith.mulf %gather3A_2327, %unpack3A_3307 : vector<16xf32>
        %add3A_3311 = arith.addf %add3A_3236, %mul3A_3310 : vector<16xf32>
        %get3A_3312 = arith.index_cast %add3A_3284 : i32 to index
        %get3A_3313 = arith.constant 96 : index
        %get3A_3314 = tpu.vector_load %arg7[%get3A_3312, %get3A_3313] {strides = array<i32>} : memref<672x256xbf16, #tpu.memory_space<vmem>>, vector<32xbf16>,
        %unpack3A_3315 = tpu.unpack_subelements %get3A_3314, 0 {pack_format = #tpu.pack_format<interleaved>} : vector<32xbf16> -> vector<16xf32>
        %unpack3A_3316 = tpu.unpack_subelements %get3A_3314, 1 {pack_format = #tpu.pack_format<interleaved>} : vector<32xbf16> -> vector<16xf32>
        %mul3A_3317 = arith.mulf %gather3A_2327, %unpack3A_3315 : vector<16xf32>
        %add3A_3318 = arith.addf %add3A_3243, %mul3A_3317 : vector<16xf32>
        %mul3A_3319 = arith.mulf %gather3A_2327, %unpack3A_3316 : vector<16xf32>
        %add3A_3320 = arith.addf %add3A_3245, %mul3A_3319 : vector<16xf32>
        %get3A_3321 = arith.index_cast %add3A_3284 : i32 to index
        %get3A_3322 = arith.constant 128 : index
        %get3A_3323 = tpu.vector_load %arg7[%get3A_3321, %get3A_3322] {strides = array<i32>} : memref<672x256xbf16, #tpu.memory_space<vmem>>, vector<32xbf16>,
        %unpack3A_3324 = tpu.unpack_subelements %get3A_3323, 0 {pack_format = #tpu.pack_format<interleaved>} : vector<32xbf16> -> vector<16xf32>
        %unpack3A_3325 = tpu.unpack_subelements %get3A_3323, 1 {pack_format = #tpu.pack_format<interleaved>} : vector<32xbf16> -> vector<16xf32>
        %mul3A_3326 = arith.mulf %gather3A_2327, %unpack3A_3324 : vector<16xf32>
        %add3A_3327 = arith.addf %add3A_3252, %mul3A_3326 : vector<16xf32>
        %mul3A_3328 = arith.mulf %gather3A_2327, %unpack3A_3325 : vector<16xf32>
        %add3A_3329 = arith.addf %add3A_3254, %mul3A_3328 : vector<16xf32>
        %get3A_3330 = arith.index_cast %add3A_3284 : i32 to index
        %get3A_3331 = arith.constant 160 : index
        %get3A_3332 = tpu.vector_load %arg7[%get3A_3330, %get3A_3331] {strides = array<i32>} : memref<672x256xbf16, #tpu.memory_space<vmem>>, vector<32xbf16>,
        %unpack3A_3333 = tpu.unpack_subelements %get3A_3332, 0 {pack_format = #tpu.pack_format<interleaved>} : vector<32xbf16> -> vector<16xf32>
        %unpack3A_3334 = tpu.unpack_subelements %get3A_3332, 1 {pack_format = #tpu.pack_format<interleaved>} : vector<32xbf16> -> vector<16xf32>
        %mul3A_3335 = arith.mulf %gather3A_2327, %unpack3A_3333 : vector<16xf32>
        %add3A_3336 = arith.addf %add3A_3261, %mul3A_3335 : vector<16xf32>
        %mul3A_3337 = arith.mulf %gather3A_2327, %unpack3A_3334 : vector<16xf32>
        %add3A_3338 = arith.addf %add3A_3263, %mul3A_3337 : vector<16xf32>
        %get3A_3339 = arith.index_cast %add3A_3284 : i32 to index
        %get3A_3340 = arith.constant 192 : index
        %get3A_3341 = tpu.vector_load %arg7[%get3A_3339, %get3A_3340] {strides = array<i32>} : memref<672x256xbf16, #tpu.memory_space<vmem>>, vector<32xbf16>,
        %unpack3A_3342 = tpu.unpack_subelements %get3A_3341, 0 {pack_format = #tpu.pack_format<interleaved>} : vector<32xbf16> -> vector<16xf32>
        %unpack3A_3343 = tpu.unpack_subelements %get3A_3341, 1 {pack_format = #tpu.pack_format<interleaved>} : vector<32xbf16> -> vector<16xf32>
        %mul3A_3344 = arith.mulf %gather3A_2327, %unpack3A_3342 : vector<16xf32>
        %add3A_3345 = arith.addf %add3A_3270, %mul3A_3344 : vector<16xf32>
        %mul3A_3346 = arith.mulf %gather3A_2327, %unpack3A_3343 : vector<16xf32>
        %add3A_3347 = arith.addf %add3A_3272, %mul3A_3346 : vector<16xf32>
        %get3A_3348 = arith.index_cast %add3A_3284 : i32 to index
        %get3A_3349 = arith.constant 224 : index
        %get3A_3350 = tpu.vector_load %arg7[%get3A_3348, %get3A_3349] {strides = array<i32>} : memref<672x256xbf16, #tpu.memory_space<vmem>>, vector<32xbf16>,
        %unpack3A_3351 = tpu.unpack_subelements %get3A_3350, 0 {pack_format = #tpu.pack_format<interleaved>} : vector<32xbf16> -> vector<16xf32>
        %unpack3A_3352 = tpu.unpack_subelements %get3A_3350, 1 {pack_format = #tpu.pack_format<interleaved>} : vector<32xbf16> -> vector<16xf32>
        %mul3A_3353 = arith.mulf %gather3A_2327, %unpack3A_3351 : vector<16xf32>
        %add3A_3354 = arith.addf %add3A_3279, %mul3A_3353 : vector<16xf32>
        %mul3A_3355 = arith.mulf %gather3A_2327, %unpack3A_3352 : vector<16xf32>
        %add3A_3356 = arith.addf %add3A_3281, %mul3A_3355 : vector<16xf32>
        %add3A_3357 = arith.constant 208 : i32
        %add3A_3358 = arith.addi %mul3A_2132, %add3A_3357 : i32
        %add3A_3359 = arith.addi %add3A_3358, %scan3A_2198 : i32
        %get3A_3360 = arith.index_cast %add3A_3359 : i32 to index
        %get3A_3361 = arith.constant 0 : index
        %get3A_3362 = tpu.vector_load %arg7[%get3A_3360, %get3A_3361] {strides = array<i32>} : memref<672x256xbf16, #tpu.memory_space<vmem>>, vector<32xbf16>,
        %unpack3A_3363 = tpu.unpack_subelements %get3A_3362, 0 {pack_format = #tpu.pack_format<interleaved>} : vector<32xbf16> -> vector<16xf32>
        %unpack3A_3364 = tpu.unpack_subelements %get3A_3362, 1 {pack_format = #tpu.pack_format<interleaved>} : vector<32xbf16> -> vector<16xf32>
        %mul3A_3365 = arith.mulf %gather3A_2337, %unpack3A_3363 : vector<16xf32>
        %add3A_3366 = arith.addf %add3A_3291, %mul3A_3365 : vector<16xf32>
        %mul3A_3367 = arith.mulf %gather3A_2337, %unpack3A_3364 : vector<16xf32>
        %add3A_3368 = arith.addf %add3A_3293, %mul3A_3367 : vector<16xf32>
        %get3A_3369 = arith.index_cast %add3A_3359 : i32 to index
        %get3A_3370 = arith.constant 32 : index
        %get3A_3371 = tpu.vector_load %arg7[%get3A_3369, %get3A_3370] {strides = array<i32>} : memref<672x256xbf16, #tpu.memory_space<vmem>>, vector<32xbf16>,
        %unpack3A_3372 = tpu.unpack_subelements %get3A_3371, 0 {pack_format = #tpu.pack_format<interleaved>} : vector<32xbf16> -> vector<16xf32>
        %unpack3A_3373 = tpu.unpack_subelements %get3A_3371, 1 {pack_format = #tpu.pack_format<interleaved>} : vector<32xbf16> -> vector<16xf32>
        %mul3A_3374 = arith.mulf %gather3A_2337, %unpack3A_3372 : vector<16xf32>
        %add3A_3375 = arith.addf %add3A_3300, %mul3A_3374 : vector<16xf32>
        %mul3A_3376 = arith.mulf %gather3A_2337, %unpack3A_3373 : vector<16xf32>
        %add3A_3377 = arith.addf %add3A_3302, %mul3A_3376 : vector<16xf32>
        %get3A_3378 = arith.index_cast %add3A_3359 : i32 to index
        %get3A_3379 = arith.constant 64 : index
        %get3A_3380 = tpu.vector_load %arg7[%get3A_3378, %get3A_3379] {strides = array<i32>} : memref<672x256xbf16, #tpu.memory_space<vmem>>, vector<32xbf16>,
        %unpack3A_3381 = tpu.unpack_subelements %get3A_3380, 0 {pack_format = #tpu.pack_format<interleaved>} : vector<32xbf16> -> vector<16xf32>
        %unpack3A_3382 = tpu.unpack_subelements %get3A_3380, 1 {pack_format = #tpu.pack_format<interleaved>} : vector<32xbf16> -> vector<16xf32>
        %mul3A_3383 = arith.mulf %gather3A_2337, %unpack3A_3381 : vector<16xf32>
        %add3A_3384 = arith.addf %add3A_3309, %mul3A_3383 : vector<16xf32>
        %mul3A_3385 = arith.mulf %gather3A_2337, %unpack3A_3382 : vector<16xf32>
        %add3A_3386 = arith.addf %add3A_3311, %mul3A_3385 : vector<16xf32>
        %get3A_3387 = arith.index_cast %add3A_3359 : i32 to index
        %get3A_3388 = arith.constant 96 : index
        %get3A_3389 = tpu.vector_load %arg7[%get3A_3387, %get3A_3388] {strides = array<i32>} : memref<672x256xbf16, #tpu.memory_space<vmem>>, vector<32xbf16>,
        %unpack3A_3390 = tpu.unpack_subelements %get3A_3389, 0 {pack_format = #tpu.pack_format<interleaved>} : vector<32xbf16> -> vector<16xf32>
        %unpack3A_3391 = tpu.unpack_subelements %get3A_3389, 1 {pack_format = #tpu.pack_format<interleaved>} : vector<32xbf16> -> vector<16xf32>
        %mul3A_3392 = arith.mulf %gather3A_2337, %unpack3A_3390 : vector<16xf32>
        %add3A_3393 = arith.addf %add3A_3318, %mul3A_3392 : vector<16xf32>
        %mul3A_3394 = arith.mulf %gather3A_2337, %unpack3A_3391 : vector<16xf32>
        %add3A_3395 = arith.addf %add3A_3320, %mul3A_3394 : vector<16xf32>
        %get3A_3396 = arith.index_cast %add3A_3359 : i32 to index
        %get3A_3397 = arith.constant 128 : index
        %get3A_3398 = tpu.vector_load %arg7[%get3A_3396, %get3A_3397] {strides = array<i32>} : memref<672x256xbf16, #tpu.memory_space<vmem>>, vector<32xbf16>,
        %unpack3A_3399 = tpu.unpack_subelements %get3A_3398, 0 {pack_format = #tpu.pack_format<interleaved>} : vector<32xbf16> -> vector<16xf32>
        %unpack3A_3400 = tpu.unpack_subelements %get3A_3398, 1 {pack_format = #tpu.pack_format<interleaved>} : vector<32xbf16> -> vector<16xf32>
        %mul3A_3401 = arith.mulf %gather3A_2337, %unpack3A_3399 : vector<16xf32>
        %add3A_3402 = arith.addf %add3A_3327, %mul3A_3401 : vector<16xf32>
        %mul3A_3403 = arith.mulf %gather3A_2337, %unpack3A_3400 : vector<16xf32>
        %add3A_3404 = arith.addf %add3A_3329, %mul3A_3403 : vector<16xf32>
        %get3A_3405 = arith.index_cast %add3A_3359 : i32 to index
        %get3A_3406 = arith.constant 160 : index
        %get3A_3407 = tpu.vector_load %arg7[%get3A_3405, %get3A_3406] {strides = array<i32>} : memref<672x256xbf16, #tpu.memory_space<vmem>>, vector<32xbf16>,
        %unpack3A_3408 = tpu.unpack_subelements %get3A_3407, 0 {pack_format = #tpu.pack_format<interleaved>} : vector<32xbf16> -> vector<16xf32>
        %unpack3A_3409 = tpu.unpack_subelements %get3A_3407, 1 {pack_format = #tpu.pack_format<interleaved>} : vector<32xbf16> -> vector<16xf32>
        %mul3A_3410 = arith.mulf %gather3A_2337, %unpack3A_3408 : vector<16xf32>
        %add3A_3411 = arith.addf %add3A_3336, %mul3A_3410 : vector<16xf32>
        %mul3A_3412 = arith.mulf %gather3A_2337, %unpack3A_3409 : vector<16xf32>
        %add3A_3413 = arith.addf %add3A_3338, %mul3A_3412 : vector<16xf32>
        %get3A_3414 = arith.index_cast %add3A_3359 : i32 to index
        %get3A_3415 = arith.constant 192 : index
        %get3A_3416 = tpu.vector_load %arg7[%get3A_3414, %get3A_3415] {strides = array<i32>} : memref<672x256xbf16, #tpu.memory_space<vmem>>, vector<32xbf16>,
        %unpack3A_3417 = tpu.unpack_subelements %get3A_3416, 0 {pack_format = #tpu.pack_format<interleaved>} : vector<32xbf16> -> vector<16xf32>
        %unpack3A_3418 = tpu.unpack_subelements %get3A_3416, 1 {pack_format = #tpu.pack_format<interleaved>} : vector<32xbf16> -> vector<16xf32>
        %mul3A_3419 = arith.mulf %gather3A_2337, %unpack3A_3417 : vector<16xf32>
        %add3A_3420 = arith.addf %add3A_3345, %mul3A_3419 : vector<16xf32>
        %mul3A_3421 = arith.mulf %gather3A_2337, %unpack3A_3418 : vector<16xf32>
        %add3A_3422 = arith.addf %add3A_3347, %mul3A_3421 : vector<16xf32>
        %get3A_3423 = arith.index_cast %add3A_3359 : i32 to index
        %get3A_3424 = arith.constant 224 : index
        %get3A_3425 = tpu.vector_load %arg7[%get3A_3423, %get3A_3424] {strides = array<i32>} : memref<672x256xbf16, #tpu.memory_space<vmem>>, vector<32xbf16>,
        %unpack3A_3426 = tpu.unpack_subelements %get3A_3425, 0 {pack_format = #tpu.pack_format<interleaved>} : vector<32xbf16> -> vector<16xf32>
        %unpack3A_3427 = tpu.unpack_subelements %get3A_3425, 1 {pack_format = #tpu.pack_format<interleaved>} : vector<32xbf16> -> vector<16xf32>
        %mul3A_3428 = arith.mulf %gather3A_2337, %unpack3A_3426 : vector<16xf32>
        %add3A_3429 = arith.addf %add3A_3354, %mul3A_3428 : vector<16xf32>
        %mul3A_3430 = arith.mulf %gather3A_2337, %unpack3A_3427 : vector<16xf32>
        %add3A_3431 = arith.addf %add3A_3356, %mul3A_3430 : vector<16xf32>
        %mul3A_3432 = arith.mulf %add3A_3366, %gather3A_2347 : vector<16xf32>
        %mul3A_3433 = arith.mulf %add3A_3368, %gather3A_2347 : vector<16xf32>
        %pack3A = tpu.pack_subelements %mul3A_3432, %mul3A_3433 {pack_format = #tpu.pack_format<interleaved>, positions = array<i32: 0, 1>} : vector<16xf32>, vector<16xf32> -> vector<32xbf16>
        %swap3A_3434 = arith.index_cast %add3A_2350 : i32 to index
        %swap3A_3435 = arith.constant 0 : index
        %swap3A_3436 = tpu.vector_load %arg8[%swap3A_3434, %swap3A_3435] {strides = array<i32>} : memref<32x256xbf16, #tpu.memory_space<vmem>>, vector<32xbf16>,
        tpu.vector_store %arg8[%swap3A_3434, %swap3A_3435], %pack3A {strides = array<i32>} : memref<32x256xbf16, #tpu.memory_space<vmem>>, vector<32xbf16>,
        %mul3A_3437 = arith.mulf %add3A_3375, %gather3A_2347 : vector<16xf32>
        %mul3A_3438 = arith.mulf %add3A_3377, %gather3A_2347 : vector<16xf32>
        %pack3A_3439 = tpu.pack_subelements %mul3A_3437, %mul3A_3438 {pack_format = #tpu.pack_format<interleaved>, positions = array<i32: 0, 1>} : vector<16xf32>, vector<16xf32> -> vector<32xbf16>
        %swap3A_3440 = arith.index_cast %add3A_2350 : i32 to index
        %swap3A_3441 = arith.constant 32 : index
        %swap3A_3442 = tpu.vector_load %arg8[%swap3A_3440, %swap3A_3441] {strides = array<i32>} : memref<32x256xbf16, #tpu.memory_space<vmem>>, vector<32xbf16>,
        tpu.vector_store %arg8[%swap3A_3440, %swap3A_3441], %pack3A_3439 {strides = array<i32>} : memref<32x256xbf16, #tpu.memory_space<vmem>>, vector<32xbf16>,
        %mul3A_3443 = arith.mulf %add3A_3384, %gather3A_2347 : vector<16xf32>
        %mul3A_3444 = arith.mulf %add3A_3386, %gather3A_2347 : vector<16xf32>
        %pack3A_3445 = tpu.pack_subelements %mul3A_3443, %mul3A_3444 {pack_format = #tpu.pack_format<interleaved>, positions = array<i32: 0, 1>} : vector<16xf32>, vector<16xf32> -> vector<32xbf16>
        %swap3A_3446 = arith.index_cast %add3A_2350 : i32 to index
        %swap3A_3447 = arith.constant 64 : index
        %swap3A_3448 = tpu.vector_load %arg8[%swap3A_3446, %swap3A_3447] {strides = array<i32>} : memref<32x256xbf16, #tpu.memory_space<vmem>>, vector<32xbf16>,
        tpu.vector_store %arg8[%swap3A_3446, %swap3A_3447], %pack3A_3445 {strides = array<i32>} : memref<32x256xbf16, #tpu.memory_space<vmem>>, vector<32xbf16>,
        %mul3A_3449 = arith.mulf %add3A_3393, %gather3A_2347 : vector<16xf32>
        %mul3A_3450 = arith.mulf %add3A_3395, %gather3A_2347 : vector<16xf32>
        %pack3A_3451 = tpu.pack_subelements %mul3A_3449, %mul3A_3450 {pack_format = #tpu.pack_format<interleaved>, positions = array<i32: 0, 1>} : vector<16xf32>, vector<16xf32> -> vector<32xbf16>
        %swap3A_3452 = arith.index_cast %add3A_2350 : i32 to index
        %swap3A_3453 = arith.constant 96 : index
        %swap3A_3454 = tpu.vector_load %arg8[%swap3A_3452, %swap3A_3453] {strides = array<i32>} : memref<32x256xbf16, #tpu.memory_space<vmem>>, vector<32xbf16>,
        tpu.vector_store %arg8[%swap3A_3452, %swap3A_3453], %pack3A_3451 {strides = array<i32>} : memref<32x256xbf16, #tpu.memory_space<vmem>>, vector<32xbf16>,
        %mul3A_3455 = arith.mulf %add3A_3402, %gather3A_2347 : vector<16xf32>
        %mul3A_3456 = arith.mulf %add3A_3404, %gather3A_2347 : vector<16xf32>
        %pack3A_3457 = tpu.pack_subelements %mul3A_3455, %mul3A_3456 {pack_format = #tpu.pack_format<interleaved>, positions = array<i32: 0, 1>} : vector<16xf32>, vector<16xf32> -> vector<32xbf16>
        %swap3A_3458 = arith.index_cast %add3A_2350 : i32 to index
        %swap3A_3459 = arith.constant 128 : index
        %swap3A_3460 = tpu.vector_load %arg8[%swap3A_3458, %swap3A_3459] {strides = array<i32>} : memref<32x256xbf16, #tpu.memory_space<vmem>>, vector<32xbf16>,
        tpu.vector_store %arg8[%swap3A_3458, %swap3A_3459], %pack3A_3457 {strides = array<i32>} : memref<32x256xbf16, #tpu.memory_space<vmem>>, vector<32xbf16>,
        %mul3A_3461 = arith.mulf %add3A_3411, %gather3A_2347 : vector<16xf32>
        %mul3A_3462 = arith.mulf %add3A_3413, %gather3A_2347 : vector<16xf32>
        %pack3A_3463 = tpu.pack_subelements %mul3A_3461, %mul3A_3462 {pack_format = #tpu.pack_format<interleaved>, positions = array<i32: 0, 1>} : vector<16xf32>, vector<16xf32> -> vector<32xbf16>
        %swap3A_3464 = arith.index_cast %add3A_2350 : i32 to index
        %swap3A_3465 = arith.constant 160 : index
        %swap3A_3466 = tpu.vector_load %arg8[%swap3A_3464, %swap3A_3465] {strides = array<i32>} : memref<32x256xbf16, #tpu.memory_space<vmem>>, vector<32xbf16>,
        tpu.vector_store %arg8[%swap3A_3464, %swap3A_3465], %pack3A_3463 {strides = array<i32>} : memref<32x256xbf16, #tpu.memory_space<vmem>>, vector<32xbf16>,
        %mul3A_3467 = arith.mulf %add3A_3420, %gather3A_2347 : vector<16xf32>
        %mul3A_3468 = arith.mulf %add3A_3422, %gather3A_2347 : vector<16xf32>
        %pack3A_3469 = tpu.pack_subelements %mul3A_3467, %mul3A_3468 {pack_format = #tpu.pack_format<interleaved>, positions = array<i32: 0, 1>} : vector<16xf32>, vector<16xf32> -> vector<32xbf16>
        %swap3A_3470 = arith.index_cast %add3A_2350 : i32 to index
        %swap3A_3471 = arith.constant 192 : index
        %swap3A_3472 = tpu.vector_load %arg8[%swap3A_3470, %swap3A_3471] {strides = array<i32>} : memref<32x256xbf16, #tpu.memory_space<vmem>>, vector<32xbf16>,
        tpu.vector_store %arg8[%swap3A_3470, %swap3A_3471], %pack3A_3469 {strides = array<i32>} : memref<32x256xbf16, #tpu.memory_space<vmem>>, vector<32xbf16>,
        %mul3A_3473 = arith.mulf %add3A_3429, %gather3A_2347 : vector<16xf32>
        %mul3A_3474 = arith.mulf %add3A_3431, %gather3A_2347 : vector<16xf32>
        %pack3A_3475 = tpu.pack_subelements %mul3A_3473, %mul3A_3474 {pack_format = #tpu.pack_format<interleaved>, positions = array<i32: 0, 1>} : vector<16xf32>, vector<16xf32> -> vector<32xbf16>
        %swap3A_3476 = arith.index_cast %add3A_2350 : i32 to index
        %swap3A_3477 = arith.constant 224 : index
        %swap3A_3478 = tpu.vector_load %arg8[%swap3A_3476, %swap3A_3477] {strides = array<i32>} : memref<32x256xbf16, #tpu.memory_space<vmem>>, vector<32xbf16>,
        tpu.vector_store %arg8[%swap3A_3476, %swap3A_3477], %pack3A_3475 {strides = array<i32>} : memref<32x256xbf16, #tpu.memory_space<vmem>>, vector<32xbf16>,
      }
      %scan3A_2138 = arith.constant 16 : i32
      %jit3A_2139 = arith.constant 4 : i32
      %div3A_2140 = arith.divsi %scan3A_1030, %jit3A_2139 : i32
      %sign3A_2141 = arith.constant 0 : i32
      %sign3A_2142 = arith.cmpi sgt, %scan3A_1030, %sign3A_2141 : i32
      %sign3A_2143 = arith.extui %sign3A_2142 : i1 to i32
      %sign3A_2144 = arith.constant 0 : i32
      %sign3A_2145 = arith.cmpi slt, %scan3A_1030, %sign3A_2144 : i32
      %sign3A_2146 = arith.extui %sign3A_2145 : i1 to i32
      %sign3A_2147 = arith.subi %sign3A_2143, %sign3A_2146 : i32
      %sign3A_2148 = arith.constant 0 : i32
      %sign3A_2149 = arith.cmpi sgt, %jit3A_2139, %sign3A_2148 : i32
      %sign3A_2150 = arith.extui %sign3A_2149 : i1 to i32
      %sign3A_2151 = arith.constant 0 : i32
      %sign3A_2152 = arith.cmpi slt, %jit3A_2139, %sign3A_2151 : i32
      %sign3A_2153 = arith.extui %sign3A_2152 : i1 to i32
      %sign3A_2154 = arith.subi %sign3A_2150, %sign3A_2153 : i32
      %ne3A_2155 = arith.cmpi ne, %sign3A_2147, %sign3A_2154 : i32
      %rem3A_2156 = arith.remsi %scan3A_1030, %jit3A_2139 : i32
      %ne3A_2157 = arith.constant 0 : i32
      %ne3A_2158 = arith.cmpi ne, %rem3A_2156, %ne3A_2157 : i32
      %and3A_2159 = arith.andi %ne3A_2155, %ne3A_2158 : i1
      %sub3A_2160 = arith.constant 1 : i32
      %sub3A_2161 = arith.subi %div3A_2140, %sub3A_2160 : i32
      %select_n3A_2162 = arith.select %and3A_2159, %sub3A_2161, %div3A_2140 : i32
      %jit3A_2163 = arith.constant 4 : i32
      %eq3A_2164 = arith.constant 0 : i32
      %eq3A_2165 = arith.cmpi eq, %jit3A_2163, %eq3A_2164 : i32
      %jit3A_2166 = arith.constant 1 : i32
      %select_n3A_2167 = arith.select %eq3A_2165, %jit3A_2166, %jit3A_2163 : i32
      %rem3A_2168 = arith.remsi %scan3A_1030, %select_n3A_2167 : i32
      %ne3A_2169 = arith.constant 0 : i32
      %ne3A_2170 = arith.cmpi ne, %rem3A_2168, %ne3A_2169 : i32
      %lt3A_2171 = arith.constant 0 : i32
      %lt3A_2172 = arith.cmpi slt, %rem3A_2168, %lt3A_2171 : i32
      %lt3A_2173 = arith.constant 0 : i32
      %lt3A_2174 = arith.cmpi slt, %select_n3A_2167, %lt3A_2173 : i32
      %ne3A_2175 = arith.xori %lt3A_2172, %lt3A_2174 : i1
      %and3A_2176 = arith.andi %ne3A_2175, %ne3A_2170 : i1
      %add3A_2177 = arith.addi %rem3A_2168, %select_n3A_2167 : i32
      %select_n3A_2178 = arith.select %and3A_2176, %add3A_2177, %rem3A_2168 : i32
      %mul3A_2179 = arith.constant 4 : i32
      %mul3A_2180 = arith.muli %select_n3A, %mul3A_2179 : i32
      %add3A_2181 = arith.addi %mul3A_2180, %select_n3A_2178 : i32
      %mul3A_2182 = arith.constant 4096 : i32
      %mul3A_2183 = arith.muli %add3A_2181, %mul3A_2182 : i32
      %add3A_2184 = arith.addi %mul3A_2183, %mul3A_32 : i32
      %mul3A_2185 = arith.constant 16 : i32
      %mul3A_2186 = arith.muli %select_n3A_2162, %mul3A_2185 : i32
      %add3A_2187 = arith.addi %add3A_2184, %mul3A_2186 : i32
      %eq3A_2188 = arith.constant 0 : i32
      %eq3A_2189 = arith.cmpi eq, %select_n3A_1046, %eq3A_2188 : i32
      %convert_element_type3A_2190 = arith.extui %eq3A_2189 : i1 to i32
      %cond3A_2191 = arith.constant 0 : i32
      %cond3A_2192 = arith.cmpi ne, %convert_element_type3A_2190, %cond3A_2191 : i32
      scf.if %cond3A_2192 {
        %dma_start3A_2198 = arith.constant 0 : i32
        %dma_start3A_2199 = arith.constant 0 : i32
        %dma_start3A_2200 = tpu.memref_slice %arg8[%dma_start3A_2198, %dma_start3A_2199] : memref<32x256xbf16, #tpu.memory_space<vmem>> -> memref<16x256xbf16, #tpu.memory_space<vmem>>
        %dma_start3A_2201 = arith.constant 0 : i32
        %dma_start3A_2202 = tpu.memref_slice %arg4[%add3A_2187, %dma_start3A_2201] : memref<32768x256xbf16, #tpu.memory_space<hbm>> -> memref<16x256xbf16, #tpu.memory_space<hbm>>
        %dma_start3A_2203 = arith.constant 0 : i32
        %dma_start3A_2204 = tpu.memref_slice %arg4[%add3A_2187, %dma_start3A_2203] : memref<32768x256xbf16, #tpu.memory_space<hbm>> -> memref<16x256xbf16, #tpu.memory_space<hbm>>
        %dma_start3A_2205 = arith.constant 0 : i32
        %dma_start3A_2206 = arith.constant 0 : i32
        %dma_start3A_2207 = tpu.memref_slice %arg8[%dma_start3A_2205, %dma_start3A_2206] : memref<32x256xbf16, #tpu.memory_space<vmem>> -> memref<16x256xbf16, #tpu.memory_space<vmem>>
        tpu.enqueue_dma source(%dma_start3A_2207 : memref<16x256xbf16, #tpu.memory_space<vmem>>) target(%dma_start3A_2204 : memref<16x256xbf16, #tpu.memory_space<hbm>>) target_semaphore(%arg12 : memref<!tpu.dma_semaphore, #tpu.memory_space<semaphore_mem>>)
      } else {
      }
      %eq3A_2193 = arith.constant 1 : i32
      %eq3A_2194 = arith.cmpi eq, %select_n3A_1046, %eq3A_2193 : i32
      %convert_element_type3A_2195 = arith.extui %eq3A_2194 : i1 to i32
      %cond3A_2196 = arith.constant 0 : i32
      %cond3A_2197 = arith.cmpi ne, %convert_element_type3A_2195, %cond3A_2196 : i32
      scf.if %cond3A_2197 {
        %dma_start3A_2198 = arith.constant 16 : i32
        %dma_start3A_2199 = arith.constant 0 : i32
        %dma_start3A_2200 = tpu.memref_slice %arg8[%dma_start3A_2198, %dma_start3A_2199] : memref<32x256xbf16, #tpu.memory_space<vmem>> -> memref<16x256xbf16, #tpu.memory_space<vmem>>
        %dma_start3A_2201 = arith.constant 0 : i32
        %dma_start3A_2202 = tpu.memref_slice %arg4[%add3A_2187, %dma_start3A_2201] : memref<32768x256xbf16, #tpu.memory_space<hbm>> -> memref<16x256xbf16, #tpu.memory_space<hbm>>
        %dma_start3A_2203 = arith.constant 0 : i32
        %dma_start3A_2204 = tpu.memref_slice %arg4[%add3A_2187, %dma_start3A_2203] : memref<32768x256xbf16, #tpu.memory_space<hbm>> -> memref<16x256xbf16, #tpu.memory_space<hbm>>
        %dma_start3A_2205 = arith.constant 16 : i32
        %dma_start3A_2206 = arith.constant 0 : i32
        %dma_start3A_2207 = tpu.memref_slice %arg8[%dma_start3A_2205, %dma_start3A_2206] : memref<32x256xbf16, #tpu.memory_space<vmem>> -> memref<16x256xbf16, #tpu.memory_space<vmem>>
        tpu.enqueue_dma source(%dma_start3A_2207 : memref<16x256xbf16, #tpu.memory_space<vmem>>) target(%dma_start3A_2204 : memref<16x256xbf16, #tpu.memory_space<hbm>>) target_semaphore(%arg13 : memref<!tpu.dma_semaphore, #tpu.memory_space<semaphore_mem>>)
      } else {
      }
    }
    %scan3A_1006 = arith.constant 64 : i32
    %dma_wait3A = arith.constant 0 : i32
    %dma_wait3A_1007 = arith.constant 0 : i32
    %dma_wait3A_1008 = tpu.memref_slice %arg8[%dma_wait3A, %dma_wait3A_1007] : memref<32x256xbf16, #tpu.memory_space<vmem>> -> memref<16x256xbf16, #tpu.memory_space<vmem>>
    %dma_wait3A_1009 = arith.constant 0 : i32
    %dma_wait3A_1010 = arith.constant 0 : i32
    %dma_wait3A_1011 = tpu.memref_slice %arg4[%dma_wait3A_1009, %dma_wait3A_1010] : memref<32768x256xbf16, #tpu.memory_space<hbm>> -> memref<16x256xbf16, #tpu.memory_space<hbm>>
    %dma_wait3A_1012 = arith.constant 0 : i32
    %dma_wait3A_1013 = arith.constant 0 : i32
    %dma_wait3A_1014 = tpu.memref_slice %arg4[%dma_wait3A_1012, %dma_wait3A_1013] : memref<32768x256xbf16, #tpu.memory_space<hbm>> -> memref<16x256xbf16, #tpu.memory_space<hbm>>
    %dma_wait3A_1015 = arith.constant 0 : i32
    %dma_wait3A_1016 = arith.constant 0 : i32
    %dma_wait3A_1017 = tpu.memref_slice %arg8[%dma_wait3A_1015, %dma_wait3A_1016] : memref<32x256xbf16, #tpu.memory_space<vmem>> -> memref<16x256xbf16, #tpu.memory_space<vmem>>
    tpu.wait_dma2 semaphore(%arg12 : memref<!tpu.dma_semaphore, #tpu.memory_space<semaphore_mem>>) src(%dma_wait3A_1017 : memref<16x256xbf16, #tpu.memory_space<vmem>>) dst(%dma_wait3A_1014 : memref<16x256xbf16, #tpu.memory_space<hbm>>)
    %dma_wait3A_1018 = arith.constant 16 : i32
    %dma_wait3A_1019 = arith.constant 0 : i32
    %dma_wait3A_1020 = tpu.memref_slice %arg8[%dma_wait3A_1018, %dma_wait3A_1019] : memref<32x256xbf16, #tpu.memory_space<vmem>> -> memref<16x256xbf16, #tpu.memory_space<vmem>>
    %dma_wait3A_1021 = arith.constant 0 : i32
    %dma_wait3A_1022 = arith.constant 0 : i32
    %dma_wait3A_1023 = tpu.memref_slice %arg4[%dma_wait3A_1021, %dma_wait3A_1022] : memref<32768x256xbf16, #tpu.memory_space<hbm>> -> memref<16x256xbf16, #tpu.memory_space<hbm>>
    %dma_wait3A_1024 = arith.constant 0 : i32
    %dma_wait3A_1025 = arith.constant 0 : i32
    %dma_wait3A_1026 = tpu.memref_slice %arg4[%dma_wait3A_1024, %dma_wait3A_1025] : memref<32768x256xbf16, #tpu.memory_space<hbm>> -> memref<16x256xbf16, #tpu.memory_space<hbm>>
    %dma_wait3A_1027 = arith.constant 16 : i32
    %dma_wait3A_1028 = arith.constant 0 : i32
    %dma_wait3A_1029 = tpu.memref_slice %arg8[%dma_wait3A_1027, %dma_wait3A_1028] : memref<32x256xbf16, #tpu.memory_space<vmem>> -> memref<16x256xbf16, #tpu.memory_space<vmem>>
    tpu.wait_dma2 semaphore(%arg13 : memref<!tpu.dma_semaphore, #tpu.memory_space<semaphore_mem>>) src(%dma_wait3A_1029 : memref<16x256xbf16, #tpu.memory_space<vmem>>) dst(%dma_wait3A_1026 : memref<16x256xbf16, #tpu.memory_space<hbm>>)
    return
  }
}

module attributes {stable_mosaic.version = 14 : i64} {
  func.func @_prep_body(%arg0: i32, %arg1: i32, %arg2: memref<1x512x1024xf32, #tpu.memory_space<vmem>>, %arg3: memref<1x512x1024xf32, #tpu.memory_space<vmem>>, %arg4: memref<1x512x1024xf32, #tpu.memory_space<vmem>>, %arg5: memref<3x1024xf32, #tpu.memory_space<vmem>>, %arg6: memref<1x1024xf32, #tpu.memory_space<vmem>>, %arg7: memref<1x1024xf32, #tpu.memory_space<vmem>>, %arg8: memref<1x1024xf32, #tpu.memory_space<vmem>>, %arg9: memref<1024x1024xf32, #tpu.memory_space<vmem>>, %arg10: memref<1x1024xf32, #tpu.memory_space<vmem>>, %arg11: memref<56x1024xf32, #tpu.memory_space<vmem>>, %arg12: memref<56x1xf32, #tpu.memory_space<vmem>>, %arg13: memref<1x4x512x256xbf16, #tpu.memory_space<vmem>>, %arg14: memref<1x56x512xf32, #tpu.memory_space<vmem>>) attributes {dimension_semantics = [#tpu.dimension_semantics<arbitrary>, #tpu.dimension_semantics<arbitrary>], iteration_bounds = array<i64: 2, 8>, scalar_prefetch = 0 : i64, scratch_operands = 0 : i64, tpu.core_type = #tpu.core_type<tc>, window_params = [{transform_indices = @transform_0, window_bounds = array<i64: 1, 512, 1024>}, {transform_indices = @transform_1, window_bounds = array<i64: 1, 512, 1024>}, {transform_indices = @transform_2, window_bounds = array<i64: 1, 512, 1024>}, {pipeline_mode = #tpu.pipeline_mode<synchronous>, transform_indices = @transform_3, window_bounds = array<i64: 3, 1024>}, {pipeline_mode = #tpu.pipeline_mode<synchronous>, transform_indices = @transform_4, window_bounds = array<i64: 1, 1024>}, {pipeline_mode = #tpu.pipeline_mode<synchronous>, transform_indices = @transform_5, window_bounds = array<i64: 1, 1024>}, {pipeline_mode = #tpu.pipeline_mode<synchronous>, transform_indices = @transform_6, window_bounds = array<i64: 1, 1024>}, {pipeline_mode = #tpu.pipeline_mode<synchronous>, transform_indices = @transform_7, window_bounds = array<i64: 1024, 1024>}, {pipeline_mode = #tpu.pipeline_mode<synchronous>, transform_indices = @transform_8, window_bounds = array<i64: 1, 1024>}, {pipeline_mode = #tpu.pipeline_mode<synchronous>, transform_indices = @transform_9, window_bounds = array<i64: 56, 1024>}, {pipeline_mode = #tpu.pipeline_mode<synchronous>, transform_indices = @transform_10, window_bounds = array<i64: 56, 1>}, {transform_indices = @transform_11, window_bounds = array<i64: 1, 4, 512, 256>}, {transform_indices = @transform_12, window_bounds = array<i64: 1, 56, 512>}]} {
    %get3A = arith.constant 0 : index
    %get3A_0 = arith.constant 0 : index
    %get3A_1 = arith.constant 0 : index
    %get3A_2 = vector.load %arg3[%get3A, %get3A_0, %get3A_1] : memref<1x512x1024xf32, #tpu.memory_space<vmem>>, vector<1x512x1024xf32>
    %get3A_3 = vector.shape_cast %get3A_2 : vector<1x512x1024xf32> to vector<512x1024xf32>
    %gt3A = arith.constant 0 : i32
    %gt3A_4 = arith.cmpi sgt, %arg1, %gt3A : i32
    %get3A_5 = arith.constant 0 : index
    %get3A_6 = arith.constant 511 : index
    %get3A_7 = arith.constant 0 : index
    %get3A_8 = vector.load %arg2[%get3A_5, %get3A_6, %get3A_7] : memref<1x512x1024xf32, #tpu.memory_space<vmem>>, vector<1x1x1024xf32>
    %get3A_9 = vector.shape_cast %get3A_8 : vector<1x1x1024xf32> to vector<1x1024xf32>
    %jit3A = arith.constant 0.000000e+00 : f32
    %broadcast_in_dim3A = vector.broadcast %jit3A : f32 to vector<1x1024xf32>
    %select_n3A = arith.select %gt3A_4, %get3A_9, %broadcast_in_dim3A : vector<1x1024xf32>
    %lt3A = arith.constant 7 : i32
    %lt3A_10 = arith.cmpi slt, %arg1, %lt3A : i32
    %get3A_11 = arith.constant 0 : index
    %get3A_12 = arith.constant 0 : index
    %get3A_13 = arith.constant 0 : index
    %get3A_14 = vector.load %arg4[%get3A_11, %get3A_12, %get3A_13] : memref<1x512x1024xf32, #tpu.memory_space<vmem>>, vector<1x1x1024xf32>
    %get3A_15 = vector.shape_cast %get3A_14 : vector<1x1x1024xf32> to vector<1x1024xf32>
    %jit3A_16 = arith.constant 0.000000e+00 : f32
    %broadcast_in_dim3A_17 = vector.broadcast %jit3A_16 : f32 to vector<1x1024xf32>
    %select_n3A_18 = arith.select %lt3A_10, %get3A_15, %broadcast_in_dim3A_17 : vector<1x1024xf32>
    %slice3A = vector.extract_strided_slice %get3A_3 {offsets = [0, 0], sizes = [511, 1024], strides = [1, 1]} : vector<512x1024xf32> to vector<511x1024xf32>
    %concatenate3A = tpu.concatenate %select_n3A, %slice3A in 0 : vector<1x1024xf32>, vector<511x1024xf32> -> vector<512x1024xf32>
    %slice3A_19 = vector.extract_strided_slice %get3A_3 {offsets = [1, 0], sizes = [511, 1024], strides = [1, 1]} : vector<512x1024xf32> to vector<511x1024xf32>
    %concatenate3A_20 = tpu.concatenate %slice3A_19, %select_n3A_18 in 0 : vector<511x1024xf32>, vector<1x1024xf32> -> vector<512x1024xf32>
    %get3A_21 = arith.constant 0 : index
    %get3A_22 = arith.constant 0 : index
    %get3A_23 = vector.load %arg5[%get3A_21, %get3A_22] : memref<3x1024xf32, #tpu.memory_space<vmem>>, vector<1x1024xf32>
    %mul3A = vector.broadcast %get3A_23 : vector<1x1024xf32> to vector<512x1024xf32>
    %mul3A_24 = arith.mulf %concatenate3A, %mul3A : vector<512x1024xf32>
    %get3A_25 = arith.constant 1 : index
    %get3A_26 = arith.constant 0 : index
    %get3A_27 = vector.load %arg5[%get3A_25, %get3A_26] : memref<3x1024xf32, #tpu.memory_space<vmem>>, vector<1x1024xf32>
    %mul3A_28 = vector.broadcast %get3A_27 : vector<1x1024xf32> to vector<512x1024xf32>
    %mul3A_29 = arith.mulf %get3A_3, %mul3A_28 : vector<512x1024xf32>
    %add3A = arith.addf %mul3A_24, %mul3A_29 : vector<512x1024xf32>
    %get3A_30 = arith.constant 2 : index
    %get3A_31 = arith.constant 0 : index
    %get3A_32 = vector.load %arg5[%get3A_30, %get3A_31] : memref<3x1024xf32, #tpu.memory_space<vmem>>, vector<1x1024xf32>
    %mul3A_33 = vector.broadcast %get3A_32 : vector<1x1024xf32> to vector<512x1024xf32>
    %mul3A_34 = arith.mulf %concatenate3A_20, %mul3A_33 : vector<512x1024xf32>
    %add3A_35 = arith.addf %add3A, %mul3A_34 : vector<512x1024xf32>
    %get3A_36 = arith.constant 0 : index
    %get3A_37 = arith.constant 0 : index
    %get3A_38 = vector.load %arg6[%get3A_36, %get3A_37] : memref<1x1024xf32, #tpu.memory_space<vmem>>, vector<1x1024xf32>
    %add3A_39 = vector.broadcast %get3A_38 : vector<1x1024xf32> to vector<512x1024xf32>
    %add3A_40 = arith.addf %add3A_35, %add3A_39 : vector<512x1024xf32>
    %reduce_sum3A = arith.constant dense<0.000000e+00> : vector<512xf32>
    %reduce_sum3A_41 = vector.multi_reduction <add>, %add3A_40, %reduce_sum3A [1] : vector<512x1024xf32> to vector<512xf32>
    %broadcast_in_dim3A_42 = vector.shape_cast %reduce_sum3A_41 : vector<512xf32> to vector<512x1xf32>
    %div3A = arith.constant 1.024000e+03 : f32
    %div3A_43 = vector.broadcast %div3A : f32 to vector<512x1xf32>
    %div3A_44 = arith.divf %broadcast_in_dim3A_42, %div3A_43 : vector<512x1xf32>
    %sub3A = vector.broadcast %div3A_44 : vector<512x1xf32> to vector<512x1024xf32>
    %sub3A_45 = arith.subf %add3A_40, %sub3A : vector<512x1024xf32>
    %mul3A_46 = arith.mulf %sub3A_45, %sub3A_45 : vector<512x1024xf32>
    %reduce_sum3A_47 = arith.constant dense<0.000000e+00> : vector<512xf32>
    %reduce_sum3A_48 = vector.multi_reduction <add>, %mul3A_46, %reduce_sum3A_47 [1] : vector<512x1024xf32> to vector<512xf32>
    %broadcast_in_dim3A_49 = vector.shape_cast %reduce_sum3A_48 : vector<512xf32> to vector<512x1xf32>
    %div3A_50 = arith.constant 1.024000e+03 : f32
    %div3A_51 = vector.broadcast %div3A_50 : f32 to vector<512x1xf32>
    %div3A_52 = arith.divf %broadcast_in_dim3A_49, %div3A_51 : vector<512x1xf32>
    %add3A_53 = arith.constant 9.99999974E-6 : f32
    %add3A_54 = vector.broadcast %add3A_53 : f32 to vector<512x1xf32>
    %add3A_55 = arith.addf %div3A_52, %add3A_54 : vector<512x1xf32>
    %rsqrt3A = math.rsqrt %add3A_55 : vector<512x1xf32>
    %mul3A_56 = vector.broadcast %rsqrt3A : vector<512x1xf32> to vector<512x1024xf32>
    %mul3A_57 = arith.mulf %sub3A_45, %mul3A_56 : vector<512x1024xf32>
    %get3A_58 = arith.constant 0 : index
    %get3A_59 = arith.constant 0 : index
    %get3A_60 = vector.load %arg7[%get3A_58, %get3A_59] : memref<1x1024xf32, #tpu.memory_space<vmem>>, vector<1x1024xf32>
    %mul3A_61 = vector.broadcast %get3A_60 : vector<1x1024xf32> to vector<512x1024xf32>
    %mul3A_62 = arith.mulf %mul3A_57, %mul3A_61 : vector<512x1024xf32>
    %get3A_63 = arith.constant 0 : index
    %get3A_64 = arith.constant 0 : index
    %get3A_65 = vector.load %arg8[%get3A_63, %get3A_64] : memref<1x1024xf32, #tpu.memory_space<vmem>>, vector<1x1024xf32>
    %add3A_66 = vector.broadcast %get3A_65 : vector<1x1024xf32> to vector<512x1024xf32>
    %add3A_67 = arith.addf %mul3A_62, %add3A_66 : vector<512x1024xf32>
    %mul3A_68 = arith.constant 5.000000e-01 : f32
    %mul3A_69 = vector.broadcast %mul3A_68 : f32 to vector<512x1024xf32>
    %mul3A_70 = arith.mulf %mul3A_69, %add3A_67 : vector<512x1024xf32>
    %mul3A_71 = arith.constant 0.707106769 : f32
    %mul3A_72 = vector.broadcast %mul3A_71 : f32 to vector<512x1024xf32>
    %mul3A_73 = arith.mulf %add3A_67, %mul3A_72 : vector<512x1024xf32>
    %erf3A = math.erf %mul3A_73 : vector<512x1024xf32>
    %add3A_74 = arith.constant 1.000000e+00 : f32
    %add3A_75 = vector.broadcast %add3A_74 : f32 to vector<512x1024xf32>
    %add3A_76 = arith.addf %add3A_75, %erf3A : vector<512x1024xf32>
    %mul3A_77 = arith.mulf %mul3A_70, %add3A_76 : vector<512x1024xf32>
    %get3A_78 = arith.constant 0 : index
    %get3A_79 = arith.constant 0 : index
    %get3A_80 = vector.load %arg9[%get3A_78, %get3A_79] : memref<1024x1024xf32, #tpu.memory_space<vmem>>, vector<1024x1024xf32>
    %dot_general3A = arith.constant dense<0.000000e+00> : vector<512x1024xf32>
    %dot_general3A_81 = tpu.matmul %get3A_3, %get3A_80, %dot_general3A {dimension_numbers = #tpu.dot_dimension_numbers<[1], [1], [0], [0], [0, 0, 1, 0], [], []>, transpose_lhs_hint = false} : vector<512x1024xf32>, vector<1024x1024xf32>, vector<512x1024xf32> -> vector<512x1024xf32>
    %get3A_82 = arith.constant 0 : index
    %get3A_83 = arith.constant 0 : index
    %get3A_84 = vector.load %arg10[%get3A_82, %get3A_83] : memref<1x1024xf32, #tpu.memory_space<vmem>>, vector<1x1024xf32>
    %add3A_85 = vector.broadcast %get3A_84 : vector<1x1024xf32> to vector<512x1024xf32>
    %add3A_86 = arith.addf %dot_general3A_81, %add3A_85 : vector<512x1024xf32>
    %reshape3A = vector.shape_cast %add3A_86 : vector<512x1024xf32> to vector<512x4x256xf32>
    %transpose3A = tpu.transpose %reshape3A, [1, 0, 2] : vector<512x4x256xf32> -> vector<4x512x256xf32>
    %convert_element_type3A = arith.truncf %transpose3A : vector<4x512x256xf32> to vector<4x512x256xbf16>
    %swap3A = arith.constant 0 : index
    %swap3A_87 = arith.constant 0 : index
    %swap3A_88 = arith.constant 0 : index
    %swap3A_89 = arith.constant 0 : index
    %swap3A_90 = vector.load %arg13[%swap3A, %swap3A_87, %swap3A_88, %swap3A_89] : memref<1x4x512x256xbf16, #tpu.memory_space<vmem>>, vector<1x4x512x256xbf16>
    %swap3A_91 = vector.shape_cast %swap3A_90 : vector<1x4x512x256xbf16> to vector<4x512x256xbf16>
    %swap3A_92 = vector.shape_cast %convert_element_type3A : vector<4x512x256xbf16> to vector<1x4x512x256xbf16>
    tpu.vector_store %arg13[%swap3A, %swap3A_87, %swap3A_88, %swap3A_89], %swap3A_92 {strides = array<i32>} : memref<1x4x512x256xbf16, #tpu.memory_space<vmem>>, vector<1x4x512x256xbf16>,
    %get3A_93 = arith.constant 0 : index
    %get3A_94 = arith.constant 0 : index
    %get3A_95 = vector.load %arg11[%get3A_93, %get3A_94] : memref<56x1024xf32, #tpu.memory_space<vmem>>, vector<56x1024xf32>
    %dot_general3A_96 = arith.constant dense<0.000000e+00> : vector<56x512xf32>
    %dot_general3A_97 = tpu.matmul %get3A_95, %mul3A_77, %dot_general3A_96 {dimension_numbers = #tpu.dot_dimension_numbers<[1], [1], [0], [0], [0, 0, 1, 0], [], []>, transpose_lhs_hint = false} : vector<56x1024xf32>, vector<512x1024xf32>, vector<56x512xf32> -> vector<56x512xf32>
    %get3A_98 = arith.constant 0 : index
    %get3A_99 = arith.constant 0 : index
    %get3A_100 = vector.load %arg12[%get3A_98, %get3A_99] : memref<56x1xf32, #tpu.memory_space<vmem>>, vector<56x1xf32>
    %add3A_101 = vector.broadcast %get3A_100 : vector<56x1xf32> to vector<56x512xf32>
    %add3A_102 = arith.addf %dot_general3A_97, %add3A_101 : vector<56x512xf32>
    %swap3A_103 = arith.constant 0 : index
    %swap3A_104 = arith.constant 0 : index
    %swap3A_105 = arith.constant 0 : index
    %swap3A_106 = vector.load %arg14[%swap3A_103, %swap3A_104, %swap3A_105] : memref<1x56x512xf32, #tpu.memory_space<vmem>>, vector<1x56x512xf32>
    %swap3A_107 = vector.shape_cast %swap3A_106 : vector<1x56x512xf32> to vector<56x512xf32>
    %swap3A_108 = vector.shape_cast %add3A_102 : vector<56x512xf32> to vector<1x56x512xf32>
    tpu.vector_store %arg14[%swap3A_103, %swap3A_104, %swap3A_105], %swap3A_108 {strides = array<i32>} : memref<1x56x512xf32, #tpu.memory_space<vmem>>, vector<1x56x512xf32>,
    return
  }
  func.func @transform_0(%arg0: i32, %arg1: i32) -> (i32, i32, i32) {
    %sub3A = arith.constant 1 : i32
    %sub3A_0 = arith.subi %arg1, %sub3A : i32
    %max3A = arith.constant 0 : i32
    %max3A_1 = arith.maxsi %sub3A_0, %max3A : i32
    %c0_i32 = arith.constant 0 : i32
    %c0_i32_2 = arith.constant 0 : i32
    return %arg0, %max3A_1, %c0_i32 : i32, i32, i32
  }
  func.func @transform_1(%arg0: i32, %arg1: i32) -> (i32, i32, i32) {
    %c0_i32 = arith.constant 0 : i32
    %c0_i32_0 = arith.constant 0 : i32
    return %arg0, %arg1, %c0_i32 : i32, i32, i32
  }
  func.func @transform_2(%arg0: i32, %arg1: i32) -> (i32, i32, i32) {
    %add3A = arith.constant 1 : i32
    %add3A_0 = arith.addi %arg1, %add3A : i32
    %min3A = arith.constant 7 : i32
    %min3A_1 = arith.minsi %add3A_0, %min3A : i32
    %c0_i32 = arith.constant 0 : i32
    %c0_i32_2 = arith.constant 0 : i32
    return %arg0, %min3A_1, %c0_i32 : i32, i32, i32
  }
  func.func @transform_3(%arg0: i32, %arg1: i32) -> (i32, i32) {
    %c0_i32 = arith.constant 0 : i32
    %c0_i32_0 = arith.constant 0 : i32
    %c0_i32_1 = arith.constant 0 : i32
    return %c0_i32, %c0_i32_0 : i32, i32
  }
  func.func @transform_4(%arg0: i32, %arg1: i32) -> (i32, i32) {
    %c0_i32 = arith.constant 0 : i32
    %c0_i32_0 = arith.constant 0 : i32
    %c0_i32_1 = arith.constant 0 : i32
    return %c0_i32, %c0_i32_0 : i32, i32
  }
  func.func @transform_5(%arg0: i32, %arg1: i32) -> (i32, i32) {
    %c0_i32 = arith.constant 0 : i32
    %c0_i32_0 = arith.constant 0 : i32
    %c0_i32_1 = arith.constant 0 : i32
    return %c0_i32, %c0_i32_0 : i32, i32
  }
  func.func @transform_6(%arg0: i32, %arg1: i32) -> (i32, i32) {
    %c0_i32 = arith.constant 0 : i32
    %c0_i32_0 = arith.constant 0 : i32
    %c0_i32_1 = arith.constant 0 : i32
    return %c0_i32, %c0_i32_0 : i32, i32
  }
  func.func @transform_7(%arg0: i32, %arg1: i32) -> (i32, i32) {
    %c0_i32 = arith.constant 0 : i32
    %c0_i32_0 = arith.constant 0 : i32
    %c0_i32_1 = arith.constant 0 : i32
    return %c0_i32, %c0_i32_0 : i32, i32
  }
  func.func @transform_8(%arg0: i32, %arg1: i32) -> (i32, i32) {
    %c0_i32 = arith.constant 0 : i32
    %c0_i32_0 = arith.constant 0 : i32
    %c0_i32_1 = arith.constant 0 : i32
    return %c0_i32, %c0_i32_0 : i32, i32
  }
  func.func @transform_9(%arg0: i32, %arg1: i32) -> (i32, i32) {
    %c0_i32 = arith.constant 0 : i32
    %c0_i32_0 = arith.constant 0 : i32
    %c0_i32_1 = arith.constant 0 : i32
    return %c0_i32, %c0_i32_0 : i32, i32
  }
  func.func @transform_10(%arg0: i32, %arg1: i32) -> (i32, i32) {
    %c0_i32 = arith.constant 0 : i32
    %c0_i32_0 = arith.constant 0 : i32
    %c0_i32_1 = arith.constant 0 : i32
    return %c0_i32, %c0_i32_0 : i32, i32
  }
  func.func @transform_11(%arg0: i32, %arg1: i32) -> (i32, i32, i32, i32) {
    %c0_i32 = arith.constant 0 : i32
    %c0_i32_0 = arith.constant 0 : i32
    %c0_i32_1 = arith.constant 0 : i32
    return %arg0, %c0_i32, %arg1, %c0_i32_0 : i32, i32, i32, i32
  }
  func.func @transform_12(%arg0: i32, %arg1: i32) -> (i32, i32, i32) {
    %c0_i32 = arith.constant 0 : i32
    %c0_i32_0 = arith.constant 0 : i32
    return %arg0, %c0_i32, %arg1 : i32, i32, i32
  }
}

module attributes {stable_mosaic.version = 14 : i64} {
  func.func @_outproj_body(%arg0: i32, %arg1: i32, %arg2: i32, %arg3: memref<1x1x1024x256xbf16, #tpu.memory_space<vmem>>, %arg4: memref<1x256x1024xf32, #tpu.memory_space<vmem>>, %arg5: memref<1x1024xf32, #tpu.memory_space<vmem>>, %arg6: memref<1x1024x1024xf32, #tpu.memory_space<vmem>>) attributes {dimension_semantics = [#tpu.dimension_semantics<arbitrary>, #tpu.dimension_semantics<arbitrary>, #tpu.dimension_semantics<arbitrary>], iteration_bounds = array<i64: 2, 4, 4>, scalar_prefetch = 0 : i64, scratch_operands = 0 : i64, tpu.core_type = #tpu.core_type<tc>, window_params = [{transform_indices = @transform_0, window_bounds = array<i64: 1, 1, 1024, 256>}, {transform_indices = @transform_1, window_bounds = array<i64: 1, 256, 1024>}, {pipeline_mode = #tpu.pipeline_mode<synchronous>, transform_indices = @transform_2, window_bounds = array<i64: 1, 1024>}, {transform_indices = @transform_3, window_bounds = array<i64: 1, 1024, 1024>}]} {
    %get3A = arith.constant 0 : index
    %get3A_0 = arith.constant 0 : index
    %get3A_1 = arith.constant 0 : index
    %get3A_2 = arith.constant 0 : index
    %get3A_3 = vector.load %arg3[%get3A, %get3A_0, %get3A_1, %get3A_2] : memref<1x1x1024x256xbf16, #tpu.memory_space<vmem>>, vector<1x1x1024x256xbf16>
    %get3A_4 = vector.shape_cast %get3A_3 : vector<1x1x1024x256xbf16> to vector<1024x256xbf16>
    %convert_element_type3A = arith.extf %get3A_4 : vector<1024x256xbf16> to vector<1024x256xf32>
    %get3A_5 = arith.constant 0 : index
    %get3A_6 = arith.constant 0 : index
    %get3A_7 = arith.constant 0 : index
    %get3A_8 = vector.load %arg4[%get3A_5, %get3A_6, %get3A_7] : memref<1x256x1024xf32, #tpu.memory_space<vmem>>, vector<1x256x1024xf32>
    %get3A_9 = vector.shape_cast %get3A_8 : vector<1x256x1024xf32> to vector<256x1024xf32>
    %dot_general3A = arith.constant dense<0.000000e+00> : vector<1024x1024xf32>
    %dot_general3A_10 = tpu.matmul %convert_element_type3A, %get3A_9, %dot_general3A {dimension_numbers = #tpu.dot_dimension_numbers<[1], [0], [0], [1], [0, 0, 1, 1], [], []>, transpose_lhs_hint = false} : vector<1024x256xf32>, vector<256x1024xf32>, vector<1024x1024xf32> -> vector<1024x1024xf32>
    %eq3A = arith.constant 0 : i32
    %eq3A_11 = arith.cmpi eq, %arg2, %eq3A : i32
    %convert_element_type3A_12 = arith.extui %eq3A_11 : i1 to i32
    %cond3A = arith.constant 0 : i32
    %cond3A_13 = arith.cmpi ne, %convert_element_type3A_12, %cond3A : i32
    scf.if %cond3A_13 {
      %get3A_18 = arith.constant 0 : index
      %get3A_19 = arith.constant 0 : index
      %get3A_20 = vector.load %arg5[%get3A_18, %get3A_19] : memref<1x1024xf32, #tpu.memory_space<vmem>>, vector<1x1024xf32>
      %add3A = vector.broadcast %get3A_20 : vector<1x1024xf32> to vector<1024x1024xf32>
      %add3A_21 = arith.addf %dot_general3A_10, %add3A : vector<1024x1024xf32>
      %swap3A = arith.constant 0 : index
      %swap3A_22 = arith.constant 0 : index
      %swap3A_23 = arith.constant 0 : index
      %swap3A_24 = vector.load %arg6[%swap3A, %swap3A_22, %swap3A_23] : memref<1x1024x1024xf32, #tpu.memory_space<vmem>>, vector<1x1024x1024xf32>
      %swap3A_25 = vector.shape_cast %swap3A_24 : vector<1x1024x1024xf32> to vector<1024x1024xf32>
      %swap3A_26 = vector.shape_cast %add3A_21 : vector<1024x1024xf32> to vector<1x1024x1024xf32>
      tpu.vector_store %arg6[%swap3A, %swap3A_22, %swap3A_23], %swap3A_26 {strides = array<i32>} : memref<1x1024x1024xf32, #tpu.memory_space<vmem>>, vector<1x1024x1024xf32>,
    } else {
    }
    %gt3A = arith.constant 0 : i32
    %gt3A_14 = arith.cmpi sgt, %arg2, %gt3A : i32
    %convert_element_type3A_15 = arith.extui %gt3A_14 : i1 to i32
    %cond3A_16 = arith.constant 0 : i32
    %cond3A_17 = arith.cmpi ne, %convert_element_type3A_15, %cond3A_16 : i32
    scf.if %cond3A_17 {
      %get3A_18 = arith.constant 0 : index
      %get3A_19 = arith.constant 0 : index
      %get3A_20 = arith.constant 0 : index
      %get3A_21 = vector.load %arg6[%get3A_18, %get3A_19, %get3A_20] : memref<1x1024x1024xf32, #tpu.memory_space<vmem>>, vector<1x1024x1024xf32>
      %get3A_22 = vector.shape_cast %get3A_21 : vector<1x1024x1024xf32> to vector<1024x1024xf32>
      %add3A = arith.addf %get3A_22, %dot_general3A_10 : vector<1024x1024xf32>
      %swap3A = arith.constant 0 : index
      %swap3A_23 = arith.constant 0 : index
      %swap3A_24 = arith.constant 0 : index
      %swap3A_25 = vector.load %arg6[%swap3A, %swap3A_23, %swap3A_24] : memref<1x1024x1024xf32, #tpu.memory_space<vmem>>, vector<1x1024x1024xf32>
      %swap3A_26 = vector.shape_cast %swap3A_25 : vector<1x1024x1024xf32> to vector<1024x1024xf32>
      %swap3A_27 = vector.shape_cast %add3A : vector<1024x1024xf32> to vector<1x1024x1024xf32>
      tpu.vector_store %arg6[%swap3A, %swap3A_23, %swap3A_24], %swap3A_27 {strides = array<i32>} : memref<1x1024x1024xf32, #tpu.memory_space<vmem>>, vector<1x1024x1024xf32>,
    } else {
    }
    return
  }
  func.func @transform_0(%arg0: i32, %arg1: i32, %arg2: i32) -> (i32, i32, i32, i32) {
    %c0_i32 = arith.constant 0 : i32
    %c0_i32_0 = arith.constant 0 : i32
    return %arg0, %arg2, %arg1, %c0_i32 : i32, i32, i32, i32
  }
  func.func @transform_1(%arg0: i32, %arg1: i32, %arg2: i32) -> (i32, i32, i32) {
    %c0_i32 = arith.constant 0 : i32
    %c0_i32_0 = arith.constant 0 : i32
    %c0_i32_1 = arith.constant 0 : i32
    return %arg2, %c0_i32, %c0_i32_0 : i32, i32, i32
  }
  func.func @transform_2(%arg0: i32, %arg1: i32, %arg2: i32) -> (i32, i32) {
    %c0_i32 = arith.constant 0 : i32
    %c0_i32_0 = arith.constant 0 : i32
    %c0_i32_1 = arith.constant 0 : i32
    return %c0_i32, %c0_i32_0 : i32, i32
  }
  func.func @transform_3(%arg0: i32, %arg1: i32, %arg2: i32) -> (i32, i32, i32) {
    %c0_i32 = arith.constant 0 : i32
    %c0_i32_0 = arith.constant 0 : i32
    return %arg0, %arg1, %c0_i32 : i32, i32, i32
  }
}

</mosaic_0001>

<sc_bundles>
// kernel: kernel.5.cloned.1.call-start
scs
__scs_entry_jumppad:
0x0: {  	(pc) =	sbr.rel $0x88, $3  }
0x1: {  	(tag) =	ssettag $0x0;
	lr =	simm.s32 $0x1  }
0x2: {  	[smem:$0x3F94] =	sst lr;
	_ =	strace $0xD0000000  }
0x3: {  	_ = 	snop  }
0x4: {  	_ = 	snop  }
0x5: {  	_ = 	snop  }
0x6: {  	_ = 	snop  }
0x7: {  	_ = 	snop  }
__scs_overlays_trampoline_lowered:
0x8: {  	[smem:$0x3FA3] =	sst s0  }
0x9: {  	[smem:$0x3FA4] =	sst s1  }
0xa: {  	[smem:$0x3FA5] =	sst s2  }
0xb: {  	[smem:$0x3FA6] =	sst s3  }
0xc: {  	[smem:$0x3FA7] =	sst s4  }
0xd: {  	[smem:$0x3FA8] =	sst s5  }
0xe: {  	[smem:$0x3FA9] =	sst s6  }
0xf: {  	[smem:$0x3FAA] =	sst s7  }
0x10: {  	[smem:$0x3FAB] =	sst s8  }
0x11: {  	[smem:$0x3FAC] =	sst s9;
	s0 =	simm.s32 @!p0 $0x0  }
0x12: {  	s1 =	sld [smem:$0x3F92];
	s0 =	simm.s32 @p0 $0x1  }
0x13: {  	[smem:$0x3FAD] =	sst s0;
	s0 =	simm.s32 @!p1 $0x0  }
0x14: {  	s2 =	sld [smem:$0x3F91];
	s0 =	simm.s32 @p1 $0x1  }
0x15: {  	[smem:$0x3FAE] =	sst s0;
	s0 =	simm.s32 @!p2 $0x0  }
0x16: {  	s3 =	sld [smem:$0x3FDB];
	s0 =	simm.s32 @p2 $0x1  }
0x17: {  	s4 =	simm.s32 $0x1BF5;
	[smem:$0x3FB0] =	sst s0  }
0x18: {  	s0 =	sld [smem:$0x3F93];
	_ =	swait.ge [sflag:s4], $0x0  }
0x19: {  	s7 =	sld [smem:$0x3F94]  }
0x1a: {  	s8 =	sadd.s32 $0xFFFFE003, lr  }
0x1b: {  	s9 =	sadd.s32 $0xFFFFFEF7, lr;
	s5 =	simm.s32 $0xFFFFFFFF;
	p2 =	slt.u32 s8, $0xFFFFF086  }
0x1c: {  	p1 =	slt.u32 s9, $0xF7A;
	s5 =	simm.s32 @!p2 $0x0  }
0x1d: {  	s5 =	simm.s32 @p1 $0x1;
	p0 =	seq.s32 s7, s2  }
0x1e: {  	s7 =	smul.u32 @!p0 $0xF7A, s2;
	p2 =	seq.s32 @!p0 s5, $0x0  }
0x1f: {  	s9 =	smul.u32 $0xF7A, s1;
	s8 =	simm.s32 @!p0 $0x1BF5;
	p2 =	por !p2, p0  }
0x20: {  	[sflag:s8] =	ssyncset.s32 @!p0 $0xFFFFF086;
	s6 =	sadd.s32 @!p0 s3, s7;
	s7 =	simm.s32 @!p0 $0x108  }
0x21: {  	s3 =	sadd.s32 s3, s9;
	s6 =	sadd.s32 @!p0 $0x88, s6;
	s7 =	simm.s32 @p2 $0x1082  }
0x22: {  	[simem:s7], [sflag:s8] =	dma.local @!p0 [hbm:s6], $0xF7A  }
0x23: {  	s9 =	sor.u32 $0xD0000000, s2;
	s6 =	simm.s32 $0x108;
	_ =	swait.ge @!p0 [sflag:s8], $0x0  }
0x24: {  	s3 =	sadd.s32 $0x88, s3;
	s6 =	simm.s32 @!p1 $0x1082;
	[sflag:s4] =	ssyncset.s32 $0xFFFFF086  }
0x25: {  	[simem:s6], [sflag:s4] =	dma.local [hbm:s3], $0xF7A  }
0x26: {  	[smem:$0x3F94] =	sst s1;
	(tag) =	ssettag s2;
	_ =	strace s9  }
0x27: {  	s1 =	sld [smem:$0x3FA4]  }
0x28: {  	s2 =	sld [smem:$0x3FA5]  }
0x29: {  	s4 =	sld [smem:$0x3FA7]  }
0x2a: {  	p0 =	seq.s32 s5, $0x0;
	s5 =	sld [smem:$0x3FA8]  }
0x2b: {  	s6 =	sld [smem:$0x3FA9]  }
0x2c: {  	s7 =	sld [smem:$0x3FAA]  }
0x2d: {  	s3 =	simm.s32 $0x108;
	s8 =	sld [smem:$0x3FAB]  }
0x2e: {  	s3 =	simm.s32 @!p0 $0x1082;
	s9 =	sld [smem:$0x3FAC]  }
0x2f: {  	lr =	sadd.s32 s0, s3;
	s0 =	sld [smem:$0x3FA3]  }
0x30: {  	s3 =	sld [smem:$0x3FA6]  }
0x31: {  	[smem:$0x3FAF] =	sst s10  }
0x32: {  	s10 =	sld [smem:$0x3FAD];
	_ =	sdelay $0x3  }
0x33: {  	p0 =	seq.s32 s10, $0x1;
	s10 =	sld [smem:$0x3FAF];
	_ =	sdelay $0x3  }
0x34: {  	[smem:$0x3FAF] =	sst s10  }
0x35: {  	s10 =	sld [smem:$0x3FAE];
	_ =	sdelay $0x3  }
0x36: {  	p1 =	seq.s32 s10, $0x1;
	s10 =	sld [smem:$0x3FAF];
	_ =	sdelay $0x3  }
0x37: {  	[smem:$0x3FAF] =	sst s10  }
0x38: {  	s10 =	sld [smem:$0x3FB0]  }
0x39: {  	_ = 	snop;
	(pc) =	sbr.ind lr, $3  }
0x3a: {  	_ = 	snop  }
0x3b: {  	_ = 	snop  }
0x3c: {  	p2 =	seq.s32 s10, $0x1;
	s10 =	sld [smem:$0x3FAF]  }
0x3d: {  	_ =	shalt  }
0x3e: {  	_ =	shalt  }
0x3f: {  	_ =	shalt  }
0x40: {  	_ =	shalt  }
0x41: {  	_ =	shalt  }
0x42: {  	_ =	shalt  }
0x43: {  	_ =	shalt  }
0x44: {  	_ =	shalt  }
0x45: {  	_ =	shalt  }
0x46: {  	_ =	shalt  }
0x47: {  	_ =	shalt  }
0x48: {  	_ =	shalt  }
0x49: {  	_ =	shalt  }
0x4a: {  	_ =	shalt  }
0x4b: {  	_ =	shalt  }
0x4c: {  	_ =	shalt  }
0x4d: {  	_ =	shalt  }
0x4e: {  	_ =	shalt  }
0x4f: {  	_ =	shalt  }
0x50: {  	_ =	shalt  }
0x51: {  	_ =	shalt  }
0x52: {  	_ =	shalt  }
0x53: {  	_ =	shalt  }
0x54: {  	_ =	shalt  }
0x55: {  	_ =	shalt  }
0x56: {  	_ =	shalt  }
0x57: {  	_ =	shalt  }
0x58: {  	_ =	shalt  }
0x59: {  	_ =	shalt  }
0x5a: {  	_ =	shalt  }
0x5b: {  	_ =	shalt  }
0x5c: {  	_ =	shalt  }
0x5d: {  	_ =	shalt  }
0x5e: {  	_ =	shalt  }
0x5f: {  	_ =	shalt  }
0x60: {  	_ =	shalt  }
0x61: {  	_ =	shalt  }
0x62: {  	_ =	shalt  }
0x63: {  	_ =	shalt  }
0x64: {  	_ =	shalt  }
0x65: {  	_ =	shalt  }
0x66: {  	_ =	shalt  }
0x67: {  	_ =	shalt  }
0x68: {  	_ =	shalt  }
0x69: {  	_ =	shalt  }
0x6a: {  	_ =	shalt  }
0x6b: {  	_ =	shalt  }
0x6c: {  	_ =	shalt  }
0x6d: {  	_ =	shalt  }
0x6e: {  	_ =	shalt  }
0x6f: {  	_ =	shalt  }
0x70: {  	_ =	shalt  }
0x71: {  	_ =	shalt  }
0x72: {  	_ =	shalt  }
0x73: {  	_ =	shalt  }
0x74: {  	_ =	shalt  }
0x75: {  	_ =	shalt  }
0x76: {  	_ =	shalt  }
0x77: {  	_ =	shalt  }
0x78: {  	_ =	shalt  }
0x79: {  	_ =	shalt  }
0x7a: {  	_ =	shalt  }
0x7b: {  	_ =	shalt  }
0x7c: {  	_ =	shalt  }
0x7d: {  	_ =	shalt  }
0x7e: {  	_ =	shalt  }
0x7f: {  	_ =	shalt  }
0x80: {  	_ =	shalt  }
0x81: {  	_ =	shalt  }
0x82: {  	_ =	shalt  }
0x83: {  	_ =	shalt  }
0x84: {  	_ =	shalt  }
0x85: {  	_ =	shalt  }
0x86: {  	_ =	shalt  }
0x87: {  	_ =	shalt  }
.Lfunc_end0:
.L_simem_size_0:
called_computation_lowered:
.L_overlay_start_0:
0x88: {  	s2 =	sld [smem:$0x3FD9]  }
0x89: {  	s3 =	sld [smem:$0x3FFE];
	_ =	sdelay $0x1  }
0x8a: {  	s1 =	srdreg.scid  }
0x8b: {  	s0 =	sand.u32 $0x1, s1  }
0x8c: {  	s17 =	sshll.u32 s0, $0xA;
	s2 =	sadd.s32 s3, s2  }
0x8d: {  	s2 =	sadd.s32 s2, s17  }
0x8e: {  	[smem:$0x3FBB] =	sst s2  }
0x8f: {  	_ = 	snop  }
0x90: {  	s2 =	sld [smem:$0x3FD0];
	(tm) =	ssettm $0x1  }
0x91: {  	s18 =	sld [smem:$0x3FFB];
	_ =	sdelay $0x3  }
0x92: {  	_ =	strace s18  }
0x93: {  	s3 =	sld [smem:$0x3FFC];
	_ =	sdelay $0x3  }
0x94: {  	_ =	strace s3  }
0x95: {  	s3 =	sld [smem:$0x3FFD];
	_ =	sdelay $0x3  }
0x96: {  	_ =	strace s3  }
0x97: {  	_ =	strace $0x8FFFFFFF  }
0x98: {  	s19 =	sld [smem:$0x3FDB];
	_ =	sdelay $0x1  }
0x99: {  	s4 =	simm.s32 $_scs_section_size  }
0x9a: {  	s5 =	simm.s32 $_size__tile_overlayer_lowered;
	s6 =	simm.s32 $_tile_overlayer_lowered  }
0x9b: {  	s22 =	simm.s32 $0x1BFF;
	s21 =	sshll.u32 s6, $0x1;
	s3 =	sadd.s32 s4, s19  }
0x9c: {  	s7 =	simm.s32 $0x0;
	s20 =	sshll.u32 s5, $0x1;
	s5 =	sadd.s32 s21, s3  }
0x9d: {  	[timem:s7], [sflag:s22] =	dma.local [hbm:s5], s20  }
0x9e: {  	_ =	swait.ge [sflag:s22], s20  }
0x9f: {  	s4 =	ssub.s32 $0x0, s20;
	[sflag:s22] =	ssyncset.done $0x0  }
0xa0: {  	[sflag:s22] =	ssyncadd.s32 s4;
	_ =	sdelay $0x1  }
0xa1: {  	s23 =	simm.s32 $0x1B8B  }
0xa2: {  	_ =	swait.ge [sflag:s23], $0x1  }
0xa3: {  	[sflag:s23] =	ssyncset.done $0x0  }
0xa4: {  	s25 =	simm.s32 $0x1B8E;
	s24 =	sld [smem:$0x3FFE];
	[sflag:s23] =	ssyncadd.s32 $0xFFFFFFFF  }
0xa5: {  	s26 =	simm.s32 $execute0_lowered;
	[smem:$0x3FD2] =	sst s25  }
0xa6: {  	s5 =	sshll.u32 s26, $0x1;
	_ =	strace $0x80000046;
	[dreg:$0x1] =	wrdreg $0xFFFFFFFF  }
0xa7: {  	s28 =	simm.s32 $_size_execute0_lowered;
	s3 =	sadd.s32 s3, s5;
	[dreg:$0x0] =	wrdreg $0x0  }
0xa8: {  	s5 =	sshll.u32 s28, $0x1;
	[dreg:$0x2] =	wrdreg s3  }
0xa9: {  	[dreg:$0x3] =	wrdreg s5  }
0xaa: {  	[dreg:$0x4] =	wrdreg $0xC0  }
0xab: {  	_ =	task [dreg:s7], $0x5FFFF  }
0xac: {  	[dreg:$0x1] =	wrdreg $0xFFFFFFFF  }
0xad: {  	[dreg:$0x0] =	wrdreg $0x60  }
0xae: {  	[dreg:$0x2] =	wrdreg s2  }
0xaf: {  	[dreg:$0x3] =	wrdreg s24  }
0xb0: {  	[dreg:$0x4] =	wrdreg $0x9  }
0xb1: {  	_ =	task.clear_ibuf [dreg:s7], $0x5FFFF;
	_ =	strace $0x90000046  }
0xb2: {  	s29 =	simm.s32 $0x9;
	_ =	strace $0x80000048  }
0xb3: {  	_ =	swait.ge [sflag:s29], $0x1  }
0xb4: {  	[sflag:s29] =	ssyncadd.s32 $0xFFFFFFFF  }
0xb5: {  	_ =	strace $0x90000048  }
0xb6: {  	_ =	sfence  }
0xb7: {  	s30 =	sld [smem:$0x0];
	_ =	sdelay $0x2  }
0xb8: {  	s31 =	sshll.u32 s1, $0xD;
	s1 =	sshrl.u32 s1, $0x2  }
0xb9: {  	s3 =	sand.u32 $0x4000, s31;
	s1 =	sadd.s32 s1, s30  }
0xba: {  	s0 =	sor.u32 s3, s0;
	s1 =	sshll.u32 s1, $0x11  }
0xbb: {  	s0 =	sor.u32 s1, s0  }
0xbc: {  	s0 =	sadd.s32 $0x8F2B, s0  }
0xbd: {  	[sflag:s0] =	ssyncadd.remote.s32 $0x1  }
0xbe: {  	_ =	sfence.sel $0xFFFF  }
0xbf: {  	[dreg:$0x0] =	wrdreg $0xFFFFFFFF;
	(pc) =	sbr.abs _section_cstart, $3  }
0xc0: {  	[dreg:$0x1] =	wrdreg $0xFFFFFFFF  }
0xc1: {  	_ =	task.clear_ibuf [dreg:s7], $0x2FFFF;
	_ =	strace $0x9FFFFFFF  }
0xc2: {  	(tm) =	ssettm $0x7FFFFFFF  }
0xc3: {  	_ =	shalt  }
tec
execute0_lowered:
.L_overlay_start_1:
0x0: {  	(tag) =	ssettag $0x1  }
0x1: {  	v0 =	vimm.f32 $1.500000000e+01;
	vm0 =	vcmask $0x300  }
0x2: {  	vm14 =	vcmask $0x704;
	v0 =	vsel vm0, $0x0, v0  }
0x3: {  	vm15 =	vcmask $0xB08;
	v0 =	vsel vm14, $0x3F800000, v0  }
0x4: {  	vm4 =	vcmask $0xF0C;
	v0 =	vsel vm15, $0x40000000, v0  }
0x5: {  	s3 =	stileid.u32;
	vm5 =	vcmask $0x1310;
	v0 =	vsel vm4, $0x40400000, v0  }
0x6: {  	s1 =	rddreg [dreg:$0x0];
	s0 =	srdreg.scid;
	vm6 =	vcmask $0x1714;
	v0 =	vsel vm5, $0x40800000, v0  }
0x7: {  	vm7 =	vcmask $0x1B18;
	s5 =	rddreg [dreg:$0x1];
	s7 =	simm.s32 $0x0;
	s11 =	simm.s32 $0x6;
	v0 =	vsel vm6, $0x40A00000, v0  }
0x8: {  	vm8 =	vcmask $0x1F1C;
	s12 =	simm.s32 $0x70;
	s13 =	simm.s32 $0x3800;
	s14 =	simm.s32 $0x3AA0;
	v0 =	vsel vm7, $0x40C00000, v0  }
0x9: {  	vm9 =	vcmask $0x2320;
	s15 =	simm.s32 $0x3870;
	s16 =	simm.s32 $0x72A0;
	s17 =	simm.s32 $0x38E0;
	v0 =	vsel vm8, $0x40E00000, v0  }
0xa: {  	vm10 =	vcmask $0x2724;
	s18 =	simm.s32 $0xAAA0;
	s19 =	simm.s32 $0x3950;
	s20 =	simm.s32 $0xE2A0;
	v0 =	vsel vm9, $0x41000000, v0  }
0xb: {  	vm11 =	vcmask $0x2B28;
	s21 =	simm.s32 $0x1;
	s22 =	simm.s32 $0x39C0;
	s2 =	sshll.u32 s3, $0x1;
	v0 =	vsel vm10, $0x41100000, v0  }
0xc: {  	vm12 =	vcmask $0x2F2C;
	s23 =	simm.s32 $0x11AA0;
	s0 =	sand.u32 $0x1, s0;
	s2 =	sand.u32 $0xE, s2;
	v0 =	vsel vm11, $0x41200000, v0  }
0xd: {  	vm13 =	vcmask $0x3330;
	s28 =	simm.s32 $0x4;
	s29 =	simm.s32 $0x5;
	s2 =	sor.u32 s0, s2;
	v0 =	vsel vm12, $0x41300000, v0  }
0xe: {  	s3 =	sshrl.u32 s3, $0x3;
	[smem:$0x7FF] =	sst s7;
	vm14 =	vcmask $0x3734;
	s4 =	sshll.u32 s2, $0x8;
	v0 =	vsel vm13, $0x41400000, v0  }
0xf: {  	s30 =	simm.s32 $0x0;
	s6 =	smul.u32 $0x38000, s3;
	vm15 =	vcmask $0x3B38;
	s25 =	scvt.s32.f32 s4;
	v0 =	vsel vm14, $0x41500000, v0  }
0x10: {  	_ =	strace $0x80000047;
	s26 =	sshll.u32 s3, $0xE;
	s0 =	ssub.s32 $0x2, s0;
	v0 =	vsel vm15, $0x41600000, v0  }
0x11: {  	s7 =	sshll.u32 s3, $0x2;
	s24 =	sshrl.u32 s0, $0x1;
	s2 =	sor.u32 s6, s4;
	v1 =	vadd.f32 s25, v0  }
0x12: {  	s31 =	sor.u32 $0x1000, s26;
	s0 =	ssub.s32 s0, s24;
	s2 =	sshrl.u32 s2, $0x3  }
0x13: {  	v4 =	vmov s26;
	s26 =	simm.s32 $0x2;
	s0 =	smax.u32 s0, $0x1;
	s2 =	sadd.s32 s2, s5;
	v2 =	vadd.f32 $-3.000000000e+00, v1;
	v3 =	vadd.f32 $-2.000000000e+00, v1  }
0x14: {  	s24 =	simm.s32 $0x3A30;
	[dreg:$0x4] =	wrdreg s0;
	s2 =	sadd.s32 $0x1400, s2;
	v5 =	vadd.f32 $-1.000000000e+00, v1;
	v6 =	vadd.f32 $1.000000000e+00, v1  }
0x15: {  	v7 =	vmov s31;
	s5 =	sadd.s32 $0xF400, s5;
	[dreg:$0x3] =	wrdreg s2;
	s25 =	simm.s32 $0x152A0;
	v8 =	vadd.f32 $2.000000000e+00, v1;
	v9 =	vadd.f32 $3.000000000e+00, v1  }
.LBB2_1:
0x16: {  	s0 =	simm.s32 $0x0  }
0x17: {  	s2 =	rddreg [dreg:$0x3];
	s3 =	simm.s32 $0x100;
	s6 =	simm.s32 $0x1000  }
0x18: {  	[tilespmem:s0], [sflag:$0x6] =	stream.strided.gather [hbm4b:s2+s3], $0x3800, s6, s3, $0x38;
	[tilespmem:$0x19AA0] =	vst v63  }
0x19: {  	_ =	swait.ge [sflag:s11], $0x3800  }
0x1a: {  	[sflag:s11] =	ssyncset.done $0x0  }
0x1b: {  	[sflag:s11] =	ssyncadd.s32 $0xFFFFC800  }
0x1c: {  	v10 =	vld [tilespmem:$0x0]  }
0x1d: {  	v11 =	vld [tilespmem:$0x100]  }
0x1e: {  	v12 =	vld [tilespmem:$0x200]  }
0x1f: {  	v13 =	vld [tilespmem:$0x300]  }
0x20: {  	v15 =	vld [tilespmem:$0x400]  }
0x21: {  	v17 =	vld [tilespmem:$0x500]  }
0x22: {  	v18 =	vld [tilespmem:$0x600];
	_ =	sdelay $0x1  }
0x23: {  	v10 =	vadd.f32 v10, v10;
	v11 =	vadd.f32 v11, v11  }
0x24: {  	v12 =	vadd.f32 v12, v12;
	v13 =	vadd.f32 v13, v13  }
0x25: {  	v15 =	vadd.f32 v15, v15;
	v17 =	vadd.f32 v17, v17  }
0x26: {  	v18 =	vadd.f32 v18, v18;
	v10 =	vadd.f32 v10, v2  }
0x27: {  	v11 =	vadd.f32 v11, v3;
	v12 =	vadd.f32 v12, v5  }
0x28: {  	v13 =	vadd.f32 v13, v1;
	v15 =	vadd.f32 v15, v6  }
0x29: {  	v17 =	vadd.f32 v17, v8;
	v37 =	vadd.f32 v18, v9  }
0x2a: {  	v10 =	vmax.f32 v10, $0.0e+00;
	v11 =	vmax.f32 v11, $0.0e+00;
	v12 =	vmax.f32 v12, $0.0e+00  }
0x2b: {  	v13 =	vmax.f32 v13, $0.0e+00;
	v15 =	vmax.f32 v15, $0.0e+00;
	v36 =	vmax.f32 v17, $0.0e+00  }
0x2c: {  	v10 =	vmin.f32 v10, $4.095000000e+03;
	v11 =	vmin.f32 v11, $4.095000000e+03;
	v12 =	vmin.f32 v12, $4.095000000e+03  }
0x2d: {  	v13 =	vmin.f32 v13, $4.095000000e+03;
	v10 =	vtrunc.f32 v10;
	v11 =	vtrunc.f32 v11  }
0x2e: {  	v15 =	vmin.f32 v15, $4.095000000e+03;
	v12 =	vtrunc.f32 v12;
	v13 =	vtrunc.f32 v13  }
0x2f: {  	v17 =	vmax.f32 v37, $0.0e+00;
	v15 =	vtrunc.f32 v15;
	v10 =	vcvt.f32.s32 v10  }
0x30: {  	v40 =	vmin.f32 v17, $4.095000000e+03;
	v11 =	vcvt.f32.s32 v11;
	v12 =	vcvt.f32.s32 v12  }
0x31: {  	v13 =	vcvt.f32.s32 v13;
	v35 =	vcvt.f32.s32 v15;
	v15 =	vmin.f32 v36, $4.095000000e+03  }
0x32: {  	v15 =	vtrunc.f32 v15;
	v14 =	vadd.s32 $0x1, v10;
	v10 =	vadd.s32 v10, v4  }
0x33: {  	v16 =	vadd.s32 $0x1, v11;
	v11 =	vadd.s32 v11, v4;
	v19 =	vadd.s32 $0x1, v12;
	[tilespmem:$0x3800] =	vst v10  }
0x34: {  	v12 =	vadd.s32 v12, v4;
	v20 =	vadd.s32 $0x1, v13;
	v13 =	vadd.s32 v13, v4;
	[tilespmem:$0x3820] =	vst v11  }
0x35: {  	v38 =	vadd.s32 $0x1, v35;
	v39 =	vcvt.f32.s32 v15;
	v15 =	vtrunc.f32 v40;
	[tilespmem:$0x3840] =	vst v12  }
0x36: {  	v41 =	vadd.s32 v35, v4;
	vm0 =	vlt.s32 v14, $0xFFF;
	vm15 =	vlt.s32 v16, $0xFFF;
	[tilespmem:$0x3860] =	vst v13  }
0x37: {  	vm4 =	vlt.s32 v19, $0xFFF;
	[tilespmem:$0x3880] =	vst v41;
	v14 =	vnsel vm0, $0xFFF, v14;
	v12 =	vadd.s32 v39, v4  }
0x38: {  	vm5 =	vlt.s32 v20, $0xFFF;
	v16 =	vnsel vm15, $0xFFF, v16;
	v14 =	vadd.s32 v4, v14;
	[tilespmem:$0x38A0] =	vst v12  }
0x39: {  	v15 =	vcvt.f32.s32 v15;
	v19 =	vnsel vm4, $0xFFF, v19;
	v16 =	vadd.s32 v4, v16;
	[tilespmem:$0x3810] =	vst v14  }
0x3a: {  	vm6 =	vlt.s32 v38, $0xFFF;
	v42 =	vadd.s32 $0x1, v39;
	v10 =	vadd.s32 v4, v19;
	[tilespmem:$0x3830] =	vst v16  }
0x3b: {  	v11 =	vnsel vm5, $0xFFF, v20;
	vm7 =	vlt.s32 v42, $0xFFF;
	v44 =	vadd.s32 v15, v4;
	[tilespmem:$0x3850] =	vst v10  }
0x3c: {  	v43 =	vadd.s32 $0x1, v15;
	v10 =	vadd.s32 v4, v11;
	v11 =	vnsel vm6, $0xFFF, v38;
	[tilespmem:$0x38C0] =	vst v44  }
0x3d: {  	vm8 =	vlt.s32 v43, $0xFFF;
	[tilespmem:$0x3870] =	vst v10;
	v10 =	vadd.s32 v4, v11;
	v11 =	vnsel vm7, $0xFFF, v42  }
0x3e: {  	[tilespmem:$0x3890] =	vst v10;
	v10 =	vadd.s32 v4, v11;
	v11 =	vnsel vm8, $0xFFF, v43  }
0x3f: {  	[tilespmem:$0x38B0] =	vst v10;
	v10 =	vadd.s32 v4, v11  }
0x40: {  	[tilespmem:$0x38D0] =	vst v10  }
0x41: {  	[tilespmem:s14], [sflag:$0x1] =	stream.indirect.gather [hbm4b:s1+s12], $0x80, s13, s12, $0xb8;
	[tilespmem:$0x19AA0] =	vst v63  }
0x42: {  	_ = 	snop  }
0x43: {  	[tilespmem:s16], [sflag:$0x1] =	stream.indirect.gather [hbm4b:s1+s12], $0x80, s15, s12, $0xb8;
	[tilespmem:$0x19AA0] =	vst v63  }
0x44: {  	v10 =	vld [tilespmem:$0x700]  }
0x45: {  	v11 =	vld [tilespmem:$0x800]  }
0x46: {  	v45 =	vld [tilespmem:$0x900]  }
0x47: {  	v46 =	vld [tilespmem:$0xA00]  }
0x48: {  	v48 =	vld [tilespmem:$0xB00]  }
0x49: {  	v50 =	vld [tilespmem:$0xC00]  }
0x4a: {  	v51 =	vld [tilespmem:$0xD00];
	_ =	sdelay $0x1  }
0x4b: {  	v10 =	vadd.f32 v10, v10;
	v11 =	vadd.f32 v11, v11  }
0x4c: {  	v12 =	vadd.f32 v45, v45;
	v13 =	vadd.f32 v46, v46  }
0x4d: {  	v15 =	vadd.f32 v48, v48;
	v17 =	vadd.f32 v50, v50  }
0x4e: {  	v18 =	vadd.f32 v51, v51;
	v10 =	vadd.f32 v10, v2  }
0x4f: {  	v11 =	vadd.f32 v11, v3;
	v12 =	vadd.f32 v12, v5  }
0x50: {  	v13 =	vadd.f32 v13, v1;
	v15 =	vadd.f32 v15, v6  }
0x51: {  	v17 =	vadd.f32 v17, v8;
	v56 =	vadd.f32 v18, v9  }
0x52: {  	v10 =	vmax.f32 v10, $0.0e+00;
	v11 =	vmax.f32 v11, $0.0e+00;
	v12 =	vmax.f32 v12, $0.0e+00  }
0x53: {  	v13 =	vmax.f32 v13, $0.0e+00;
	v15 =	vmax.f32 v15, $0.0e+00;
	v55 =	vmax.f32 v17, $0.0e+00  }
0x54: {  	v10 =	vmin.f32 v10, $4.095000000e+03;
	v11 =	vmin.f32 v11, $4.095000000e+03;
	v12 =	vmin.f32 v12, $4.095000000e+03  }
0x55: {  	v13 =	vmin.f32 v13, $4.095000000e+03;
	v10 =	vtrunc.f32 v10;
	v11 =	vtrunc.f32 v11  }
0x56: {  	v15 =	vmin.f32 v15, $4.095000000e+03;
	v12 =	vtrunc.f32 v12;
	v13 =	vtrunc.f32 v13  }
0x57: {  	v17 =	vmax.f32 v56, $0.0e+00;
	v15 =	vtrunc.f32 v15;
	v10 =	vcvt.f32.s32 v10  }
0x58: {  	v59 =	vmin.f32 v17, $4.095000000e+03;
	v11 =	vcvt.f32.s32 v11;
	v12 =	vcvt.f32.s32 v12  }
0x59: {  	v13 =	vcvt.f32.s32 v13;
	v54 =	vcvt.f32.s32 v15;
	v15 =	vmin.f32 v55, $4.095000000e+03  }
0x5a: {  	v15 =	vtrunc.f32 v15;
	v47 =	vadd.s32 $0x1, v10;
	v10 =	vadd.s32 v10, v7  }
0x5b: {  	v49 =	vadd.s32 $0x1, v11;
	v11 =	vadd.s32 v11, v7;
	v52 =	vadd.s32 $0x1, v12;
	[tilespmem:$0x38E0] =	vst v10  }
0x5c: {  	v12 =	vadd.s32 v12, v7;
	v53 =	vadd.s32 $0x1, v13;
	v13 =	vadd.s32 v13, v7;
	[tilespmem:$0x3900] =	vst v11  }
0x5d: {  	v57 =	vadd.s32 $0x1, v54;
	v58 =	vcvt.f32.s32 v15;
	v15 =	vtrunc.f32 v59;
	[tilespmem:$0x3920] =	vst v12  }
0x5e: {  	v60 =	vadd.s32 v54, v7;
	vm9 =	vlt.s32 v47, $0xFFF;
	vm10 =	vlt.s32 v49, $0xFFF;
	[tilespmem:$0x3940] =	vst v13  }
0x5f: {  	vm11 =	vlt.s32 v52, $0xFFF;
	[tilespmem:$0x3960] =	vst v60;
	v14 =	vnsel vm9, $0xFFF, v47;
	v12 =	vadd.s32 v58, v7  }
0x60: {  	vm12 =	vlt.s32 v53, $0xFFF;
	v16 =	vnsel vm10, $0xFFF, v49;
	v14 =	vadd.s32 v7, v14;
	[tilespmem:$0x3980] =	vst v12  }
0x61: {  	v15 =	vcvt.f32.s32 v15;
	v19 =	vnsel vm11, $0xFFF, v52;
	v16 =	vadd.s32 v7, v16;
	[tilespmem:$0x38F0] =	vst v14  }
0x62: {  	vm13 =	vlt.s32 v57, $0xFFF;
	v61 =	vadd.s32 $0x1, v58;
	v10 =	vadd.s32 v7, v19;
	[tilespmem:$0x3910] =	vst v16  }
0x63: {  	v11 =	vnsel vm12, $0xFFF, v53;
	vm14 =	vlt.s32 v61, $0xFFF;
	v63 =	vadd.s32 v15, v7;
	[tilespmem:$0x3930] =	vst v10  }
0x64: {  	v62 =	vadd.s32 $0x1, v15;
	v10 =	vadd.s32 v7, v11;
	v11 =	vnsel vm13, $0xFFF, v57;
	[tilespmem:$0x39A0] =	vst v63  }
0x65: {  	vm15 =	vlt.s32 v62, $0xFFF;
	[tilespmem:$0x3950] =	vst v10;
	v10 =	vadd.s32 v7, v11;
	v11 =	vnsel vm14, $0xFFF, v61  }
0x66: {  	[tilespmem:$0x3970] =	vst v10;
	v10 =	vadd.s32 v7, v11;
	v11 =	vnsel vm15, $0xFFF, v62  }
0x67: {  	[tilespmem:$0x3990] =	vst v10;
	v10 =	vadd.s32 v7, v11  }
0x68: {  	[tilespmem:$0x39B0] =	vst v10  }
0x69: {  	[tilespmem:s18], [sflag:$0x2] =	stream.indirect.gather [hbm4b:s1+s12], $0x80, s17, s12, $0xb8;
	[tilespmem:$0x19AA0] =	vst v63  }
0x6a: {  	s31 =	simm.s32 $0x6AE0;
	p0 =	por $0x0, $0x0;
	s2 =	simm.s32 $0x0  }
0x6b: {  	[tilespmem:s20], [sflag:$0x2] =	stream.indirect.gather [hbm4b:s1+s12], $0x80, s19, s12, $0xb8;
	[tilespmem:$0x19AA0] =	vst v63  }
.LBB2_2:
0x6c: {  	s0 =	sand.u32 $0x1, s2;
	p2 =	slt.u32 s2, $0x2  }
0x6d: {  	p1 =	sne.s32 @!p2 s0, $0x0  }
0x6e: {  	p3 =	por p1, p2  }
0x6f: {  	s6 =	smin.u32 s2, $0x3D;
	s3 =	simm.s32 @!p3 $0x4  }
0x70: {  	s6 =	sadd.s32 $0x2, s6;
	p1 =	seq.s32 s0, $0x1;
	_ =	swait.ge @!p3 [sflag:s3], $0x800  }
0x71: {  	s8 =	sand.u32 $0x3, s6;
	p2 =	por !p1, p2;
	[sflag:s3] =	ssyncset.done @!p3 $0x0  }
0x72: {  	s9 =	smul.u32 $0x1C00, s8;
	[sflag:s3] =	ssyncadd.s32 @!p3 $0xFFFFF800;
	s3 =	simm.s32 @!p2 $0x5  }
0x73: {  	s6 =	sshll.u32 s6, $0x2;
	_ =	swait.ge @!p2 [sflag:s3], $0x800  }
0x74: {  	s6 =	sand.u32 $0x1F0, s6;
	s9 =	sshrl.u32 s9, $0x2;
	[sflag:s3] =	ssyncset.done @!p2 $0x0  }
0x75: {  	s9 =	sadd.s32 s6, s9;
	[sflag:s3] =	ssyncadd.s32 @!p2 $0xFFFFF800  }
0x76: {  	s6 =	sadd.s32 s4, s6;
	v10 =	vld [tilespmem:s9+$0x0]  }
0x77: {  	s3 =	scvt.s32.f32 s6;
	v11 =	vld [tilespmem:s9+$0x100];
	_ =	sdelay $0x1  }
0x78: {  	v14 =	vadd.f32 s3, v0;
	_ =	sdelay $0x1  }
0x79: {  	v13 =	vld [tilespmem:s9+$0x200];
	v12 =	vadd.f32 $-3.000000000e+00, v14;
	v10 =	vadd.f32 v10, v10  }
0x7a: {  	v11 =	vadd.f32 v11, v11  }
0x7b: {  	v15 =	vld [tilespmem:s9+$0x300];
	v10 =	vadd.f32 v10, v12;
	v12 =	vadd.f32 $-2.000000000e+00, v14  }
0x7c: {  	v17 =	vld [tilespmem:s9+$0x400]  }
0x7d: {  	v21 =	vadd.f32 $1.000000000e+00, v14;
	v10 =	vmax.f32 v10, $0.0e+00;
	v11 =	vadd.f32 v11, v12  }
0x7e: {  	v23 =	vadd.f32 $3.000000000e+00, v14;
	v12 =	vadd.f32 v13, v13;
	v10 =	vmin.f32 v10, $4.095000000e+03  }
0x7f: {  	v13 =	vadd.f32 $-1.000000000e+00, v14;
	v10 =	vtrunc.f32 v10;
	v11 =	vmax.f32 v11, $0.0e+00  }
0x80: {  	v15 =	vadd.f32 v15, v15;
	v10 =	vcvt.f32.s32 v10;
	v11 =	vmin.f32 v11, $4.095000000e+03  }
0x81: {  	v19 =	vld [tilespmem:s9+$0x500];
	v17 =	vadd.f32 v17, v17;
	v12 =	vadd.f32 v12, v13;
	v11 =	vtrunc.f32 v11  }
0x82: {  	v15 =	vadd.f32 v15, v14;
	v13 =	vadd.s32 $0x1, v10;
	v16 =	vcvt.f32.s32 v11  }
0x83: {  	s8 =	sor.u32 s7, s8;
	v17 =	vadd.f32 v17, v21;
	v11 =	vmax.f32 v12, $0.0e+00;
	vm0 =	vlt.s32 v13, $0xFFF  }
0x84: {  	s3 =	sshll.u32 s8, $0xC;
	v11 =	vmin.f32 v11, $4.095000000e+03;
	v12 =	vnsel vm0, $0xFFF, v13;
	v13 =	vadd.s32 $0x1, v16  }
0x85: {  	v18 =	vtrunc.f32 v11;
	v11 =	vadd.s32 s3, v12;
	v12 =	vadd.s32 s3, v16;
	v16 =	vld [tilespmem:s9+$0x600]  }
0x86: {  	v19 =	vadd.f32 v19, v19;
	v15 =	vmax.f32 v15, $0.0e+00;
	v17 =	vmax.f32 v17, $0.0e+00  }
0x87: {  	v15 =	vmin.f32 v15, $4.095000000e+03;
	v17 =	vmin.f32 v17, $4.095000000e+03;
	v18 =	vcvt.f32.s32 v18  }
0x88: {  	s10 =	smul.u32 $0xAB, s2;
	v21 =	vadd.f32 $2.000000000e+00, v14;
	v15 =	vtrunc.f32 v15;
	v17 =	vtrunc.f32 v17  }
0x89: {  	v22 =	vcvt.f32.s32 v15;
	v10 =	vadd.s32 s3, v10;
	v20 =	vadd.s32 $0x1, v18  }
0x8a: {  	s6 =	sshrl.u32 s10, $0x9;
	v15 =	vadd.s32 s3, v18;
	v18 =	vadd.f32 v19, v21;
	v16 =	vadd.f32 v16, v16  }
0x8b: {  	s6 =	sand.u32 $0x7F, s6;
	vm10 =	vlt.s32 v13, $0xFFF;
	v19 =	vadd.s32 $0x1, v22;
	vm11 =	vlt.s32 v20, $0xFFF  }
0x8c: {  	s6 =	smul.u32 $0x3, s6;
	v20 =	vnsel vm11, $0xFFF, v20;
	v18 =	vmax.f32 v18, $0.0e+00;
	v16 =	vadd.f32 v16, v23  }
0x8d: {  	v14 =	vadd.s32 s3, v20;
	v18 =	vmin.f32 v18, $4.095000000e+03;
	v20 =	vcvt.f32.s32 v17  }
0x8e: {  	p2 =	sgt.u32 s2, $0x3D;
	s6 =	ssub.s32 s2, s6;
	vm12 =	vlt.s32 v19, $0xFFF;
	v17 =	vtrunc.f32 v18;
	v16 =	vmax.f32 v16, $0.0e+00  }
0x8f: {  	s8 =	sand.u32 @!p2 $0xFF, s6;
	v18 =	vnsel vm12, $0xFFF, v19;
	v21 =	vadd.s32 $0x1, v20;
	v16 =	vmin.f32 v16, $4.095000000e+03  }
0x90: {  	p3 =	sne.s32 @!p2 s8, $0x0;
	v19 =	vcvt.f32.s32 v17;
	vm13 =	vlt.s32 v21, $0xFFF;
	v17 =	vtrunc.f32 v16  }
0x91: {  	p3 =	por p2, p3;
	v13 =	vnsel vm10, $0xFFF, v13;
	v21 =	vnsel vm13, $0xFFF, v21;
	v24 =	vcvt.f32.s32 v17  }
.Ltmp0:
0x92: {  	v13 =	vadd.s32 s3, v13;
	v23 =	vadd.s32 s3, v21;
	v16 =	vadd.s32 s3, v22;
	(pc) =	sbr.rel @p3 .LBB2_4-.Ltmp0, $4  }
0x93: {  	v17 =	vadd.s32 s3, v18;
	v18 =	vadd.s32 $0x1, v19;
	v25 =	vadd.s32 $0x1, v24  }
0x94: {  	v22 =	vadd.s32 s3, v20;
	vm14 =	vlt.s32 v18, $0xFFF;
	vm15 =	vlt.s32 v25, $0xFFF  }
0x95: {  	v20 =	vadd.s32 s3, v19;
	v18 =	vnsel vm14, $0xFFF, v18;
	v25 =	vnsel vm15, $0xFFF, v25  }
0x96: {  	v19 =	vadd.s32 s3, v24;
	v21 =	vadd.s32 s3, v18;
	v18 =	vadd.s32 s3, v25  }
0x97: {  	[tilespmem:$0x39C0] =	vst v10  }
0x98: {  	[tilespmem:$0x39D0] =	vst v11  }
0x99: {  	[tilespmem:$0x39E0] =	vst v12  }
0x9a: {  	[tilespmem:$0x39F0] =	vst v13  }
0x9b: {  	[tilespmem:$0x3A00] =	vst v15  }
0x9c: {  	[tilespmem:$0x3A10] =	vst v14  }
0x9d: {  	[tilespmem:$0x3A20] =	vst v16  }
0x9e: {  	[tilespmem:$0x3A30] =	vst v17  }
0x9f: {  	[tilespmem:$0x3A40] =	vst v22  }
0xa0: {  	[tilespmem:$0x3A50] =	vst v23  }
0xa1: {  	[tilespmem:$0x3A60] =	vst v20  }
0xa2: {  	[tilespmem:$0x3A70] =	vst v21  }
0xa3: {  	[tilespmem:$0x3A80] =	vst v19  }
0xa4: {  	[tilespmem:$0x3A90] =	vst v18  }
0xa5: {  	[tilespmem:s23], [sflag:$0x3] =	stream.indirect.gather [hbm4b:s1+s12], $0x80, s22, s12, $0xb8;
	[tilespmem:$0x19AA0] =	vst v63  }
0xa6: {  	p3 =	por $0x0, $0x0;
	p2 =	por $0x0, $0x0  }
0xa7: {  	[tilespmem:s25], [sflag:$0x3] =	stream.indirect.gather [hbm4b:s1+s12], $0x80, s24, s12, $0xb8;
	[tilespmem:$0x19AA0] =	vst v63  }
.LBB2_10:
0xa8: {  	_ =	swait.ge [sflag:s21], $0x3800  }
.Ltmp1:
0xa9: {  	[sflag:s21] =	ssyncset.done $0x0;
	(pc) =	sbr.rel @!p3 .LBB2_12-.Ltmp1, $4  }
0xaa: {  	[sflag:s21] =	ssyncadd.s32 $0xFFFFC800  }
0xab: {  	_ =	swait.ge [sflag:s21], $0x3800  }
0xac: {  	[sflag:s21] =	ssyncset.done $0x0  }
0xad: {  	[sflag:s21] =	ssyncadd.s32 $0xFFFFC800  }
.LBB2_11:
0xae: {  	_ =	swait.ge [sflag:s26], $0x3800  }
.Ltmp2:
0xaf: {  	[sflag:s26] =	ssyncset.done $0x0;
	(pc) =	sbr.rel @p2 .LBB2_13-.Ltmp2, $4  }
.Ltmp3:
0xb0: {  	[sflag:s26] =	ssyncadd.s32 $0xFFFFC800;
	(pc) =	sbr.rel @!p2 .LBB2_14-.Ltmp3, $4  }
0xb1: {  	_ =	swait.ge [sflag:s26], $0x3800  }
0xb2: {  	[sflag:s26] =	ssyncset.done $0x0  }
0xb3: {  	s3 =	simm.s32 $0x3;
	[sflag:s26] =	ssyncadd.s32 $0xFFFFC800  }
0xb4: {  	_ = 	snop  }
.LBB2_4:
0xb5: {  	p3 =	sne.s32 @!p2 s8, $0x1  }
0xb6: {  	p3 =	por p2, p3  }
.Ltmp4:
0xb7: {  	_ = 	snop;
	(pc) =	sbr.rel @p3 .LBB2_6-.Ltmp4, $1  }
0xb8: {  	_ =	sdelay $0x3  }
0xb9: {  	[tilespmem:$0x3800] =	vst v10  }
0xba: {  	[tilespmem:$0x3810] =	vst v11  }
0xbb: {  	[tilespmem:$0x3820] =	vst v12  }
0xbc: {  	[tilespmem:$0x3830] =	vst v13  }
0xbd: {  	[tilespmem:$0x3840] =	vst v15  }
0xbe: {  	[tilespmem:$0x3850] =	vst v14  }
0xbf: {  	[tilespmem:$0x3860] =	vst v16  }
0xc0: {  	[tilespmem:$0x3870] =	vst v17  }
0xc1: {  	[tilespmem:$0x3880] =	vst v22  }
0xc2: {  	[tilespmem:$0x3890] =	vst v23  }
0xc3: {  	[tilespmem:$0x38A0] =	vst v20  }
0xc4: {  	[tilespmem:$0x38B0] =	vst v21  }
.Ltmp5:
0xc5: {  	[tilespmem:$0x38C0] =	vst v19;
	(pc) =	sbr.rel .LBB2_13-.Ltmp5, $4  }
0xc6: {  	[tilespmem:$0x38D0] =	vst v18  }
0xc7: {  	[tilespmem:s14], [sflag:$0x1] =	stream.indirect.gather [hbm4b:s1+s12], $0x80, s13, s12, $0xb8;
	[tilespmem:$0x19AA0] =	vst v63  }
0xc8: {  	s3 =	simm.s32 $0x2  }
0xc9: {  	[tilespmem:s16], [sflag:$0x1] =	stream.indirect.gather [hbm4b:s1+s12], $0x80, s15, s12, $0xb8;
	[tilespmem:$0x19AA0] =	vst v63  }
.LBB2_6:
0xca: {  	p3 =	sne.s32 @!p2 s8, $0x2  }
0xcb: {  	p2 =	por p2, p3  }
.Ltmp6:
0xcc: {  	_ = 	snop;
	(pc) =	sbr.rel @p2 .LBB2_8-.Ltmp6, $1  }
0xcd: {  	_ =	sdelay $0x3  }
0xce: {  	[tilespmem:$0x38E0] =	vst v10  }
0xcf: {  	[tilespmem:$0x38F0] =	vst v11  }
0xd0: {  	[tilespmem:$0x3900] =	vst v12  }
0xd1: {  	[tilespmem:$0x3910] =	vst v13  }
0xd2: {  	[tilespmem:$0x3920] =	vst v15  }
0xd3: {  	[tilespmem:$0x3930] =	vst v14  }
0xd4: {  	[tilespmem:$0x3940] =	vst v16  }
0xd5: {  	[tilespmem:$0x3950] =	vst v17  }
0xd6: {  	[tilespmem:$0x3960] =	vst v22  }
0xd7: {  	[tilespmem:$0x3970] =	vst v23  }
0xd8: {  	[tilespmem:$0x3980] =	vst v20  }
0xd9: {  	[tilespmem:$0x3990] =	vst v21  }
.Ltmp7:
0xda: {  	[tilespmem:$0x39A0] =	vst v19;
	(pc) =	sbr.rel .LBB2_13-.Ltmp7, $4  }
0xdb: {  	[tilespmem:$0x39B0] =	vst v18  }
0xdc: {  	[tilespmem:s18], [sflag:$0x2] =	stream.indirect.gather [hbm4b:s1+s12], $0x80, s17, s12, $0xb8;
	[tilespmem:$0x19AA0] =	vst v63  }
0xdd: {  	s3 =	simm.s32 $0x3  }
0xde: {  	[tilespmem:s20], [sflag:$0x2] =	stream.indirect.gather [hbm4b:s1+s12], $0x80, s19, s12, $0xb8;
	[tilespmem:$0x19AA0] =	vst v63  }
.LBB2_8:
0xdf: {  	s3 =	sand.u32 $0xFF, s6  }
0xe0: {  	p3 =	seq.s32 s3, $0x1  }
.Ltmp8:
0xe1: {  	_ = 	snop;
	(pc) =	sbr.rel @p3 .LBB2_11-.Ltmp8, $2  }
0xe2: {  	_ =	sdelay $0x2  }
0xe3: {  	p2 =	seq.s32 s3, $0x2  }
0xe4: {  	p4 =	sne.s32 s3, $0x0  }
.Ltmp9:
0xe5: {  	_ = 	snop;
	(pc) =	sbr.rel @!p4 .LBB2_10-.Ltmp9, $1  }
0xe6: {  	_ =	sdelay $0x3  }
.LBB2_12:
.Ltmp10:
0xe7: {  	(pc) =	sbr.rel @!p2 .LBB2_14-.Ltmp10, $2  }
0xe8: {  	_ =	sdelay $0x2  }
0xe9: {  	s3 =	simm.s32 $0x3  }
.LBB2_13:
0xea: {  	_ =	swait.ge [sflag:s3], $0x3800  }
0xeb: {  	[sflag:s3] =	ssyncset.done $0x0  }
0xec: {  	[sflag:s3] =	ssyncadd.s32 $0xFFFFC800  }
0xed: {  	_ =	swait.ge [sflag:s3], $0x3800  }
0xee: {  	[sflag:s3] =	ssyncset.done $0x0  }
0xef: {  	[sflag:s3] =	ssyncadd.s32 $0xFFFFC800  }
.LBB2_14:
0xf0: {  	s10 =	sand.u32 $0x3, s2  }
0xf1: {  	s3 =	smul.u32 $0x1C00, s10  }
0xf2: {  	s6 =	sshll.u32 s2, $0x2  }
0xf3: {  	s9 =	sand.u32 $0xF0, s6;
	s3 =	sshrl.u32 s3, $0x2  }
0xf4: {  	s3 =	sor.u32 s9, s3  }
0xf5: {  	v10 =	vld [tilespmem:s3+$0x1C00]  }
0xf6: {  	v11 =	vld [tilespmem:s3+$0x1D00]  }
0xf7: {  	v12 =	vld [tilespmem:s3+$0x1E00]  }
0xf8: {  	v13 =	vld [tilespmem:s3+$0x1F00]  }
0xf9: {  	v14 =	vld [tilespmem:s3+$0x2000]  }
0xfa: {  	v15 =	vld [tilespmem:s3+$0x2100]  }
0xfb: {  	v16 =	vld [tilespmem:s3+$0x2200];
	v17 =	vmax.f32 v10, v11  }
0xfc: {  	v17 =	vmax.f32 v17, v12  }
0xfd: {  	v17 =	vmax.f32 v17, v13  }
0xfe: {  	v17 =	vmax.f32 v17, v14  }
0xff: {  	v17 =	vmax.f32 v17, v15  }
0x100: {  	v17 =	vmax.f32 v17, v16  }
0x101: {  	v10 =	vsub.f32 v10, v17;
	_ =	sdelay $0x1  }
0x102: {  	v11 =	vsub.f32 v11, v17;
	v10 =	vmul.f32 $1.442695020e+00, v10;
	_ =	sdelay $0x1  }
0x103: {  	v11 =	vmul.f32 $1.442695020e+00, v11;
	(erf) = vpow2.f32 v10;
	v10 =	vsub.f32 v12, v17;
	_ =	sdelay $0x1  }
0x104: {  	(erf) = vpow2.f32 v11;
	v11 =	vsub.f32 v13, v17;
	v10 =	vmul.f32 $1.442695020e+00, v10;
	_ =	sdelay $0x1  }
0x105: {  	(erf) = vpow2.f32 v10;
	v10 =	vmul.f32 $1.442695020e+00, v11;
	v11 =	vsub.f32 v14, v17;
	_ =	sdelay $0x1  }
0x106: {  	s6 =	sor.u32 s4, s9;
	v12 =	vld [tilespmem:s3+$0x0];
	(erf) = vpow2.f32 v10;
	v10 =	vmul.f32 $1.442695020e+00, v11  }
0x107: {  	s6 =	scvt.s32.f32 s6  }
0x108: {  	v11 =	vsub.f32 v15, v17  }
0x109: {  	v14 =	vadd.f32 s6, v0  }
0x10a: {  	v13 =	vsub.f32 v16, v17;
	(erf) = vpow2.f32 v10;
	v11 =	vmul.f32 $1.442695020e+00, v11;
	v10 =	vpop (erf)  }
0x10b: {  	v12 =	vadd.f32 v12, v12;
	v16 =	vadd.f32 $-3.000000000e+00, v14;
	v15 =	vpop (erf)  }
0x10c: {  	(erf) = vpow2.f32 v11;
	v11 =	vmul.f32 $1.442695020e+00, v13;
	v13 =	vadd.f32 v15, v10  }
0x10d: {  	v17 =	vpop (erf)  }
0x10e: {  	v12 =	vadd.f32 v12, v16;
	(erf) = vpow2.f32 v11;
	v11 =	vadd.f32 v13, v17;
	v13 =	vld [tilespmem:s3+$0x100];
	_ =	sdelay $0x1  }
0x10f: {  	v18 =	vmax.f32 v12, $0.0e+00  }
0x110: {  	v18 =	vmin.f32 v18, $4.095000000e+03  }
0x111: {  	v20 =	vtrunc.f32 v18  }
0x112: {  	v21 =	vadd.f32 $-2.000000000e+00, v14;
	v20 =	vcvt.f32.s32 v20;
	v13 =	vadd.f32 v13, v13  }
0x113: {  	v16 =	vpop (erf)  }
0x114: {  	v20 =	vcvt.s32.f32 v20;
	v11 =	vadd.f32 v11, v16;
	v13 =	vadd.f32 v13, v21  }
0x115: {  	v19 =	vpop (erf);
	v21 =	vld [tilespmem:s3+$0x200]  }
0x116: {  	v18 =	vsub.f32 v18, v20;
	v11 =	vadd.f32 v11, v19;
	v20 =	vmax.f32 v13, $0.0e+00  }
0x117: {  	v26 =	vadd.f32 $-1.000000000e+00, v14;
	vm0 =	vge.f32 v12, $0.0e+00;
	v22 =	vpop (erf);
	v20 =	vmin.f32 v20, $4.095000000e+03  }
0x118: {  	vm1 =	vle.f32 v12, $4.095000000e+03;
	v11 =	vadd.f32 v11, v22;
	v24 =	vtrunc.f32 v20  }
0x119: {  	v25 =	vld [tilespmem:s3+$0x300];
	v28 =	vadd.f32 $2.000000000e+00, v14;
	vm0 =	vmand vm0, vm1;
	v23 =	vpop (erf);
	v12 =	vcvt.f32.s32 v24  }
0x11a: {  	v11 =	vadd.f32 v11, v23;
	vm4 =	vge.f32 v13, $0.0e+00;
	v21 =	vadd.f32 v21, v21  }
0x11b: {  	vm2 =	vle.f32 v13, $4.095000000e+03;
	v13 =	vnsel vm0, $0x0, v10;
	v24 =	vld [tilespmem:s3+$0x400];
	v12 =	vcvt.s32.f32 v12  }
0x11c: {  	(erf) = vrcp.f32 v11;
	vm5 =	vmand vm4, vm2;
	v10 =	vadd.f32 v21, v26  }
0x11d: {  	v11 =	vsub.f32 $1.000000000e+00, v18;
	v15 =	vnsel vm5, $0x0, v15;
	v20 =	vsub.f32 v20, v12  }
0x11e: {  	v12 =	vadd.f32 v25, v25;
	v21 =	vmax.f32 v10, $0.0e+00;
	v25 =	vadd.f32 $1.000000000e+00, v14  }
0x11f: {  	vm6 =	vge.f32 v10, $0.0e+00;
	vm7 =	vle.f32 v10, $4.095000000e+03;
	v10 =	vmul.f32 v11, v13  }
0x120: {  	v11 =	vmul.f32 v18, v13;
	v24 =	vadd.f32 v24, v24;
	vm0 =	vmand vm6, vm7  }
0x121: {  	v21 =	vmin.f32 v21, $4.095000000e+03;
	v12 =	vadd.f32 v12, v14;
	v17 =	vnsel vm0, $0x0, v17  }
0x122: {  	v26 =	vtrunc.f32 v21;
	v13 =	vsub.f32 $1.000000000e+00, v20;
	v24 =	vadd.f32 v24, v25;
	v25 =	vld [tilespmem:s3+$0x500]  }
0x123: {  	v14 =	vadd.f32 $3.000000000e+00, v14;
	v18 =	vcvt.f32.s32 v26;
	v26 =	vld [tilespmem:s3+$0x600];
	vm8 =	vge.f32 v12, $0.0e+00  }
0x124: {  	vm9 =	vle.f32 v12, $4.095000000e+03;
	v27 =	vmax.f32 v12, $0.0e+00;
	v12 =	vmul.f32 v13, v15  }
0x125: {  	vm10 =	vge.f32 v24, $0.0e+00;
	v13 =	vcvt.s32.f32 v18;
	v18 =	vmin.f32 v27, $4.095000000e+03  }
0x126: {  	vm11 =	vle.f32 v24, $4.095000000e+03;
	v24 =	vmax.f32 v24, $0.0e+00;
	v27 =	vtrunc.f32 v18  }
0x127: {  	v21 =	vsub.f32 v21, v13;
	v13 =	vcvt.f32.s32 v27;
	v25 =	vadd.f32 v25, v25  }
0x128: {  	vm1 =	vmand vm10, vm11;
	v24 =	vmin.f32 v24, $4.095000000e+03;
	v26 =	vadd.f32 v26, v26  }
0x129: {  	v60 =	vcvt.s32.f32 v13;
	v13 =	vtrunc.f32 v24;
	v25 =	vadd.f32 v25, v28  }
0x12a: {  	vm0 =	vmand vm8, vm9;
	v19 =	vnsel vm1, $0x0, v19;
	v29 =	vcvt.f32.s32 v13  }
0x12b: {  	v26 =	vadd.f32 v26, v14;
	v13 =	vmul.f32 v20, v15;
	v27 =	vmax.f32 v25, $0.0e+00  }
0x12c: {  	v15 =	vsub.f32 $1.000000000e+00, v21;
	v18 =	vsub.f32 v18, v60;
	v27 =	vmin.f32 v27, $4.095000000e+03  }
0x12d: {  	v61 =	vcvt.s32.f32 v29;
	v62 =	vmax.f32 v26, $0.0e+00;
	v14 =	vtrunc.f32 v27  }
0x12e: {  	v29 =	vmin.f32 v62, $4.095000000e+03;
	v20 =	vcvt.f32.s32 v14;
	v14 =	vmul.f32 v15, v17  }
0x12f: {  	vm12 =	vge.f32 v25, $0.0e+00;
	v15 =	vmul.f32 v21, v17;
	v17 =	vtrunc.f32 v29  }
0x130: {  	v21 =	vsub.f32 v24, v61;
	v17 =	vcvt.f32.s32 v17;
	v20 =	vcvt.s32.f32 v20  }
0x131: {  	vm13 =	vle.f32 v25, $4.095000000e+03;
	vm14 =	vge.f32 v26, $0.0e+00;
	vm15 =	vle.f32 v26, $4.095000000e+03  }
0x132: {  	s8 =	smulhi.u32 $0xAAAAAAAB, s2;
	v25 =	vsub.f32 $1.000000000e+00, v21;
	v63 =	vcvt.s32.f32 v17;
	v24 =	vsub.f32 v27, v20  }
0x133: {  	v20 =	vsub.f32 $1.000000000e+00, v18;
	v27 =	vnsel vm0, $0x0, v16;
	vm0 =	vmand vm12, vm13  }
0x134: {  	s3 =	sshrl.u32 s8, $0x1;
	v17 =	vmul.f32 v18, v27;
	v18 =	vmul.f32 v25, v19;
	v25 =	vsub.f32 v29, v63  }
0x135: {  	s6 =	simm.s32 $0x1;
	s3 =	smul.u32 $0xFFFAC000, s3;
	v22 =	vnsel vm0, $0x0, v22;
	v16 =	vmul.f32 v20, v27;
	v20 =	vsub.f32 $1.000000000e+00, v24  }
0x136: {  	s6 =	simm.s32 @!p0 $0x0;
	v19 =	vmul.f32 v21, v19;
	vm0 =	vmand vm14, vm15;
	v26 =	vsub.f32 $1.000000000e+00, v25  }
0x137: {  	s6 =	sshll.u32 s6, $0xB;
	s3 =	sshra.s32 s3, $0x2;
	v21 =	vmul.f32 v24, v22;
	v24 =	vnsel vm0, $0x0, v23;
	v20 =	vmul.f32 v20, v22  }
0x138: {  	s6 =	sadd.s32 $0x18AE0, s6;
	s8 =	simm.s32 $0x0;
	s3 =	sadd.s32 s3, s31;
	v22 =	vpop (erf);
	v23 =	vmul.f32 v26, v24;
	v24 =	vmul.f32 v25, v24  }
.LBB2_15:
0x139: {  	v30 =	vld [tilespmem:s3+$0xFFFFCFC0]  }
0x13a: {  	v34 =	vld [tilespmem:s3+$0xFFFFCFD0]  }
0x13b: {  	v36 =	vld [tilespmem:s3+$0xFFFFCFE0]  }
0x13c: {  	v25 =	vmov s8;
	v38 =	vld [tilespmem:s3+$0xFFFFCFF0]  }
0x13d: {  	v41 =	vld [tilespmem:s3+$0xFFFFD000];
	v32 =	vperm.xlane v10, v25  }
0x13e: {  	v42 =	vld [tilespmem:s3+$0xFFFFD010];
	v35 =	vperm.xlane v11, v25;
	v27 =	vperm.xlane v12, v25  }
0x13f: {  	v44 =	vld [tilespmem:s3+$0xFFFFD020];
	v33 =	vperm.xlane v13, v25;
	v31 =	vperm.xlane v14, v25  }
0x140: {  	v46 =	vld [tilespmem:s3+$0xFFFFD030];
	v28 =	vperm.xlane v15, v25;
	v29 =	vperm.xlane v16, v25  }
0x141: {  	v48 =	vld [tilespmem:s3+$0xFFFFD7C0];
	v26 =	vunpack.i.l.bf16.f32 v30;
	v30 =	vunpack.i.u.bf16.f32 v30;
	v39 =	vunpack.i.l.bf16.f32 v34  }
0x142: {  	v34 =	vunpack.i.u.bf16.f32 v34;
	v40 =	vunpack.i.l.bf16.f32 v36;
	v36 =	vunpack.i.u.bf16.f32 v36  }
0x143: {  	v51 =	vld [tilespmem:s3+$0xFFFFD7D0];
	v43 =	vunpack.i.l.bf16.f32 v38;
	v38 =	vunpack.i.u.bf16.f32 v38;
	v45 =	vunpack.i.u.bf16.f32 v41  }
0x144: {  	v41 =	vunpack.i.l.bf16.f32 v41;
	v47 =	vunpack.i.l.bf16.f32 v42;
	v42 =	vunpack.i.u.bf16.f32 v42  }
0x145: {  	v52 =	vld [tilespmem:s3+$0xFFFFD7E0];
	v49 =	vunpack.i.l.bf16.f32 v44;
	v44 =	vunpack.i.u.bf16.f32 v44;
	v50 =	vunpack.i.l.bf16.f32 v46  }
0x146: {  	v46 =	vunpack.i.u.bf16.f32 v46;
	v60 =	vunpack.i.l.bf16.f32 v48;
	v37 =	vmul.f32 v26, v32  }
0x147: {  	v53 =	vld [tilespmem:s3+$0xFFFFD7F0];
	v48 =	vunpack.i.u.bf16.f32 v48;
	v30 =	vmul.f32 v30, v32;
	v39 =	vmul.f32 v39, v32  }
0x148: {  	v54 =	vunpack.i.u.bf16.f32 v51;
	v34 =	vmul.f32 v34, v32;
	v40 =	vmul.f32 v40, v32  }
0x149: {  	v51 =	vunpack.i.l.bf16.f32 v51;
	v36 =	vmul.f32 v36, v32;
	v43 =	vmul.f32 v43, v32  }
0x14a: {  	v56 =	vunpack.i.l.bf16.f32 v52;
	v38 =	vmul.f32 v38, v32;
	v41 =	vmul.f32 v41, v32  }
0x14b: {  	v62 =	vunpack.i.u.bf16.f32 v52;
	v45 =	vmul.f32 v45, v32;
	v47 =	vmul.f32 v47, v32  }
0x14c: {  	v58 =	vunpack.i.l.bf16.f32 v53;
	v42 =	vmul.f32 v42, v32;
	v49 =	vmul.f32 v49, v32  }
0x14d: {  	v59 =	vunpack.i.u.bf16.f32 v53;
	v44 =	vmul.f32 v44, v32;
	v50 =	vmul.f32 v50, v32  }
0x14e: {  	v32 =	vmul.f32 v46, v32;
	v48 =	vmul.f32 v48, v35;
	v37 =	vadd.f32 $0.0e+00, v37  }
0x14f: {  	v57 =	vld [tilespmem:s3+$0xFFFFDFC0];
	v51 =	vmul.f32 v51, v35;
	v30 =	vadd.f32 $0.0e+00, v30;
	v39 =	vadd.f32 $0.0e+00, v39  }
0x150: {  	v54 =	vmul.f32 v54, v35;
	v34 =	vadd.f32 $0.0e+00, v34;
	v40 =	vadd.f32 $0.0e+00, v40  }
0x151: {  	v55 =	vld [tilespmem:s3+$0xFFFFD800];
	v61 =	vmul.f32 v56, v35;
	v36 =	vadd.f32 $0.0e+00, v36;
	v43 =	vadd.f32 $0.0e+00, v43  }
0x152: {  	v63 =	vmul.f32 v62, v35;
	v38 =	vadd.f32 $0.0e+00, v38;
	v41 =	vadd.f32 $0.0e+00, v41  }
0x153: {  	v52 =	vmul.f32 v59, v35;
	v45 =	vadd.f32 $0.0e+00, v45;
	v47 =	vadd.f32 $0.0e+00, v47  }
0x154: {  	v56 =	vunpack.i.l.bf16.f32 v57;
	v42 =	vadd.f32 $0.0e+00, v42;
	v49 =	vadd.f32 $0.0e+00, v49  }
0x155: {  	v62 =	vld [tilespmem:s3+$0xFFFFD830];
	v44 =	vadd.f32 $0.0e+00, v44;
	v46 =	vadd.f32 $0.0e+00, v50;
	v50 =	vmul.f32 v60, v35  }
0x156: {  	v32 =	vadd.f32 $0.0e+00, v32;
	v60 =	vunpack.i.l.bf16.f32 v55;
	v39 =	vadd.f32 v51, v39;
	v51 =	vld [tilespmem:s3+$0xFFFFD810]  }
0x157: {  	v55 =	vunpack.i.u.bf16.f32 v55;
	v37 =	vadd.f32 v50, v37;
	v40 =	vadd.f32 v61, v40;
	v61 =	vld [tilespmem:s3+$0xFFFFD820]  }
0x158: {  	v53 =	vmul.f32 v60, v35;
	v30 =	vadd.f32 v48, v30;
	v34 =	vadd.f32 v54, v34  }
0x159: {  	v50 =	vmul.f32 v58, v35;
	v36 =	vadd.f32 v63, v36;
	v63 =	vmul.f32 v55, v35  }
0x15a: {  	v57 =	vunpack.i.u.bf16.f32 v57;
	v38 =	vadd.f32 v52, v38;
	v54 =	vld [tilespmem:s3+$0xFFFFDFD0];
	v41 =	vadd.f32 v53, v41  }
0x15b: {  	v60 =	vunpack.i.l.bf16.f32 v62;
	v43 =	vadd.f32 v50, v43;
	v45 =	vadd.f32 v63, v45  }
0x15c: {  	v53 =	vunpack.i.l.bf16.f32 v51;
	v55 =	vunpack.i.u.bf16.f32 v51;
	v58 =	vunpack.i.u.bf16.f32 v61  }
0x15d: {  	v63 =	vld [tilespmem:s3+$0xFFFFDFE0];
	v59 =	vunpack.i.l.bf16.f32 v61;
	v61 =	vmul.f32 v60, v35;
	v50 =	vmul.f32 v53, v35  }
0x15e: {  	v62 =	vunpack.i.u.bf16.f32 v62;
	v48 =	vmul.f32 v55, v35;
	v53 =	vmul.f32 v59, v35  }
0x15f: {  	v52 =	vmul.f32 v58, v35;
	v35 =	vmul.f32 v62, v35;
	v58 =	vunpack.i.l.bf16.f32 v54  }
0x160: {  	v54 =	vunpack.i.u.bf16.f32 v54;
	v46 =	vadd.f32 v61, v46;
	v51 =	vmul.f32 v58, v27  }
0x161: {  	v59 =	vld [tilespmem:s3+$0xFFFFDFF0];
	v60 =	vmul.f32 v54, v27;
	v47 =	vadd.f32 v50, v47;
	v42 =	vadd.f32 v48, v42  }
0x162: {  	v55 =	vld [tilespmem:s3+$0xFFFFE000];
	v61 =	vunpack.i.l.bf16.f32 v63;
	v49 =	vadd.f32 v53, v49;
	v44 =	vadd.f32 v52, v44  }
0x163: {  	v48 =	vmul.f32 v56, v27;
	v50 =	vmul.f32 v57, v27;
	v32 =	vadd.f32 v35, v32  }
0x164: {  	v62 =	vunpack.i.u.bf16.f32 v63;
	v63 =	vld [tilespmem:s3+$0xFFFFE010];
	v39 =	vadd.f32 v51, v39;
	v34 =	vadd.f32 v60, v34  }
0x165: {  	v53 =	vld [tilespmem:s3+$0xFFFFE020];
	v35 =	vadd.f32 v48, v37;
	v30 =	vadd.f32 v50, v30;
	v48 =	vmul.f32 v61, v27  }
0x166: {  	v37 =	vmul.f32 v62, v27;
	v56 =	vunpack.i.u.bf16.f32 v59;
	v57 =	vunpack.i.l.bf16.f32 v59  }
0x167: {  	v58 =	vunpack.i.l.bf16.f32 v55;
	v60 =	vunpack.i.u.bf16.f32 v55;
	v52 =	vmul.f32 v57, v27  }
0x168: {  	v51 =	vmul.f32 v56, v27;
	v40 =	vadd.f32 v48, v40;
	v36 =	vadd.f32 v37, v36  }
0x169: {  	v59 =	vmul.f32 v58, v27;
	v61 =	vmul.f32 v60, v27;
	v62 =	vunpack.i.l.bf16.f32 v63;
	v57 =	vld [tilespmem:s3+$0xFFFFE7C0]  }
0x16a: {  	v50 =	vunpack.i.u.bf16.f32 v63;
	v58 =	vld [tilespmem:s3+$0xFFFFE7D0];
	v48 =	vmul.f32 v62, v27;
	v63 =	vunpack.i.l.bf16.f32 v53  }
0x16b: {  	v50 =	vmul.f32 v50, v27;
	v53 =	vunpack.i.u.bf16.f32 v53;
	v62 =	vld [tilespmem:s3+$0xFFFFE7E0];
	v43 =	vadd.f32 v52, v43  }
0x16c: {  	v38 =	vadd.f32 v51, v38;
	v51 =	vld [tilespmem:s3+$0xFFFFE030];
	v37 =	vadd.f32 v59, v41;
	v52 =	vmul.f32 v63, v27  }
0x16d: {  	v41 =	vadd.f32 v61, v45;
	v59 =	vmul.f32 v53, v27;
	v45 =	vadd.f32 v48, v47  }
0x16e: {  	v26 =	vperm.xlane v17, v25;
	v42 =	vadd.f32 v50, v42;
	v48 =	vadd.f32 v52, v49  }
0x16f: {  	v44 =	vadd.f32 v59, v44;
	v59 =	vld [tilespmem:s3+$0xFFFFE800];
	v63 =	vunpack.i.u.bf16.f32 v57;
	v54 =	vunpack.i.l.bf16.f32 v57  }
0x170: {  	v56 =	vunpack.i.l.bf16.f32 v58;
	v47 =	vmul.f32 v63, v33;
	v50 =	vunpack.i.u.bf16.f32 v62  }
0x171: {  	v57 =	vld [tilespmem:s3+$0xFFFFE7F0];
	v60 =	vunpack.i.l.bf16.f32 v51;
	v61 =	vunpack.i.u.bf16.f32 v51;
	v51 =	vmul.f32 v54, v33  }
0x172: {  	v58 =	vunpack.i.u.bf16.f32 v58;
	v50 =	vmul.f32 v50, v33;
	v49 =	vmul.f32 v60, v27  }
0x173: {  	v27 =	vmul.f32 v61, v27;
	v47 =	vadd.f32 v47, v30;
	v30 =	vmul.f32 v58, v33  }
0x174: {  	v35 =	vadd.f32 v51, v35;
	v36 =	vadd.f32 v50, v36;
	v51 =	vunpack.i.u.bf16.f32 v59  }
0x175: {  	v60 =	vld [tilespmem:s3+$0xFFFFE810];
	v46 =	vadd.f32 v49, v46;
	v49 =	vadd.f32 v27, v32;
	v27 =	vmul.f32 v56, v33  }
0x176: {  	v50 =	vld [tilespmem:s3+$0xFFFFE820];
	v32 =	vperm.xlane v18, v25;
	v61 =	vunpack.i.u.bf16.f32 v57;
	v53 =	vunpack.i.l.bf16.f32 v57  }
0x177: {  	v34 =	vadd.f32 v30, v34;
	v51 =	vmul.f32 v51, v33;
	v53 =	vmul.f32 v53, v33  }
0x178: {  	v54 =	vmul.f32 v61, v33;
	v39 =	vadd.f32 v27, v39;
	v27 =	vunpack.i.l.bf16.f32 v62  }
0x179: {  	v30 =	vperm.xlane v19, v25;
	v41 =	vadd.f32 v51, v41;
	v27 =	vmul.f32 v27, v33  }
0x17a: {  	v43 =	vadd.f32 v53, v43;
	v38 =	vadd.f32 v54, v38;
	v54 =	vld [tilespmem:s3+$0xFFFFE830];
	v52 =	vunpack.i.u.bf16.f32 v60  }
0x17b: {  	v57 =	vld [tilespmem:s3+$0xFFFFEFE0];
	v61 =	vunpack.i.l.bf16.f32 v50;
	v40 =	vadd.f32 v27, v40;
	v27 =	vunpack.i.l.bf16.f32 v59  }
0x17c: {  	v51 =	vmul.f32 v61, v33;
	v62 =	vmul.f32 v27, v33;
	v27 =	vunpack.i.l.bf16.f32 v60;
	v60 =	vld [tilespmem:s3+$0xFFFFEFC0]  }
0x17d: {  	v52 =	vmul.f32 v52, v33;
	v50 =	vunpack.i.u.bf16.f32 v50;
	v63 =	vmul.f32 v27, v33  }
0x17e: {  	v50 =	vmul.f32 v50, v33;
	v48 =	vadd.f32 v51, v48;
	v51 =	vld [tilespmem:s3+$0xFFFFEFF0];
	v37 =	vadd.f32 v62, v37  }
0x17f: {  	v62 =	vld [tilespmem:s3+$0xFFFFEFD0];
	v45 =	vadd.f32 v63, v45;
	v63 =	vunpack.i.u.bf16.f32 v54;
	v54 =	vunpack.i.l.bf16.f32 v54  }
0x180: {  	v56 =	vld [tilespmem:s3+$0xFFFFF010];
	v55 =	vunpack.i.u.bf16.f32 v57;
	v42 =	vadd.f32 v52, v42;
	v54 =	vmul.f32 v54, v33  }
0x181: {  	v44 =	vadd.f32 v50, v44;
	v33 =	vmul.f32 v63, v33;
	v58 =	vunpack.i.l.bf16.f32 v60  }
0x182: {  	v60 =	vunpack.i.u.bf16.f32 v60;
	v59 =	vmul.f32 v58, v31;
	v46 =	vadd.f32 v54, v46  }
0x183: {  	v63 =	vld [tilespmem:s3+$0xFFFFF000];
	v33 =	vadd.f32 v33, v49;
	v49 =	vmul.f32 v60, v31;
	v60 =	vunpack.i.l.bf16.f32 v51  }
0x184: {  	v61 =	vunpack.i.l.bf16.f32 v62;
	v52 =	vunpack.i.u.bf16.f32 v62;
	v62 =	vunpack.i.l.bf16.f32 v57  }
0x185: {  	v57 =	vunpack.i.l.bf16.f32 v56;
	v35 =	vadd.f32 v59, v35;
	v50 =	vmul.f32 v61, v31  }
0x186: {  	v52 =	vmul.f32 v52, v31;
	v53 =	vmul.f32 v62, v31;
	v47 =	vadd.f32 v49, v47  }
0x187: {  	v54 =	vld [tilespmem:s3+$0xFFFFF030];
	v59 =	vmul.f32 v55, v31;
	v61 =	vunpack.i.u.bf16.f32 v51;
	v58 =	vmul.f32 v57, v31  }
0x188: {  	v49 =	vmul.f32 v61, v31;
	v62 =	vunpack.i.u.bf16.f32 v63;
	v39 =	vadd.f32 v50, v39  }
0x189: {  	v51 =	vld [tilespmem:s3+$0xFFFFF020];
	v63 =	vunpack.i.l.bf16.f32 v63;
	v34 =	vadd.f32 v52, v34;
	v40 =	vadd.f32 v53, v40  }
0x18a: {  	v36 =	vadd.f32 v59, v36;
	v50 =	vmul.f32 v60, v31;
	v53 =	vmul.f32 v63, v31  }
0x18b: {  	v52 =	vmul.f32 v62, v31;
	v59 =	vunpack.i.u.bf16.f32 v56;
	v45 =	vadd.f32 v58, v45;
	v63 =	vld [tilespmem:s3+$0xFFFFF7D0]  }
0x18c: {  	v56 =	vld [tilespmem:s3+$0xFFFFF7E0];
	v38 =	vadd.f32 v49, v38;
	v60 =	vmul.f32 v59, v31;
	v62 =	vunpack.i.l.bf16.f32 v54  }
0x18d: {  	v54 =	vunpack.i.u.bf16.f32 v54;
	v43 =	vadd.f32 v50, v43;
	v37 =	vadd.f32 v53, v37  }
0x18e: {  	v41 =	vadd.f32 v52, v41;
	v53 =	vmul.f32 v62, v31;
	v61 =	vunpack.i.l.bf16.f32 v51  }
0x18f: {  	v52 =	vld [tilespmem:s3+$0xFFFFF7C0];
	v51 =	vunpack.i.u.bf16.f32 v51;
	v42 =	vadd.f32 v60, v42;
	v50 =	vmul.f32 v61, v31  }
0x190: {  	v62 =	vld [tilespmem:s3+$0xFFFFF800];
	v51 =	vmul.f32 v51, v31;
	v31 =	vmul.f32 v54, v31;
	v46 =	vadd.f32 v53, v46  }
0x191: {  	v60 =	vunpack.i.u.bf16.f32 v63;
	v61 =	vunpack.i.l.bf16.f32 v63;
	v63 =	vunpack.i.l.bf16.f32 v56  }
0x192: {  	v57 =	vld [tilespmem:s3+$0xFFFFF810];
	v56 =	vunpack.i.u.bf16.f32 v56;
	v48 =	vadd.f32 v50, v48;
	v44 =	vadd.f32 v51, v44  }
0x193: {  	v31 =	vadd.f32 v31, v33;
	v51 =	vmul.f32 v60, v28;
	v55 =	vmul.f32 v63, v28  }
0x194: {  	v58 =	vunpack.i.l.bf16.f32 v52;
	v59 =	vunpack.i.u.bf16.f32 v52;
	v52 =	vmul.f32 v61, v28  }
0x195: {  	v50 =	vld [tilespmem:s3+$0xFFFFF7F0];
	v60 =	vunpack.i.l.bf16.f32 v62;
	v53 =	vunpack.i.u.bf16.f32 v62;
	v49 =	vmul.f32 v58, v28  }
0x196: {  	v33 =	vmul.f32 v59, v28;
	v34 =	vadd.f32 v51, v34;
	v40 =	vadd.f32 v55, v40  }
0x197: {  	v61 =	vld [tilespmem:s3+$0xFFFFF820];
	v58 =	vmul.f32 v56, v28;
	v63 =	vmul.f32 v53, v28;
	v53 =	vunpack.i.l.bf16.f32 v57  }
0x198: {  	v62 =	vld [tilespmem:s3+$0xFFFFF830];
	v56 =	vunpack.i.u.bf16.f32 v57;
	v39 =	vadd.f32 v52, v39;
	v35 =	vadd.f32 v49, v35  }
0x199: {  	v52 =	vmul.f32 v60, v28;
	v47 =	vadd.f32 v33, v47;
	v36 =	vadd.f32 v58, v36  }
0x19a: {  	v41 =	vadd.f32 v63, v41;
	v33 =	vmul.f32 v56, v28;
	v59 =	vunpack.i.l.bf16.f32 v50  }
0x19b: {  	v63 =	vld [tilespmem:s3+$0xFFFFFFE0];
	v50 =	vunpack.i.u.bf16.f32 v50;
	v37 =	vadd.f32 v52, v37;
	v49 =	vmul.f32 v59, v28  }
0x19c: {  	v50 =	vmul.f32 v50, v28;
	v57 =	vunpack.i.u.bf16.f32 v61;
	v58 =	vunpack.i.l.bf16.f32 v61  }
0x19d: {  	v56 =	vld [tilespmem:s3+$0x10];
	v59 =	vunpack.i.l.bf16.f32 v62;
	v61 =	vunpack.i.u.bf16.f32 v62;
	v52 =	vmul.f32 v58, v28  }
0x19e: {  	v51 =	vmul.f32 v57, v28;
	v60 =	vmul.f32 v59, v28;
	v38 =	vadd.f32 v50, v38;
	v50 =	vld [tilespmem:s3+$0xFFFFFFC0]  }
0x19f: {  	v43 =	vadd.f32 v49, v43;
	v49 =	vmul.f32 v53, v28;
	v53 =	vld [tilespmem:s3+$0xFFFFFFD0];
	v28 =	vmul.f32 v61, v28  }
0x1a0: {  	v42 =	vadd.f32 v33, v42;
	v48 =	vadd.f32 v52, v48;
	v61 =	vunpack.i.u.bf16.f32 v63  }
0x1a1: {  	v58 =	vld [tilespmem:s3+$0xFFFFFFF0];
	v44 =	vadd.f32 v51, v44;
	v55 =	vadd.f32 v28, v31;
	v28 =	vmul.f32 v61, v29  }
0x1a2: {  	v27 =	vperm.xlane v20, v25;
	v59 =	vld [tilespmem:s3+$0x0];
	v46 =	vadd.f32 v60, v46;
	v45 =	vadd.f32 v49, v45  }
0x1a3: {  	v61 =	vunpack.i.u.bf16.f32 v56;
	v36 =	vadd.f32 v28, v36;
	v62 =	vunpack.i.l.bf16.f32 v50  }
0x1a4: {  	v50 =	vunpack.i.u.bf16.f32 v50;
	v57 =	vunpack.i.l.bf16.f32 v53;
	v33 =	vmul.f32 v62, v29  }
0x1a5: {  	v53 =	vunpack.i.u.bf16.f32 v53;
	v50 =	vmul.f32 v50, v29;
	v51 =	vmul.f32 v57, v29  }
0x1a6: {  	v60 =	vmul.f32 v53, v29;
	v62 =	vunpack.i.l.bf16.f32 v63;
	v63 =	vunpack.i.l.bf16.f32 v58  }
0x1a7: {  	v57 =	vunpack.i.u.bf16.f32 v58;
	v58 =	vunpack.i.l.bf16.f32 v59;
	v53 =	vld [tilespmem:s3+$0x20];
	v59 =	vunpack.i.u.bf16.f32 v59  }
0x1a8: {  	v31 =	vmul.f32 v62, v29;
	v49 =	vmul.f32 v63, v29;
	v35 =	vadd.f32 v33, v35  }
0x1a9: {  	v52 =	vmul.f32 v58, v29;
	v47 =	vadd.f32 v50, v47;
	v39 =	vadd.f32 v51, v39  }
0x1aa: {  	v62 =	vmul.f32 v61, v29;
	v34 =	vadd.f32 v60, v34;
	v43 =	vadd.f32 v49, v43;
	v49 =	vld [tilespmem:s3+$0x30]  }
0x1ab: {  	v51 =	vmul.f32 v57, v29;
	v60 =	vmul.f32 v59, v29;
	v37 =	vadd.f32 v52, v37;
	v52 =	vld [tilespmem:s3+$0x7C0]  }
0x1ac: {  	v50 =	vunpack.i.l.bf16.f32 v56;
	v40 =	vadd.f32 v31, v40;
	v63 =	vunpack.i.l.bf16.f32 v53  }
0x1ad: {  	v50 =	vmul.f32 v50, v29;
	v41 =	vadd.f32 v60, v41;
	v60 =	vld [tilespmem:s3+$0x7D0];
	v58 =	vmul.f32 v63, v29  }
0x1ae: {  	v42 =	vadd.f32 v62, v42;
	v38 =	vadd.f32 v51, v38;
	v59 =	vunpack.i.u.bf16.f32 v53  }
0x1af: {  	v54 =	vld [tilespmem:s3+$0x7F0];
	v45 =	vadd.f32 v50, v45;
	v50 =	vmul.f32 v59, v29;
	v48 =	vadd.f32 v58, v48  }
0x1b0: {  	v61 =	vunpack.i.l.bf16.f32 v49;
	v49 =	vunpack.i.u.bf16.f32 v49;
	v62 =	vunpack.i.l.bf16.f32 v52  }
0x1b1: {  	v63 =	vld [tilespmem:s3+$0x7E0];
	v57 =	vunpack.i.u.bf16.f32 v52;
	v44 =	vadd.f32 v50, v44;
	v51 =	vmul.f32 v61, v29  }
0x1b2: {  	v29 =	vmul.f32 v49, v29;
	v58 =	vmul.f32 v62, v26;
	v59 =	vunpack.i.l.bf16.f32 v60  }
0x1b3: {  	v49 =	vmul.f32 v57, v26;
	v60 =	vunpack.i.u.bf16.f32 v60;
	v50 =	vmul.f32 v59, v26  }
0x1b4: {  	v59 =	vunpack.i.u.bf16.f32 v54;
	v46 =	vadd.f32 v51, v46;
	v29 =	vadd.f32 v29, v55  }
0x1b5: {  	v35 =	vadd.f32 v58, v35;
	v47 =	vadd.f32 v49, v47;
	v51 =	vld [tilespmem:s3+$0x800];
	v49 =	vmul.f32 v60, v26  }
0x1b6: {  	v61 =	vunpack.i.u.bf16.f32 v63;
	v62 =	vunpack.i.l.bf16.f32 v63;
	v55 =	vld [tilespmem:s3+$0x810];
	v60 =	vmul.f32 v59, v26  }
0x1b7: {  	v56 =	vld [tilespmem:s3+$0xFC0];
	v63 =	vunpack.i.l.bf16.f32 v54;
	v53 =	vmul.f32 v62, v26;
	v52 =	vmul.f32 v61, v26  }
0x1b8: {  	v39 =	vadd.f32 v50, v39;
	v58 =	vmul.f32 v63, v26;
	v63 =	vld [tilespmem:s3+$0x830];
	v34 =	vadd.f32 v49, v34  }
0x1b9: {  	v28 =	vperm.xlane v24, v25;
	v38 =	vadd.f32 v60, v38;
	v40 =	vadd.f32 v53, v40  }
0x1ba: {  	v36 =	vadd.f32 v52, v36;
	v52 =	vld [tilespmem:s3+$0x820];
	v43 =	vadd.f32 v58, v43;
	v61 =	vunpack.i.l.bf16.f32 v51  }
0x1bb: {  	v51 =	vunpack.i.u.bf16.f32 v51;
	v62 =	vunpack.i.l.bf16.f32 v55;
	v50 =	vmul.f32 v61, v26  }
0x1bc: {  	v55 =	vunpack.i.u.bf16.f32 v55;
	v51 =	vmul.f32 v51, v26;
	v53 =	vmul.f32 v62, v26  }
0x1bd: {  	v60 =	vunpack.i.u.bf16.f32 v63;
	v61 =	vunpack.i.l.bf16.f32 v63;
	v63 =	vunpack.i.l.bf16.f32 v56  }
0x1be: {  	v57 =	vmul.f32 v55, v26;
	v55 =	vmul.f32 v63, v32;
	v37 =	vadd.f32 v50, v37  }
0x1bf: {  	v62 =	vld [tilespmem:s3+$0xFE0];
	v41 =	vadd.f32 v51, v41;
	v45 =	vadd.f32 v53, v45;
	v58 =	vunpack.i.l.bf16.f32 v52  }
0x1c0: {  	v59 =	vunpack.i.u.bf16.f32 v52;
	v53 =	vmul.f32 v61, v26;
	v50 =	vmul.f32 v58, v26  }
0x1c1: {  	v42 =	vadd.f32 v57, v42;
	v51 =	vld [tilespmem:s3+$0xFD0];
	v49 =	vmul.f32 v59, v26;
	v26 =	vmul.f32 v60, v26  }
0x1c2: {  	v33 =	vperm.xlane v21, v25;
	v61 =	vld [tilespmem:s3+$0x1000];
	v35 =	vadd.f32 v55, v35;
	v46 =	vadd.f32 v53, v46  }
0x1c3: {  	v57 =	vunpack.i.u.bf16.f32 v56;
	v58 =	vld [tilespmem:s3+$0xFF0];
	v48 =	vadd.f32 v50, v48;
	v26 =	vadd.f32 v26, v29  }
0x1c4: {  	v29 =	vmul.f32 v57, v32;
	v60 =	vunpack.i.l.bf16.f32 v62;
	v54 =	vunpack.i.u.bf16.f32 v62  }
0x1c5: {  	v44 =	vadd.f32 v49, v44;
	v52 =	vmul.f32 v60, v32;
	v63 =	vmul.f32 v54, v32  }
0x1c6: {  	v62 =	vld [tilespmem:s3+$0x1010];
	v59 =	vunpack.i.l.bf16.f32 v51;
	v51 =	vunpack.i.u.bf16.f32 v51;
	v29 =	vadd.f32 v29, v47  }
0x1c7: {  	v50 =	vld [tilespmem:s3+$0x1020];
	v57 =	vunpack.i.u.bf16.f32 v61;
	v49 =	vmul.f32 v59, v32;
	v51 =	vmul.f32 v51, v32  }
0x1c8: {  	v53 =	vld [tilespmem:s3+$0x1030];
	v40 =	vadd.f32 v52, v40;
	v54 =	vunpack.i.l.bf16.f32 v58;
	v56 =	vunpack.i.u.bf16.f32 v58  }
0x1c9: {  	v36 =	vadd.f32 v63, v36;
	v58 =	vunpack.i.l.bf16.f32 v61;
	v47 =	vmul.f32 v56, v32  }
0x1ca: {  	v52 =	vmul.f32 v58, v32;
	v39 =	vadd.f32 v49, v39;
	v34 =	vadd.f32 v51, v34  }
0x1cb: {  	v49 =	vmul.f32 v54, v32;
	v51 =	vmul.f32 v57, v32;
	v59 =	vunpack.i.l.bf16.f32 v62  }
0x1cc: {  	v61 =	vunpack.i.u.bf16.f32 v62;
	v56 =	vunpack.i.l.bf16.f32 v50;
	v50 =	vunpack.i.u.bf16.f32 v50  }
0x1cd: {  	v58 =	vld [tilespmem:s3+$0x17D0];
	v57 =	vunpack.i.l.bf16.f32 v53;
	v53 =	vunpack.i.u.bf16.f32 v53;
	v38 =	vadd.f32 v47, v38  }
0x1ce: {  	v62 =	vld [tilespmem:s3+$0x17C0];
	v60 =	vmul.f32 v59, v32;
	v37 =	vadd.f32 v52, v37;
	v63 =	vmul.f32 v61, v32  }
0x1cf: {  	v50 =	vmul.f32 v50, v32;
	v52 =	vmul.f32 v57, v32;
	v43 =	vadd.f32 v49, v43  }
0x1d0: {  	v59 =	vld [tilespmem:s3+$0x17E0];
	v41 =	vadd.f32 v51, v41;
	v49 =	vmul.f32 v56, v32;
	v45 =	vadd.f32 v60, v45  }
0x1d1: {  	v32 =	vmul.f32 v53, v32;
	v42 =	vadd.f32 v63, v42;
	v44 =	vadd.f32 v50, v44  }
0x1d2: {  	v31 =	vperm.xlane v23, v25;
	v46 =	vadd.f32 v52, v46;
	v47 =	vadd.f32 v49, v48  }
0x1d3: {  	v52 =	vld [tilespmem:s3+$0x1800];
	v26 =	vadd.f32 v32, v26;
	v63 =	vunpack.i.l.bf16.f32 v58;
	v60 =	vunpack.i.l.bf16.f32 v62  }
0x1d4: {  	v49 =	vld [tilespmem:s3+$0x17F0];
	v61 =	vunpack.i.u.bf16.f32 v62;
	v62 =	vunpack.i.u.bf16.f32 v58;
	v51 =	vmul.f32 v63, v30  }
0x1d5: {  	v48 =	vmul.f32 v60, v30;
	v32 =	vmul.f32 v61, v30;
	v56 =	vunpack.i.l.bf16.f32 v59  }
0x1d6: {  	v54 =	vld [tilespmem:s3+$0x1830];
	v50 =	vmul.f32 v62, v30;
	v58 =	vunpack.i.u.bf16.f32 v59;
	v57 =	vmul.f32 v56, v30  }
0x1d7: {  	v63 =	vld [tilespmem:s3+$0x1820];
	v39 =	vadd.f32 v51, v39;
	v60 =	vmul.f32 v58, v30;
	v35 =	vadd.f32 v48, v35  }
0x1d8: {  	v59 =	vld [tilespmem:s3+$0x1810];
	v29 =	vadd.f32 v32, v29;
	v34 =	vadd.f32 v50, v34;
	v62 =	vunpack.i.l.bf16.f32 v52  }
0x1d9: {  	v52 =	vunpack.i.u.bf16.f32 v52;
	v32 =	vadd.f32 v57, v40;
	v61 =	vunpack.i.l.bf16.f32 v49  }
0x1da: {  	v49 =	vunpack.i.u.bf16.f32 v49;
	v51 =	vmul.f32 v62, v30;
	v57 =	vmul.f32 v52, v30  }
0x1db: {  	v36 =	vadd.f32 v60, v36;
	v48 =	vmul.f32 v61, v30;
	v49 =	vmul.f32 v49, v30  }
0x1dc: {  	v61 =	vunpack.i.u.bf16.f32 v63;
	v62 =	vunpack.i.l.bf16.f32 v63;
	v63 =	vunpack.i.l.bf16.f32 v54  }
0x1dd: {  	v60 =	vld [tilespmem:s3+$0x1FC0];
	v37 =	vadd.f32 v51, v37;
	v58 =	vunpack.i.l.bf16.f32 v59;
	v41 =	vadd.f32 v57, v41  }
0x1de: {  	v52 =	vld [tilespmem:s3+$0x1FD0];
	v59 =	vunpack.i.u.bf16.f32 v59;
	v51 =	vmul.f32 v62, v30;
	v50 =	vmul.f32 v61, v30  }
0x1df: {  	v56 =	vmul.f32 v63, v30;
	v40 =	vadd.f32 v48, v43;
	v48 =	vmul.f32 v58, v30  }
0x1e0: {  	v62 =	vld [tilespmem:s3+$0x1FF0];
	v38 =	vadd.f32 v49, v38;
	v43 =	vmul.f32 v59, v30;
	v47 =	vadd.f32 v51, v47  }
0x1e1: {  	v57 =	vunpack.i.u.bf16.f32 v54;
	v63 =	vld [tilespmem:s3+$0x2000];
	v44 =	vadd.f32 v50, v44;
	v45 =	vadd.f32 v48, v45  }
0x1e2: {  	v30 =	vmul.f32 v57, v30;
	v42 =	vadd.f32 v43, v42;
	v43 =	vadd.f32 v56, v46  }
0x1e3: {  	v58 =	vld [tilespmem:s3+$0x1FE0];
	v59 =	vunpack.i.l.bf16.f32 v60;
	v60 =	vunpack.i.u.bf16.f32 v60;
	v61 =	vunpack.i.l.bf16.f32 v52  }
0x1e4: {  	v52 =	vunpack.i.u.bf16.f32 v52;
	v46 =	vmul.f32 v59, v27;
	v48 =	vmul.f32 v60, v27  }
0x1e5: {  	v26 =	vadd.f32 v30, v26;
	v49 =	vmul.f32 v61, v27;
	v52 =	vmul.f32 v52, v27  }
0x1e6: {  	v56 =	vunpack.i.u.bf16.f32 v62;
	v57 =	vunpack.i.l.bf16.f32 v62;
	v59 =	vunpack.i.l.bf16.f32 v63  }
0x1e7: {  	v61 =	vunpack.i.u.bf16.f32 v63;
	v30 =	vadd.f32 v46, v35;
	v29 =	vadd.f32 v48, v29  }
0x1e8: {  	v62 =	vld [tilespmem:s3+$0x2030];
	v39 =	vadd.f32 v49, v39;
	v54 =	vunpack.i.l.bf16.f32 v58;
	v50 =	vmul.f32 v57, v27  }
0x1e9: {  	v55 =	vunpack.i.u.bf16.f32 v58;
	v48 =	vld [tilespmem:s3+$0x2010];
	v49 =	vmul.f32 v56, v27;
	v60 =	vmul.f32 v59, v27  }
0x1ea: {  	v34 =	vadd.f32 v52, v34;
	v58 =	vld [tilespmem:s3+$0x2020];
	v46 =	vmul.f32 v54, v27;
	v35 =	vmul.f32 v55, v27  }
0x1eb: {  	v63 =	vmul.f32 v61, v27;
	v57 =	vld [tilespmem:s3+$0x27C0];
	v40 =	vadd.f32 v50, v40;
	v38 =	vadd.f32 v49, v38  }
0x1ec: {  	v25 =	vperm.xlane v22, v25;
	v32 =	vadd.f32 v46, v32;
	v35 =	vadd.f32 v35, v36  }
0x1ed: {  	v36 =	vadd.f32 v60, v37;
	v37 =	vadd.f32 v63, v41;
	v60 =	vunpack.i.l.bf16.f32 v62  }
0x1ee: {  	v61 =	vunpack.i.u.bf16.f32 v62;
	v55 =	vunpack.i.l.bf16.f32 v48;
	v48 =	vunpack.i.u.bf16.f32 v48  }
0x1ef: {  	v54 =	vld [tilespmem:s3+$0x27F0];
	v56 =	vunpack.i.l.bf16.f32 v58;
	v51 =	vunpack.i.u.bf16.f32 v58;
	v46 =	vmul.f32 v55, v27  }
0x1f0: {  	v62 =	vld [tilespmem:s3+$0x27E0];
	v63 =	vunpack.i.u.bf16.f32 v57;
	v48 =	vmul.f32 v48, v27;
	v50 =	vmul.f32 v56, v27  }
0x1f1: {  	v52 =	vunpack.i.l.bf16.f32 v57;
	v59 =	vmul.f32 v51, v27;
	v41 =	vadd.f32 v46, v45  }
0x1f2: {  	v58 =	vld [tilespmem:s3+$0x27D0];
	v49 =	vmul.f32 v52, v33;
	v42 =	vadd.f32 v48, v42;
	v46 =	vadd.f32 v50, v47  }
0x1f3: {  	v44 =	vadd.f32 v59, v44;
	v47 =	vmul.f32 v60, v27;
	v27 =	vmul.f32 v61, v27  }
0x1f4: {  	v57 =	vld [tilespmem:s3+$0x2800];
	v45 =	vmul.f32 v63, v33;
	v30 =	vadd.f32 v49, v30;
	v60 =	vunpack.i.l.bf16.f32 v54  }
0x1f5: {  	v50 =	vunpack.i.u.bf16.f32 v54;
	v59 =	vunpack.i.l.bf16.f32 v62;
	v48 =	vunpack.i.u.bf16.f32 v62  }
0x1f6: {  	v49 =	vmul.f32 v60, v33;
	v63 =	vmul.f32 v50, v33;
	v43 =	vadd.f32 v47, v43  }
0x1f7: {  	v61 =	vld [tilespmem:s3+$0x2810];
	v55 =	vunpack.i.l.bf16.f32 v58;
	v26 =	vadd.f32 v27, v26;
	v29 =	vadd.f32 v45, v29  }
0x1f8: {  	v54 =	vld [tilespmem:s3+$0x2830];
	v56 =	vunpack.i.u.bf16.f32 v58;
	v45 =	vmul.f32 v59, v33;
	v48 =	vmul.f32 v48, v33  }
0x1f9: {  	v62 =	vld [tilespmem:s3+$0x2820];
	v50 =	vunpack.i.l.bf16.f32 v57;
	v53 =	vunpack.i.u.bf16.f32 v57;
	v27 =	vmul.f32 v55, v33  }
0x1fa: {  	v58 =	vmul.f32 v56, v33;
	v40 =	vadd.f32 v49, v40;
	v38 =	vadd.f32 v63, v38  }
0x1fb: {  	v32 =	vadd.f32 v45, v32;
	v35 =	vadd.f32 v48, v35;
	v45 =	vmul.f32 v50, v33  }
0x1fc: {  	v57 =	vld [tilespmem:s3+$0x2FC0];
	v27 =	vadd.f32 v27, v39;
	v34 =	vadd.f32 v58, v34;
	v39 =	vmul.f32 v53, v33  }
0x1fd: {  	v55 =	vunpack.i.u.bf16.f32 v61;
	v56 =	vunpack.i.l.bf16.f32 v61;
	v47 =	vunpack.i.u.bf16.f32 v54  }
0x1fe: {  	v49 =	vmul.f32 v56, v33;
	v48 =	vmul.f32 v55, v33;
	v58 =	vunpack.i.l.bf16.f32 v62  }
0x1ff: {  	v61 =	vld [tilespmem:s3+$0x2FD0];
	v36 =	vadd.f32 v45, v36;
	v60 =	vunpack.i.u.bf16.f32 v62;
	v62 =	vunpack.i.l.bf16.f32 v54  }
0x200: {  	v37 =	vadd.f32 v39, v37;
	v59 =	vmul.f32 v58, v33;
	v45 =	vmul.f32 v60, v33  }
0x201: {  	v54 =	vld [tilespmem:s3+$0x2FE0];
	v63 =	vunpack.i.l.bf16.f32 v57;
	v55 =	vunpack.i.u.bf16.f32 v57;
	v41 =	vadd.f32 v49, v41  }
0x202: {  	v56 =	vld [tilespmem:s3+$0x2FF0];
	v42 =	vadd.f32 v48, v42;
	v49 =	vmul.f32 v63, v31;
	v57 =	vmul.f32 v55, v31  }
0x203: {  	v39 =	vadd.f32 v59, v46;
	v46 =	vmul.f32 v62, v33;
	v33 =	vmul.f32 v47, v33  }
0x204: {  	v60 =	vld [tilespmem:s3+$0x3000];
	v44 =	vadd.f32 v45, v44;
	v30 =	vadd.f32 v49, v30;
	v58 =	vunpack.i.l.bf16.f32 v61  }
0x205: {  	v29 =	vadd.f32 v57, v29;
	v59 =	vunpack.i.u.bf16.f32 v61;
	v43 =	vadd.f32 v46, v43  }
0x206: {  	v63 =	vld [tilespmem:s3+$0x3010];
	v26 =	vadd.f32 v33, v26;
	v33 =	vmul.f32 v58, v31;
	v45 =	vmul.f32 v59, v31  }
0x207: {  	v52 =	vld [tilespmem:s3+$0x37D0];
	v61 =	vunpack.i.u.bf16.f32 v54;
	v62 =	vunpack.i.l.bf16.f32 v54;
	v54 =	vunpack.i.l.bf16.f32 v56  }
0x208: {  	v56 =	vunpack.i.u.bf16.f32 v56;
	v48 =	vmul.f32 v62, v31;
	v47 =	vmul.f32 v61, v31  }
0x209: {  	v55 =	vmul.f32 v54, v31;
	v58 =	vmul.f32 v56, v31;
	v59 =	vunpack.i.l.bf16.f32 v60  }
0x20a: {  	v57 =	vld [tilespmem:s3+$0x3020];
	v46 =	vunpack.i.u.bf16.f32 v60;
	v27 =	vadd.f32 v33, v27;
	v33 =	vadd.f32 v45, v34  }
0x20b: {  	v45 =	vmul.f32 v59, v31;
	v60 =	vunpack.i.l.bf16.f32 v63;
	v46 =	vmul.f32 v46, v31  }
0x20c: {  	v61 =	vld [tilespmem:s3+$0x3030];
	v49 =	vunpack.i.u.bf16.f32 v63;
	v59 =	vunpack.i.l.bf16.f32 v52;
	v32 =	vadd.f32 v48, v32  }
0x20d: {  	v62 =	vld [tilespmem:s3+$0x37C0];
	v35 =	vadd.f32 v47, v35;
	v34 =	vadd.f32 v55, v40;
	v48 =	vmul.f32 v60, v31  }
0x20e: {  	v38 =	vadd.f32 v58, v38;
	v63 =	vmul.f32 v49, v31;
	v37 =	vadd.f32 v46, v37  }
0x20f: {  	v49 =	vunpack.i.u.bf16.f32 v57;
	v46 =	vunpack.i.u.bf16.f32 v52;
	v41 =	vadd.f32 v48, v41  }
0x210: {  	v55 =	vld [tilespmem:s3+$0x37E0];
	v48 =	vunpack.i.l.bf16.f32 v57;
	v40 =	vadd.f32 v63, v42;
	v42 =	vmul.f32 v49, v31  }
0x211: {  	v60 =	vld [tilespmem:s3+$0x37F0];
	v36 =	vadd.f32 v45, v36;
	v46 =	vmul.f32 v46, v28;
	v45 =	vmul.f32 v48, v31  }
0x212: {  	v53 =	vunpack.i.u.bf16.f32 v61;
	v54 =	vunpack.i.l.bf16.f32 v61;
	v56 =	vunpack.i.l.bf16.f32 v62  }
0x213: {  	v58 =	vunpack.i.u.bf16.f32 v62;
	v48 =	vmul.f32 v54, v31;
	v31 =	vmul.f32 v53, v31  }
0x214: {  	v42 =	vadd.f32 v42, v44;
	v57 =	vmul.f32 v56, v28;
	v44 =	vmul.f32 v59, v28  }
0x215: {  	v63 =	vld [tilespmem:s3+$0x3810];
	v33 =	vadd.f32 v46, v33;
	v39 =	vadd.f32 v45, v39;
	v61 =	vunpack.i.l.bf16.f32 v55  }
0x216: {  	v62 =	vld [tilespmem:s3+$0x3800];
	v49 =	vunpack.i.u.bf16.f32 v55;
	v53 =	vunpack.i.u.bf16.f32 v60;
	v54 =	vunpack.i.l.bf16.f32 v60  }
0x217: {  	v43 =	vadd.f32 v48, v43;
	v26 =	vadd.f32 v31, v26;
	v31 =	vmul.f32 v58, v28  }
0x218: {  	v30 =	vadd.f32 v57, v30;
	v47 =	vmul.f32 v61, v28;
	v52 =	vmul.f32 v49, v28  }
0x219: {  	v56 =	vld [tilespmem:s3+$0x3820];
	v27 =	vadd.f32 v44, v27;
	v44 =	vmul.f32 v54, v28;
	v29 =	vadd.f32 v31, v29  }
0x21a: {  	v59 =	vld [tilespmem:s3+$0x3830];
	v58 =	vunpack.i.l.bf16.f32 v63;
	v32 =	vadd.f32 v47, v32;
	v31 =	vadd.f32 v52, v35  }
0x21b: {  	v35 =	vmul.f32 v53, v28;
	v55 =	vunpack.i.l.bf16.f32 v62;
	v57 =	vunpack.i.u.bf16.f32 v62  }
0x21c: {  	v34 =	vadd.f32 v44, v34;
	v61 =	vmul.f32 v58, v28;
	v30 =	vmul.f32 v30, v25  }
0x21d: {  	v62 =	vunpack.i.u.bf16.f32 v63;
	v27 =	vmul.f32 v27, v25;
	v53 =	vmul.f32 v33, v25  }
0x21e: {  	v45 =	vmul.f32 v55, v28;
	v60 =	vmul.f32 v57, v28;
	v63 =	vunpack.i.u.bf16.f32 v56  }
0x21f: {  	v48 =	vunpack.i.l.bf16.f32 v56;
	v50 =	vunpack.i.l.bf16.f32 v59;
	v51 =	vunpack.i.u.bf16.f32 v59  }
0x220: {  	v35 =	vadd.f32 v35, v38;
	v38 =	vmul.f32 v62, v28;
	v44 =	vmul.f32 v63, v28  }
0x221: {  	v41 =	vadd.f32 v61, v41;
	v46 =	vmul.f32 v50, v28;
	v29 =	vmul.f32 v29, v25  }
0x222: {  	v54 =	vmul.f32 v32, v25;
	v31 =	vmul.f32 v31, v25;
	v27 =	vpack.i.f32.bf16 v53, v27  }
0x223: {  	v55 =	vmul.f32 v34, v25;
	v36 =	vadd.f32 v45, v36;
	v37 =	vadd.f32 v60, v37  }
0x224: {  	v45 =	vmul.f32 v48, v28;
	v28 =	vmul.f32 v51, v28;
	v38 =	vadd.f32 v38, v40  }
0x225: {  	v42 =	vadd.f32 v44, v42;
	v52 =	vadd.f32 v46, v43;
	v29 =	vpack.i.f32.bf16 v29, v30  }
0x226: {  	[tilespmem:s6+$0xFFFFFFD0] =	vst v27;
	v56 =	vmul.f32 v35, v25;
	v27 =	vpack.i.f32.bf16 v31, v54;
	v59 =	vmul.f32 v41, v25  }
0x227: {  	v39 =	vadd.f32 v45, v39;
	[tilespmem:s6+$0xFFFFFFC0] =	vst v29;
	v57 =	vmul.f32 v36, v25;
	v58 =	vmul.f32 v37, v25  }
0x228: {  	p2 =	sne.s32 s8, $0xF;
	v26 =	vadd.f32 v28, v26;
	[tilespmem:s6+$0xFFFFFFE0] =	vst v27;
	v27 =	vpack.i.f32.bf16 v56, v55;
	v60 =	vmul.f32 v38, v25  }
.Ltmp11:
0x229: {  	v62 =	vmul.f32 v42, v25;
	[tilespmem:s6+$0xFFFFFFF0] =	vst v27;
	v27 =	vpack.i.f32.bf16 v58, v57;
	v61 =	vmul.f32 v39, v25;
	(pc) =	sbr.rel @p2 .LBB2_15-.Ltmp11, $4  }
0x22a: {  	v63 =	vmul.f32 v52, v25;
	v25 =	vmul.f32 v26, v25;
	[tilespmem:s6+$0x0] =	vst v27;
	v27 =	vpack.i.f32.bf16 v60, v59  }
0x22b: {  	[tilespmem:s6+$0x10] =	vst v27;
	v26 =	vpack.i.f32.bf16 v62, v61  }
0x22c: {  	v25 =	vpack.i.f32.bf16 v25, v63;
	[tilespmem:s6+$0x20] =	vst v26  }
0x22d: {  	s8 =	sadd.s32 $0x1, s8;
	s3 =	sadd.s32 $0x80, s3;
	[tilespmem:s6+$0x30] =	vst v25;
	s6 =	sadd.s32 $0x80, s6  }
0x22e: {  	s3 =	sor.u32 s7, s10  }
0x22f: {  	s3 =	sshll.u32 s3, $0xC  }
0x230: {  	s3 =	sor.u32 s4, s3  }
0x231: {  	p2 =	sne.s32 s0, $0x0;
	s0 =	sor.u32 s9, s3  }
0x232: {  	s2 =	sadd.s32 $0x1, s2;
	s3 =	sshll.u32 @!p2 s0, $0x4  }
0x233: {  	s6 =	simm.s32 @!p2 $0x0;
	s0 =	sshll.u32 @p1 s0, $0x4;
	s3 =	sand.u32 @!p2 $0x7FF00, s3  }
0x234: {  	s8 =	simm.s32 @!p2 $0x18AA0;
	s0 =	sand.u32 @p1 $0x7FF00, s0;
	s3 =	sadd.s32 @!p2 s5, s3  }
0x235: {  	[hbm4b:s3+s6] =	stream.linear.scatter @!p2 [tilespmem:s8], [sflag:$0x4], $0x800, $0x38;
	[tilespmem:$0x19AA0] =	vst v63  }
0x236: {  	s0 =	sadd.s32 @p1 s5, s0;
	s3 =	simm.s32 @p1 $0x0;
	s6 =	simm.s32 @p1 $0x192A0  }
0x237: {  	[hbm4b:s0+s3] =	stream.linear.scatter @p1 [tilespmem:s6], [sflag:$0x5], $0x800, $0x38;
	[tilespmem:$0x19AA0] =	vst v63  }
0x238: {  	p1 =	sne.s32 s2, $0x40  }
.Ltmp12:
0x239: {  	_ = 	snop;
	(pc) =	sbr.rel @p1 .LBB2_2-.Ltmp12, $2  }
0x23a: {  	_ =	sdelay $0x2  }
0x23b: {  	s31 =	sadd.s32 $0x7000, s31;
	p0 =	por !p0, !p0  }
0x23c: {  	_ =	swait.ge [sflag:s28], $0x800  }
0x23d: {  	[sflag:s28] =	ssyncset.done $0x0  }
0x23e: {  	[sflag:s28] =	ssyncadd.s32 $0xFFFFF800  }
0x23f: {  	_ =	swait.ge [sflag:s29], $0x800  }
0x240: {  	s30 =	sadd.s32 $0x1, s30;
	s0 =	rddreg [dreg:$0x4]  }
0x241: {  	p0 =	sne.s32 s30, s0  }
.Ltmp13:
0x242: {  	_ = 	snop;
	(pc) =	sbr.rel @p0 .LBB2_1-.Ltmp13, $3  }
0x243: {  	_ =	sdelay $0x1  }
0x244: {  	[sflag:s29] =	ssyncset.done $0x0  }
0x245: {  	[sflag:s29] =	ssyncadd.s32 $0xFFFFF800  }
0x246: {  	_ =	sfence.sel $0x180000  }
0x247: {  	[bflag:$0x0] =	sbarrier.arrive $0xFFFF  }
0x248: {  	_ =	strace $0x90000047  }
0x249: {  	s0 =	stileid.u32;
	[bflag:$0x2] =	sbarrier.arrive $0xFFFF  }
0x24a: {  	p0 =	sne.s32 s0, $0x0;
	s0 =	rddreg [dreg:$0x2]  }
0x24b: {  	s0 =	sadd.s32 @!p0 $0x100000, s0  }
0x24c: {  	[sflag:s0] =	ssyncadd.tile.s32 @!p0 $0x1;
	_ =	shalt  }
.Lfunc_end2:
_tile_overlayer_lowered:
.L_overlay_start_2:
0x24d: {  	(tag) =	ssettag $0x2  }
0x24e: {  	s0 =	rddreg [dreg:$0x0];
	s2 =	stileid.u32  }
0x24f: {  	s1 =	rddreg [dreg:$0x1];
	p0 =	sne.s32 s2, $0x0  }
0x250: {  	s3 =	rddreg [dreg:$0x2];
	[bflag:$0x3] =	sbarrier.arrive $0xFFFF;
	s2 =	simm.s32 @!p0 $0x1C06  }
0x251: {  	[timem:s3], [sflag:s2] =	dma.local @!p0 [hbm:s0], s1  }
0x252: {  	s0 =	simm.s32 @!p0 $0x6  }
0x253: {  	_ =	swait.ge @!p0 [sflag:s0], s1  }
0x254: {  	s1 =	ssub.s32 @!p0 $0x0, s1;
	[sflag:s0] =	ssyncset.done @!p0 $0x0  }
0x255: {  	[sflag:s0] =	ssyncadd.s32 @!p0 s1  }
0x256: {  	[bflag:$0x3] =	sbarrier.arrive $0xFFFF  }
0x257: {  	_ =	shalt  }

</sc_bundles>
